<compile_context>
chip_gen: v7x
topology: tpu7x:2x2x1
jax: 0.10.2.dev20260603
libtpu: 0.0.44.dev20260713+nightly
codegen_flags: <defaults>
</compile_context>

<pallas_src>
import jax
import jax.numpy as jnp
from jax import lax
from jax.experimental import pallas as pl
from jax.experimental.pallas import tpu as pltpu
from jax.experimental.pallas import tpu_sc as plsc

N = 10000
E = 320000
D = 128
BN_EPS = 1e-3

NC = 2
NS = 16
NW = NC * NS
CH2 = 64
K2 = 160
TOTROWS = E // CH2
NB = 4
NPAD = 10240
ZR = 16


def _sc_agg_body(
    h_hbm, srcr_hbm, dstr_hbm, out_hbm, sidx, didx,
    rows0, rows1, rows2, rows3, zbuf, acc,
    g0, g1, g2, g3, s0, s1, s2, s3,
):
    c = lax.axis_index("c")
    s = lax.axis_index("s")
    w = c * NS + s
    rows_l = (rows0, rows1, rows2, rows3)
    gsem_l = (g0, g1, g2, g3)
    ssem_l = (s0, s1, s2, s3)

    zeros16 = jnp.zeros((16,), jnp.float32)
    for r in range(ZR):
        for q in range(D // 16):
            zbuf[r, pl.ds(q * 16, 16)] = zeros16

    rows_per_tile = NPAD // NS

    def zero_body(t, carry):
        pltpu.sync_copy(zbuf, acc.at[pl.ds(s * rows_per_tile + t * ZR, ZR)])
        return carry

    lax.fori_loop(0, rows_per_tile // ZR, zero_body, 0)

    plsc.subcore_barrier()

    NH = K2 // 4
    start_row = w * K2
    nsub = jnp.clip(TOTROWS - start_row, 0, K2)

    for h in range(4):
        off = pl.multiple_of(jnp.minimum(start_row + h * NH, TOTROWS - NH), 8)
        cnt = jnp.clip(nsub - h * NH, 0, NH)
        pltpu.sync_copy(srcr_hbm.at[pl.ds(off, NH)], sidx)
        pltpu.sync_copy(dstr_hbm.at[pl.ds(off, NH)], didx)
        for q in range(NB):
            pltpu.async_copy(h_hbm.at[sidx.at[q]], rows_l[q], gsem_l[q])

        def grp_body(t, carry):
            j0 = NB * t
            for q in range(NB):
                pltpu.make_async_copy(
                    h_hbm.at[sidx.at[j0 + q]], rows_l[q], gsem_l[q]
                ).wait()
                pltpu.async_copy(
                    rows_l[q], acc.at[didx.at[j0 + q]], ssem_l[q], add=True
                )
            for q in range(NB):
                pltpu.make_async_copy(
                    rows_l[q], acc.at[didx.at[j0 + q]], ssem_l[q]
                ).wait()
                nxt = jnp.minimum(j0 + NB + q, NH - 1)
                pltpu.async_copy(h_hbm.at[sidx.at[nxt]], rows_l[q], gsem_l[q])
            return carry

        lax.fori_loop(0, cnt // NB, grp_body, 0)
        for q in range(NB):
            pltpu.make_async_copy(
                h_hbm.at[sidx.at[NH - 1]], rows_l[q], gsem_l[q]
            ).wait()

    plsc.subcore_barrier()

    pltpu.sync_copy(
        acc.at[pl.ds(s * rows_per_tile, rows_per_tile)],
        out_hbm.at[pl.ds(c * NPAD + s * rows_per_tile, rows_per_tile)],
    )


def _make_sc_agg():
    mesh = plsc.VectorSubcoreMesh(
        core_axis_name="c", subcore_axis_name="s", num_cores=NC, num_subcores=NS
    )
    return pl.kernel(
        _sc_agg_body,
        out_type=jax.ShapeDtypeStruct((NC * NPAD, D), jnp.float32),
        mesh=mesh,
        scratch_types=[
            pltpu.VMEM((K2 // 4, CH2), jnp.int32),
            pltpu.VMEM((K2 // 4, CH2), jnp.int32),
            pltpu.VMEM((CH2, D), jnp.float32),
            pltpu.VMEM((CH2, D), jnp.float32),
            pltpu.VMEM((CH2, D), jnp.float32),
            pltpu.VMEM((CH2, D), jnp.float32),
            pltpu.VMEM((ZR, D), jnp.float32),
            pltpu.VMEM_SHARED((NPAD, D), jnp.float32),
        ] + [pltpu.SemaphoreType.DMA] * 8,
    )


_SQRT_HALF = 0.7071067811865476


def _ffn_body(h_ref, p0_ref, p1_ref, w_ref, b_ref, o_ref):
    hsum = h_ref[...] + p0_ref[0] + p1_ref[0]
    y = jnp.dot(hsum, w_ref[...], preferred_element_type=jnp.float32) + b_ref[...]
    z = 0.5 * y * (1.0 + lax.erf(y * _SQRT_HALF))
    sq = jnp.sum(z * z, axis=-1, keepdims=True)
    o_ref[...] = z * lax.rsqrt(jnp.maximum(sq, 1e-12))


BR = 2000


def _ffn(H, parts, Wp, bp):
    nblk = N // BR
    parts3 = parts.reshape(NC, NPAD, D)
    return pl.pallas_call(
        _ffn_body,
        out_shape=jax.ShapeDtypeStruct((N, D), jnp.float32),
        grid=(nblk,),
        in_specs=[
            pl.BlockSpec((BR, D), lambda i: (i, 0)),
            pl.BlockSpec((1, BR, D), lambda i: (0, i, 0)),
            pl.BlockSpec((1, BR, D), lambda i: (1, i, 0)),
            pl.BlockSpec((D, D), lambda i: (0, 0)),
            pl.BlockSpec((1, D), lambda i: (0, 0)),
        ],
        out_specs=pl.BlockSpec((BR, D), lambda i: (i, 0)),
    )(H, parts3, parts3, Wp, bp)


def kernel(H, edge_index, gamma, beta, moving_mean, moving_var, W, b):
    dst = edge_index[0].astype(jnp.int32)
    src = edge_index[1].astype(jnp.int32)
    src_r = src.reshape(TOTROWS, CH2)
    dst_r = dst.reshape(TOTROWS, CH2)

    parts = _make_sc_agg()(H, src_r, dst_r)

    scale = gamma * lax.rsqrt(moving_var + BN_EPS)
    shift = beta - moving_mean * scale
    Wp = scale[:, None] * W
    bp = (shift @ W + b).reshape(1, D)

    return _ffn(H, parts, Wp, bp)

# --- scband reference (transcript-rebuilt; emitter-appended) ---
"""Pipeline reference for scband-graph-conv-layer-32495722561790 (READ-ONLY COPY).

The authoritative reference and input builder live on the scoring server;
editing this copy changes nothing except your own understanding.
"""

import jax, jax.numpy as jnp
import numpy as np

N = 10000
E = 320000
D = 128
H_UNITS = 128
BN_EPS = 1e-3  # keras BatchNormalization default epsilon


def setup_inputs(seed: int = 0) -> dict:
    key = jax.random.key(seed)
    k1, k2, k3, k4 = jax.random.split(key, 4)
    H = jax.random.normal(k1, (N, D), dtype=jnp.float32)
    # tf.math.segment_sum requires sorted segment ids -> sort the dst row
    dst = jnp.sort(jax.random.randint(k2, (E,), 0, N))
    src = jax.random.randint(k3, (E,), 0, N)
    edge_index = jnp.stack([dst, src], axis=0)
    # update_fn params: BatchNorm (inference: moving stats) + Dense(gelu)
    gamma = jnp.ones((D,), dtype=jnp.float32)
    beta = jnp.zeros((D,), dtype=jnp.float32)
    moving_mean = jnp.zeros((D,), dtype=jnp.float32)
    moving_var = jnp.ones((D,), dtype=jnp.float32)
    W = jax.random.normal(k4, (D, H_UNITS), dtype=jnp.float32) * 0.05
    b = jnp.zeros((H_UNITS,), dtype=jnp.float32)
    return {"H": H, "edge_index": edge_index, "gamma": gamma, "beta": beta,
            "moving_mean": moving_mean, "moving_var": moving_var, "W": W, "b": b}


def reference(H, edge_index, gamma, beta, moving_mean, moving_var, W, b):
    node_indices = edge_index[0]
    neighbour_indices = edge_index[1]
    # gather neighbour representations (messages are identity of neighbours)
    neighbour_messages = jnp.take(H, neighbour_indices, axis=0)
    # segment_sum aggregation over destination node indices
    aggregated = jax.ops.segment_sum(neighbour_messages, node_indices, num_segments=N)
    h = H + aggregated
    # update_fn: BatchNorm (inference mode) -> Dropout (inactive) -> Dense(gelu)
    bn = (h - moving_mean) / jnp.sqrt(moving_var + BN_EPS) * gamma + beta
    z = jax.nn.gelu(bn @ W + b, approximate=False)
    # tf.nn.l2_normalize along last axis
    sq = jnp.sum(z * z, axis=-1, keepdims=True)
    node_embeddings = z / jnp.sqrt(jnp.maximum(sq, 1e-12))
    return node_embeddings

if __name__ == "__main__":
    import jax
    _d = setup_inputs()
    print(jax.jit(kernel)(*tuple(_d.values())))

</pallas_src>

<mosaic_0001>
#map = affine_map<(d0, d1) -> (0, 0)>
module attributes {stable_mosaic.version = 14 : i64} {
  func.func @_sc_agg_body(%arg0: i32, %arg1: i32, %arg2: memref<10000x128xf32, #tpu.memory_space<hbm>>, %arg3: memref<5000x64xi32, #tpu.memory_space<hbm>>, %arg4: memref<5000x64xi32, #tpu.memory_space<hbm>>, %arg5: memref<20480x128xf32, #tpu.memory_space<hbm>>, %arg6: memref<40x64xi32, #tpu.memory_space<vmem>>, %arg7: memref<40x64xi32, #tpu.memory_space<vmem>>, %arg8: memref<64x128xf32, #tpu.memory_space<vmem>>, %arg9: memref<64x128xf32, #tpu.memory_space<vmem>>, %arg10: memref<64x128xf32, #tpu.memory_space<vmem>>, %arg11: memref<64x128xf32, #tpu.memory_space<vmem>>, %arg12: memref<16x128xf32, #tpu.memory_space<vmem>>, %arg13: memref<10240x128xf32, #tpu.memory_space<vmem_shared>>, %arg14: memref<!tpu.dma_semaphore, #tpu.memory_space<semaphore_mem>>, %arg15: memref<!tpu.dma_semaphore, #tpu.memory_space<semaphore_mem>>, %arg16: memref<!tpu.dma_semaphore, #tpu.memory_space<semaphore_mem>>, %arg17: memref<!tpu.dma_semaphore, #tpu.memory_space<semaphore_mem>>, %arg18: memref<!tpu.dma_semaphore, #tpu.memory_space<semaphore_mem>>, %arg19: memref<!tpu.dma_semaphore, #tpu.memory_space<semaphore_mem>>, %arg20: memref<!tpu.dma_semaphore, #tpu.memory_space<semaphore_mem>>, %arg21: memref<!tpu.dma_semaphore, #tpu.memory_space<semaphore_mem>>) attributes {dimension_semantics = [#tpu.dimension_semantics<core_parallel>, #tpu.dimension_semantics<subcore_parallel>], iteration_bounds = array<i64: 2, 16>, scalar_prefetch = 0 : i64, scratch_operands = 16 : i64, tpu.core_type = #tpu.core_type<sc_vector_subcore>, window_params = [{transform_indices = #map}, {transform_indices = #map}, {transform_indices = #map}, {transform_indices = #map}]} {
    %mul3A = arith.constant 16 : i32
    %mul3A_0 = arith.muli %arg0, %mul3A : i32
    %add3A = arith.addi %mul3A_0, %arg1 : i32
    %broadcast_in_dim3A = arith.constant 0.000000e+00 : f32
    %broadcast_in_dim3A_1 = vector.broadcast %broadcast_in_dim3A : f32 to vector<16xf32>
    %swap3A = arith.constant 0 : i32
    %swap3A_2 = arith.index_cast %swap3A : i32 to index
    %swap3A_3 = arith.constant 0 : index
    %swap3A_4 = tpu.vector_load %arg12[%swap3A_2, %swap3A_3] {strides = array<i32>} : memref<16x128xf32, #tpu.memory_space<vmem>>, vector<1x16xf32>,
    %swap3A_5 = vector.shape_cast %swap3A_4 : vector<1x16xf32> to vector<16xf32>
    %swap3A_6 = vector.shape_cast %broadcast_in_dim3A_1 : vector<16xf32> to vector<1x16xf32>
    tpu.vector_store %arg12[%swap3A_2, %swap3A_3], %swap3A_6 {strides = array<i32>} : memref<16x128xf32, #tpu.memory_space<vmem>>, vector<1x16xf32>,
    %swap3A_7 = arith.constant 0 : i32
    %swap3A_8 = arith.index_cast %swap3A_7 : i32 to index
    %swap3A_9 = arith.constant 16 : index
    %swap3A_10 = tpu.vector_load %arg12[%swap3A_8, %swap3A_9] {strides = array<i32>} : memref<16x128xf32, #tpu.memory_space<vmem>>, vector<1x16xf32>,
    %swap3A_11 = vector.shape_cast %swap3A_10 : vector<1x16xf32> to vector<16xf32>
    %swap3A_12 = vector.shape_cast %broadcast_in_dim3A_1 : vector<16xf32> to vector<1x16xf32>
    tpu.vector_store %arg12[%swap3A_8, %swap3A_9], %swap3A_12 {strides = array<i32>} : memref<16x128xf32, #tpu.memory_space<vmem>>, vector<1x16xf32>,
    %swap3A_13 = arith.constant 0 : i32
    %swap3A_14 = arith.index_cast %swap3A_13 : i32 to index
    %swap3A_15 = arith.constant 32 : index
    %swap3A_16 = tpu.vector_load %arg12[%swap3A_14, %swap3A_15] {strides = array<i32>} : memref<16x128xf32, #tpu.memory_space<vmem>>, vector<1x16xf32>,
    %swap3A_17 = vector.shape_cast %swap3A_16 : vector<1x16xf32> to vector<16xf32>
    %swap3A_18 = vector.shape_cast %broadcast_in_dim3A_1 : vector<16xf32> to vector<1x16xf32>
    tpu.vector_store %arg12[%swap3A_14, %swap3A_15], %swap3A_18 {strides = array<i32>} : memref<16x128xf32, #tpu.memory_space<vmem>>, vector<1x16xf32>,
    %swap3A_19 = arith.constant 0 : i32
    %swap3A_20 = arith.index_cast %swap3A_19 : i32 to index
    %swap3A_21 = arith.constant 48 : index
    %swap3A_22 = tpu.vector_load %arg12[%swap3A_20, %swap3A_21] {strides = array<i32>} : memref<16x128xf32, #tpu.memory_space<vmem>>, vector<1x16xf32>,
    %swap3A_23 = vector.shape_cast %swap3A_22 : vector<1x16xf32> to vector<16xf32>
    %swap3A_24 = vector.shape_cast %broadcast_in_dim3A_1 : vector<16xf32> to vector<1x16xf32>
    tpu.vector_store %arg12[%swap3A_20, %swap3A_21], %swap3A_24 {strides = array<i32>} : memref<16x128xf32, #tpu.memory_space<vmem>>, vector<1x16xf32>,
    %swap3A_25 = arith.constant 0 : i32
    %swap3A_26 = arith.index_cast %swap3A_25 : i32 to index
    %swap3A_27 = arith.constant 64 : index
    %swap3A_28 = tpu.vector_load %arg12[%swap3A_26, %swap3A_27] {strides = array<i32>} : memref<16x128xf32, #tpu.memory_space<vmem>>, vector<1x16xf32>,
    %swap3A_29 = vector.shape_cast %swap3A_28 : vector<1x16xf32> to vector<16xf32>
    %swap3A_30 = vector.shape_cast %broadcast_in_dim3A_1 : vector<16xf32> to vector<1x16xf32>
    tpu.vector_store %arg12[%swap3A_26, %swap3A_27], %swap3A_30 {strides = array<i32>} : memref<16x128xf32, #tpu.memory_space<vmem>>, vector<1x16xf32>,
    %swap3A_31 = arith.constant 0 : i32
    %swap3A_32 = arith.index_cast %swap3A_31 : i32 to index
    %swap3A_33 = arith.constant 80 : index
    %swap3A_34 = tpu.vector_load %arg12[%swap3A_32, %swap3A_33] {strides = array<i32>} : memref<16x128xf32, #tpu.memory_space<vmem>>, vector<1x16xf32>,
    %swap3A_35 = vector.shape_cast %swap3A_34 : vector<1x16xf32> to vector<16xf32>
    %swap3A_36 = vector.shape_cast %broadcast_in_dim3A_1 : vector<16xf32> to vector<1x16xf32>
    tpu.vector_store %arg12[%swap3A_32, %swap3A_33], %swap3A_36 {strides = array<i32>} : memref<16x128xf32, #tpu.memory_space<vmem>>, vector<1x16xf32>,
    %swap3A_37 = arith.constant 0 : i32
    %swap3A_38 = arith.index_cast %swap3A_37 : i32 to index
    %swap3A_39 = arith.constant 96 : index
    %swap3A_40 = tpu.vector_load %arg12[%swap3A_38, %swap3A_39] {strides = array<i32>} : memref<16x128xf32, #tpu.memory_space<vmem>>, vector<1x16xf32>,
    %swap3A_41 = vector.shape_cast %swap3A_40 : vector<1x16xf32> to vector<16xf32>
    %swap3A_42 = vector.shape_cast %broadcast_in_dim3A_1 : vector<16xf32> to vector<1x16xf32>
    tpu.vector_store %arg12[%swap3A_38, %swap3A_39], %swap3A_42 {strides = array<i32>} : memref<16x128xf32, #tpu.memory_space<vmem>>, vector<1x16xf32>,
    %swap3A_43 = arith.constant 0 : i32
    %swap3A_44 = arith.index_cast %swap3A_43 : i32 to index
    %swap3A_45 = arith.constant 112 : index
    %swap3A_46 = tpu.vector_load %arg12[%swap3A_44, %swap3A_45] {strides = array<i32>} : memref<16x128xf32, #tpu.memory_space<vmem>>, vector<1x16xf32>,
    %swap3A_47 = vector.shape_cast %swap3A_46 : vector<1x16xf32> to vector<16xf32>
    %swap3A_48 = vector.shape_cast %broadcast_in_dim3A_1 : vector<16xf32> to vector<1x16xf32>
    tpu.vector_store %arg12[%swap3A_44, %swap3A_45], %swap3A_48 {strides = array<i32>} : memref<16x128xf32, #tpu.memory_space<vmem>>, vector<1x16xf32>,
    %swap3A_49 = arith.constant 1 : i32
    %swap3A_50 = arith.index_cast %swap3A_49 : i32 to index
    %swap3A_51 = arith.constant 0 : index
    %swap3A_52 = tpu.vector_load %arg12[%swap3A_50, %swap3A_51] {strides = array<i32>} : memref<16x128xf32, #tpu.memory_space<vmem>>, vector<1x16xf32>,
    %swap3A_53 = vector.shape_cast %swap3A_52 : vector<1x16xf32> to vector<16xf32>
    %swap3A_54 = vector.shape_cast %broadcast_in_dim3A_1 : vector<16xf32> to vector<1x16xf32>
    tpu.vector_store %arg12[%swap3A_50, %swap3A_51], %swap3A_54 {strides = array<i32>} : memref<16x128xf32, #tpu.memory_space<vmem>>, vector<1x16xf32>,
    %swap3A_55 = arith.constant 1 : i32
    %swap3A_56 = arith.index_cast %swap3A_55 : i32 to index
    %swap3A_57 = arith.constant 16 : index
    %swap3A_58 = tpu.vector_load %arg12[%swap3A_56, %swap3A_57] {strides = array<i32>} : memref<16x128xf32, #tpu.memory_space<vmem>>, vector<1x16xf32>,
    %swap3A_59 = vector.shape_cast %swap3A_58 : vector<1x16xf32> to vector<16xf32>
    %swap3A_60 = vector.shape_cast %broadcast_in_dim3A_1 : vector<16xf32> to vector<1x16xf32>
    tpu.vector_store %arg12[%swap3A_56, %swap3A_57], %swap3A_60 {strides = array<i32>} : memref<16x128xf32, #tpu.memory_space<vmem>>, vector<1x16xf32>,
    %swap3A_61 = arith.constant 1 : i32
    %swap3A_62 = arith.index_cast %swap3A_61 : i32 to index
    %swap3A_63 = arith.constant 32 : index
    %swap3A_64 = tpu.vector_load %arg12[%swap3A_62, %swap3A_63] {strides = array<i32>} : memref<16x128xf32, #tpu.memory_space<vmem>>, vector<1x16xf32>,
    %swap3A_65 = vector.shape_cast %swap3A_64 : vector<1x16xf32> to vector<16xf32>
    %swap3A_66 = vector.shape_cast %broadcast_in_dim3A_1 : vector<16xf32> to vector<1x16xf32>
    tpu.vector_store %arg12[%swap3A_62, %swap3A_63], %swap3A_66 {strides = array<i32>} : memref<16x128xf32, #tpu.memory_space<vmem>>, vector<1x16xf32>,
    %swap3A_67 = arith.constant 1 : i32
    %swap3A_68 = arith.index_cast %swap3A_67 : i32 to index
    %swap3A_69 = arith.constant 48 : index
    %swap3A_70 = tpu.vector_load %arg12[%swap3A_68, %swap3A_69] {strides = array<i32>} : memref<16x128xf32, #tpu.memory_space<vmem>>, vector<1x16xf32>,
    %swap3A_71 = vector.shape_cast %swap3A_70 : vector<1x16xf32> to vector<16xf32>
    %swap3A_72 = vector.shape_cast %broadcast_in_dim3A_1 : vector<16xf32> to vector<1x16xf32>
    tpu.vector_store %arg12[%swap3A_68, %swap3A_69], %swap3A_72 {strides = array<i32>} : memref<16x128xf32, #tpu.memory_space<vmem>>, vector<1x16xf32>,
    %swap3A_73 = arith.constant 1 : i32
    %swap3A_74 = arith.index_cast %swap3A_73 : i32 to index
    %swap3A_75 = arith.constant 64 : index
    %swap3A_76 = tpu.vector_load %arg12[%swap3A_74, %swap3A_75] {strides = array<i32>} : memref<16x128xf32, #tpu.memory_space<vmem>>, vector<1x16xf32>,
    %swap3A_77 = vector.shape_cast %swap3A_76 : vector<1x16xf32> to vector<16xf32>
    %swap3A_78 = vector.shape_cast %broadcast_in_dim3A_1 : vector<16xf32> to vector<1x16xf32>
    tpu.vector_store %arg12[%swap3A_74, %swap3A_75], %swap3A_78 {strides = array<i32>} : memref<16x128xf32, #tpu.memory_space<vmem>>, vector<1x16xf32>,
    %swap3A_79 = arith.constant 1 : i32
    %swap3A_80 = arith.index_cast %swap3A_79 : i32 to index
    %swap3A_81 = arith.constant 80 : index
    %swap3A_82 = tpu.vector_load %arg12[%swap3A_80, %swap3A_81] {strides = array<i32>} : memref<16x128xf32, #tpu.memory_space<vmem>>, vector<1x16xf32>,
    %swap3A_83 = vector.shape_cast %swap3A_82 : vector<1x16xf32> to vector<16xf32>
    %swap3A_84 = vector.shape_cast %broadcast_in_dim3A_1 : vector<16xf32> to vector<1x16xf32>
    tpu.vector_store %arg12[%swap3A_80, %swap3A_81], %swap3A_84 {strides = array<i32>} : memref<16x128xf32, #tpu.memory_space<vmem>>, vector<1x16xf32>,
    %swap3A_85 = arith.constant 1 : i32
    %swap3A_86 = arith.index_cast %swap3A_85 : i32 to index
    %swap3A_87 = arith.constant 96 : index
    %swap3A_88 = tpu.vector_load %arg12[%swap3A_86, %swap3A_87] {strides = array<i32>} : memref<16x128xf32, #tpu.memory_space<vmem>>, vector<1x16xf32>,
    %swap3A_89 = vector.shape_cast %swap3A_88 : vector<1x16xf32> to vector<16xf32>
    %swap3A_90 = vector.shape_cast %broadcast_in_dim3A_1 : vector<16xf32> to vector<1x16xf32>
    tpu.vector_store %arg12[%swap3A_86, %swap3A_87], %swap3A_90 {strides = array<i32>} : memref<16x128xf32, #tpu.memory_space<vmem>>, vector<1x16xf32>,
    %swap3A_91 = arith.constant 1 : i32
    %swap3A_92 = arith.index_cast %swap3A_91 : i32 to index
    %swap3A_93 = arith.constant 112 : index
    %swap3A_94 = tpu.vector_load %arg12[%swap3A_92, %swap3A_93] {strides = array<i32>} : memref<16x128xf32, #tpu.memory_space<vmem>>, vector<1x16xf32>,
    %swap3A_95 = vector.shape_cast %swap3A_94 : vector<1x16xf32> to vector<16xf32>
    %swap3A_96 = vector.shape_cast %broadcast_in_dim3A_1 : vector<16xf32> to vector<1x16xf32>
    tpu.vector_store %arg12[%swap3A_92, %swap3A_93], %swap3A_96 {strides = array<i32>} : memref<16x128xf32, #tpu.memory_space<vmem>>, vector<1x16xf32>,
    %swap3A_97 = arith.constant 2 : i32
    %swap3A_98 = arith.index_cast %swap3A_97 : i32 to index
    %swap3A_99 = arith.constant 0 : index
    %swap3A_100 = tpu.vector_load %arg12[%swap3A_98, %swap3A_99] {strides = array<i32>} : memref<16x128xf32, #tpu.memory_space<vmem>>, vector<1x16xf32>,
    %swap3A_101 = vector.shape_cast %swap3A_100 : vector<1x16xf32> to vector<16xf32>
    %swap3A_102 = vector.shape_cast %broadcast_in_dim3A_1 : vector<16xf32> to vector<1x16xf32>
    tpu.vector_store %arg12[%swap3A_98, %swap3A_99], %swap3A_102 {strides = array<i32>} : memref<16x128xf32, #tpu.memory_space<vmem>>, vector<1x16xf32>,
    %swap3A_103 = arith.constant 2 : i32
    %swap3A_104 = arith.index_cast %swap3A_103 : i32 to index
    %swap3A_105 = arith.constant 16 : index
    %swap3A_106 = tpu.vector_load %arg12[%swap3A_104, %swap3A_105] {strides = array<i32>} : memref<16x128xf32, #tpu.memory_space<vmem>>, vector<1x16xf32>,
    %swap3A_107 = vector.shape_cast %swap3A_106 : vector<1x16xf32> to vector<16xf32>
    %swap3A_108 = vector.shape_cast %broadcast_in_dim3A_1 : vector<16xf32> to vector<1x16xf32>
    tpu.vector_store %arg12[%swap3A_104, %swap3A_105], %swap3A_108 {strides = array<i32>} : memref<16x128xf32, #tpu.memory_space<vmem>>, vector<1x16xf32>,
    %swap3A_109 = arith.constant 2 : i32
    %swap3A_110 = arith.index_cast %swap3A_109 : i32 to index
    %swap3A_111 = arith.constant 32 : index
    %swap3A_112 = tpu.vector_load %arg12[%swap3A_110, %swap3A_111] {strides = array<i32>} : memref<16x128xf32, #tpu.memory_space<vmem>>, vector<1x16xf32>,
    %swap3A_113 = vector.shape_cast %swap3A_112 : vector<1x16xf32> to vector<16xf32>
    %swap3A_114 = vector.shape_cast %broadcast_in_dim3A_1 : vector<16xf32> to vector<1x16xf32>
    tpu.vector_store %arg12[%swap3A_110, %swap3A_111], %swap3A_114 {strides = array<i32>} : memref<16x128xf32, #tpu.memory_space<vmem>>, vector<1x16xf32>,
    %swap3A_115 = arith.constant 2 : i32
    %swap3A_116 = arith.index_cast %swap3A_115 : i32 to index
    %swap3A_117 = arith.constant 48 : index
    %swap3A_118 = tpu.vector_load %arg12[%swap3A_116, %swap3A_117] {strides = array<i32>} : memref<16x128xf32, #tpu.memory_space<vmem>>, vector<1x16xf32>,
    %swap3A_119 = vector.shape_cast %swap3A_118 : vector<1x16xf32> to vector<16xf32>
    %swap3A_120 = vector.shape_cast %broadcast_in_dim3A_1 : vector<16xf32> to vector<1x16xf32>
    tpu.vector_store %arg12[%swap3A_116, %swap3A_117], %swap3A_120 {strides = array<i32>} : memref<16x128xf32, #tpu.memory_space<vmem>>, vector<1x16xf32>,
    %swap3A_121 = arith.constant 2 : i32
    %swap3A_122 = arith.index_cast %swap3A_121 : i32 to index
    %swap3A_123 = arith.constant 64 : index
    %swap3A_124 = tpu.vector_load %arg12[%swap3A_122, %swap3A_123] {strides = array<i32>} : memref<16x128xf32, #tpu.memory_space<vmem>>, vector<1x16xf32>,
    %swap3A_125 = vector.shape_cast %swap3A_124 : vector<1x16xf32> to vector<16xf32>
    %swap3A_126 = vector.shape_cast %broadcast_in_dim3A_1 : vector<16xf32> to vector<1x16xf32>
    tpu.vector_store %arg12[%swap3A_122, %swap3A_123], %swap3A_126 {strides = array<i32>} : memref<16x128xf32, #tpu.memory_space<vmem>>, vector<1x16xf32>,
    %swap3A_127 = arith.constant 2 : i32
    %swap3A_128 = arith.index_cast %swap3A_127 : i32 to index
    %swap3A_129 = arith.constant 80 : index
    %swap3A_130 = tpu.vector_load %arg12[%swap3A_128, %swap3A_129] {strides = array<i32>} : memref<16x128xf32, #tpu.memory_space<vmem>>, vector<1x16xf32>,
    %swap3A_131 = vector.shape_cast %swap3A_130 : vector<1x16xf32> to vector<16xf32>
    %swap3A_132 = vector.shape_cast %broadcast_in_dim3A_1 : vector<16xf32> to vector<1x16xf32>
    tpu.vector_store %arg12[%swap3A_128, %swap3A_129], %swap3A_132 {strides = array<i32>} : memref<16x128xf32, #tpu.memory_space<vmem>>, vector<1x16xf32>,
    %swap3A_133 = arith.constant 2 : i32
    %swap3A_134 = arith.index_cast %swap3A_133 : i32 to index
    %swap3A_135 = arith.constant 96 : index
    %swap3A_136 = tpu.vector_load %arg12[%swap3A_134, %swap3A_135] {strides = array<i32>} : memref<16x128xf32, #tpu.memory_space<vmem>>, vector<1x16xf32>,
    %swap3A_137 = vector.shape_cast %swap3A_136 : vector<1x16xf32> to vector<16xf32>
    %swap3A_138 = vector.shape_cast %broadcast_in_dim3A_1 : vector<16xf32> to vector<1x16xf32>
    tpu.vector_store %arg12[%swap3A_134, %swap3A_135], %swap3A_138 {strides = array<i32>} : memref<16x128xf32, #tpu.memory_space<vmem>>, vector<1x16xf32>,
    %swap3A_139 = arith.constant 2 : i32
    %swap3A_140 = arith.index_cast %swap3A_139 : i32 to index
    %swap3A_141 = arith.constant 112 : index
    %swap3A_142 = tpu.vector_load %arg12[%swap3A_140, %swap3A_141] {strides = array<i32>} : memref<16x128xf32, #tpu.memory_space<vmem>>, vector<1x16xf32>,
    %swap3A_143 = vector.shape_cast %swap3A_142 : vector<1x16xf32> to vector<16xf32>
    %swap3A_144 = vector.shape_cast %broadcast_in_dim3A_1 : vector<16xf32> to vector<1x16xf32>
    tpu.vector_store %arg12[%swap3A_140, %swap3A_141], %swap3A_144 {strides = array<i32>} : memref<16x128xf32, #tpu.memory_space<vmem>>, vector<1x16xf32>,
    %swap3A_145 = arith.constant 3 : i32
    %swap3A_146 = arith.index_cast %swap3A_145 : i32 to index
    %swap3A_147 = arith.constant 0 : index
    %swap3A_148 = tpu.vector_load %arg12[%swap3A_146, %swap3A_147] {strides = array<i32>} : memref<16x128xf32, #tpu.memory_space<vmem>>, vector<1x16xf32>,
    %swap3A_149 = vector.shape_cast %swap3A_148 : vector<1x16xf32> to vector<16xf32>
    %swap3A_150 = vector.shape_cast %broadcast_in_dim3A_1 : vector<16xf32> to vector<1x16xf32>
    tpu.vector_store %arg12[%swap3A_146, %swap3A_147], %swap3A_150 {strides = array<i32>} : memref<16x128xf32, #tpu.memory_space<vmem>>, vector<1x16xf32>,
    %swap3A_151 = arith.constant 3 : i32
    %swap3A_152 = arith.index_cast %swap3A_151 : i32 to index
    %swap3A_153 = arith.constant 16 : index
    %swap3A_154 = tpu.vector_load %arg12[%swap3A_152, %swap3A_153] {strides = array<i32>} : memref<16x128xf32, #tpu.memory_space<vmem>>, vector<1x16xf32>,
    %swap3A_155 = vector.shape_cast %swap3A_154 : vector<1x16xf32> to vector<16xf32>
    %swap3A_156 = vector.shape_cast %broadcast_in_dim3A_1 : vector<16xf32> to vector<1x16xf32>
    tpu.vector_store %arg12[%swap3A_152, %swap3A_153], %swap3A_156 {strides = array<i32>} : memref<16x128xf32, #tpu.memory_space<vmem>>, vector<1x16xf32>,
    %swap3A_157 = arith.constant 3 : i32
    %swap3A_158 = arith.index_cast %swap3A_157 : i32 to index
    %swap3A_159 = arith.constant 32 : index
    %swap3A_160 = tpu.vector_load %arg12[%swap3A_158, %swap3A_159] {strides = array<i32>} : memref<16x128xf32, #tpu.memory_space<vmem>>, vector<1x16xf32>,
    %swap3A_161 = vector.shape_cast %swap3A_160 : vector<1x16xf32> to vector<16xf32>
    %swap3A_162 = vector.shape_cast %broadcast_in_dim3A_1 : vector<16xf32> to vector<1x16xf32>
    tpu.vector_store %arg12[%swap3A_158, %swap3A_159], %swap3A_162 {strides = array<i32>} : memref<16x128xf32, #tpu.memory_space<vmem>>, vector<1x16xf32>,
    %swap3A_163 = arith.constant 3 : i32
    %swap3A_164 = arith.index_cast %swap3A_163 : i32 to index
    %swap3A_165 = arith.constant 48 : index
    %swap3A_166 = tpu.vector_load %arg12[%swap3A_164, %swap3A_165] {strides = array<i32>} : memref<16x128xf32, #tpu.memory_space<vmem>>, vector<1x16xf32>,
    %swap3A_167 = vector.shape_cast %swap3A_166 : vector<1x16xf32> to vector<16xf32>
    %swap3A_168 = vector.shape_cast %broadcast_in_dim3A_1 : vector<16xf32> to vector<1x16xf32>
    tpu.vector_store %arg12[%swap3A_164, %swap3A_165], %swap3A_168 {strides = array<i32>} : memref<16x128xf32, #tpu.memory_space<vmem>>, vector<1x16xf32>,
    %swap3A_169 = arith.constant 3 : i32
    %swap3A_170 = arith.index_cast %swap3A_169 : i32 to index
    %swap3A_171 = arith.constant 64 : index
    %swap3A_172 = tpu.vector_load %arg12[%swap3A_170, %swap3A_171] {strides = array<i32>} : memref<16x128xf32, #tpu.memory_space<vmem>>, vector<1x16xf32>,
    %swap3A_173 = vector.shape_cast %swap3A_172 : vector<1x16xf32> to vector<16xf32>
    %swap3A_174 = vector.shape_cast %broadcast_in_dim3A_1 : vector<16xf32> to vector<1x16xf32>
    tpu.vector_store %arg12[%swap3A_170, %swap3A_171], %swap3A_174 {strides = array<i32>} : memref<16x128xf32, #tpu.memory_space<vmem>>, vector<1x16xf32>,
    %swap3A_175 = arith.constant 3 : i32
    %swap3A_176 = arith.index_cast %swap3A_175 : i32 to index
    %swap3A_177 = arith.constant 80 : index
    %swap3A_178 = tpu.vector_load %arg12[%swap3A_176, %swap3A_177] {strides = array<i32>} : memref<16x128xf32, #tpu.memory_space<vmem>>, vector<1x16xf32>,
    %swap3A_179 = vector.shape_cast %swap3A_178 : vector<1x16xf32> to vector<16xf32>
    %swap3A_180 = vector.shape_cast %broadcast_in_dim3A_1 : vector<16xf32> to vector<1x16xf32>
    tpu.vector_store %arg12[%swap3A_176, %swap3A_177], %swap3A_180 {strides = array<i32>} : memref<16x128xf32, #tpu.memory_space<vmem>>, vector<1x16xf32>,
    %swap3A_181 = arith.constant 3 : i32
    %swap3A_182 = arith.index_cast %swap3A_181 : i32 to index
    %swap3A_183 = arith.constant 96 : index
    %swap3A_184 = tpu.vector_load %arg12[%swap3A_182, %swap3A_183] {strides = array<i32>} : memref<16x128xf32, #tpu.memory_space<vmem>>, vector<1x16xf32>,
    %swap3A_185 = vector.shape_cast %swap3A_184 : vector<1x16xf32> to vector<16xf32>
    %swap3A_186 = vector.shape_cast %broadcast_in_dim3A_1 : vector<16xf32> to vector<1x16xf32>
    tpu.vector_store %arg12[%swap3A_182, %swap3A_183], %swap3A_186 {strides = array<i32>} : memref<16x128xf32, #tpu.memory_space<vmem>>, vector<1x16xf32>,
    %swap3A_187 = arith.constant 3 : i32
    %swap3A_188 = arith.index_cast %swap3A_187 : i32 to index
    %swap3A_189 = arith.constant 112 : index
    %swap3A_190 = tpu.vector_load %arg12[%swap3A_188, %swap3A_189] {strides = array<i32>} : memref<16x128xf32, #tpu.memory_space<vmem>>, vector<1x16xf32>,
    %swap3A_191 = vector.shape_cast %swap3A_190 : vector<1x16xf32> to vector<16xf32>
    %swap3A_192 = vector.shape_cast %broadcast_in_dim3A_1 : vector<16xf32> to vector<1x16xf32>
    tpu.vector_store %arg12[%swap3A_188, %swap3A_189], %swap3A_192 {strides = array<i32>} : memref<16x128xf32, #tpu.memory_space<vmem>>, vector<1x16xf32>,
    %swap3A_193 = arith.constant 4 : i32
    %swap3A_194 = arith.index_cast %swap3A_193 : i32 to index
    %swap3A_195 = arith.constant 0 : index
    %swap3A_196 = tpu.vector_load %arg12[%swap3A_194, %swap3A_195] {strides = array<i32>} : memref<16x128xf32, #tpu.memory_space<vmem>>, vector<1x16xf32>,
    %swap3A_197 = vector.shape_cast %swap3A_196 : vector<1x16xf32> to vector<16xf32>
    %swap3A_198 = vector.shape_cast %broadcast_in_dim3A_1 : vector<16xf32> to vector<1x16xf32>
    tpu.vector_store %arg12[%swap3A_194, %swap3A_195], %swap3A_198 {strides = array<i32>} : memref<16x128xf32, #tpu.memory_space<vmem>>, vector<1x16xf32>,
    %swap3A_199 = arith.constant 4 : i32
    %swap3A_200 = arith.index_cast %swap3A_199 : i32 to index
    %swap3A_201 = arith.constant 16 : index
    %swap3A_202 = tpu.vector_load %arg12[%swap3A_200, %swap3A_201] {strides = array<i32>} : memref<16x128xf32, #tpu.memory_space<vmem>>, vector<1x16xf32>,
    %swap3A_203 = vector.shape_cast %swap3A_202 : vector<1x16xf32> to vector<16xf32>
    %swap3A_204 = vector.shape_cast %broadcast_in_dim3A_1 : vector<16xf32> to vector<1x16xf32>
    tpu.vector_store %arg12[%swap3A_200, %swap3A_201], %swap3A_204 {strides = array<i32>} : memref<16x128xf32, #tpu.memory_space<vmem>>, vector<1x16xf32>,
    %swap3A_205 = arith.constant 4 : i32
    %swap3A_206 = arith.index_cast %swap3A_205 : i32 to index
    %swap3A_207 = arith.constant 32 : index
    %swap3A_208 = tpu.vector_load %arg12[%swap3A_206, %swap3A_207] {strides = array<i32>} : memref<16x128xf32, #tpu.memory_space<vmem>>, vector<1x16xf32>,
    %swap3A_209 = vector.shape_cast %swap3A_208 : vector<1x16xf32> to vector<16xf32>
    %swap3A_210 = vector.shape_cast %broadcast_in_dim3A_1 : vector<16xf32> to vector<1x16xf32>
    tpu.vector_store %arg12[%swap3A_206, %swap3A_207], %swap3A_210 {strides = array<i32>} : memref<16x128xf32, #tpu.memory_space<vmem>>, vector<1x16xf32>,
    %swap3A_211 = arith.constant 4 : i32
    %swap3A_212 = arith.index_cast %swap3A_211 : i32 to index
    %swap3A_213 = arith.constant 48 : index
    %swap3A_214 = tpu.vector_load %arg12[%swap3A_212, %swap3A_213] {strides = array<i32>} : memref<16x128xf32, #tpu.memory_space<vmem>>, vector<1x16xf32>,
    %swap3A_215 = vector.shape_cast %swap3A_214 : vector<1x16xf32> to vector<16xf32>
    %swap3A_216 = vector.shape_cast %broadcast_in_dim3A_1 : vector<16xf32> to vector<1x16xf32>
    tpu.vector_store %arg12[%swap3A_212, %swap3A_213], %swap3A_216 {strides = array<i32>} : memref<16x128xf32, #tpu.memory_space<vmem>>, vector<1x16xf32>,
    %swap3A_217 = arith.constant 4 : i32
    %swap3A_218 = arith.index_cast %swap3A_217 : i32 to index
    %swap3A_219 = arith.constant 64 : index
    %swap3A_220 = tpu.vector_load %arg12[%swap3A_218, %swap3A_219] {strides = array<i32>} : memref<16x128xf32, #tpu.memory_space<vmem>>, vector<1x16xf32>,
    %swap3A_221 = vector.shape_cast %swap3A_220 : vector<1x16xf32> to vector<16xf32>
    %swap3A_222 = vector.shape_cast %broadcast_in_dim3A_1 : vector<16xf32> to vector<1x16xf32>
    tpu.vector_store %arg12[%swap3A_218, %swap3A_219], %swap3A_222 {strides = array<i32>} : memref<16x128xf32, #tpu.memory_space<vmem>>, vector<1x16xf32>,
    %swap3A_223 = arith.constant 4 : i32
    %swap3A_224 = arith.index_cast %swap3A_223 : i32 to index
    %swap3A_225 = arith.constant 80 : index
    %swap3A_226 = tpu.vector_load %arg12[%swap3A_224, %swap3A_225] {strides = array<i32>} : memref<16x128xf32, #tpu.memory_space<vmem>>, vector<1x16xf32>,
    %swap3A_227 = vector.shape_cast %swap3A_226 : vector<1x16xf32> to vector<16xf32>
    %swap3A_228 = vector.shape_cast %broadcast_in_dim3A_1 : vector<16xf32> to vector<1x16xf32>
    tpu.vector_store %arg12[%swap3A_224, %swap3A_225], %swap3A_228 {strides = array<i32>} : memref<16x128xf32, #tpu.memory_space<vmem>>, vector<1x16xf32>,
    %swap3A_229 = arith.constant 4 : i32
    %swap3A_230 = arith.index_cast %swap3A_229 : i32 to index
    %swap3A_231 = arith.constant 96 : index
    %swap3A_232 = tpu.vector_load %arg12[%swap3A_230, %swap3A_231] {strides = array<i32>} : memref<16x128xf32, #tpu.memory_space<vmem>>, vector<1x16xf32>,
    %swap3A_233 = vector.shape_cast %swap3A_232 : vector<1x16xf32> to vector<16xf32>
    %swap3A_234 = vector.shape_cast %broadcast_in_dim3A_1 : vector<16xf32> to vector<1x16xf32>
    tpu.vector_store %arg12[%swap3A_230, %swap3A_231], %swap3A_234 {strides = array<i32>} : memref<16x128xf32, #tpu.memory_space<vmem>>, vector<1x16xf32>,
    %swap3A_235 = arith.constant 4 : i32
    %swap3A_236 = arith.index_cast %swap3A_235 : i32 to index
    %swap3A_237 = arith.constant 112 : index
    %swap3A_238 = tpu.vector_load %arg12[%swap3A_236, %swap3A_237] {strides = array<i32>} : memref<16x128xf32, #tpu.memory_space<vmem>>, vector<1x16xf32>,
    %swap3A_239 = vector.shape_cast %swap3A_238 : vector<1x16xf32> to vector<16xf32>
    %swap3A_240 = vector.shape_cast %broadcast_in_dim3A_1 : vector<16xf32> to vector<1x16xf32>
    tpu.vector_store %arg12[%swap3A_236, %swap3A_237], %swap3A_240 {strides = array<i32>} : memref<16x128xf32, #tpu.memory_space<vmem>>, vector<1x16xf32>,
    %swap3A_241 = arith.constant 5 : i32
    %swap3A_242 = arith.index_cast %swap3A_241 : i32 to index
    %swap3A_243 = arith.constant 0 : index
    %swap3A_244 = tpu.vector_load %arg12[%swap3A_242, %swap3A_243] {strides = array<i32>} : memref<16x128xf32, #tpu.memory_space<vmem>>, vector<1x16xf32>,
    %swap3A_245 = vector.shape_cast %swap3A_244 : vector<1x16xf32> to vector<16xf32>
    %swap3A_246 = vector.shape_cast %broadcast_in_dim3A_1 : vector<16xf32> to vector<1x16xf32>
    tpu.vector_store %arg12[%swap3A_242, %swap3A_243], %swap3A_246 {strides = array<i32>} : memref<16x128xf32, #tpu.memory_space<vmem>>, vector<1x16xf32>,
    %swap3A_247 = arith.constant 5 : i32
    %swap3A_248 = arith.index_cast %swap3A_247 : i32 to index
    %swap3A_249 = arith.constant 16 : index
    %swap3A_250 = tpu.vector_load %arg12[%swap3A_248, %swap3A_249] {strides = array<i32>} : memref<16x128xf32, #tpu.memory_space<vmem>>, vector<1x16xf32>,
    %swap3A_251 = vector.shape_cast %swap3A_250 : vector<1x16xf32> to vector<16xf32>
    %swap3A_252 = vector.shape_cast %broadcast_in_dim3A_1 : vector<16xf32> to vector<1x16xf32>
    tpu.vector_store %arg12[%swap3A_248, %swap3A_249], %swap3A_252 {strides = array<i32>} : memref<16x128xf32, #tpu.memory_space<vmem>>, vector<1x16xf32>,
    %swap3A_253 = arith.constant 5 : i32
    %swap3A_254 = arith.index_cast %swap3A_253 : i32 to index
    %swap3A_255 = arith.constant 32 : index
    %swap3A_256 = tpu.vector_load %arg12[%swap3A_254, %swap3A_255] {strides = array<i32>} : memref<16x128xf32, #tpu.memory_space<vmem>>, vector<1x16xf32>,
    %swap3A_257 = vector.shape_cast %swap3A_256 : vector<1x16xf32> to vector<16xf32>
    %swap3A_258 = vector.shape_cast %broadcast_in_dim3A_1 : vector<16xf32> to vector<1x16xf32>
    tpu.vector_store %arg12[%swap3A_254, %swap3A_255], %swap3A_258 {strides = array<i32>} : memref<16x128xf32, #tpu.memory_space<vmem>>, vector<1x16xf32>,
    %swap3A_259 = arith.constant 5 : i32
    %swap3A_260 = arith.index_cast %swap3A_259 : i32 to index
    %swap3A_261 = arith.constant 48 : index
    %swap3A_262 = tpu.vector_load %arg12[%swap3A_260, %swap3A_261] {strides = array<i32>} : memref<16x128xf32, #tpu.memory_space<vmem>>, vector<1x16xf32>,
    %swap3A_263 = vector.shape_cast %swap3A_262 : vector<1x16xf32> to vector<16xf32>
    %swap3A_264 = vector.shape_cast %broadcast_in_dim3A_1 : vector<16xf32> to vector<1x16xf32>
    tpu.vector_store %arg12[%swap3A_260, %swap3A_261], %swap3A_264 {strides = array<i32>} : memref<16x128xf32, #tpu.memory_space<vmem>>, vector<1x16xf32>,
    %swap3A_265 = arith.constant 5 : i32
    %swap3A_266 = arith.index_cast %swap3A_265 : i32 to index
    %swap3A_267 = arith.constant 64 : index
    %swap3A_268 = tpu.vector_load %arg12[%swap3A_266, %swap3A_267] {strides = array<i32>} : memref<16x128xf32, #tpu.memory_space<vmem>>, vector<1x16xf32>,
    %swap3A_269 = vector.shape_cast %swap3A_268 : vector<1x16xf32> to vector<16xf32>
    %swap3A_270 = vector.shape_cast %broadcast_in_dim3A_1 : vector<16xf32> to vector<1x16xf32>
    tpu.vector_store %arg12[%swap3A_266, %swap3A_267], %swap3A_270 {strides = array<i32>} : memref<16x128xf32, #tpu.memory_space<vmem>>, vector<1x16xf32>,
    %swap3A_271 = arith.constant 5 : i32
    %swap3A_272 = arith.index_cast %swap3A_271 : i32 to index
    %swap3A_273 = arith.constant 80 : index
    %swap3A_274 = tpu.vector_load %arg12[%swap3A_272, %swap3A_273] {strides = array<i32>} : memref<16x128xf32, #tpu.memory_space<vmem>>, vector<1x16xf32>,
    %swap3A_275 = vector.shape_cast %swap3A_274 : vector<1x16xf32> to vector<16xf32>
    %swap3A_276 = vector.shape_cast %broadcast_in_dim3A_1 : vector<16xf32> to vector<1x16xf32>
    tpu.vector_store %arg12[%swap3A_272, %swap3A_273], %swap3A_276 {strides = array<i32>} : memref<16x128xf32, #tpu.memory_space<vmem>>, vector<1x16xf32>,
    %swap3A_277 = arith.constant 5 : i32
    %swap3A_278 = arith.index_cast %swap3A_277 : i32 to index
    %swap3A_279 = arith.constant 96 : index
    %swap3A_280 = tpu.vector_load %arg12[%swap3A_278, %swap3A_279] {strides = array<i32>} : memref<16x128xf32, #tpu.memory_space<vmem>>, vector<1x16xf32>,
    %swap3A_281 = vector.shape_cast %swap3A_280 : vector<1x16xf32> to vector<16xf32>
    %swap3A_282 = vector.shape_cast %broadcast_in_dim3A_1 : vector<16xf32> to vector<1x16xf32>
    tpu.vector_store %arg12[%swap3A_278, %swap3A_279], %swap3A_282 {strides = array<i32>} : memref<16x128xf32, #tpu.memory_space<vmem>>, vector<1x16xf32>,
    %swap3A_283 = arith.constant 5 : i32
    %swap3A_284 = arith.index_cast %swap3A_283 : i32 to index
    %swap3A_285 = arith.constant 112 : index
    %swap3A_286 = tpu.vector_load %arg12[%swap3A_284, %swap3A_285] {strides = array<i32>} : memref<16x128xf32, #tpu.memory_space<vmem>>, vector<1x16xf32>,
    %swap3A_287 = vector.shape_cast %swap3A_286 : vector<1x16xf32> to vector<16xf32>
    %swap3A_288 = vector.shape_cast %broadcast_in_dim3A_1 : vector<16xf32> to vector<1x16xf32>
    tpu.vector_store %arg12[%swap3A_284, %swap3A_285], %swap3A_288 {strides = array<i32>} : memref<16x128xf32, #tpu.memory_space<vmem>>, vector<1x16xf32>,
    %swap3A_289 = arith.constant 6 : i32
    %swap3A_290 = arith.index_cast %swap3A_289 : i32 to index
    %swap3A_291 = arith.constant 0 : index
    %swap3A_292 = tpu.vector_load %arg12[%swap3A_290, %swap3A_291] {strides = array<i32>} : memref<16x128xf32, #tpu.memory_space<vmem>>, vector<1x16xf32>,
    %swap3A_293 = vector.shape_cast %swap3A_292 : vector<1x16xf32> to vector<16xf32>
    %swap3A_294 = vector.shape_cast %broadcast_in_dim3A_1 : vector<16xf32> to vector<1x16xf32>
    tpu.vector_store %arg12[%swap3A_290, %swap3A_291], %swap3A_294 {strides = array<i32>} : memref<16x128xf32, #tpu.memory_space<vmem>>, vector<1x16xf32>,
    %swap3A_295 = arith.constant 6 : i32
    %swap3A_296 = arith.index_cast %swap3A_295 : i32 to index
    %swap3A_297 = arith.constant 16 : index
    %swap3A_298 = tpu.vector_load %arg12[%swap3A_296, %swap3A_297] {strides = array<i32>} : memref<16x128xf32, #tpu.memory_space<vmem>>, vector<1x16xf32>,
    %swap3A_299 = vector.shape_cast %swap3A_298 : vector<1x16xf32> to vector<16xf32>
    %swap3A_300 = vector.shape_cast %broadcast_in_dim3A_1 : vector<16xf32> to vector<1x16xf32>
    tpu.vector_store %arg12[%swap3A_296, %swap3A_297], %swap3A_300 {strides = array<i32>} : memref<16x128xf32, #tpu.memory_space<vmem>>, vector<1x16xf32>,
    %swap3A_301 = arith.constant 6 : i32
    %swap3A_302 = arith.index_cast %swap3A_301 : i32 to index
    %swap3A_303 = arith.constant 32 : index
    %swap3A_304 = tpu.vector_load %arg12[%swap3A_302, %swap3A_303] {strides = array<i32>} : memref<16x128xf32, #tpu.memory_space<vmem>>, vector<1x16xf32>,
    %swap3A_305 = vector.shape_cast %swap3A_304 : vector<1x16xf32> to vector<16xf32>
    %swap3A_306 = vector.shape_cast %broadcast_in_dim3A_1 : vector<16xf32> to vector<1x16xf32>
    tpu.vector_store %arg12[%swap3A_302, %swap3A_303], %swap3A_306 {strides = array<i32>} : memref<16x128xf32, #tpu.memory_space<vmem>>, vector<1x16xf32>,
    %swap3A_307 = arith.constant 6 : i32
    %swap3A_308 = arith.index_cast %swap3A_307 : i32 to index
    %swap3A_309 = arith.constant 48 : index
    %swap3A_310 = tpu.vector_load %arg12[%swap3A_308, %swap3A_309] {strides = array<i32>} : memref<16x128xf32, #tpu.memory_space<vmem>>, vector<1x16xf32>,
    %swap3A_311 = vector.shape_cast %swap3A_310 : vector<1x16xf32> to vector<16xf32>
    %swap3A_312 = vector.shape_cast %broadcast_in_dim3A_1 : vector<16xf32> to vector<1x16xf32>
    tpu.vector_store %arg12[%swap3A_308, %swap3A_309], %swap3A_312 {strides = array<i32>} : memref<16x128xf32, #tpu.memory_space<vmem>>, vector<1x16xf32>,
    %swap3A_313 = arith.constant 6 : i32
    %swap3A_314 = arith.index_cast %swap3A_313 : i32 to index
    %swap3A_315 = arith.constant 64 : index
    %swap3A_316 = tpu.vector_load %arg12[%swap3A_314, %swap3A_315] {strides = array<i32>} : memref<16x128xf32, #tpu.memory_space<vmem>>, vector<1x16xf32>,
    %swap3A_317 = vector.shape_cast %swap3A_316 : vector<1x16xf32> to vector<16xf32>
    %swap3A_318 = vector.shape_cast %broadcast_in_dim3A_1 : vector<16xf32> to vector<1x16xf32>
    tpu.vector_store %arg12[%swap3A_314, %swap3A_315], %swap3A_318 {strides = array<i32>} : memref<16x128xf32, #tpu.memory_space<vmem>>, vector<1x16xf32>,
    %swap3A_319 = arith.constant 6 : i32
    %swap3A_320 = arith.index_cast %swap3A_319 : i32 to index
    %swap3A_321 = arith.constant 80 : index
    %swap3A_322 = tpu.vector_load %arg12[%swap3A_320, %swap3A_321] {strides = array<i32>} : memref<16x128xf32, #tpu.memory_space<vmem>>, vector<1x16xf32>,
    %swap3A_323 = vector.shape_cast %swap3A_322 : vector<1x16xf32> to vector<16xf32>
    %swap3A_324 = vector.shape_cast %broadcast_in_dim3A_1 : vector<16xf32> to vector<1x16xf32>
    tpu.vector_store %arg12[%swap3A_320, %swap3A_321], %swap3A_324 {strides = array<i32>} : memref<16x128xf32, #tpu.memory_space<vmem>>, vector<1x16xf32>,
    %swap3A_325 = arith.constant 6 : i32
    %swap3A_326 = arith.index_cast %swap3A_325 : i32 to index
    %swap3A_327 = arith.constant 96 : index
    %swap3A_328 = tpu.vector_load %arg12[%swap3A_326, %swap3A_327] {strides = array<i32>} : memref<16x128xf32, #tpu.memory_space<vmem>>, vector<1x16xf32>,
    %swap3A_329 = vector.shape_cast %swap3A_328 : vector<1x16xf32> to vector<16xf32>
    %swap3A_330 = vector.shape_cast %broadcast_in_dim3A_1 : vector<16xf32> to vector<1x16xf32>
    tpu.vector_store %arg12[%swap3A_326, %swap3A_327], %swap3A_330 {strides = array<i32>} : memref<16x128xf32, #tpu.memory_space<vmem>>, vector<1x16xf32>,
    %swap3A_331 = arith.constant 6 : i32
    %swap3A_332 = arith.index_cast %swap3A_331 : i32 to index
    %swap3A_333 = arith.constant 112 : index
    %swap3A_334 = tpu.vector_load %arg12[%swap3A_332, %swap3A_333] {strides = array<i32>} : memref<16x128xf32, #tpu.memory_space<vmem>>, vector<1x16xf32>,
    %swap3A_335 = vector.shape_cast %swap3A_334 : vector<1x16xf32> to vector<16xf32>
    %swap3A_336 = vector.shape_cast %broadcast_in_dim3A_1 : vector<16xf32> to vector<1x16xf32>
    tpu.vector_store %arg12[%swap3A_332, %swap3A_333], %swap3A_336 {strides = array<i32>} : memref<16x128xf32, #tpu.memory_space<vmem>>, vector<1x16xf32>,
    %swap3A_337 = arith.constant 7 : i32
    %swap3A_338 = arith.index_cast %swap3A_337 : i32 to index
    %swap3A_339 = arith.constant 0 : index
    %swap3A_340 = tpu.vector_load %arg12[%swap3A_338, %swap3A_339] {strides = array<i32>} : memref<16x128xf32, #tpu.memory_space<vmem>>, vector<1x16xf32>,
    %swap3A_341 = vector.shape_cast %swap3A_340 : vector<1x16xf32> to vector<16xf32>
    %swap3A_342 = vector.shape_cast %broadcast_in_dim3A_1 : vector<16xf32> to vector<1x16xf32>
    tpu.vector_store %arg12[%swap3A_338, %swap3A_339], %swap3A_342 {strides = array<i32>} : memref<16x128xf32, #tpu.memory_space<vmem>>, vector<1x16xf32>,
    %swap3A_343 = arith.constant 7 : i32
    %swap3A_344 = arith.index_cast %swap3A_343 : i32 to index
    %swap3A_345 = arith.constant 16 : index
    %swap3A_346 = tpu.vector_load %arg12[%swap3A_344, %swap3A_345] {strides = array<i32>} : memref<16x128xf32, #tpu.memory_space<vmem>>, vector<1x16xf32>,
    %swap3A_347 = vector.shape_cast %swap3A_346 : vector<1x16xf32> to vector<16xf32>
    %swap3A_348 = vector.shape_cast %broadcast_in_dim3A_1 : vector<16xf32> to vector<1x16xf32>
    tpu.vector_store %arg12[%swap3A_344, %swap3A_345], %swap3A_348 {strides = array<i32>} : memref<16x128xf32, #tpu.memory_space<vmem>>, vector<1x16xf32>,
    %swap3A_349 = arith.constant 7 : i32
    %swap3A_350 = arith.index_cast %swap3A_349 : i32 to index
    %swap3A_351 = arith.constant 32 : index
    %swap3A_352 = tpu.vector_load %arg12[%swap3A_350, %swap3A_351] {strides = array<i32>} : memref<16x128xf32, #tpu.memory_space<vmem>>, vector<1x16xf32>,
    %swap3A_353 = vector.shape_cast %swap3A_352 : vector<1x16xf32> to vector<16xf32>
    %swap3A_354 = vector.shape_cast %broadcast_in_dim3A_1 : vector<16xf32> to vector<1x16xf32>
    tpu.vector_store %arg12[%swap3A_350, %swap3A_351], %swap3A_354 {strides = array<i32>} : memref<16x128xf32, #tpu.memory_space<vmem>>, vector<1x16xf32>,
    %swap3A_355 = arith.constant 7 : i32
    %swap3A_356 = arith.index_cast %swap3A_355 : i32 to index
    %swap3A_357 = arith.constant 48 : index
    %swap3A_358 = tpu.vector_load %arg12[%swap3A_356, %swap3A_357] {strides = array<i32>} : memref<16x128xf32, #tpu.memory_space<vmem>>, vector<1x16xf32>,
    %swap3A_359 = vector.shape_cast %swap3A_358 : vector<1x16xf32> to vector<16xf32>
    %swap3A_360 = vector.shape_cast %broadcast_in_dim3A_1 : vector<16xf32> to vector<1x16xf32>
    tpu.vector_store %arg12[%swap3A_356, %swap3A_357], %swap3A_360 {strides = array<i32>} : memref<16x128xf32, #tpu.memory_space<vmem>>, vector<1x16xf32>,
    %swap3A_361 = arith.constant 7 : i32
    %swap3A_362 = arith.index_cast %swap3A_361 : i32 to index
    %swap3A_363 = arith.constant 64 : index
    %swap3A_364 = tpu.vector_load %arg12[%swap3A_362, %swap3A_363] {strides = array<i32>} : memref<16x128xf32, #tpu.memory_space<vmem>>, vector<1x16xf32>,
    %swap3A_365 = vector.shape_cast %swap3A_364 : vector<1x16xf32> to vector<16xf32>
    %swap3A_366 = vector.shape_cast %broadcast_in_dim3A_1 : vector<16xf32> to vector<1x16xf32>
    tpu.vector_store %arg12[%swap3A_362, %swap3A_363], %swap3A_366 {strides = array<i32>} : memref<16x128xf32, #tpu.memory_space<vmem>>, vector<1x16xf32>,
    %swap3A_367 = arith.constant 7 : i32
    %swap3A_368 = arith.index_cast %swap3A_367 : i32 to index
    %swap3A_369 = arith.constant 80 : index
    %swap3A_370 = tpu.vector_load %arg12[%swap3A_368, %swap3A_369] {strides = array<i32>} : memref<16x128xf32, #tpu.memory_space<vmem>>, vector<1x16xf32>,
    %swap3A_371 = vector.shape_cast %swap3A_370 : vector<1x16xf32> to vector<16xf32>
    %swap3A_372 = vector.shape_cast %broadcast_in_dim3A_1 : vector<16xf32> to vector<1x16xf32>
    tpu.vector_store %arg12[%swap3A_368, %swap3A_369], %swap3A_372 {strides = array<i32>} : memref<16x128xf32, #tpu.memory_space<vmem>>, vector<1x16xf32>,
    %swap3A_373 = arith.constant 7 : i32
    %swap3A_374 = arith.index_cast %swap3A_373 : i32 to index
    %swap3A_375 = arith.constant 96 : index
    %swap3A_376 = tpu.vector_load %arg12[%swap3A_374, %swap3A_375] {strides = array<i32>} : memref<16x128xf32, #tpu.memory_space<vmem>>, vector<1x16xf32>,
    %swap3A_377 = vector.shape_cast %swap3A_376 : vector<1x16xf32> to vector<16xf32>
    %swap3A_378 = vector.shape_cast %broadcast_in_dim3A_1 : vector<16xf32> to vector<1x16xf32>
    tpu.vector_store %arg12[%swap3A_374, %swap3A_375], %swap3A_378 {strides = array<i32>} : memref<16x128xf32, #tpu.memory_space<vmem>>, vector<1x16xf32>,
    %swap3A_379 = arith.constant 7 : i32
    %swap3A_380 = arith.index_cast %swap3A_379 : i32 to index
    %swap3A_381 = arith.constant 112 : index
    %swap3A_382 = tpu.vector_load %arg12[%swap3A_380, %swap3A_381] {strides = array<i32>} : memref<16x128xf32, #tpu.memory_space<vmem>>, vector<1x16xf32>,
    %swap3A_383 = vector.shape_cast %swap3A_382 : vector<1x16xf32> to vector<16xf32>
    %swap3A_384 = vector.shape_cast %broadcast_in_dim3A_1 : vector<16xf32> to vector<1x16xf32>
    tpu.vector_store %arg12[%swap3A_380, %swap3A_381], %swap3A_384 {strides = array<i32>} : memref<16x128xf32, #tpu.memory_space<vmem>>, vector<1x16xf32>,
    %swap3A_385 = arith.constant 8 : i32
    %swap3A_386 = arith.index_cast %swap3A_385 : i32 to index
    %swap3A_387 = arith.constant 0 : index
    %swap3A_388 = tpu.vector_load %arg12[%swap3A_386, %swap3A_387] {strides = array<i32>} : memref<16x128xf32, #tpu.memory_space<vmem>>, vector<1x16xf32>,
    %swap3A_389 = vector.shape_cast %swap3A_388 : vector<1x16xf32> to vector<16xf32>
    %swap3A_390 = vector.shape_cast %broadcast_in_dim3A_1 : vector<16xf32> to vector<1x16xf32>
    tpu.vector_store %arg12[%swap3A_386, %swap3A_387], %swap3A_390 {strides = array<i32>} : memref<16x128xf32, #tpu.memory_space<vmem>>, vector<1x16xf32>,
    %swap3A_391 = arith.constant 8 : i32
    %swap3A_392 = arith.index_cast %swap3A_391 : i32 to index
    %swap3A_393 = arith.constant 16 : index
    %swap3A_394 = tpu.vector_load %arg12[%swap3A_392, %swap3A_393] {strides = array<i32>} : memref<16x128xf32, #tpu.memory_space<vmem>>, vector<1x16xf32>,
    %swap3A_395 = vector.shape_cast %swap3A_394 : vector<1x16xf32> to vector<16xf32>
    %swap3A_396 = vector.shape_cast %broadcast_in_dim3A_1 : vector<16xf32> to vector<1x16xf32>
    tpu.vector_store %arg12[%swap3A_392, %swap3A_393], %swap3A_396 {strides = array<i32>} : memref<16x128xf32, #tpu.memory_space<vmem>>, vector<1x16xf32>,
    %swap3A_397 = arith.constant 8 : i32
    %swap3A_398 = arith.index_cast %swap3A_397 : i32 to index
    %swap3A_399 = arith.constant 32 : index
    %swap3A_400 = tpu.vector_load %arg12[%swap3A_398, %swap3A_399] {strides = array<i32>} : memref<16x128xf32, #tpu.memory_space<vmem>>, vector<1x16xf32>,
    %swap3A_401 = vector.shape_cast %swap3A_400 : vector<1x16xf32> to vector<16xf32>
    %swap3A_402 = vector.shape_cast %broadcast_in_dim3A_1 : vector<16xf32> to vector<1x16xf32>
    tpu.vector_store %arg12[%swap3A_398, %swap3A_399], %swap3A_402 {strides = array<i32>} : memref<16x128xf32, #tpu.memory_space<vmem>>, vector<1x16xf32>,
    %swap3A_403 = arith.constant 8 : i32
    %swap3A_404 = arith.index_cast %swap3A_403 : i32 to index
    %swap3A_405 = arith.constant 48 : index
    %swap3A_406 = tpu.vector_load %arg12[%swap3A_404, %swap3A_405] {strides = array<i32>} : memref<16x128xf32, #tpu.memory_space<vmem>>, vector<1x16xf32>,
    %swap3A_407 = vector.shape_cast %swap3A_406 : vector<1x16xf32> to vector<16xf32>
    %swap3A_408 = vector.shape_cast %broadcast_in_dim3A_1 : vector<16xf32> to vector<1x16xf32>
    tpu.vector_store %arg12[%swap3A_404, %swap3A_405], %swap3A_408 {strides = array<i32>} : memref<16x128xf32, #tpu.memory_space<vmem>>, vector<1x16xf32>,
    %swap3A_409 = arith.constant 8 : i32
    %swap3A_410 = arith.index_cast %swap3A_409 : i32 to index
    %swap3A_411 = arith.constant 64 : index
    %swap3A_412 = tpu.vector_load %arg12[%swap3A_410, %swap3A_411] {strides = array<i32>} : memref<16x128xf32, #tpu.memory_space<vmem>>, vector<1x16xf32>,
    %swap3A_413 = vector.shape_cast %swap3A_412 : vector<1x16xf32> to vector<16xf32>
    %swap3A_414 = vector.shape_cast %broadcast_in_dim3A_1 : vector<16xf32> to vector<1x16xf32>
    tpu.vector_store %arg12[%swap3A_410, %swap3A_411], %swap3A_414 {strides = array<i32>} : memref<16x128xf32, #tpu.memory_space<vmem>>, vector<1x16xf32>,
    %swap3A_415 = arith.constant 8 : i32
    %swap3A_416 = arith.index_cast %swap3A_415 : i32 to index
    %swap3A_417 = arith.constant 80 : index
    %swap3A_418 = tpu.vector_load %arg12[%swap3A_416, %swap3A_417] {strides = array<i32>} : memref<16x128xf32, #tpu.memory_space<vmem>>, vector<1x16xf32>,
    %swap3A_419 = vector.shape_cast %swap3A_418 : vector<1x16xf32> to vector<16xf32>
    %swap3A_420 = vector.shape_cast %broadcast_in_dim3A_1 : vector<16xf32> to vector<1x16xf32>
    tpu.vector_store %arg12[%swap3A_416, %swap3A_417], %swap3A_420 {strides = array<i32>} : memref<16x128xf32, #tpu.memory_space<vmem>>, vector<1x16xf32>,
    %swap3A_421 = arith.constant 8 : i32
    %swap3A_422 = arith.index_cast %swap3A_421 : i32 to index
    %swap3A_423 = arith.constant 96 : index
    %swap3A_424 = tpu.vector_load %arg12[%swap3A_422, %swap3A_423] {strides = array<i32>} : memref<16x128xf32, #tpu.memory_space<vmem>>, vector<1x16xf32>,
    %swap3A_425 = vector.shape_cast %swap3A_424 : vector<1x16xf32> to vector<16xf32>
    %swap3A_426 = vector.shape_cast %broadcast_in_dim3A_1 : vector<16xf32> to vector<1x16xf32>
    tpu.vector_store %arg12[%swap3A_422, %swap3A_423], %swap3A_426 {strides = array<i32>} : memref<16x128xf32, #tpu.memory_space<vmem>>, vector<1x16xf32>,
    %swap3A_427 = arith.constant 8 : i32
    %swap3A_428 = arith.index_cast %swap3A_427 : i32 to index
    %swap3A_429 = arith.constant 112 : index
    %swap3A_430 = tpu.vector_load %arg12[%swap3A_428, %swap3A_429] {strides = array<i32>} : memref<16x128xf32, #tpu.memory_space<vmem>>, vector<1x16xf32>,
    %swap3A_431 = vector.shape_cast %swap3A_430 : vector<1x16xf32> to vector<16xf32>
    %swap3A_432 = vector.shape_cast %broadcast_in_dim3A_1 : vector<16xf32> to vector<1x16xf32>
    tpu.vector_store %arg12[%swap3A_428, %swap3A_429], %swap3A_432 {strides = array<i32>} : memref<16x128xf32, #tpu.memory_space<vmem>>, vector<1x16xf32>,
    %swap3A_433 = arith.constant 9 : i32
    %swap3A_434 = arith.index_cast %swap3A_433 : i32 to index
    %swap3A_435 = arith.constant 0 : index
    %swap3A_436 = tpu.vector_load %arg12[%swap3A_434, %swap3A_435] {strides = array<i32>} : memref<16x128xf32, #tpu.memory_space<vmem>>, vector<1x16xf32>,
    %swap3A_437 = vector.shape_cast %swap3A_436 : vector<1x16xf32> to vector<16xf32>
    %swap3A_438 = vector.shape_cast %broadcast_in_dim3A_1 : vector<16xf32> to vector<1x16xf32>
    tpu.vector_store %arg12[%swap3A_434, %swap3A_435], %swap3A_438 {strides = array<i32>} : memref<16x128xf32, #tpu.memory_space<vmem>>, vector<1x16xf32>,
    %swap3A_439 = arith.constant 9 : i32
    %swap3A_440 = arith.index_cast %swap3A_439 : i32 to index
    %swap3A_441 = arith.constant 16 : index
    %swap3A_442 = tpu.vector_load %arg12[%swap3A_440, %swap3A_441] {strides = array<i32>} : memref<16x128xf32, #tpu.memory_space<vmem>>, vector<1x16xf32>,
    %swap3A_443 = vector.shape_cast %swap3A_442 : vector<1x16xf32> to vector<16xf32>
    %swap3A_444 = vector.shape_cast %broadcast_in_dim3A_1 : vector<16xf32> to vector<1x16xf32>
    tpu.vector_store %arg12[%swap3A_440, %swap3A_441], %swap3A_444 {strides = array<i32>} : memref<16x128xf32, #tpu.memory_space<vmem>>, vector<1x16xf32>,
    %swap3A_445 = arith.constant 9 : i32
    %swap3A_446 = arith.index_cast %swap3A_445 : i32 to index
    %swap3A_447 = arith.constant 32 : index
    %swap3A_448 = tpu.vector_load %arg12[%swap3A_446, %swap3A_447] {strides = array<i32>} : memref<16x128xf32, #tpu.memory_space<vmem>>, vector<1x16xf32>,
    %swap3A_449 = vector.shape_cast %swap3A_448 : vector<1x16xf32> to vector<16xf32>
    %swap3A_450 = vector.shape_cast %broadcast_in_dim3A_1 : vector<16xf32> to vector<1x16xf32>
    tpu.vector_store %arg12[%swap3A_446, %swap3A_447], %swap3A_450 {strides = array<i32>} : memref<16x128xf32, #tpu.memory_space<vmem>>, vector<1x16xf32>,
    %swap3A_451 = arith.constant 9 : i32
    %swap3A_452 = arith.index_cast %swap3A_451 : i32 to index
    %swap3A_453 = arith.constant 48 : index
    %swap3A_454 = tpu.vector_load %arg12[%swap3A_452, %swap3A_453] {strides = array<i32>} : memref<16x128xf32, #tpu.memory_space<vmem>>, vector<1x16xf32>,
    %swap3A_455 = vector.shape_cast %swap3A_454 : vector<1x16xf32> to vector<16xf32>
    %swap3A_456 = vector.shape_cast %broadcast_in_dim3A_1 : vector<16xf32> to vector<1x16xf32>
    tpu.vector_store %arg12[%swap3A_452, %swap3A_453], %swap3A_456 {strides = array<i32>} : memref<16x128xf32, #tpu.memory_space<vmem>>, vector<1x16xf32>,
    %swap3A_457 = arith.constant 9 : i32
    %swap3A_458 = arith.index_cast %swap3A_457 : i32 to index
    %swap3A_459 = arith.constant 64 : index
    %swap3A_460 = tpu.vector_load %arg12[%swap3A_458, %swap3A_459] {strides = array<i32>} : memref<16x128xf32, #tpu.memory_space<vmem>>, vector<1x16xf32>,
    %swap3A_461 = vector.shape_cast %swap3A_460 : vector<1x16xf32> to vector<16xf32>
    %swap3A_462 = vector.shape_cast %broadcast_in_dim3A_1 : vector<16xf32> to vector<1x16xf32>
    tpu.vector_store %arg12[%swap3A_458, %swap3A_459], %swap3A_462 {strides = array<i32>} : memref<16x128xf32, #tpu.memory_space<vmem>>, vector<1x16xf32>,
    %swap3A_463 = arith.constant 9 : i32
    %swap3A_464 = arith.index_cast %swap3A_463 : i32 to index
    %swap3A_465 = arith.constant 80 : index
    %swap3A_466 = tpu.vector_load %arg12[%swap3A_464, %swap3A_465] {strides = array<i32>} : memref<16x128xf32, #tpu.memory_space<vmem>>, vector<1x16xf32>,
    %swap3A_467 = vector.shape_cast %swap3A_466 : vector<1x16xf32> to vector<16xf32>
    %swap3A_468 = vector.shape_cast %broadcast_in_dim3A_1 : vector<16xf32> to vector<1x16xf32>
    tpu.vector_store %arg12[%swap3A_464, %swap3A_465], %swap3A_468 {strides = array<i32>} : memref<16x128xf32, #tpu.memory_space<vmem>>, vector<1x16xf32>,
    %swap3A_469 = arith.constant 9 : i32
    %swap3A_470 = arith.index_cast %swap3A_469 : i32 to index
    %swap3A_471 = arith.constant 96 : index
    %swap3A_472 = tpu.vector_load %arg12[%swap3A_470, %swap3A_471] {strides = array<i32>} : memref<16x128xf32, #tpu.memory_space<vmem>>, vector<1x16xf32>,
    %swap3A_473 = vector.shape_cast %swap3A_472 : vector<1x16xf32> to vector<16xf32>
    %swap3A_474 = vector.shape_cast %broadcast_in_dim3A_1 : vector<16xf32> to vector<1x16xf32>
    tpu.vector_store %arg12[%swap3A_470, %swap3A_471], %swap3A_474 {strides = array<i32>} : memref<16x128xf32, #tpu.memory_space<vmem>>, vector<1x16xf32>,
    %swap3A_475 = arith.constant 9 : i32
    %swap3A_476 = arith.index_cast %swap3A_475 : i32 to index
    %swap3A_477 = arith.constant 112 : index
    %swap3A_478 = tpu.vector_load %arg12[%swap3A_476, %swap3A_477] {strides = array<i32>} : memref<16x128xf32, #tpu.memory_space<vmem>>, vector<1x16xf32>,
    %swap3A_479 = vector.shape_cast %swap3A_478 : vector<1x16xf32> to vector<16xf32>
    %swap3A_480 = vector.shape_cast %broadcast_in_dim3A_1 : vector<16xf32> to vector<1x16xf32>
    tpu.vector_store %arg12[%swap3A_476, %swap3A_477], %swap3A_480 {strides = array<i32>} : memref<16x128xf32, #tpu.memory_space<vmem>>, vector<1x16xf32>,
    %swap3A_481 = arith.constant 10 : i32
    %swap3A_482 = arith.index_cast %swap3A_481 : i32 to index
    %swap3A_483 = arith.constant 0 : index
    %swap3A_484 = tpu.vector_load %arg12[%swap3A_482, %swap3A_483] {strides = array<i32>} : memref<16x128xf32, #tpu.memory_space<vmem>>, vector<1x16xf32>,
    %swap3A_485 = vector.shape_cast %swap3A_484 : vector<1x16xf32> to vector<16xf32>
    %swap3A_486 = vector.shape_cast %broadcast_in_dim3A_1 : vector<16xf32> to vector<1x16xf32>
    tpu.vector_store %arg12[%swap3A_482, %swap3A_483], %swap3A_486 {strides = array<i32>} : memref<16x128xf32, #tpu.memory_space<vmem>>, vector<1x16xf32>,
    %swap3A_487 = arith.constant 10 : i32
    %swap3A_488 = arith.index_cast %swap3A_487 : i32 to index
    %swap3A_489 = arith.constant 16 : index
    %swap3A_490 = tpu.vector_load %arg12[%swap3A_488, %swap3A_489] {strides = array<i32>} : memref<16x128xf32, #tpu.memory_space<vmem>>, vector<1x16xf32>,
    %swap3A_491 = vector.shape_cast %swap3A_490 : vector<1x16xf32> to vector<16xf32>
    %swap3A_492 = vector.shape_cast %broadcast_in_dim3A_1 : vector<16xf32> to vector<1x16xf32>
    tpu.vector_store %arg12[%swap3A_488, %swap3A_489], %swap3A_492 {strides = array<i32>} : memref<16x128xf32, #tpu.memory_space<vmem>>, vector<1x16xf32>,
    %swap3A_493 = arith.constant 10 : i32
    %swap3A_494 = arith.index_cast %swap3A_493 : i32 to index
    %swap3A_495 = arith.constant 32 : index
    %swap3A_496 = tpu.vector_load %arg12[%swap3A_494, %swap3A_495] {strides = array<i32>} : memref<16x128xf32, #tpu.memory_space<vmem>>, vector<1x16xf32>,
    %swap3A_497 = vector.shape_cast %swap3A_496 : vector<1x16xf32> to vector<16xf32>
    %swap3A_498 = vector.shape_cast %broadcast_in_dim3A_1 : vector<16xf32> to vector<1x16xf32>
    tpu.vector_store %arg12[%swap3A_494, %swap3A_495], %swap3A_498 {strides = array<i32>} : memref<16x128xf32, #tpu.memory_space<vmem>>, vector<1x16xf32>,
    %swap3A_499 = arith.constant 10 : i32
    %swap3A_500 = arith.index_cast %swap3A_499 : i32 to index
    %swap3A_501 = arith.constant 48 : index
    %swap3A_502 = tpu.vector_load %arg12[%swap3A_500, %swap3A_501] {strides = array<i32>} : memref<16x128xf32, #tpu.memory_space<vmem>>, vector<1x16xf32>,
    %swap3A_503 = vector.shape_cast %swap3A_502 : vector<1x16xf32> to vector<16xf32>
    %swap3A_504 = vector.shape_cast %broadcast_in_dim3A_1 : vector<16xf32> to vector<1x16xf32>
    tpu.vector_store %arg12[%swap3A_500, %swap3A_501], %swap3A_504 {strides = array<i32>} : memref<16x128xf32, #tpu.memory_space<vmem>>, vector<1x16xf32>,
    %swap3A_505 = arith.constant 10 : i32
    %swap3A_506 = arith.index_cast %swap3A_505 : i32 to index
    %swap3A_507 = arith.constant 64 : index
    %swap3A_508 = tpu.vector_load %arg12[%swap3A_506, %swap3A_507] {strides = array<i32>} : memref<16x128xf32, #tpu.memory_space<vmem>>, vector<1x16xf32>,
    %swap3A_509 = vector.shape_cast %swap3A_508 : vector<1x16xf32> to vector<16xf32>
    %swap3A_510 = vector.shape_cast %broadcast_in_dim3A_1 : vector<16xf32> to vector<1x16xf32>
    tpu.vector_store %arg12[%swap3A_506, %swap3A_507], %swap3A_510 {strides = array<i32>} : memref<16x128xf32, #tpu.memory_space<vmem>>, vector<1x16xf32>,
    %swap3A_511 = arith.constant 10 : i32
    %swap3A_512 = arith.index_cast %swap3A_511 : i32 to index
    %swap3A_513 = arith.constant 80 : index
    %swap3A_514 = tpu.vector_load %arg12[%swap3A_512, %swap3A_513] {strides = array<i32>} : memref<16x128xf32, #tpu.memory_space<vmem>>, vector<1x16xf32>,
    %swap3A_515 = vector.shape_cast %swap3A_514 : vector<1x16xf32> to vector<16xf32>
    %swap3A_516 = vector.shape_cast %broadcast_in_dim3A_1 : vector<16xf32> to vector<1x16xf32>
    tpu.vector_store %arg12[%swap3A_512, %swap3A_513], %swap3A_516 {strides = array<i32>} : memref<16x128xf32, #tpu.memory_space<vmem>>, vector<1x16xf32>,
    %swap3A_517 = arith.constant 10 : i32
    %swap3A_518 = arith.index_cast %swap3A_517 : i32 to index
    %swap3A_519 = arith.constant 96 : index
    %swap3A_520 = tpu.vector_load %arg12[%swap3A_518, %swap3A_519] {strides = array<i32>} : memref<16x128xf32, #tpu.memory_space<vmem>>, vector<1x16xf32>,
    %swap3A_521 = vector.shape_cast %swap3A_520 : vector<1x16xf32> to vector<16xf32>
    %swap3A_522 = vector.shape_cast %broadcast_in_dim3A_1 : vector<16xf32> to vector<1x16xf32>
    tpu.vector_store %arg12[%swap3A_518, %swap3A_519], %swap3A_522 {strides = array<i32>} : memref<16x128xf32, #tpu.memory_space<vmem>>, vector<1x16xf32>,
    %swap3A_523 = arith.constant 10 : i32
    %swap3A_524 = arith.index_cast %swap3A_523 : i32 to index
    %swap3A_525 = arith.constant 112 : index
    %swap3A_526 = tpu.vector_load %arg12[%swap3A_524, %swap3A_525] {strides = array<i32>} : memref<16x128xf32, #tpu.memory_space<vmem>>, vector<1x16xf32>,
    %swap3A_527 = vector.shape_cast %swap3A_526 : vector<1x16xf32> to vector<16xf32>
    %swap3A_528 = vector.shape_cast %broadcast_in_dim3A_1 : vector<16xf32> to vector<1x16xf32>
    tpu.vector_store %arg12[%swap3A_524, %swap3A_525], %swap3A_528 {strides = array<i32>} : memref<16x128xf32, #tpu.memory_space<vmem>>, vector<1x16xf32>,
    %swap3A_529 = arith.constant 11 : i32
    %swap3A_530 = arith.index_cast %swap3A_529 : i32 to index
    %swap3A_531 = arith.constant 0 : index
    %swap3A_532 = tpu.vector_load %arg12[%swap3A_530, %swap3A_531] {strides = array<i32>} : memref<16x128xf32, #tpu.memory_space<vmem>>, vector<1x16xf32>,
    %swap3A_533 = vector.shape_cast %swap3A_532 : vector<1x16xf32> to vector<16xf32>
    %swap3A_534 = vector.shape_cast %broadcast_in_dim3A_1 : vector<16xf32> to vector<1x16xf32>
    tpu.vector_store %arg12[%swap3A_530, %swap3A_531], %swap3A_534 {strides = array<i32>} : memref<16x128xf32, #tpu.memory_space<vmem>>, vector<1x16xf32>,
    %swap3A_535 = arith.constant 11 : i32
    %swap3A_536 = arith.index_cast %swap3A_535 : i32 to index
    %swap3A_537 = arith.constant 16 : index
    %swap3A_538 = tpu.vector_load %arg12[%swap3A_536, %swap3A_537] {strides = array<i32>} : memref<16x128xf32, #tpu.memory_space<vmem>>, vector<1x16xf32>,
    %swap3A_539 = vector.shape_cast %swap3A_538 : vector<1x16xf32> to vector<16xf32>
    %swap3A_540 = vector.shape_cast %broadcast_in_dim3A_1 : vector<16xf32> to vector<1x16xf32>
    tpu.vector_store %arg12[%swap3A_536, %swap3A_537], %swap3A_540 {strides = array<i32>} : memref<16x128xf32, #tpu.memory_space<vmem>>, vector<1x16xf32>,
    %swap3A_541 = arith.constant 11 : i32
    %swap3A_542 = arith.index_cast %swap3A_541 : i32 to index
    %swap3A_543 = arith.constant 32 : index
    %swap3A_544 = tpu.vector_load %arg12[%swap3A_542, %swap3A_543] {strides = array<i32>} : memref<16x128xf32, #tpu.memory_space<vmem>>, vector<1x16xf32>,
    %swap3A_545 = vector.shape_cast %swap3A_544 : vector<1x16xf32> to vector<16xf32>
    %swap3A_546 = vector.shape_cast %broadcast_in_dim3A_1 : vector<16xf32> to vector<1x16xf32>
    tpu.vector_store %arg12[%swap3A_542, %swap3A_543], %swap3A_546 {strides = array<i32>} : memref<16x128xf32, #tpu.memory_space<vmem>>, vector<1x16xf32>,
    %swap3A_547 = arith.constant 11 : i32
    %swap3A_548 = arith.index_cast %swap3A_547 : i32 to index
    %swap3A_549 = arith.constant 48 : index
    %swap3A_550 = tpu.vector_load %arg12[%swap3A_548, %swap3A_549] {strides = array<i32>} : memref<16x128xf32, #tpu.memory_space<vmem>>, vector<1x16xf32>,
    %swap3A_551 = vector.shape_cast %swap3A_550 : vector<1x16xf32> to vector<16xf32>
    %swap3A_552 = vector.shape_cast %broadcast_in_dim3A_1 : vector<16xf32> to vector<1x16xf32>
    tpu.vector_store %arg12[%swap3A_548, %swap3A_549], %swap3A_552 {strides = array<i32>} : memref<16x128xf32, #tpu.memory_space<vmem>>, vector<1x16xf32>,
    %swap3A_553 = arith.constant 11 : i32
    %swap3A_554 = arith.index_cast %swap3A_553 : i32 to index
    %swap3A_555 = arith.constant 64 : index
    %swap3A_556 = tpu.vector_load %arg12[%swap3A_554, %swap3A_555] {strides = array<i32>} : memref<16x128xf32, #tpu.memory_space<vmem>>, vector<1x16xf32>,
    %swap3A_557 = vector.shape_cast %swap3A_556 : vector<1x16xf32> to vector<16xf32>
    %swap3A_558 = vector.shape_cast %broadcast_in_dim3A_1 : vector<16xf32> to vector<1x16xf32>
    tpu.vector_store %arg12[%swap3A_554, %swap3A_555], %swap3A_558 {strides = array<i32>} : memref<16x128xf32, #tpu.memory_space<vmem>>, vector<1x16xf32>,
    %swap3A_559 = arith.constant 11 : i32
    %swap3A_560 = arith.index_cast %swap3A_559 : i32 to index
    %swap3A_561 = arith.constant 80 : index
    %swap3A_562 = tpu.vector_load %arg12[%swap3A_560, %swap3A_561] {strides = array<i32>} : memref<16x128xf32, #tpu.memory_space<vmem>>, vector<1x16xf32>,
    %swap3A_563 = vector.shape_cast %swap3A_562 : vector<1x16xf32> to vector<16xf32>
    %swap3A_564 = vector.shape_cast %broadcast_in_dim3A_1 : vector<16xf32> to vector<1x16xf32>
    tpu.vector_store %arg12[%swap3A_560, %swap3A_561], %swap3A_564 {strides = array<i32>} : memref<16x128xf32, #tpu.memory_space<vmem>>, vector<1x16xf32>,
    %swap3A_565 = arith.constant 11 : i32
    %swap3A_566 = arith.index_cast %swap3A_565 : i32 to index
    %swap3A_567 = arith.constant 96 : index
    %swap3A_568 = tpu.vector_load %arg12[%swap3A_566, %swap3A_567] {strides = array<i32>} : memref<16x128xf32, #tpu.memory_space<vmem>>, vector<1x16xf32>,
    %swap3A_569 = vector.shape_cast %swap3A_568 : vector<1x16xf32> to vector<16xf32>
    %swap3A_570 = vector.shape_cast %broadcast_in_dim3A_1 : vector<16xf32> to vector<1x16xf32>
    tpu.vector_store %arg12[%swap3A_566, %swap3A_567], %swap3A_570 {strides = array<i32>} : memref<16x128xf32, #tpu.memory_space<vmem>>, vector<1x16xf32>,
    %swap3A_571 = arith.constant 11 : i32
    %swap3A_572 = arith.index_cast %swap3A_571 : i32 to index
    %swap3A_573 = arith.constant 112 : index
    %swap3A_574 = tpu.vector_load %arg12[%swap3A_572, %swap3A_573] {strides = array<i32>} : memref<16x128xf32, #tpu.memory_space<vmem>>, vector<1x16xf32>,
    %swap3A_575 = vector.shape_cast %swap3A_574 : vector<1x16xf32> to vector<16xf32>
    %swap3A_576 = vector.shape_cast %broadcast_in_dim3A_1 : vector<16xf32> to vector<1x16xf32>
    tpu.vector_store %arg12[%swap3A_572, %swap3A_573], %swap3A_576 {strides = array<i32>} : memref<16x128xf32, #tpu.memory_space<vmem>>, vector<1x16xf32>,
    %swap3A_577 = arith.constant 12 : i32
    %swap3A_578 = arith.index_cast %swap3A_577 : i32 to index
    %swap3A_579 = arith.constant 0 : index
    %swap3A_580 = tpu.vector_load %arg12[%swap3A_578, %swap3A_579] {strides = array<i32>} : memref<16x128xf32, #tpu.memory_space<vmem>>, vector<1x16xf32>,
    %swap3A_581 = vector.shape_cast %swap3A_580 : vector<1x16xf32> to vector<16xf32>
    %swap3A_582 = vector.shape_cast %broadcast_in_dim3A_1 : vector<16xf32> to vector<1x16xf32>
    tpu.vector_store %arg12[%swap3A_578, %swap3A_579], %swap3A_582 {strides = array<i32>} : memref<16x128xf32, #tpu.memory_space<vmem>>, vector<1x16xf32>,
    %swap3A_583 = arith.constant 12 : i32
    %swap3A_584 = arith.index_cast %swap3A_583 : i32 to index
    %swap3A_585 = arith.constant 16 : index
    %swap3A_586 = tpu.vector_load %arg12[%swap3A_584, %swap3A_585] {strides = array<i32>} : memref<16x128xf32, #tpu.memory_space<vmem>>, vector<1x16xf32>,
    %swap3A_587 = vector.shape_cast %swap3A_586 : vector<1x16xf32> to vector<16xf32>
    %swap3A_588 = vector.shape_cast %broadcast_in_dim3A_1 : vector<16xf32> to vector<1x16xf32>
    tpu.vector_store %arg12[%swap3A_584, %swap3A_585], %swap3A_588 {strides = array<i32>} : memref<16x128xf32, #tpu.memory_space<vmem>>, vector<1x16xf32>,
    %swap3A_589 = arith.constant 12 : i32
    %swap3A_590 = arith.index_cast %swap3A_589 : i32 to index
    %swap3A_591 = arith.constant 32 : index
    %swap3A_592 = tpu.vector_load %arg12[%swap3A_590, %swap3A_591] {strides = array<i32>} : memref<16x128xf32, #tpu.memory_space<vmem>>, vector<1x16xf32>,
    %swap3A_593 = vector.shape_cast %swap3A_592 : vector<1x16xf32> to vector<16xf32>
    %swap3A_594 = vector.shape_cast %broadcast_in_dim3A_1 : vector<16xf32> to vector<1x16xf32>
    tpu.vector_store %arg12[%swap3A_590, %swap3A_591], %swap3A_594 {strides = array<i32>} : memref<16x128xf32, #tpu.memory_space<vmem>>, vector<1x16xf32>,
    %swap3A_595 = arith.constant 12 : i32
    %swap3A_596 = arith.index_cast %swap3A_595 : i32 to index
    %swap3A_597 = arith.constant 48 : index
    %swap3A_598 = tpu.vector_load %arg12[%swap3A_596, %swap3A_597] {strides = array<i32>} : memref<16x128xf32, #tpu.memory_space<vmem>>, vector<1x16xf32>,
    %swap3A_599 = vector.shape_cast %swap3A_598 : vector<1x16xf32> to vector<16xf32>
    %swap3A_600 = vector.shape_cast %broadcast_in_dim3A_1 : vector<16xf32> to vector<1x16xf32>
    tpu.vector_store %arg12[%swap3A_596, %swap3A_597], %swap3A_600 {strides = array<i32>} : memref<16x128xf32, #tpu.memory_space<vmem>>, vector<1x16xf32>,
    %swap3A_601 = arith.constant 12 : i32
    %swap3A_602 = arith.index_cast %swap3A_601 : i32 to index
    %swap3A_603 = arith.constant 64 : index
    %swap3A_604 = tpu.vector_load %arg12[%swap3A_602, %swap3A_603] {strides = array<i32>} : memref<16x128xf32, #tpu.memory_space<vmem>>, vector<1x16xf32>,
    %swap3A_605 = vector.shape_cast %swap3A_604 : vector<1x16xf32> to vector<16xf32>
    %swap3A_606 = vector.shape_cast %broadcast_in_dim3A_1 : vector<16xf32> to vector<1x16xf32>
    tpu.vector_store %arg12[%swap3A_602, %swap3A_603], %swap3A_606 {strides = array<i32>} : memref<16x128xf32, #tpu.memory_space<vmem>>, vector<1x16xf32>,
    %swap3A_607 = arith.constant 12 : i32
    %swap3A_608 = arith.index_cast %swap3A_607 : i32 to index
    %swap3A_609 = arith.constant 80 : index
    %swap3A_610 = tpu.vector_load %arg12[%swap3A_608, %swap3A_609] {strides = array<i32>} : memref<16x128xf32, #tpu.memory_space<vmem>>, vector<1x16xf32>,
    %swap3A_611 = vector.shape_cast %swap3A_610 : vector<1x16xf32> to vector<16xf32>
    %swap3A_612 = vector.shape_cast %broadcast_in_dim3A_1 : vector<16xf32> to vector<1x16xf32>
    tpu.vector_store %arg12[%swap3A_608, %swap3A_609], %swap3A_612 {strides = array<i32>} : memref<16x128xf32, #tpu.memory_space<vmem>>, vector<1x16xf32>,
    %swap3A_613 = arith.constant 12 : i32
    %swap3A_614 = arith.index_cast %swap3A_613 : i32 to index
    %swap3A_615 = arith.constant 96 : index
    %swap3A_616 = tpu.vector_load %arg12[%swap3A_614, %swap3A_615] {strides = array<i32>} : memref<16x128xf32, #tpu.memory_space<vmem>>, vector<1x16xf32>,
    %swap3A_617 = vector.shape_cast %swap3A_616 : vector<1x16xf32> to vector<16xf32>
    %swap3A_618 = vector.shape_cast %broadcast_in_dim3A_1 : vector<16xf32> to vector<1x16xf32>
    tpu.vector_store %arg12[%swap3A_614, %swap3A_615], %swap3A_618 {strides = array<i32>} : memref<16x128xf32, #tpu.memory_space<vmem>>, vector<1x16xf32>,
    %swap3A_619 = arith.constant 12 : i32
    %swap3A_620 = arith.index_cast %swap3A_619 : i32 to index
    %swap3A_621 = arith.constant 112 : index
    %swap3A_622 = tpu.vector_load %arg12[%swap3A_620, %swap3A_621] {strides = array<i32>} : memref<16x128xf32, #tpu.memory_space<vmem>>, vector<1x16xf32>,
    %swap3A_623 = vector.shape_cast %swap3A_622 : vector<1x16xf32> to vector<16xf32>
    %swap3A_624 = vector.shape_cast %broadcast_in_dim3A_1 : vector<16xf32> to vector<1x16xf32>
    tpu.vector_store %arg12[%swap3A_620, %swap3A_621], %swap3A_624 {strides = array<i32>} : memref<16x128xf32, #tpu.memory_space<vmem>>, vector<1x16xf32>,
    %swap3A_625 = arith.constant 13 : i32
    %swap3A_626 = arith.index_cast %swap3A_625 : i32 to index
    %swap3A_627 = arith.constant 0 : index
    %swap3A_628 = tpu.vector_load %arg12[%swap3A_626, %swap3A_627] {strides = array<i32>} : memref<16x128xf32, #tpu.memory_space<vmem>>, vector<1x16xf32>,
    %swap3A_629 = vector.shape_cast %swap3A_628 : vector<1x16xf32> to vector<16xf32>
    %swap3A_630 = vector.shape_cast %broadcast_in_dim3A_1 : vector<16xf32> to vector<1x16xf32>
    tpu.vector_store %arg12[%swap3A_626, %swap3A_627], %swap3A_630 {strides = array<i32>} : memref<16x128xf32, #tpu.memory_space<vmem>>, vector<1x16xf32>,
    %swap3A_631 = arith.constant 13 : i32
    %swap3A_632 = arith.index_cast %swap3A_631 : i32 to index
    %swap3A_633 = arith.constant 16 : index
    %swap3A_634 = tpu.vector_load %arg12[%swap3A_632, %swap3A_633] {strides = array<i32>} : memref<16x128xf32, #tpu.memory_space<vmem>>, vector<1x16xf32>,
    %swap3A_635 = vector.shape_cast %swap3A_634 : vector<1x16xf32> to vector<16xf32>
    %swap3A_636 = vector.shape_cast %broadcast_in_dim3A_1 : vector<16xf32> to vector<1x16xf32>
    tpu.vector_store %arg12[%swap3A_632, %swap3A_633], %swap3A_636 {strides = array<i32>} : memref<16x128xf32, #tpu.memory_space<vmem>>, vector<1x16xf32>,
    %swap3A_637 = arith.constant 13 : i32
    %swap3A_638 = arith.index_cast %swap3A_637 : i32 to index
    %swap3A_639 = arith.constant 32 : index
    %swap3A_640 = tpu.vector_load %arg12[%swap3A_638, %swap3A_639] {strides = array<i32>} : memref<16x128xf32, #tpu.memory_space<vmem>>, vector<1x16xf32>,
    %swap3A_641 = vector.shape_cast %swap3A_640 : vector<1x16xf32> to vector<16xf32>
    %swap3A_642 = vector.shape_cast %broadcast_in_dim3A_1 : vector<16xf32> to vector<1x16xf32>
    tpu.vector_store %arg12[%swap3A_638, %swap3A_639], %swap3A_642 {strides = array<i32>} : memref<16x128xf32, #tpu.memory_space<vmem>>, vector<1x16xf32>,
    %swap3A_643 = arith.constant 13 : i32
    %swap3A_644 = arith.index_cast %swap3A_643 : i32 to index
    %swap3A_645 = arith.constant 48 : index
    %swap3A_646 = tpu.vector_load %arg12[%swap3A_644, %swap3A_645] {strides = array<i32>} : memref<16x128xf32, #tpu.memory_space<vmem>>, vector<1x16xf32>,
    %swap3A_647 = vector.shape_cast %swap3A_646 : vector<1x16xf32> to vector<16xf32>
    %swap3A_648 = vector.shape_cast %broadcast_in_dim3A_1 : vector<16xf32> to vector<1x16xf32>
    tpu.vector_store %arg12[%swap3A_644, %swap3A_645], %swap3A_648 {strides = array<i32>} : memref<16x128xf32, #tpu.memory_space<vmem>>, vector<1x16xf32>,
    %swap3A_649 = arith.constant 13 : i32
    %swap3A_650 = arith.index_cast %swap3A_649 : i32 to index
    %swap3A_651 = arith.constant 64 : index
    %swap3A_652 = tpu.vector_load %arg12[%swap3A_650, %swap3A_651] {strides = array<i32>} : memref<16x128xf32, #tpu.memory_space<vmem>>, vector<1x16xf32>,
    %swap3A_653 = vector.shape_cast %swap3A_652 : vector<1x16xf32> to vector<16xf32>
    %swap3A_654 = vector.shape_cast %broadcast_in_dim3A_1 : vector<16xf32> to vector<1x16xf32>
    tpu.vector_store %arg12[%swap3A_650, %swap3A_651], %swap3A_654 {strides = array<i32>} : memref<16x128xf32, #tpu.memory_space<vmem>>, vector<1x16xf32>,
    %swap3A_655 = arith.constant 13 : i32
    %swap3A_656 = arith.index_cast %swap3A_655 : i32 to index
    %swap3A_657 = arith.constant 80 : index
    %swap3A_658 = tpu.vector_load %arg12[%swap3A_656, %swap3A_657] {strides = array<i32>} : memref<16x128xf32, #tpu.memory_space<vmem>>, vector<1x16xf32>,
    %swap3A_659 = vector.shape_cast %swap3A_658 : vector<1x16xf32> to vector<16xf32>
    %swap3A_660 = vector.shape_cast %broadcast_in_dim3A_1 : vector<16xf32> to vector<1x16xf32>
    tpu.vector_store %arg12[%swap3A_656, %swap3A_657], %swap3A_660 {strides = array<i32>} : memref<16x128xf32, #tpu.memory_space<vmem>>, vector<1x16xf32>,
    %swap3A_661 = arith.constant 13 : i32
    %swap3A_662 = arith.index_cast %swap3A_661 : i32 to index
    %swap3A_663 = arith.constant 96 : index
    %swap3A_664 = tpu.vector_load %arg12[%swap3A_662, %swap3A_663] {strides = array<i32>} : memref<16x128xf32, #tpu.memory_space<vmem>>, vector<1x16xf32>,
    %swap3A_665 = vector.shape_cast %swap3A_664 : vector<1x16xf32> to vector<16xf32>
    %swap3A_666 = vector.shape_cast %broadcast_in_dim3A_1 : vector<16xf32> to vector<1x16xf32>
    tpu.vector_store %arg12[%swap3A_662, %swap3A_663], %swap3A_666 {strides = array<i32>} : memref<16x128xf32, #tpu.memory_space<vmem>>, vector<1x16xf32>,
    %swap3A_667 = arith.constant 13 : i32
    %swap3A_668 = arith.index_cast %swap3A_667 : i32 to index
    %swap3A_669 = arith.constant 112 : index
    %swap3A_670 = tpu.vector_load %arg12[%swap3A_668, %swap3A_669] {strides = array<i32>} : memref<16x128xf32, #tpu.memory_space<vmem>>, vector<1x16xf32>,
    %swap3A_671 = vector.shape_cast %swap3A_670 : vector<1x16xf32> to vector<16xf32>
    %swap3A_672 = vector.shape_cast %broadcast_in_dim3A_1 : vector<16xf32> to vector<1x16xf32>
    tpu.vector_store %arg12[%swap3A_668, %swap3A_669], %swap3A_672 {strides = array<i32>} : memref<16x128xf32, #tpu.memory_space<vmem>>, vector<1x16xf32>,
    %swap3A_673 = arith.constant 14 : i32
    %swap3A_674 = arith.index_cast %swap3A_673 : i32 to index
    %swap3A_675 = arith.constant 0 : index
    %swap3A_676 = tpu.vector_load %arg12[%swap3A_674, %swap3A_675] {strides = array<i32>} : memref<16x128xf32, #tpu.memory_space<vmem>>, vector<1x16xf32>,
    %swap3A_677 = vector.shape_cast %swap3A_676 : vector<1x16xf32> to vector<16xf32>
    %swap3A_678 = vector.shape_cast %broadcast_in_dim3A_1 : vector<16xf32> to vector<1x16xf32>
    tpu.vector_store %arg12[%swap3A_674, %swap3A_675], %swap3A_678 {strides = array<i32>} : memref<16x128xf32, #tpu.memory_space<vmem>>, vector<1x16xf32>,
    %swap3A_679 = arith.constant 14 : i32
    %swap3A_680 = arith.index_cast %swap3A_679 : i32 to index
    %swap3A_681 = arith.constant 16 : index
    %swap3A_682 = tpu.vector_load %arg12[%swap3A_680, %swap3A_681] {strides = array<i32>} : memref<16x128xf32, #tpu.memory_space<vmem>>, vector<1x16xf32>,
    %swap3A_683 = vector.shape_cast %swap3A_682 : vector<1x16xf32> to vector<16xf32>
    %swap3A_684 = vector.shape_cast %broadcast_in_dim3A_1 : vector<16xf32> to vector<1x16xf32>
    tpu.vector_store %arg12[%swap3A_680, %swap3A_681], %swap3A_684 {strides = array<i32>} : memref<16x128xf32, #tpu.memory_space<vmem>>, vector<1x16xf32>,
    %swap3A_685 = arith.constant 14 : i32
    %swap3A_686 = arith.index_cast %swap3A_685 : i32 to index
    %swap3A_687 = arith.constant 32 : index
    %swap3A_688 = tpu.vector_load %arg12[%swap3A_686, %swap3A_687] {strides = array<i32>} : memref<16x128xf32, #tpu.memory_space<vmem>>, vector<1x16xf32>,
    %swap3A_689 = vector.shape_cast %swap3A_688 : vector<1x16xf32> to vector<16xf32>
    %swap3A_690 = vector.shape_cast %broadcast_in_dim3A_1 : vector<16xf32> to vector<1x16xf32>
    tpu.vector_store %arg12[%swap3A_686, %swap3A_687], %swap3A_690 {strides = array<i32>} : memref<16x128xf32, #tpu.memory_space<vmem>>, vector<1x16xf32>,
    %swap3A_691 = arith.constant 14 : i32
    %swap3A_692 = arith.index_cast %swap3A_691 : i32 to index
    %swap3A_693 = arith.constant 48 : index
    %swap3A_694 = tpu.vector_load %arg12[%swap3A_692, %swap3A_693] {strides = array<i32>} : memref<16x128xf32, #tpu.memory_space<vmem>>, vector<1x16xf32>,
    %swap3A_695 = vector.shape_cast %swap3A_694 : vector<1x16xf32> to vector<16xf32>
    %swap3A_696 = vector.shape_cast %broadcast_in_dim3A_1 : vector<16xf32> to vector<1x16xf32>
    tpu.vector_store %arg12[%swap3A_692, %swap3A_693], %swap3A_696 {strides = array<i32>} : memref<16x128xf32, #tpu.memory_space<vmem>>, vector<1x16xf32>,
    %swap3A_697 = arith.constant 14 : i32
    %swap3A_698 = arith.index_cast %swap3A_697 : i32 to index
    %swap3A_699 = arith.constant 64 : index
    %swap3A_700 = tpu.vector_load %arg12[%swap3A_698, %swap3A_699] {strides = array<i32>} : memref<16x128xf32, #tpu.memory_space<vmem>>, vector<1x16xf32>,
    %swap3A_701 = vector.shape_cast %swap3A_700 : vector<1x16xf32> to vector<16xf32>
    %swap3A_702 = vector.shape_cast %broadcast_in_dim3A_1 : vector<16xf32> to vector<1x16xf32>
    tpu.vector_store %arg12[%swap3A_698, %swap3A_699], %swap3A_702 {strides = array<i32>} : memref<16x128xf32, #tpu.memory_space<vmem>>, vector<1x16xf32>,
    %swap3A_703 = arith.constant 14 : i32
    %swap3A_704 = arith.index_cast %swap3A_703 : i32 to index
    %swap3A_705 = arith.constant 80 : index
    %swap3A_706 = tpu.vector_load %arg12[%swap3A_704, %swap3A_705] {strides = array<i32>} : memref<16x128xf32, #tpu.memory_space<vmem>>, vector<1x16xf32>,
    %swap3A_707 = vector.shape_cast %swap3A_706 : vector<1x16xf32> to vector<16xf32>
    %swap3A_708 = vector.shape_cast %broadcast_in_dim3A_1 : vector<16xf32> to vector<1x16xf32>
    tpu.vector_store %arg12[%swap3A_704, %swap3A_705], %swap3A_708 {strides = array<i32>} : memref<16x128xf32, #tpu.memory_space<vmem>>, vector<1x16xf32>,
    %swap3A_709 = arith.constant 14 : i32
    %swap3A_710 = arith.index_cast %swap3A_709 : i32 to index
    %swap3A_711 = arith.constant 96 : index
    %swap3A_712 = tpu.vector_load %arg12[%swap3A_710, %swap3A_711] {strides = array<i32>} : memref<16x128xf32, #tpu.memory_space<vmem>>, vector<1x16xf32>,
    %swap3A_713 = vector.shape_cast %swap3A_712 : vector<1x16xf32> to vector<16xf32>
    %swap3A_714 = vector.shape_cast %broadcast_in_dim3A_1 : vector<16xf32> to vector<1x16xf32>
    tpu.vector_store %arg12[%swap3A_710, %swap3A_711], %swap3A_714 {strides = array<i32>} : memref<16x128xf32, #tpu.memory_space<vmem>>, vector<1x16xf32>,
    %swap3A_715 = arith.constant 14 : i32
    %swap3A_716 = arith.index_cast %swap3A_715 : i32 to index
    %swap3A_717 = arith.constant 112 : index
    %swap3A_718 = tpu.vector_load %arg12[%swap3A_716, %swap3A_717] {strides = array<i32>} : memref<16x128xf32, #tpu.memory_space<vmem>>, vector<1x16xf32>,
    %swap3A_719 = vector.shape_cast %swap3A_718 : vector<1x16xf32> to vector<16xf32>
    %swap3A_720 = vector.shape_cast %broadcast_in_dim3A_1 : vector<16xf32> to vector<1x16xf32>
    tpu.vector_store %arg12[%swap3A_716, %swap3A_717], %swap3A_720 {strides = array<i32>} : memref<16x128xf32, #tpu.memory_space<vmem>>, vector<1x16xf32>,
    %swap3A_721 = arith.constant 15 : i32
    %swap3A_722 = arith.index_cast %swap3A_721 : i32 to index
    %swap3A_723 = arith.constant 0 : index
    %swap3A_724 = tpu.vector_load %arg12[%swap3A_722, %swap3A_723] {strides = array<i32>} : memref<16x128xf32, #tpu.memory_space<vmem>>, vector<1x16xf32>,
    %swap3A_725 = vector.shape_cast %swap3A_724 : vector<1x16xf32> to vector<16xf32>
    %swap3A_726 = vector.shape_cast %broadcast_in_dim3A_1 : vector<16xf32> to vector<1x16xf32>
    tpu.vector_store %arg12[%swap3A_722, %swap3A_723], %swap3A_726 {strides = array<i32>} : memref<16x128xf32, #tpu.memory_space<vmem>>, vector<1x16xf32>,
    %swap3A_727 = arith.constant 15 : i32
    %swap3A_728 = arith.index_cast %swap3A_727 : i32 to index
    %swap3A_729 = arith.constant 16 : index
    %swap3A_730 = tpu.vector_load %arg12[%swap3A_728, %swap3A_729] {strides = array<i32>} : memref<16x128xf32, #tpu.memory_space<vmem>>, vector<1x16xf32>,
    %swap3A_731 = vector.shape_cast %swap3A_730 : vector<1x16xf32> to vector<16xf32>
    %swap3A_732 = vector.shape_cast %broadcast_in_dim3A_1 : vector<16xf32> to vector<1x16xf32>
    tpu.vector_store %arg12[%swap3A_728, %swap3A_729], %swap3A_732 {strides = array<i32>} : memref<16x128xf32, #tpu.memory_space<vmem>>, vector<1x16xf32>,
    %swap3A_733 = arith.constant 15 : i32
    %swap3A_734 = arith.index_cast %swap3A_733 : i32 to index
    %swap3A_735 = arith.constant 32 : index
    %swap3A_736 = tpu.vector_load %arg12[%swap3A_734, %swap3A_735] {strides = array<i32>} : memref<16x128xf32, #tpu.memory_space<vmem>>, vector<1x16xf32>,
    %swap3A_737 = vector.shape_cast %swap3A_736 : vector<1x16xf32> to vector<16xf32>
    %swap3A_738 = vector.shape_cast %broadcast_in_dim3A_1 : vector<16xf32> to vector<1x16xf32>
    tpu.vector_store %arg12[%swap3A_734, %swap3A_735], %swap3A_738 {strides = array<i32>} : memref<16x128xf32, #tpu.memory_space<vmem>>, vector<1x16xf32>,
    %swap3A_739 = arith.constant 15 : i32
    %swap3A_740 = arith.index_cast %swap3A_739 : i32 to index
    %swap3A_741 = arith.constant 48 : index
    %swap3A_742 = tpu.vector_load %arg12[%swap3A_740, %swap3A_741] {strides = array<i32>} : memref<16x128xf32, #tpu.memory_space<vmem>>, vector<1x16xf32>,
    %swap3A_743 = vector.shape_cast %swap3A_742 : vector<1x16xf32> to vector<16xf32>
    %swap3A_744 = vector.shape_cast %broadcast_in_dim3A_1 : vector<16xf32> to vector<1x16xf32>
    tpu.vector_store %arg12[%swap3A_740, %swap3A_741], %swap3A_744 {strides = array<i32>} : memref<16x128xf32, #tpu.memory_space<vmem>>, vector<1x16xf32>,
    %swap3A_745 = arith.constant 15 : i32
    %swap3A_746 = arith.index_cast %swap3A_745 : i32 to index
    %swap3A_747 = arith.constant 64 : index
    %swap3A_748 = tpu.vector_load %arg12[%swap3A_746, %swap3A_747] {strides = array<i32>} : memref<16x128xf32, #tpu.memory_space<vmem>>, vector<1x16xf32>,
    %swap3A_749 = vector.shape_cast %swap3A_748 : vector<1x16xf32> to vector<16xf32>
    %swap3A_750 = vector.shape_cast %broadcast_in_dim3A_1 : vector<16xf32> to vector<1x16xf32>
    tpu.vector_store %arg12[%swap3A_746, %swap3A_747], %swap3A_750 {strides = array<i32>} : memref<16x128xf32, #tpu.memory_space<vmem>>, vector<1x16xf32>,
    %swap3A_751 = arith.constant 15 : i32
    %swap3A_752 = arith.index_cast %swap3A_751 : i32 to index
    %swap3A_753 = arith.constant 80 : index
    %swap3A_754 = tpu.vector_load %arg12[%swap3A_752, %swap3A_753] {strides = array<i32>} : memref<16x128xf32, #tpu.memory_space<vmem>>, vector<1x16xf32>,
    %swap3A_755 = vector.shape_cast %swap3A_754 : vector<1x16xf32> to vector<16xf32>
    %swap3A_756 = vector.shape_cast %broadcast_in_dim3A_1 : vector<16xf32> to vector<1x16xf32>
    tpu.vector_store %arg12[%swap3A_752, %swap3A_753], %swap3A_756 {strides = array<i32>} : memref<16x128xf32, #tpu.memory_space<vmem>>, vector<1x16xf32>,
    %swap3A_757 = arith.constant 15 : i32
    %swap3A_758 = arith.index_cast %swap3A_757 : i32 to index
    %swap3A_759 = arith.constant 96 : index
    %swap3A_760 = tpu.vector_load %arg12[%swap3A_758, %swap3A_759] {strides = array<i32>} : memref<16x128xf32, #tpu.memory_space<vmem>>, vector<1x16xf32>,
    %swap3A_761 = vector.shape_cast %swap3A_760 : vector<1x16xf32> to vector<16xf32>
    %swap3A_762 = vector.shape_cast %broadcast_in_dim3A_1 : vector<16xf32> to vector<1x16xf32>
    tpu.vector_store %arg12[%swap3A_758, %swap3A_759], %swap3A_762 {strides = array<i32>} : memref<16x128xf32, #tpu.memory_space<vmem>>, vector<1x16xf32>,
    %swap3A_763 = arith.constant 15 : i32
    %swap3A_764 = arith.index_cast %swap3A_763 : i32 to index
    %swap3A_765 = arith.constant 112 : index
    %swap3A_766 = tpu.vector_load %arg12[%swap3A_764, %swap3A_765] {strides = array<i32>} : memref<16x128xf32, #tpu.memory_space<vmem>>, vector<1x16xf32>,
    %swap3A_767 = vector.shape_cast %swap3A_766 : vector<1x16xf32> to vector<16xf32>
    %swap3A_768 = vector.shape_cast %broadcast_in_dim3A_1 : vector<16xf32> to vector<1x16xf32>
    tpu.vector_store %arg12[%swap3A_764, %swap3A_765], %swap3A_768 {strides = array<i32>} : memref<16x128xf32, #tpu.memory_space<vmem>>, vector<1x16xf32>,
    %scan3A = arith.constant 0 : i32
    %scan3A_769 = arith.constant 0 : i32
    %scan3A_770 = arith.constant 40 : i32
    %scan3A_771 = arith.addi %scan3A_769, %scan3A_770 : i32
    %scan3A_772 = arith.constant 1 : i32
    scf.for %scan3A_1180 = %scan3A_769 to %scan3A_771 step %scan3A_772  : i32 {
      %mul3A_1181 = arith.constant 640 : i32
      %mul3A_1182 = arith.muli %arg1, %mul3A_1181 : i32
      %mul3A_1183 = arith.constant 16 : i32
      %mul3A_1184 = arith.muli %scan3A_1180, %mul3A_1183 : i32
      %add3A_1185 = arith.addi %mul3A_1182, %mul3A_1184 : i32
      "tpu.region"() ({
        %run_scoped3A = tpu.sem_alloc : memref<!tpu.dma_semaphore, #tpu.memory_space<semaphore_mem>>
        %dma_start3A_1186 = arith.constant 0 : i32
        %dma_start3A_1187 = tpu.memref_slice %arg13[%add3A_1185, %dma_start3A_1186] : memref<10240x128xf32, #tpu.memory_space<vmem_shared>> -> memref<16x128xf32, #tpu.memory_space<vmem_shared>>
        %dma_start3A_1188 = arith.constant 0 : i32
        %dma_start3A_1189 = tpu.memref_slice %arg13[%add3A_1185, %dma_start3A_1188] : memref<10240x128xf32, #tpu.memory_space<vmem_shared>> -> memref<16x128xf32, #tpu.memory_space<vmem_shared>>
        tpu.enqueue_dma source(%arg12 : memref<16x128xf32, #tpu.memory_space<vmem>>) target(%dma_start3A_1189 : memref<16x128xf32, #tpu.memory_space<vmem_shared>>) target_semaphore(%run_scoped3A : memref<!tpu.dma_semaphore, #tpu.memory_space<semaphore_mem>>)
        %dma_wait3A_1190 = arith.constant 0 : i32
        %dma_wait3A_1191 = tpu.memref_slice %arg13[%add3A_1185, %dma_wait3A_1190] : memref<10240x128xf32, #tpu.memory_space<vmem_shared>> -> memref<16x128xf32, #tpu.memory_space<vmem_shared>>
        %dma_wait3A_1192 = arith.constant 0 : i32
        %dma_wait3A_1193 = tpu.memref_slice %arg13[%add3A_1185, %dma_wait3A_1192] : memref<10240x128xf32, #tpu.memory_space<vmem_shared>> -> memref<16x128xf32, #tpu.memory_space<vmem_shared>>
        tpu.wait_dma2 semaphore(%run_scoped3A : memref<!tpu.dma_semaphore, #tpu.memory_space<semaphore_mem>>) src(%arg12 : memref<16x128xf32, #tpu.memory_space<vmem>>) dst(%dma_wait3A_1193 : memref<16x128xf32, #tpu.memory_space<vmem_shared>>)
        tpu.yield
      }) : () -> ()
    }
    %scan3A_773 = arith.constant 40 : i32
    %barrier3A = arith.constant 0 : index
    tpu.barrier barrier_id(%barrier3A)
    %mul3A_774 = arith.constant 160 : i32
    %mul3A_775 = arith.muli %add3A, %mul3A_774 : i32
    %sub3A = arith.constant 5000 : i32
    %sub3A_776 = arith.subi %sub3A, %mul3A_775 : i32
    %jit3A = arith.constant 0 : i32
    %jit3A_777 = arith.constant 160 : i32
    %max3A = arith.maxsi %jit3A, %sub3A_776 : i32
    %min3A = arith.minsi %jit3A_777, %max3A : i32
    %add3A_778 = arith.constant 0 : i32
    %add3A_779 = arith.addi %mul3A_775, %add3A_778 : i32
    %min3A_780 = arith.constant 4960 : i32
    %min3A_781 = arith.minsi %add3A_779, %min3A_780 : i32
    %multiple_of3A = tpu.assume_multiple %min3A_781, 8 : i32
    %sub3A_782 = arith.constant 0 : i32
    %sub3A_783 = arith.subi %min3A, %sub3A_782 : i32
    %jit3A_784 = arith.constant 0 : i32
    %jit3A_785 = arith.constant 40 : i32
    %max3A_786 = arith.maxsi %jit3A_784, %sub3A_783 : i32
    %min3A_787 = arith.minsi %jit3A_785, %max3A_786 : i32
    "tpu.region"() ({
      %run_scoped3A = tpu.sem_alloc : memref<!tpu.dma_semaphore, #tpu.memory_space<semaphore_mem>>
      %dma_start3A_1180 = arith.constant 0 : i32
      %dma_start3A_1181 = tpu.memref_slice %arg3[%multiple_of3A, %dma_start3A_1180] : memref<5000x64xi32, #tpu.memory_space<hbm>> -> memref<40x64xi32, #tpu.memory_space<hbm>>
      %dma_start3A_1182 = arith.constant 0 : i32
      %dma_start3A_1183 = tpu.memref_slice %arg3[%multiple_of3A, %dma_start3A_1182] : memref<5000x64xi32, #tpu.memory_space<hbm>> -> memref<40x64xi32, #tpu.memory_space<hbm>>
      tpu.enqueue_dma source(%dma_start3A_1183 : memref<40x64xi32, #tpu.memory_space<hbm>>) target(%arg6 : memref<40x64xi32, #tpu.memory_space<vmem>>) target_semaphore(%run_scoped3A : memref<!tpu.dma_semaphore, #tpu.memory_space<semaphore_mem>>)
      %dma_wait3A_1184 = arith.constant 0 : i32
      %dma_wait3A_1185 = tpu.memref_slice %arg3[%multiple_of3A, %dma_wait3A_1184] : memref<5000x64xi32, #tpu.memory_space<hbm>> -> memref<40x64xi32, #tpu.memory_space<hbm>>
      %dma_wait3A_1186 = arith.constant 0 : i32
      %dma_wait3A_1187 = tpu.memref_slice %arg3[%multiple_of3A, %dma_wait3A_1186] : memref<5000x64xi32, #tpu.memory_space<hbm>> -> memref<40x64xi32, #tpu.memory_space<hbm>>
      tpu.wait_dma2 semaphore(%run_scoped3A : memref<!tpu.dma_semaphore, #tpu.memory_space<semaphore_mem>>) src(%dma_wait3A_1187 : memref<40x64xi32, #tpu.memory_space<hbm>>) dst(%arg6 : memref<40x64xi32, #tpu.memory_space<vmem>>)
      tpu.yield
    }) : () -> ()
    "tpu.region"() ({
      %run_scoped3A = tpu.sem_alloc : memref<!tpu.dma_semaphore, #tpu.memory_space<semaphore_mem>>
      %dma_start3A_1180 = arith.constant 0 : i32
      %dma_start3A_1181 = tpu.memref_slice %arg4[%multiple_of3A, %dma_start3A_1180] : memref<5000x64xi32, #tpu.memory_space<hbm>> -> memref<40x64xi32, #tpu.memory_space<hbm>>
      %dma_start3A_1182 = arith.constant 0 : i32
      %dma_start3A_1183 = tpu.memref_slice %arg4[%multiple_of3A, %dma_start3A_1182] : memref<5000x64xi32, #tpu.memory_space<hbm>> -> memref<40x64xi32, #tpu.memory_space<hbm>>
      tpu.enqueue_dma source(%dma_start3A_1183 : memref<40x64xi32, #tpu.memory_space<hbm>>) target(%arg7 : memref<40x64xi32, #tpu.memory_space<vmem>>) target_semaphore(%run_scoped3A : memref<!tpu.dma_semaphore, #tpu.memory_space<semaphore_mem>>)
      %dma_wait3A_1184 = arith.constant 0 : i32
      %dma_wait3A_1185 = tpu.memref_slice %arg4[%multiple_of3A, %dma_wait3A_1184] : memref<5000x64xi32, #tpu.memory_space<hbm>> -> memref<40x64xi32, #tpu.memory_space<hbm>>
      %dma_wait3A_1186 = arith.constant 0 : i32
      %dma_wait3A_1187 = tpu.memref_slice %arg4[%multiple_of3A, %dma_wait3A_1186] : memref<5000x64xi32, #tpu.memory_space<hbm>> -> memref<40x64xi32, #tpu.memory_space<hbm>>
      tpu.wait_dma2 semaphore(%run_scoped3A : memref<!tpu.dma_semaphore, #tpu.memory_space<semaphore_mem>>) src(%dma_wait3A_1187 : memref<40x64xi32, #tpu.memory_space<hbm>>) dst(%arg7 : memref<40x64xi32, #tpu.memory_space<vmem>>)
      tpu.yield
    }) : () -> ()
    %dma_start3A = arith.constant 0 : i32
    %dma_start3A_788 = arith.constant 0 : i32
    %dma_start3A_789 = tpu.memref_slice %arg6[%dma_start3A, %dma_start3A_788] : memref<40x64xi32, #tpu.memory_space<vmem>> -> memref<1x64xi32, #tpu.memory_space<vmem>>
    %dma_start3A_790 = tpu.memref_squeeze %dma_start3A_789 : memref<1x64xi32, #tpu.memory_space<vmem>> -> memref<64xi32, #tpu.memory_space<vmem>>
    %dma_start3A_791 = arith.constant 0 : i32
    %dma_start3A_792 = arith.constant 0 : i32
    %dma_start3A_793 = tpu.memref_slice %arg2[%dma_start3A_791, %dma_start3A_792] : memref<10000x128xf32, #tpu.memory_space<hbm>> -> memref<10000x128xf32, #tpu.memory_space<hbm>>
    tpu.enqueue_indirect_dma source(%dma_start3A_793 : memref<10000x128xf32, #tpu.memory_space<hbm>>) target(%arg8 : memref<64x128xf32, #tpu.memory_space<vmem>>) offsets(%dma_start3A_790 : memref<64xi32, #tpu.memory_space<vmem>>) semaphore(%arg14 : memref<!tpu.dma_semaphore, #tpu.memory_space<semaphore_mem>>)
    %dma_start3A_794 = arith.constant 1 : i32
    %dma_start3A_795 = arith.constant 0 : i32
    %dma_start3A_796 = tpu.memref_slice %arg6[%dma_start3A_794, %dma_start3A_795] : memref<40x64xi32, #tpu.memory_space<vmem>> -> memref<1x64xi32, #tpu.memory_space<vmem>>
    %dma_start3A_797 = tpu.memref_squeeze %dma_start3A_796 : memref<1x64xi32, #tpu.memory_space<vmem>> -> memref<64xi32, #tpu.memory_space<vmem>>
    %dma_start3A_798 = arith.constant 0 : i32
    %dma_start3A_799 = arith.constant 0 : i32
    %dma_start3A_800 = tpu.memref_slice %arg2[%dma_start3A_798, %dma_start3A_799] : memref<10000x128xf32, #tpu.memory_space<hbm>> -> memref<10000x128xf32, #tpu.memory_space<hbm>>
    tpu.enqueue_indirect_dma source(%dma_start3A_800 : memref<10000x128xf32, #tpu.memory_space<hbm>>) target(%arg9 : memref<64x128xf32, #tpu.memory_space<vmem>>) offsets(%dma_start3A_797 : memref<64xi32, #tpu.memory_space<vmem>>) semaphore(%arg15 : memref<!tpu.dma_semaphore, #tpu.memory_space<semaphore_mem>>)
    %dma_start3A_801 = arith.constant 2 : i32
    %dma_start3A_802 = arith.constant 0 : i32
    %dma_start3A_803 = tpu.memref_slice %arg6[%dma_start3A_801, %dma_start3A_802] : memref<40x64xi32, #tpu.memory_space<vmem>> -> memref<1x64xi32, #tpu.memory_space<vmem>>
    %dma_start3A_804 = tpu.memref_squeeze %dma_start3A_803 : memref<1x64xi32, #tpu.memory_space<vmem>> -> memref<64xi32, #tpu.memory_space<vmem>>
    %dma_start3A_805 = arith.constant 0 : i32
    %dma_start3A_806 = arith.constant 0 : i32
    %dma_start3A_807 = tpu.memref_slice %arg2[%dma_start3A_805, %dma_start3A_806] : memref<10000x128xf32, #tpu.memory_space<hbm>> -> memref<10000x128xf32, #tpu.memory_space<hbm>>
    tpu.enqueue_indirect_dma source(%dma_start3A_807 : memref<10000x128xf32, #tpu.memory_space<hbm>>) target(%arg10 : memref<64x128xf32, #tpu.memory_space<vmem>>) offsets(%dma_start3A_804 : memref<64xi32, #tpu.memory_space<vmem>>) semaphore(%arg16 : memref<!tpu.dma_semaphore, #tpu.memory_space<semaphore_mem>>)
    %dma_start3A_808 = arith.constant 3 : i32
    %dma_start3A_809 = arith.constant 0 : i32
    %dma_start3A_810 = tpu.memref_slice %arg6[%dma_start3A_808, %dma_start3A_809] : memref<40x64xi32, #tpu.memory_space<vmem>> -> memref<1x64xi32, #tpu.memory_space<vmem>>
    %dma_start3A_811 = tpu.memref_squeeze %dma_start3A_810 : memref<1x64xi32, #tpu.memory_space<vmem>> -> memref<64xi32, #tpu.memory_space<vmem>>
    %dma_start3A_812 = arith.constant 0 : i32
    %dma_start3A_813 = arith.constant 0 : i32
    %dma_start3A_814 = tpu.memref_slice %arg2[%dma_start3A_812, %dma_start3A_813] : memref<10000x128xf32, #tpu.memory_space<hbm>> -> memref<10000x128xf32, #tpu.memory_space<hbm>>
    tpu.enqueue_indirect_dma source(%dma_start3A_814 : memref<10000x128xf32, #tpu.memory_space<hbm>>) target(%arg11 : memref<64x128xf32, #tpu.memory_space<vmem>>) offsets(%dma_start3A_811 : memref<64xi32, #tpu.memory_space<vmem>>) semaphore(%arg17 : memref<!tpu.dma_semaphore, #tpu.memory_space<semaphore_mem>>)
    %jit3A_815 = arith.constant 4 : i32
    %div3A = arith.divsi %min3A_787, %jit3A_815 : i32
    %sign3A = arith.constant 0 : i32
    %sign3A_816 = arith.cmpi sgt, %min3A_787, %sign3A : i32
    %sign3A_817 = arith.extui %sign3A_816 : i1 to i32
    %sign3A_818 = arith.constant 0 : i32
    %sign3A_819 = arith.cmpi slt, %min3A_787, %sign3A_818 : i32
    %sign3A_820 = arith.extui %sign3A_819 : i1 to i32
    %sign3A_821 = arith.subi %sign3A_817, %sign3A_820 : i32
    %sign3A_822 = arith.constant 0 : i32
    %sign3A_823 = arith.cmpi sgt, %jit3A_815, %sign3A_822 : i32
    %sign3A_824 = arith.extui %sign3A_823 : i1 to i32
    %sign3A_825 = arith.constant 0 : i32
    %sign3A_826 = arith.cmpi slt, %jit3A_815, %sign3A_825 : i32
    %sign3A_827 = arith.extui %sign3A_826 : i1 to i32
    %sign3A_828 = arith.subi %sign3A_824, %sign3A_827 : i32
    %ne3A = arith.cmpi ne, %sign3A_821, %sign3A_828 : i32
    %rem3A = arith.remsi %min3A_787, %jit3A_815 : i32
    %ne3A_829 = arith.constant 0 : i32
    %ne3A_830 = arith.cmpi ne, %rem3A, %ne3A_829 : i32
    %and3A = arith.andi %ne3A, %ne3A_830 : i1
    %sub3A_831 = arith.constant 1 : i32
    %sub3A_832 = arith.subi %div3A, %sub3A_831 : i32
    %select_n3A = arith.select %and3A, %sub3A_832, %div3A : i32
    %while3A = arith.constant 0 : i32
    %while3A_833 = arith.constant 0 : i32
    %while3A_834 = arith.subi %select_n3A, %while3A_833 : i32
    %while3A_835 = arith.addi %while3A_833, %while3A_834 : i32
    %while3A_836 = arith.constant 1 : i32
    %while3A_837 = arith.divsi %while3A_834, %while3A_836 : i32
    %while3A_838 = arith.muli %while3A_837, %while3A_836 : i32
    %while3A_839 = arith.addi %while3A_833, %while3A_838 : i32
    %while3A_840 = arith.constant 1 : i32
    scf.for %while3A_1180 = %while3A_833 to %while3A_839 step %while3A_840  : i32 {
      %mul3A_1181 = arith.constant 4 : i32
      %mul3A_1182 = arith.muli %mul3A_1181, %while3A_1180 : i32
      %add3A_1183 = arith.constant 0 : i32
      %add3A_1184 = arith.addi %mul3A_1182, %add3A_1183 : i32
      %dma_wait3A_1185 = arith.constant 0 : i32
      %dma_wait3A_1186 = tpu.memref_slice %arg6[%add3A_1184, %dma_wait3A_1185] : memref<40x64xi32, #tpu.memory_space<vmem>> -> memref<1x64xi32, #tpu.memory_space<vmem>>
      %dma_wait3A_1187 = tpu.memref_squeeze %dma_wait3A_1186 : memref<1x64xi32, #tpu.memory_space<vmem>> -> memref<64xi32, #tpu.memory_space<vmem>>
      %dma_wait3A_1188 = arith.constant 0 : i32
      %dma_wait3A_1189 = arith.constant 0 : i32
      %dma_wait3A_1190 = tpu.memref_slice %arg2[%dma_wait3A_1188, %dma_wait3A_1189] : memref<10000x128xf32, #tpu.memory_space<hbm>> -> memref<10000x128xf32, #tpu.memory_space<hbm>>
      tpu.wait_indirect_dma semaphore(%arg14 : memref<!tpu.dma_semaphore, #tpu.memory_space<semaphore_mem>>) src(%dma_wait3A_1190 : memref<10000x128xf32, #tpu.memory_space<hbm>>) dst(%arg8 : memref<64x128xf32, #tpu.memory_space<vmem>>)
      %add3A_1191 = arith.constant 0 : i32
      %add3A_1192 = arith.addi %mul3A_1182, %add3A_1191 : i32
      %dma_start3A_1193 = arith.constant 0 : i32
      %dma_start3A_1194 = tpu.memref_slice %arg7[%add3A_1192, %dma_start3A_1193] : memref<40x64xi32, #tpu.memory_space<vmem>> -> memref<1x64xi32, #tpu.memory_space<vmem>>
      %dma_start3A_1195 = tpu.memref_squeeze %dma_start3A_1194 : memref<1x64xi32, #tpu.memory_space<vmem>> -> memref<64xi32, #tpu.memory_space<vmem>>
      %dma_start3A_1196 = arith.constant 0 : i32
      %dma_start3A_1197 = arith.constant 0 : i32
      %dma_start3A_1198 = tpu.memref_slice %arg13[%dma_start3A_1196, %dma_start3A_1197] : memref<10240x128xf32, #tpu.memory_space<vmem_shared>> -> memref<10240x128xf32, #tpu.memory_space<vmem_shared>>
      tpu.enqueue_indirect_dma source(%arg8 : memref<64x128xf32, #tpu.memory_space<vmem>>) target(%dma_start3A_1198 : memref<10240x128xf32, #tpu.memory_space<vmem_shared>>) offsets(%dma_start3A_1195 : memref<64xi32, #tpu.memory_space<vmem>>) semaphore(%arg18 : memref<!tpu.dma_semaphore, #tpu.memory_space<semaphore_mem>>) {add = true}
      %add3A_1199 = arith.constant 1 : i32
      %add3A_1200 = arith.addi %mul3A_1182, %add3A_1199 : i32
      %dma_wait3A_1201 = arith.constant 0 : i32
      %dma_wait3A_1202 = tpu.memref_slice %arg6[%add3A_1200, %dma_wait3A_1201] : memref<40x64xi32, #tpu.memory_space<vmem>> -> memref<1x64xi32, #tpu.memory_space<vmem>>
      %dma_wait3A_1203 = tpu.memref_squeeze %dma_wait3A_1202 : memref<1x64xi32, #tpu.memory_space<vmem>> -> memref<64xi32, #tpu.memory_space<vmem>>
      %dma_wait3A_1204 = arith.constant 0 : i32
      %dma_wait3A_1205 = arith.constant 0 : i32
      %dma_wait3A_1206 = tpu.memref_slice %arg2[%dma_wait3A_1204, %dma_wait3A_1205] : memref<10000x128xf32, #tpu.memory_space<hbm>> -> memref<10000x128xf32, #tpu.memory_space<hbm>>
      tpu.wait_indirect_dma semaphore(%arg15 : memref<!tpu.dma_semaphore, #tpu.memory_space<semaphore_mem>>) src(%dma_wait3A_1206 : memref<10000x128xf32, #tpu.memory_space<hbm>>) dst(%arg9 : memref<64x128xf32, #tpu.memory_space<vmem>>)
      %add3A_1207 = arith.constant 1 : i32
      %add3A_1208 = arith.addi %mul3A_1182, %add3A_1207 : i32
      %dma_start3A_1209 = arith.constant 0 : i32
      %dma_start3A_1210 = tpu.memref_slice %arg7[%add3A_1208, %dma_start3A_1209] : memref<40x64xi32, #tpu.memory_space<vmem>> -> memref<1x64xi32, #tpu.memory_space<vmem>>
      %dma_start3A_1211 = tpu.memref_squeeze %dma_start3A_1210 : memref<1x64xi32, #tpu.memory_space<vmem>> -> memref<64xi32, #tpu.memory_space<vmem>>
      %dma_start3A_1212 = arith.constant 0 : i32
      %dma_start3A_1213 = arith.constant 0 : i32
      %dma_start3A_1214 = tpu.memref_slice %arg13[%dma_start3A_1212, %dma_start3A_1213] : memref<10240x128xf32, #tpu.memory_space<vmem_shared>> -> memref<10240x128xf32, #tpu.memory_space<vmem_shared>>
      tpu.enqueue_indirect_dma source(%arg9 : memref<64x128xf32, #tpu.memory_space<vmem>>) target(%dma_start3A_1214 : memref<10240x128xf32, #tpu.memory_space<vmem_shared>>) offsets(%dma_start3A_1211 : memref<64xi32, #tpu.memory_space<vmem>>) semaphore(%arg19 : memref<!tpu.dma_semaphore, #tpu.memory_space<semaphore_mem>>) {add = true}
      %add3A_1215 = arith.constant 2 : i32
      %add3A_1216 = arith.addi %mul3A_1182, %add3A_1215 : i32
      %dma_wait3A_1217 = arith.constant 0 : i32
      %dma_wait3A_1218 = tpu.memref_slice %arg6[%add3A_1216, %dma_wait3A_1217] : memref<40x64xi32, #tpu.memory_space<vmem>> -> memref<1x64xi32, #tpu.memory_space<vmem>>
      %dma_wait3A_1219 = tpu.memref_squeeze %dma_wait3A_1218 : memref<1x64xi32, #tpu.memory_space<vmem>> -> memref<64xi32, #tpu.memory_space<vmem>>
      %dma_wait3A_1220 = arith.constant 0 : i32
      %dma_wait3A_1221 = arith.constant 0 : i32
      %dma_wait3A_1222 = tpu.memref_slice %arg2[%dma_wait3A_1220, %dma_wait3A_1221] : memref<10000x128xf32, #tpu.memory_space<hbm>> -> memref<10000x128xf32, #tpu.memory_space<hbm>>
      tpu.wait_indirect_dma semaphore(%arg16 : memref<!tpu.dma_semaphore, #tpu.memory_space<semaphore_mem>>) src(%dma_wait3A_1222 : memref<10000x128xf32, #tpu.memory_space<hbm>>) dst(%arg10 : memref<64x128xf32, #tpu.memory_space<vmem>>)
      %add3A_1223 = arith.constant 2 : i32
      %add3A_1224 = arith.addi %mul3A_1182, %add3A_1223 : i32
      %dma_start3A_1225 = arith.constant 0 : i32
      %dma_start3A_1226 = tpu.memref_slice %arg7[%add3A_1224, %dma_start3A_1225] : memref<40x64xi32, #tpu.memory_space<vmem>> -> memref<1x64xi32, #tpu.memory_space<vmem>>
      %dma_start3A_1227 = tpu.memref_squeeze %dma_start3A_1226 : memref<1x64xi32, #tpu.memory_space<vmem>> -> memref<64xi32, #tpu.memory_space<vmem>>
      %dma_start3A_1228 = arith.constant 0 : i32
      %dma_start3A_1229 = arith.constant 0 : i32
      %dma_start3A_1230 = tpu.memref_slice %arg13[%dma_start3A_1228, %dma_start3A_1229] : memref<10240x128xf32, #tpu.memory_space<vmem_shared>> -> memref<10240x128xf32, #tpu.memory_space<vmem_shared>>
      tpu.enqueue_indirect_dma source(%arg10 : memref<64x128xf32, #tpu.memory_space<vmem>>) target(%dma_start3A_1230 : memref<10240x128xf32, #tpu.memory_space<vmem_shared>>) offsets(%dma_start3A_1227 : memref<64xi32, #tpu.memory_space<vmem>>) semaphore(%arg20 : memref<!tpu.dma_semaphore, #tpu.memory_space<semaphore_mem>>) {add = true}
      %add3A_1231 = arith.constant 3 : i32
      %add3A_1232 = arith.addi %mul3A_1182, %add3A_1231 : i32
      %dma_wait3A_1233 = arith.constant 0 : i32
      %dma_wait3A_1234 = tpu.memref_slice %arg6[%add3A_1232, %dma_wait3A_1233] : memref<40x64xi32, #tpu.memory_space<vmem>> -> memref<1x64xi32, #tpu.memory_space<vmem>>
      %dma_wait3A_1235 = tpu.memref_squeeze %dma_wait3A_1234 : memref<1x64xi32, #tpu.memory_space<vmem>> -> memref<64xi32, #tpu.memory_space<vmem>>
      %dma_wait3A_1236 = arith.constant 0 : i32
      %dma_wait3A_1237 = arith.constant 0 : i32
      %dma_wait3A_1238 = tpu.memref_slice %arg2[%dma_wait3A_1236, %dma_wait3A_1237] : memref<10000x128xf32, #tpu.memory_space<hbm>> -> memref<10000x128xf32, #tpu.memory_space<hbm>>
      tpu.wait_indirect_dma semaphore(%arg17 : memref<!tpu.dma_semaphore, #tpu.memory_space<semaphore_mem>>) src(%dma_wait3A_1238 : memref<10000x128xf32, #tpu.memory_space<hbm>>) dst(%arg11 : memref<64x128xf32, #tpu.memory_space<vmem>>)
      %add3A_1239 = arith.constant 3 : i32
      %add3A_1240 = arith.addi %mul3A_1182, %add3A_1239 : i32
      %dma_start3A_1241 = arith.constant 0 : i32
      %dma_start3A_1242 = tpu.memref_slice %arg7[%add3A_1240, %dma_start3A_1241] : memref<40x64xi32, #tpu.memory_space<vmem>> -> memref<1x64xi32, #tpu.memory_space<vmem>>
      %dma_start3A_1243 = tpu.memref_squeeze %dma_start3A_1242 : memref<1x64xi32, #tpu.memory_space<vmem>> -> memref<64xi32, #tpu.memory_space<vmem>>
      %dma_start3A_1244 = arith.constant 0 : i32
      %dma_start3A_1245 = arith.constant 0 : i32
      %dma_start3A_1246 = tpu.memref_slice %arg13[%dma_start3A_1244, %dma_start3A_1245] : memref<10240x128xf32, #tpu.memory_space<vmem_shared>> -> memref<10240x128xf32, #tpu.memory_space<vmem_shared>>
      tpu.enqueue_indirect_dma source(%arg11 : memref<64x128xf32, #tpu.memory_space<vmem>>) target(%dma_start3A_1246 : memref<10240x128xf32, #tpu.memory_space<vmem_shared>>) offsets(%dma_start3A_1243 : memref<64xi32, #tpu.memory_space<vmem>>) semaphore(%arg21 : memref<!tpu.dma_semaphore, #tpu.memory_space<semaphore_mem>>) {add = true}
      %add3A_1247 = arith.constant 0 : i32
      %add3A_1248 = arith.addi %mul3A_1182, %add3A_1247 : i32
      %dma_wait3A_1249 = arith.constant 0 : i32
      %dma_wait3A_1250 = tpu.memref_slice %arg7[%add3A_1248, %dma_wait3A_1249] : memref<40x64xi32, #tpu.memory_space<vmem>> -> memref<1x64xi32, #tpu.memory_space<vmem>>
      %dma_wait3A_1251 = tpu.memref_squeeze %dma_wait3A_1250 : memref<1x64xi32, #tpu.memory_space<vmem>> -> memref<64xi32, #tpu.memory_space<vmem>>
      %dma_wait3A_1252 = arith.constant 0 : i32
      %dma_wait3A_1253 = arith.constant 0 : i32
      %dma_wait3A_1254 = tpu.memref_slice %arg13[%dma_wait3A_1252, %dma_wait3A_1253] : memref<10240x128xf32, #tpu.memory_space<vmem_shared>> -> memref<10240x128xf32, #tpu.memory_space<vmem_shared>>
      tpu.wait_indirect_dma semaphore(%arg18 : memref<!tpu.dma_semaphore, #tpu.memory_space<semaphore_mem>>) src(%arg8 : memref<64x128xf32, #tpu.memory_space<vmem>>) dst(%dma_wait3A_1254 : memref<10240x128xf32, #tpu.memory_space<vmem_shared>>)
      %add3A_1255 = arith.constant 4 : i32
      %add3A_1256 = arith.addi %mul3A_1182, %add3A_1255 : i32
      %add3A_1257 = arith.constant 0 : i32
      %add3A_1258 = arith.addi %add3A_1256, %add3A_1257 : i32
      %min3A_1259 = arith.constant 39 : i32
      %min3A_1260 = arith.minsi %add3A_1258, %min3A_1259 : i32
      %dma_start3A_1261 = arith.constant 0 : i32
      %dma_start3A_1262 = tpu.memref_slice %arg6[%min3A_1260, %dma_start3A_1261] : memref<40x64xi32, #tpu.memory_space<vmem>> -> memref<1x64xi32, #tpu.memory_space<vmem>>
      %dma_start3A_1263 = tpu.memref_squeeze %dma_start3A_1262 : memref<1x64xi32, #tpu.memory_space<vmem>> -> memref<64xi32, #tpu.memory_space<vmem>>
      %dma_start3A_1264 = arith.constant 0 : i32
      %dma_start3A_1265 = arith.constant 0 : i32
      %dma_start3A_1266 = tpu.memref_slice %arg2[%dma_start3A_1264, %dma_start3A_1265] : memref<10000x128xf32, #tpu.memory_space<hbm>> -> memref<10000x128xf32, #tpu.memory_space<hbm>>
      tpu.enqueue_indirect_dma source(%dma_start3A_1266 : memref<10000x128xf32, #tpu.memory_space<hbm>>) target(%arg8 : memref<64x128xf32, #tpu.memory_space<vmem>>) offsets(%dma_start3A_1263 : memref<64xi32, #tpu.memory_space<vmem>>) semaphore(%arg14 : memref<!tpu.dma_semaphore, #tpu.memory_space<semaphore_mem>>)
      %add3A_1267 = arith.constant 1 : i32
      %add3A_1268 = arith.addi %mul3A_1182, %add3A_1267 : i32
      %dma_wait3A_1269 = arith.constant 0 : i32
      %dma_wait3A_1270 = tpu.memref_slice %arg7[%add3A_1268, %dma_wait3A_1269] : memref<40x64xi32, #tpu.memory_space<vmem>> -> memref<1x64xi32, #tpu.memory_space<vmem>>
      %dma_wait3A_1271 = tpu.memref_squeeze %dma_wait3A_1270 : memref<1x64xi32, #tpu.memory_space<vmem>> -> memref<64xi32, #tpu.memory_space<vmem>>
      %dma_wait3A_1272 = arith.constant 0 : i32
      %dma_wait3A_1273 = arith.constant 0 : i32
      %dma_wait3A_1274 = tpu.memref_slice %arg13[%dma_wait3A_1272, %dma_wait3A_1273] : memref<10240x128xf32, #tpu.memory_space<vmem_shared>> -> memref<10240x128xf32, #tpu.memory_space<vmem_shared>>
      tpu.wait_indirect_dma semaphore(%arg19 : memref<!tpu.dma_semaphore, #tpu.memory_space<semaphore_mem>>) src(%arg9 : memref<64x128xf32, #tpu.memory_space<vmem>>) dst(%dma_wait3A_1274 : memref<10240x128xf32, #tpu.memory_space<vmem_shared>>)
      %add3A_1275 = arith.constant 4 : i32
      %add3A_1276 = arith.addi %mul3A_1182, %add3A_1275 : i32
      %add3A_1277 = arith.constant 1 : i32
      %add3A_1278 = arith.addi %add3A_1276, %add3A_1277 : i32
      %min3A_1279 = arith.constant 39 : i32
      %min3A_1280 = arith.minsi %add3A_1278, %min3A_1279 : i32
      %dma_start3A_1281 = arith.constant 0 : i32
      %dma_start3A_1282 = tpu.memref_slice %arg6[%min3A_1280, %dma_start3A_1281] : memref<40x64xi32, #tpu.memory_space<vmem>> -> memref<1x64xi32, #tpu.memory_space<vmem>>
      %dma_start3A_1283 = tpu.memref_squeeze %dma_start3A_1282 : memref<1x64xi32, #tpu.memory_space<vmem>> -> memref<64xi32, #tpu.memory_space<vmem>>
      %dma_start3A_1284 = arith.constant 0 : i32
      %dma_start3A_1285 = arith.constant 0 : i32
      %dma_start3A_1286 = tpu.memref_slice %arg2[%dma_start3A_1284, %dma_start3A_1285] : memref<10000x128xf32, #tpu.memory_space<hbm>> -> memref<10000x128xf32, #tpu.memory_space<hbm>>
      tpu.enqueue_indirect_dma source(%dma_start3A_1286 : memref<10000x128xf32, #tpu.memory_space<hbm>>) target(%arg9 : memref<64x128xf32, #tpu.memory_space<vmem>>) offsets(%dma_start3A_1283 : memref<64xi32, #tpu.memory_space<vmem>>) semaphore(%arg15 : memref<!tpu.dma_semaphore, #tpu.memory_space<semaphore_mem>>)
      %add3A_1287 = arith.constant 2 : i32
      %add3A_1288 = arith.addi %mul3A_1182, %add3A_1287 : i32
      %dma_wait3A_1289 = arith.constant 0 : i32
      %dma_wait3A_1290 = tpu.memref_slice %arg7[%add3A_1288, %dma_wait3A_1289] : memref<40x64xi32, #tpu.memory_space<vmem>> -> memref<1x64xi32, #tpu.memory_space<vmem>>
      %dma_wait3A_1291 = tpu.memref_squeeze %dma_wait3A_1290 : memref<1x64xi32, #tpu.memory_space<vmem>> -> memref<64xi32, #tpu.memory_space<vmem>>
      %dma_wait3A_1292 = arith.constant 0 : i32
      %dma_wait3A_1293 = arith.constant 0 : i32
      %dma_wait3A_1294 = tpu.memref_slice %arg13[%dma_wait3A_1292, %dma_wait3A_1293] : memref<10240x128xf32, #tpu.memory_space<vmem_shared>> -> memref<10240x128xf32, #tpu.memory_space<vmem_shared>>
      tpu.wait_indirect_dma semaphore(%arg20 : memref<!tpu.dma_semaphore, #tpu.memory_space<semaphore_mem>>) src(%arg10 : memref<64x128xf32, #tpu.memory_space<vmem>>) dst(%dma_wait3A_1294 : memref<10240x128xf32, #tpu.memory_space<vmem_shared>>)
      %add3A_1295 = arith.constant 4 : i32
      %add3A_1296 = arith.addi %mul3A_1182, %add3A_1295 : i32
      %add3A_1297 = arith.constant 2 : i32
      %add3A_1298 = arith.addi %add3A_1296, %add3A_1297 : i32
      %min3A_1299 = arith.constant 39 : i32
      %min3A_1300 = arith.minsi %add3A_1298, %min3A_1299 : i32
      %dma_start3A_1301 = arith.constant 0 : i32
      %dma_start3A_1302 = tpu.memref_slice %arg6[%min3A_1300, %dma_start3A_1301] : memref<40x64xi32, #tpu.memory_space<vmem>> -> memref<1x64xi32, #tpu.memory_space<vmem>>
      %dma_start3A_1303 = tpu.memref_squeeze %dma_start3A_1302 : memref<1x64xi32, #tpu.memory_space<vmem>> -> memref<64xi32, #tpu.memory_space<vmem>>
      %dma_start3A_1304 = arith.constant 0 : i32
      %dma_start3A_1305 = arith.constant 0 : i32
      %dma_start3A_1306 = tpu.memref_slice %arg2[%dma_start3A_1304, %dma_start3A_1305] : memref<10000x128xf32, #tpu.memory_space<hbm>> -> memref<10000x128xf32, #tpu.memory_space<hbm>>
      tpu.enqueue_indirect_dma source(%dma_start3A_1306 : memref<10000x128xf32, #tpu.memory_space<hbm>>) target(%arg10 : memref<64x128xf32, #tpu.memory_space<vmem>>) offsets(%dma_start3A_1303 : memref<64xi32, #tpu.memory_space<vmem>>) semaphore(%arg16 : memref<!tpu.dma_semaphore, #tpu.memory_space<semaphore_mem>>)
      %add3A_1307 = arith.constant 3 : i32
      %add3A_1308 = arith.addi %mul3A_1182, %add3A_1307 : i32
      %dma_wait3A_1309 = arith.constant 0 : i32
      %dma_wait3A_1310 = tpu.memref_slice %arg7[%add3A_1308, %dma_wait3A_1309] : memref<40x64xi32, #tpu.memory_space<vmem>> -> memref<1x64xi32, #tpu.memory_space<vmem>>
      %dma_wait3A_1311 = tpu.memref_squeeze %dma_wait3A_1310 : memref<1x64xi32, #tpu.memory_space<vmem>> -> memref<64xi32, #tpu.memory_space<vmem>>
      %dma_wait3A_1312 = arith.constant 0 : i32
      %dma_wait3A_1313 = arith.constant 0 : i32
      %dma_wait3A_1314 = tpu.memref_slice %arg13[%dma_wait3A_1312, %dma_wait3A_1313] : memref<10240x128xf32, #tpu.memory_space<vmem_shared>> -> memref<10240x128xf32, #tpu.memory_space<vmem_shared>>
      tpu.wait_indirect_dma semaphore(%arg21 : memref<!tpu.dma_semaphore, #tpu.memory_space<semaphore_mem>>) src(%arg11 : memref<64x128xf32, #tpu.memory_space<vmem>>) dst(%dma_wait3A_1314 : memref<10240x128xf32, #tpu.memory_space<vmem_shared>>)
      %add3A_1315 = arith.constant 4 : i32
      %add3A_1316 = arith.addi %mul3A_1182, %add3A_1315 : i32
      %add3A_1317 = arith.constant 3 : i32
      %add3A_1318 = arith.addi %add3A_1316, %add3A_1317 : i32
      %min3A_1319 = arith.constant 39 : i32
      %min3A_1320 = arith.minsi %add3A_1318, %min3A_1319 : i32
      %dma_start3A_1321 = arith.constant 0 : i32
      %dma_start3A_1322 = tpu.memref_slice %arg6[%min3A_1320, %dma_start3A_1321] : memref<40x64xi32, #tpu.memory_space<vmem>> -> memref<1x64xi32, #tpu.memory_space<vmem>>
      %dma_start3A_1323 = tpu.memref_squeeze %dma_start3A_1322 : memref<1x64xi32, #tpu.memory_space<vmem>> -> memref<64xi32, #tpu.memory_space<vmem>>
      %dma_start3A_1324 = arith.constant 0 : i32
      %dma_start3A_1325 = arith.constant 0 : i32
      %dma_start3A_1326 = tpu.memref_slice %arg2[%dma_start3A_1324, %dma_start3A_1325] : memref<10000x128xf32, #tpu.memory_space<hbm>> -> memref<10000x128xf32, #tpu.memory_space<hbm>>
      tpu.enqueue_indirect_dma source(%dma_start3A_1326 : memref<10000x128xf32, #tpu.memory_space<hbm>>) target(%arg11 : memref<64x128xf32, #tpu.memory_space<vmem>>) offsets(%dma_start3A_1323 : memref<64xi32, #tpu.memory_space<vmem>>) semaphore(%arg17 : memref<!tpu.dma_semaphore, #tpu.memory_space<semaphore_mem>>)
    }
    %while3A_841 = arith.constant 1 : i32
    scf.for %while3A_1180 = %while3A_839 to %while3A_835 step %while3A_841  : i32 {
      %mul3A_1181 = arith.constant 4 : i32
      %mul3A_1182 = arith.muli %mul3A_1181, %while3A_1180 : i32
      %add3A_1183 = arith.constant 0 : i32
      %add3A_1184 = arith.addi %mul3A_1182, %add3A_1183 : i32
      %dma_wait3A_1185 = arith.constant 0 : i32
      %dma_wait3A_1186 = tpu.memref_slice %arg6[%add3A_1184, %dma_wait3A_1185] : memref<40x64xi32, #tpu.memory_space<vmem>> -> memref<1x64xi32, #tpu.memory_space<vmem>>
      %dma_wait3A_1187 = tpu.memref_squeeze %dma_wait3A_1186 : memref<1x64xi32, #tpu.memory_space<vmem>> -> memref<64xi32, #tpu.memory_space<vmem>>
      %dma_wait3A_1188 = arith.constant 0 : i32
      %dma_wait3A_1189 = arith.constant 0 : i32
      %dma_wait3A_1190 = tpu.memref_slice %arg2[%dma_wait3A_1188, %dma_wait3A_1189] : memref<10000x128xf32, #tpu.memory_space<hbm>> -> memref<10000x128xf32, #tpu.memory_space<hbm>>
      tpu.wait_indirect_dma semaphore(%arg14 : memref<!tpu.dma_semaphore, #tpu.memory_space<semaphore_mem>>) src(%dma_wait3A_1190 : memref<10000x128xf32, #tpu.memory_space<hbm>>) dst(%arg8 : memref<64x128xf32, #tpu.memory_space<vmem>>)
      %add3A_1191 = arith.constant 0 : i32
      %add3A_1192 = arith.addi %mul3A_1182, %add3A_1191 : i32
      %dma_start3A_1193 = arith.constant 0 : i32
      %dma_start3A_1194 = tpu.memref_slice %arg7[%add3A_1192, %dma_start3A_1193] : memref<40x64xi32, #tpu.memory_space<vmem>> -> memref<1x64xi32, #tpu.memory_space<vmem>>
      %dma_start3A_1195 = tpu.memref_squeeze %dma_start3A_1194 : memref<1x64xi32, #tpu.memory_space<vmem>> -> memref<64xi32, #tpu.memory_space<vmem>>
      %dma_start3A_1196 = arith.constant 0 : i32
      %dma_start3A_1197 = arith.constant 0 : i32
      %dma_start3A_1198 = tpu.memref_slice %arg13[%dma_start3A_1196, %dma_start3A_1197] : memref<10240x128xf32, #tpu.memory_space<vmem_shared>> -> memref<10240x128xf32, #tpu.memory_space<vmem_shared>>
      tpu.enqueue_indirect_dma source(%arg8 : memref<64x128xf32, #tpu.memory_space<vmem>>) target(%dma_start3A_1198 : memref<10240x128xf32, #tpu.memory_space<vmem_shared>>) offsets(%dma_start3A_1195 : memref<64xi32, #tpu.memory_space<vmem>>) semaphore(%arg18 : memref<!tpu.dma_semaphore, #tpu.memory_space<semaphore_mem>>) {add = true}
      %add3A_1199 = arith.constant 1 : i32
      %add3A_1200 = arith.addi %mul3A_1182, %add3A_1199 : i32
      %dma_wait3A_1201 = arith.constant 0 : i32
      %dma_wait3A_1202 = tpu.memref_slice %arg6[%add3A_1200, %dma_wait3A_1201] : memref<40x64xi32, #tpu.memory_space<vmem>> -> memref<1x64xi32, #tpu.memory_space<vmem>>
      %dma_wait3A_1203 = tpu.memref_squeeze %dma_wait3A_1202 : memref<1x64xi32, #tpu.memory_space<vmem>> -> memref<64xi32, #tpu.memory_space<vmem>>
      %dma_wait3A_1204 = arith.constant 0 : i32
      %dma_wait3A_1205 = arith.constant 0 : i32
      %dma_wait3A_1206 = tpu.memref_slice %arg2[%dma_wait3A_1204, %dma_wait3A_1205] : memref<10000x128xf32, #tpu.memory_space<hbm>> -> memref<10000x128xf32, #tpu.memory_space<hbm>>
      tpu.wait_indirect_dma semaphore(%arg15 : memref<!tpu.dma_semaphore, #tpu.memory_space<semaphore_mem>>) src(%dma_wait3A_1206 : memref<10000x128xf32, #tpu.memory_space<hbm>>) dst(%arg9 : memref<64x128xf32, #tpu.memory_space<vmem>>)
      %add3A_1207 = arith.constant 1 : i32
      %add3A_1208 = arith.addi %mul3A_1182, %add3A_1207 : i32
      %dma_start3A_1209 = arith.constant 0 : i32
      %dma_start3A_1210 = tpu.memref_slice %arg7[%add3A_1208, %dma_start3A_1209] : memref<40x64xi32, #tpu.memory_space<vmem>> -> memref<1x64xi32, #tpu.memory_space<vmem>>
      %dma_start3A_1211 = tpu.memref_squeeze %dma_start3A_1210 : memref<1x64xi32, #tpu.memory_space<vmem>> -> memref<64xi32, #tpu.memory_space<vmem>>
      %dma_start3A_1212 = arith.constant 0 : i32
      %dma_start3A_1213 = arith.constant 0 : i32
      %dma_start3A_1214 = tpu.memref_slice %arg13[%dma_start3A_1212, %dma_start3A_1213] : memref<10240x128xf32, #tpu.memory_space<vmem_shared>> -> memref<10240x128xf32, #tpu.memory_space<vmem_shared>>
      tpu.enqueue_indirect_dma source(%arg9 : memref<64x128xf32, #tpu.memory_space<vmem>>) target(%dma_start3A_1214 : memref<10240x128xf32, #tpu.memory_space<vmem_shared>>) offsets(%dma_start3A_1211 : memref<64xi32, #tpu.memory_space<vmem>>) semaphore(%arg19 : memref<!tpu.dma_semaphore, #tpu.memory_space<semaphore_mem>>) {add = true}
      %add3A_1215 = arith.constant 2 : i32
      %add3A_1216 = arith.addi %mul3A_1182, %add3A_1215 : i32
      %dma_wait3A_1217 = arith.constant 0 : i32
      %dma_wait3A_1218 = tpu.memref_slice %arg6[%add3A_1216, %dma_wait3A_1217] : memref<40x64xi32, #tpu.memory_space<vmem>> -> memref<1x64xi32, #tpu.memory_space<vmem>>
      %dma_wait3A_1219 = tpu.memref_squeeze %dma_wait3A_1218 : memref<1x64xi32, #tpu.memory_space<vmem>> -> memref<64xi32, #tpu.memory_space<vmem>>
      %dma_wait3A_1220 = arith.constant 0 : i32
      %dma_wait3A_1221 = arith.constant 0 : i32
      %dma_wait3A_1222 = tpu.memref_slice %arg2[%dma_wait3A_1220, %dma_wait3A_1221] : memref<10000x128xf32, #tpu.memory_space<hbm>> -> memref<10000x128xf32, #tpu.memory_space<hbm>>
      tpu.wait_indirect_dma semaphore(%arg16 : memref<!tpu.dma_semaphore, #tpu.memory_space<semaphore_mem>>) src(%dma_wait3A_1222 : memref<10000x128xf32, #tpu.memory_space<hbm>>) dst(%arg10 : memref<64x128xf32, #tpu.memory_space<vmem>>)
      %add3A_1223 = arith.constant 2 : i32
      %add3A_1224 = arith.addi %mul3A_1182, %add3A_1223 : i32
      %dma_start3A_1225 = arith.constant 0 : i32
      %dma_start3A_1226 = tpu.memref_slice %arg7[%add3A_1224, %dma_start3A_1225] : memref<40x64xi32, #tpu.memory_space<vmem>> -> memref<1x64xi32, #tpu.memory_space<vmem>>
      %dma_start3A_1227 = tpu.memref_squeeze %dma_start3A_1226 : memref<1x64xi32, #tpu.memory_space<vmem>> -> memref<64xi32, #tpu.memory_space<vmem>>
      %dma_start3A_1228 = arith.constant 0 : i32
      %dma_start3A_1229 = arith.constant 0 : i32
      %dma_start3A_1230 = tpu.memref_slice %arg13[%dma_start3A_1228, %dma_start3A_1229] : memref<10240x128xf32, #tpu.memory_space<vmem_shared>> -> memref<10240x128xf32, #tpu.memory_space<vmem_shared>>
      tpu.enqueue_indirect_dma source(%arg10 : memref<64x128xf32, #tpu.memory_space<vmem>>) target(%dma_start3A_1230 : memref<10240x128xf32, #tpu.memory_space<vmem_shared>>) offsets(%dma_start3A_1227 : memref<64xi32, #tpu.memory_space<vmem>>) semaphore(%arg20 : memref<!tpu.dma_semaphore, #tpu.memory_space<semaphore_mem>>) {add = true}
      %add3A_1231 = arith.constant 3 : i32
      %add3A_1232 = arith.addi %mul3A_1182, %add3A_1231 : i32
      %dma_wait3A_1233 = arith.constant 0 : i32
      %dma_wait3A_1234 = tpu.memref_slice %arg6[%add3A_1232, %dma_wait3A_1233] : memref<40x64xi32, #tpu.memory_space<vmem>> -> memref<1x64xi32, #tpu.memory_space<vmem>>
      %dma_wait3A_1235 = tpu.memref_squeeze %dma_wait3A_1234 : memref<1x64xi32, #tpu.memory_space<vmem>> -> memref<64xi32, #tpu.memory_space<vmem>>
      %dma_wait3A_1236 = arith.constant 0 : i32
      %dma_wait3A_1237 = arith.constant 0 : i32
      %dma_wait3A_1238 = tpu.memref_slice %arg2[%dma_wait3A_1236, %dma_wait3A_1237] : memref<10000x128xf32, #tpu.memory_space<hbm>> -> memref<10000x128xf32, #tpu.memory_space<hbm>>
      tpu.wait_indirect_dma semaphore(%arg17 : memref<!tpu.dma_semaphore, #tpu.memory_space<semaphore_mem>>) src(%dma_wait3A_1238 : memref<10000x128xf32, #tpu.memory_space<hbm>>) dst(%arg11 : memref<64x128xf32, #tpu.memory_space<vmem>>)
      %add3A_1239 = arith.constant 3 : i32
      %add3A_1240 = arith.addi %mul3A_1182, %add3A_1239 : i32
      %dma_start3A_1241 = arith.constant 0 : i32
      %dma_start3A_1242 = tpu.memref_slice %arg7[%add3A_1240, %dma_start3A_1241] : memref<40x64xi32, #tpu.memory_space<vmem>> -> memref<1x64xi32, #tpu.memory_space<vmem>>
      %dma_start3A_1243 = tpu.memref_squeeze %dma_start3A_1242 : memref<1x64xi32, #tpu.memory_space<vmem>> -> memref<64xi32, #tpu.memory_space<vmem>>
      %dma_start3A_1244 = arith.constant 0 : i32
      %dma_start3A_1245 = arith.constant 0 : i32
      %dma_start3A_1246 = tpu.memref_slice %arg13[%dma_start3A_1244, %dma_start3A_1245] : memref<10240x128xf32, #tpu.memory_space<vmem_shared>> -> memref<10240x128xf32, #tpu.memory_space<vmem_shared>>
      tpu.enqueue_indirect_dma source(%arg11 : memref<64x128xf32, #tpu.memory_space<vmem>>) target(%dma_start3A_1246 : memref<10240x128xf32, #tpu.memory_space<vmem_shared>>) offsets(%dma_start3A_1243 : memref<64xi32, #tpu.memory_space<vmem>>) semaphore(%arg21 : memref<!tpu.dma_semaphore, #tpu.memory_space<semaphore_mem>>) {add = true}
      %add3A_1247 = arith.constant 0 : i32
      %add3A_1248 = arith.addi %mul3A_1182, %add3A_1247 : i32
      %dma_wait3A_1249 = arith.constant 0 : i32
      %dma_wait3A_1250 = tpu.memref_slice %arg7[%add3A_1248, %dma_wait3A_1249] : memref<40x64xi32, #tpu.memory_space<vmem>> -> memref<1x64xi32, #tpu.memory_space<vmem>>
      %dma_wait3A_1251 = tpu.memref_squeeze %dma_wait3A_1250 : memref<1x64xi32, #tpu.memory_space<vmem>> -> memref<64xi32, #tpu.memory_space<vmem>>
      %dma_wait3A_1252 = arith.constant 0 : i32
      %dma_wait3A_1253 = arith.constant 0 : i32
      %dma_wait3A_1254 = tpu.memref_slice %arg13[%dma_wait3A_1252, %dma_wait3A_1253] : memref<10240x128xf32, #tpu.memory_space<vmem_shared>> -> memref<10240x128xf32, #tpu.memory_space<vmem_shared>>
      tpu.wait_indirect_dma semaphore(%arg18 : memref<!tpu.dma_semaphore, #tpu.memory_space<semaphore_mem>>) src(%arg8 : memref<64x128xf32, #tpu.memory_space<vmem>>) dst(%dma_wait3A_1254 : memref<10240x128xf32, #tpu.memory_space<vmem_shared>>)
      %add3A_1255 = arith.constant 4 : i32
      %add3A_1256 = arith.addi %mul3A_1182, %add3A_1255 : i32
      %add3A_1257 = arith.constant 0 : i32
      %add3A_1258 = arith.addi %add3A_1256, %add3A_1257 : i32
      %min3A_1259 = arith.constant 39 : i32
      %min3A_1260 = arith.minsi %add3A_1258, %min3A_1259 : i32
      %dma_start3A_1261 = arith.constant 0 : i32
      %dma_start3A_1262 = tpu.memref_slice %arg6[%min3A_1260, %dma_start3A_1261] : memref<40x64xi32, #tpu.memory_space<vmem>> -> memref<1x64xi32, #tpu.memory_space<vmem>>
      %dma_start3A_1263 = tpu.memref_squeeze %dma_start3A_1262 : memref<1x64xi32, #tpu.memory_space<vmem>> -> memref<64xi32, #tpu.memory_space<vmem>>
      %dma_start3A_1264 = arith.constant 0 : i32
      %dma_start3A_1265 = arith.constant 0 : i32
      %dma_start3A_1266 = tpu.memref_slice %arg2[%dma_start3A_1264, %dma_start3A_1265] : memref<10000x128xf32, #tpu.memory_space<hbm>> -> memref<10000x128xf32, #tpu.memory_space<hbm>>
      tpu.enqueue_indirect_dma source(%dma_start3A_1266 : memref<10000x128xf32, #tpu.memory_space<hbm>>) target(%arg8 : memref<64x128xf32, #tpu.memory_space<vmem>>) offsets(%dma_start3A_1263 : memref<64xi32, #tpu.memory_space<vmem>>) semaphore(%arg14 : memref<!tpu.dma_semaphore, #tpu.memory_space<semaphore_mem>>)
      %add3A_1267 = arith.constant 1 : i32
      %add3A_1268 = arith.addi %mul3A_1182, %add3A_1267 : i32
      %dma_wait3A_1269 = arith.constant 0 : i32
      %dma_wait3A_1270 = tpu.memref_slice %arg7[%add3A_1268, %dma_wait3A_1269] : memref<40x64xi32, #tpu.memory_space<vmem>> -> memref<1x64xi32, #tpu.memory_space<vmem>>
      %dma_wait3A_1271 = tpu.memref_squeeze %dma_wait3A_1270 : memref<1x64xi32, #tpu.memory_space<vmem>> -> memref<64xi32, #tpu.memory_space<vmem>>
      %dma_wait3A_1272 = arith.constant 0 : i32
      %dma_wait3A_1273 = arith.constant 0 : i32
      %dma_wait3A_1274 = tpu.memref_slice %arg13[%dma_wait3A_1272, %dma_wait3A_1273] : memref<10240x128xf32, #tpu.memory_space<vmem_shared>> -> memref<10240x128xf32, #tpu.memory_space<vmem_shared>>
      tpu.wait_indirect_dma semaphore(%arg19 : memref<!tpu.dma_semaphore, #tpu.memory_space<semaphore_mem>>) src(%arg9 : memref<64x128xf32, #tpu.memory_space<vmem>>) dst(%dma_wait3A_1274 : memref<10240x128xf32, #tpu.memory_space<vmem_shared>>)
      %add3A_1275 = arith.constant 4 : i32
      %add3A_1276 = arith.addi %mul3A_1182, %add3A_1275 : i32
      %add3A_1277 = arith.constant 1 : i32
      %add3A_1278 = arith.addi %add3A_1276, %add3A_1277 : i32
      %min3A_1279 = arith.constant 39 : i32
      %min3A_1280 = arith.minsi %add3A_1278, %min3A_1279 : i32
      %dma_start3A_1281 = arith.constant 0 : i32
      %dma_start3A_1282 = tpu.memref_slice %arg6[%min3A_1280, %dma_start3A_1281] : memref<40x64xi32, #tpu.memory_space<vmem>> -> memref<1x64xi32, #tpu.memory_space<vmem>>
      %dma_start3A_1283 = tpu.memref_squeeze %dma_start3A_1282 : memref<1x64xi32, #tpu.memory_space<vmem>> -> memref<64xi32, #tpu.memory_space<vmem>>
      %dma_start3A_1284 = arith.constant 0 : i32
      %dma_start3A_1285 = arith.constant 0 : i32
      %dma_start3A_1286 = tpu.memref_slice %arg2[%dma_start3A_1284, %dma_start3A_1285] : memref<10000x128xf32, #tpu.memory_space<hbm>> -> memref<10000x128xf32, #tpu.memory_space<hbm>>
      tpu.enqueue_indirect_dma source(%dma_start3A_1286 : memref<10000x128xf32, #tpu.memory_space<hbm>>) target(%arg9 : memref<64x128xf32, #tpu.memory_space<vmem>>) offsets(%dma_start3A_1283 : memref<64xi32, #tpu.memory_space<vmem>>) semaphore(%arg15 : memref<!tpu.dma_semaphore, #tpu.memory_space<semaphore_mem>>)
      %add3A_1287 = arith.constant 2 : i32
      %add3A_1288 = arith.addi %mul3A_1182, %add3A_1287 : i32
      %dma_wait3A_1289 = arith.constant 0 : i32
      %dma_wait3A_1290 = tpu.memref_slice %arg7[%add3A_1288, %dma_wait3A_1289] : memref<40x64xi32, #tpu.memory_space<vmem>> -> memref<1x64xi32, #tpu.memory_space<vmem>>
      %dma_wait3A_1291 = tpu.memref_squeeze %dma_wait3A_1290 : memref<1x64xi32, #tpu.memory_space<vmem>> -> memref<64xi32, #tpu.memory_space<vmem>>
      %dma_wait3A_1292 = arith.constant 0 : i32
      %dma_wait3A_1293 = arith.constant 0 : i32
      %dma_wait3A_1294 = tpu.memref_slice %arg13[%dma_wait3A_1292, %dma_wait3A_1293] : memref<10240x128xf32, #tpu.memory_space<vmem_shared>> -> memref<10240x128xf32, #tpu.memory_space<vmem_shared>>
      tpu.wait_indirect_dma semaphore(%arg20 : memref<!tpu.dma_semaphore, #tpu.memory_space<semaphore_mem>>) src(%arg10 : memref<64x128xf32, #tpu.memory_space<vmem>>) dst(%dma_wait3A_1294 : memref<10240x128xf32, #tpu.memory_space<vmem_shared>>)
      %add3A_1295 = arith.constant 4 : i32
      %add3A_1296 = arith.addi %mul3A_1182, %add3A_1295 : i32
      %add3A_1297 = arith.constant 2 : i32
      %add3A_1298 = arith.addi %add3A_1296, %add3A_1297 : i32
      %min3A_1299 = arith.constant 39 : i32
      %min3A_1300 = arith.minsi %add3A_1298, %min3A_1299 : i32
      %dma_start3A_1301 = arith.constant 0 : i32
      %dma_start3A_1302 = tpu.memref_slice %arg6[%min3A_1300, %dma_start3A_1301] : memref<40x64xi32, #tpu.memory_space<vmem>> -> memref<1x64xi32, #tpu.memory_space<vmem>>
      %dma_start3A_1303 = tpu.memref_squeeze %dma_start3A_1302 : memref<1x64xi32, #tpu.memory_space<vmem>> -> memref<64xi32, #tpu.memory_space<vmem>>
      %dma_start3A_1304 = arith.constant 0 : i32
      %dma_start3A_1305 = arith.constant 0 : i32
      %dma_start3A_1306 = tpu.memref_slice %arg2[%dma_start3A_1304, %dma_start3A_1305] : memref<10000x128xf32, #tpu.memory_space<hbm>> -> memref<10000x128xf32, #tpu.memory_space<hbm>>
      tpu.enqueue_indirect_dma source(%dma_start3A_1306 : memref<10000x128xf32, #tpu.memory_space<hbm>>) target(%arg10 : memref<64x128xf32, #tpu.memory_space<vmem>>) offsets(%dma_start3A_1303 : memref<64xi32, #tpu.memory_space<vmem>>) semaphore(%arg16 : memref<!tpu.dma_semaphore, #tpu.memory_space<semaphore_mem>>)
      %add3A_1307 = arith.constant 3 : i32
      %add3A_1308 = arith.addi %mul3A_1182, %add3A_1307 : i32
      %dma_wait3A_1309 = arith.constant 0 : i32
      %dma_wait3A_1310 = tpu.memref_slice %arg7[%add3A_1308, %dma_wait3A_1309] : memref<40x64xi32, #tpu.memory_space<vmem>> -> memref<1x64xi32, #tpu.memory_space<vmem>>
      %dma_wait3A_1311 = tpu.memref_squeeze %dma_wait3A_1310 : memref<1x64xi32, #tpu.memory_space<vmem>> -> memref<64xi32, #tpu.memory_space<vmem>>
      %dma_wait3A_1312 = arith.constant 0 : i32
      %dma_wait3A_1313 = arith.constant 0 : i32
      %dma_wait3A_1314 = tpu.memref_slice %arg13[%dma_wait3A_1312, %dma_wait3A_1313] : memref<10240x128xf32, #tpu.memory_space<vmem_shared>> -> memref<10240x128xf32, #tpu.memory_space<vmem_shared>>
      tpu.wait_indirect_dma semaphore(%arg21 : memref<!tpu.dma_semaphore, #tpu.memory_space<semaphore_mem>>) src(%arg11 : memref<64x128xf32, #tpu.memory_space<vmem>>) dst(%dma_wait3A_1314 : memref<10240x128xf32, #tpu.memory_space<vmem_shared>>)
      %add3A_1315 = arith.constant 4 : i32
      %add3A_1316 = arith.addi %mul3A_1182, %add3A_1315 : i32
      %add3A_1317 = arith.constant 3 : i32
      %add3A_1318 = arith.addi %add3A_1316, %add3A_1317 : i32
      %min3A_1319 = arith.constant 39 : i32
      %min3A_1320 = arith.minsi %add3A_1318, %min3A_1319 : i32
      %dma_start3A_1321 = arith.constant 0 : i32
      %dma_start3A_1322 = tpu.memref_slice %arg6[%min3A_1320, %dma_start3A_1321] : memref<40x64xi32, #tpu.memory_space<vmem>> -> memref<1x64xi32, #tpu.memory_space<vmem>>
      %dma_start3A_1323 = tpu.memref_squeeze %dma_start3A_1322 : memref<1x64xi32, #tpu.memory_space<vmem>> -> memref<64xi32, #tpu.memory_space<vmem>>
      %dma_start3A_1324 = arith.constant 0 : i32
      %dma_start3A_1325 = arith.constant 0 : i32
      %dma_start3A_1326 = tpu.memref_slice %arg2[%dma_start3A_1324, %dma_start3A_1325] : memref<10000x128xf32, #tpu.memory_space<hbm>> -> memref<10000x128xf32, #tpu.memory_space<hbm>>
      tpu.enqueue_indirect_dma source(%dma_start3A_1326 : memref<10000x128xf32, #tpu.memory_space<hbm>>) target(%arg11 : memref<64x128xf32, #tpu.memory_space<vmem>>) offsets(%dma_start3A_1323 : memref<64xi32, #tpu.memory_space<vmem>>) semaphore(%arg17 : memref<!tpu.dma_semaphore, #tpu.memory_space<semaphore_mem>>)
    }
    %dma_wait3A = arith.constant 39 : i32
    %dma_wait3A_842 = arith.constant 0 : i32
    %dma_wait3A_843 = tpu.memref_slice %arg6[%dma_wait3A, %dma_wait3A_842] : memref<40x64xi32, #tpu.memory_space<vmem>> -> memref<1x64xi32, #tpu.memory_space<vmem>>
    %dma_wait3A_844 = tpu.memref_squeeze %dma_wait3A_843 : memref<1x64xi32, #tpu.memory_space<vmem>> -> memref<64xi32, #tpu.memory_space<vmem>>
    %dma_wait3A_845 = arith.constant 0 : i32
    %dma_wait3A_846 = arith.constant 0 : i32
    %dma_wait3A_847 = tpu.memref_slice %arg2[%dma_wait3A_845, %dma_wait3A_846] : memref<10000x128xf32, #tpu.memory_space<hbm>> -> memref<10000x128xf32, #tpu.memory_space<hbm>>
    tpu.wait_indirect_dma semaphore(%arg14 : memref<!tpu.dma_semaphore, #tpu.memory_space<semaphore_mem>>) src(%dma_wait3A_847 : memref<10000x128xf32, #tpu.memory_space<hbm>>) dst(%arg8 : memref<64x128xf32, #tpu.memory_space<vmem>>)
    %dma_wait3A_848 = arith.constant 39 : i32
    %dma_wait3A_849 = arith.constant 0 : i32
    %dma_wait3A_850 = tpu.memref_slice %arg6[%dma_wait3A_848, %dma_wait3A_849] : memref<40x64xi32, #tpu.memory_space<vmem>> -> memref<1x64xi32, #tpu.memory_space<vmem>>
    %dma_wait3A_851 = tpu.memref_squeeze %dma_wait3A_850 : memref<1x64xi32, #tpu.memory_space<vmem>> -> memref<64xi32, #tpu.memory_space<vmem>>
    %dma_wait3A_852 = arith.constant 0 : i32
    %dma_wait3A_853 = arith.constant 0 : i32
    %dma_wait3A_854 = tpu.memref_slice %arg2[%dma_wait3A_852, %dma_wait3A_853] : memref<10000x128xf32, #tpu.memory_space<hbm>> -> memref<10000x128xf32, #tpu.memory_space<hbm>>
    tpu.wait_indirect_dma semaphore(%arg15 : memref<!tpu.dma_semaphore, #tpu.memory_space<semaphore_mem>>) src(%dma_wait3A_854 : memref<10000x128xf32, #tpu.memory_space<hbm>>) dst(%arg9 : memref<64x128xf32, #tpu.memory_space<vmem>>)
    %dma_wait3A_855 = arith.constant 39 : i32
    %dma_wait3A_856 = arith.constant 0 : i32
    %dma_wait3A_857 = tpu.memref_slice %arg6[%dma_wait3A_855, %dma_wait3A_856] : memref<40x64xi32, #tpu.memory_space<vmem>> -> memref<1x64xi32, #tpu.memory_space<vmem>>
    %dma_wait3A_858 = tpu.memref_squeeze %dma_wait3A_857 : memref<1x64xi32, #tpu.memory_space<vmem>> -> memref<64xi32, #tpu.memory_space<vmem>>
    %dma_wait3A_859 = arith.constant 0 : i32
    %dma_wait3A_860 = arith.constant 0 : i32
    %dma_wait3A_861 = tpu.memref_slice %arg2[%dma_wait3A_859, %dma_wait3A_860] : memref<10000x128xf32, #tpu.memory_space<hbm>> -> memref<10000x128xf32, #tpu.memory_space<hbm>>
    tpu.wait_indirect_dma semaphore(%arg16 : memref<!tpu.dma_semaphore, #tpu.memory_space<semaphore_mem>>) src(%dma_wait3A_861 : memref<10000x128xf32, #tpu.memory_space<hbm>>) dst(%arg10 : memref<64x128xf32, #tpu.memory_space<vmem>>)
    %dma_wait3A_862 = arith.constant 39 : i32
    %dma_wait3A_863 = arith.constant 0 : i32
    %dma_wait3A_864 = tpu.memref_slice %arg6[%dma_wait3A_862, %dma_wait3A_863] : memref<40x64xi32, #tpu.memory_space<vmem>> -> memref<1x64xi32, #tpu.memory_space<vmem>>
    %dma_wait3A_865 = tpu.memref_squeeze %dma_wait3A_864 : memref<1x64xi32, #tpu.memory_space<vmem>> -> memref<64xi32, #tpu.memory_space<vmem>>
    %dma_wait3A_866 = arith.constant 0 : i32
    %dma_wait3A_867 = arith.constant 0 : i32
    %dma_wait3A_868 = tpu.memref_slice %arg2[%dma_wait3A_866, %dma_wait3A_867] : memref<10000x128xf32, #tpu.memory_space<hbm>> -> memref<10000x128xf32, #tpu.memory_space<hbm>>
    tpu.wait_indirect_dma semaphore(%arg17 : memref<!tpu.dma_semaphore, #tpu.memory_space<semaphore_mem>>) src(%dma_wait3A_868 : memref<10000x128xf32, #tpu.memory_space<hbm>>) dst(%arg11 : memref<64x128xf32, #tpu.memory_space<vmem>>)
    %add3A_869 = arith.constant 40 : i32
    %add3A_870 = arith.addi %mul3A_775, %add3A_869 : i32
    %min3A_871 = arith.constant 4960 : i32
    %min3A_872 = arith.minsi %add3A_870, %min3A_871 : i32
    %multiple_of3A_873 = tpu.assume_multiple %min3A_872, 8 : i32
    %sub3A_874 = arith.constant 40 : i32
    %sub3A_875 = arith.subi %min3A, %sub3A_874 : i32
    %jit3A_876 = arith.constant 0 : i32
    %jit3A_877 = arith.constant 40 : i32
    %max3A_878 = arith.maxsi %jit3A_876, %sub3A_875 : i32
    %min3A_879 = arith.minsi %jit3A_877, %max3A_878 : i32
    "tpu.region"() ({
      %run_scoped3A = tpu.sem_alloc : memref<!tpu.dma_semaphore, #tpu.memory_space<semaphore_mem>>
      %dma_start3A_1180 = arith.constant 0 : i32
      %dma_start3A_1181 = tpu.memref_slice %arg3[%multiple_of3A_873, %dma_start3A_1180] : memref<5000x64xi32, #tpu.memory_space<hbm>> -> memref<40x64xi32, #tpu.memory_space<hbm>>
      %dma_start3A_1182 = arith.constant 0 : i32
      %dma_start3A_1183 = tpu.memref_slice %arg3[%multiple_of3A_873, %dma_start3A_1182] : memref<5000x64xi32, #tpu.memory_space<hbm>> -> memref<40x64xi32, #tpu.memory_space<hbm>>
      tpu.enqueue_dma source(%dma_start3A_1183 : memref<40x64xi32, #tpu.memory_space<hbm>>) target(%arg6 : memref<40x64xi32, #tpu.memory_space<vmem>>) target_semaphore(%run_scoped3A : memref<!tpu.dma_semaphore, #tpu.memory_space<semaphore_mem>>)
      %dma_wait3A_1184 = arith.constant 0 : i32
      %dma_wait3A_1185 = tpu.memref_slice %arg3[%multiple_of3A_873, %dma_wait3A_1184] : memref<5000x64xi32, #tpu.memory_space<hbm>> -> memref<40x64xi32, #tpu.memory_space<hbm>>
      %dma_wait3A_1186 = arith.constant 0 : i32
      %dma_wait3A_1187 = tpu.memref_slice %arg3[%multiple_of3A_873, %dma_wait3A_1186] : memref<5000x64xi32, #tpu.memory_space<hbm>> -> memref<40x64xi32, #tpu.memory_space<hbm>>
      tpu.wait_dma2 semaphore(%run_scoped3A : memref<!tpu.dma_semaphore, #tpu.memory_space<semaphore_mem>>) src(%dma_wait3A_1187 : memref<40x64xi32, #tpu.memory_space<hbm>>) dst(%arg6 : memref<40x64xi32, #tpu.memory_space<vmem>>)
      tpu.yield
    }) : () -> ()
    "tpu.region"() ({
      %run_scoped3A = tpu.sem_alloc : memref<!tpu.dma_semaphore, #tpu.memory_space<semaphore_mem>>
      %dma_start3A_1180 = arith.constant 0 : i32
      %dma_start3A_1181 = tpu.memref_slice %arg4[%multiple_of3A_873, %dma_start3A_1180] : memref<5000x64xi32, #tpu.memory_space<hbm>> -> memref<40x64xi32, #tpu.memory_space<hbm>>
      %dma_start3A_1182 = arith.constant 0 : i32
      %dma_start3A_1183 = tpu.memref_slice %arg4[%multiple_of3A_873, %dma_start3A_1182] : memref<5000x64xi32, #tpu.memory_space<hbm>> -> memref<40x64xi32, #tpu.memory_space<hbm>>
      tpu.enqueue_dma source(%dma_start3A_1183 : memref<40x64xi32, #tpu.memory_space<hbm>>) target(%arg7 : memref<40x64xi32, #tpu.memory_space<vmem>>) target_semaphore(%run_scoped3A : memref<!tpu.dma_semaphore, #tpu.memory_space<semaphore_mem>>)
      %dma_wait3A_1184 = arith.constant 0 : i32
      %dma_wait3A_1185 = tpu.memref_slice %arg4[%multiple_of3A_873, %dma_wait3A_1184] : memref<5000x64xi32, #tpu.memory_space<hbm>> -> memref<40x64xi32, #tpu.memory_space<hbm>>
      %dma_wait3A_1186 = arith.constant 0 : i32
      %dma_wait3A_1187 = tpu.memref_slice %arg4[%multiple_of3A_873, %dma_wait3A_1186] : memref<5000x64xi32, #tpu.memory_space<hbm>> -> memref<40x64xi32, #tpu.memory_space<hbm>>
      tpu.wait_dma2 semaphore(%run_scoped3A : memref<!tpu.dma_semaphore, #tpu.memory_space<semaphore_mem>>) src(%dma_wait3A_1187 : memref<40x64xi32, #tpu.memory_space<hbm>>) dst(%arg7 : memref<40x64xi32, #tpu.memory_space<vmem>>)
      tpu.yield
    }) : () -> ()
    %dma_start3A_880 = arith.constant 0 : i32
    %dma_start3A_881 = arith.constant 0 : i32
    %dma_start3A_882 = tpu.memref_slice %arg6[%dma_start3A_880, %dma_start3A_881] : memref<40x64xi32, #tpu.memory_space<vmem>> -> memref<1x64xi32, #tpu.memory_space<vmem>>
    %dma_start3A_883 = tpu.memref_squeeze %dma_start3A_882 : memref<1x64xi32, #tpu.memory_space<vmem>> -> memref<64xi32, #tpu.memory_space<vmem>>
    %dma_start3A_884 = arith.constant 0 : i32
    %dma_start3A_885 = arith.constant 0 : i32
    %dma_start3A_886 = tpu.memref_slice %arg2[%dma_start3A_884, %dma_start3A_885] : memref<10000x128xf32, #tpu.memory_space<hbm>> -> memref<10000x128xf32, #tpu.memory_space<hbm>>
    tpu.enqueue_indirect_dma source(%dma_start3A_886 : memref<10000x128xf32, #tpu.memory_space<hbm>>) target(%arg8 : memref<64x128xf32, #tpu.memory_space<vmem>>) offsets(%dma_start3A_883 : memref<64xi32, #tpu.memory_space<vmem>>) semaphore(%arg14 : memref<!tpu.dma_semaphore, #tpu.memory_space<semaphore_mem>>)
    %dma_start3A_887 = arith.constant 1 : i32
    %dma_start3A_888 = arith.constant 0 : i32
    %dma_start3A_889 = tpu.memref_slice %arg6[%dma_start3A_887, %dma_start3A_888] : memref<40x64xi32, #tpu.memory_space<vmem>> -> memref<1x64xi32, #tpu.memory_space<vmem>>
    %dma_start3A_890 = tpu.memref_squeeze %dma_start3A_889 : memref<1x64xi32, #tpu.memory_space<vmem>> -> memref<64xi32, #tpu.memory_space<vmem>>
    %dma_start3A_891 = arith.constant 0 : i32
    %dma_start3A_892 = arith.constant 0 : i32
    %dma_start3A_893 = tpu.memref_slice %arg2[%dma_start3A_891, %dma_start3A_892] : memref<10000x128xf32, #tpu.memory_space<hbm>> -> memref<10000x128xf32, #tpu.memory_space<hbm>>
    tpu.enqueue_indirect_dma source(%dma_start3A_893 : memref<10000x128xf32, #tpu.memory_space<hbm>>) target(%arg9 : memref<64x128xf32, #tpu.memory_space<vmem>>) offsets(%dma_start3A_890 : memref<64xi32, #tpu.memory_space<vmem>>) semaphore(%arg15 : memref<!tpu.dma_semaphore, #tpu.memory_space<semaphore_mem>>)
    %dma_start3A_894 = arith.constant 2 : i32
    %dma_start3A_895 = arith.constant 0 : i32
    %dma_start3A_896 = tpu.memref_slice %arg6[%dma_start3A_894, %dma_start3A_895] : memref<40x64xi32, #tpu.memory_space<vmem>> -> memref<1x64xi32, #tpu.memory_space<vmem>>
    %dma_start3A_897 = tpu.memref_squeeze %dma_start3A_896 : memref<1x64xi32, #tpu.memory_space<vmem>> -> memref<64xi32, #tpu.memory_space<vmem>>
    %dma_start3A_898 = arith.constant 0 : i32
    %dma_start3A_899 = arith.constant 0 : i32
    %dma_start3A_900 = tpu.memref_slice %arg2[%dma_start3A_898, %dma_start3A_899] : memref<10000x128xf32, #tpu.memory_space<hbm>> -> memref<10000x128xf32, #tpu.memory_space<hbm>>
    tpu.enqueue_indirect_dma source(%dma_start3A_900 : memref<10000x128xf32, #tpu.memory_space<hbm>>) target(%arg10 : memref<64x128xf32, #tpu.memory_space<vmem>>) offsets(%dma_start3A_897 : memref<64xi32, #tpu.memory_space<vmem>>) semaphore(%arg16 : memref<!tpu.dma_semaphore, #tpu.memory_space<semaphore_mem>>)
    %dma_start3A_901 = arith.constant 3 : i32
    %dma_start3A_902 = arith.constant 0 : i32
    %dma_start3A_903 = tpu.memref_slice %arg6[%dma_start3A_901, %dma_start3A_902] : memref<40x64xi32, #tpu.memory_space<vmem>> -> memref<1x64xi32, #tpu.memory_space<vmem>>
    %dma_start3A_904 = tpu.memref_squeeze %dma_start3A_903 : memref<1x64xi32, #tpu.memory_space<vmem>> -> memref<64xi32, #tpu.memory_space<vmem>>
    %dma_start3A_905 = arith.constant 0 : i32
    %dma_start3A_906 = arith.constant 0 : i32
    %dma_start3A_907 = tpu.memref_slice %arg2[%dma_start3A_905, %dma_start3A_906] : memref<10000x128xf32, #tpu.memory_space<hbm>> -> memref<10000x128xf32, #tpu.memory_space<hbm>>
    tpu.enqueue_indirect_dma source(%dma_start3A_907 : memref<10000x128xf32, #tpu.memory_space<hbm>>) target(%arg11 : memref<64x128xf32, #tpu.memory_space<vmem>>) offsets(%dma_start3A_904 : memref<64xi32, #tpu.memory_space<vmem>>) semaphore(%arg17 : memref<!tpu.dma_semaphore, #tpu.memory_space<semaphore_mem>>)
    %jit3A_908 = arith.constant 4 : i32
    %div3A_909 = arith.divsi %min3A_879, %jit3A_908 : i32
    %sign3A_910 = arith.constant 0 : i32
    %sign3A_911 = arith.cmpi sgt, %min3A_879, %sign3A_910 : i32
    %sign3A_912 = arith.extui %sign3A_911 : i1 to i32
    %sign3A_913 = arith.constant 0 : i32
    %sign3A_914 = arith.cmpi slt, %min3A_879, %sign3A_913 : i32
    %sign3A_915 = arith.extui %sign3A_914 : i1 to i32
    %sign3A_916 = arith.subi %sign3A_912, %sign3A_915 : i32
    %sign3A_917 = arith.constant 0 : i32
    %sign3A_918 = arith.cmpi sgt, %jit3A_908, %sign3A_917 : i32
    %sign3A_919 = arith.extui %sign3A_918 : i1 to i32
    %sign3A_920 = arith.constant 0 : i32
    %sign3A_921 = arith.cmpi slt, %jit3A_908, %sign3A_920 : i32
    %sign3A_922 = arith.extui %sign3A_921 : i1 to i32
    %sign3A_923 = arith.subi %sign3A_919, %sign3A_922 : i32
    %ne3A_924 = arith.cmpi ne, %sign3A_916, %sign3A_923 : i32
    %rem3A_925 = arith.remsi %min3A_879, %jit3A_908 : i32
    %ne3A_926 = arith.constant 0 : i32
    %ne3A_927 = arith.cmpi ne, %rem3A_925, %ne3A_926 : i32
    %and3A_928 = arith.andi %ne3A_924, %ne3A_927 : i1
    %sub3A_929 = arith.constant 1 : i32
    %sub3A_930 = arith.subi %div3A_909, %sub3A_929 : i32
    %select_n3A_931 = arith.select %and3A_928, %sub3A_930, %div3A_909 : i32
    %while3A_932 = arith.constant 0 : i32
    %while3A_933 = arith.constant 0 : i32
    %while3A_934 = arith.subi %select_n3A_931, %while3A_933 : i32
    %while3A_935 = arith.addi %while3A_933, %while3A_934 : i32
    %while3A_936 = arith.constant 1 : i32
    %while3A_937 = arith.divsi %while3A_934, %while3A_936 : i32
    %while3A_938 = arith.muli %while3A_937, %while3A_936 : i32
    %while3A_939 = arith.addi %while3A_933, %while3A_938 : i32
    %while3A_940 = arith.constant 1 : i32
    scf.for %while3A_1180 = %while3A_933 to %while3A_939 step %while3A_940  : i32 {
      %mul3A_1181 = arith.constant 4 : i32
      %mul3A_1182 = arith.muli %mul3A_1181, %while3A_1180 : i32
      %add3A_1183 = arith.constant 0 : i32
      %add3A_1184 = arith.addi %mul3A_1182, %add3A_1183 : i32
      %dma_wait3A_1185 = arith.constant 0 : i32
      %dma_wait3A_1186 = tpu.memref_slice %arg6[%add3A_1184, %dma_wait3A_1185] : memref<40x64xi32, #tpu.memory_space<vmem>> -> memref<1x64xi32, #tpu.memory_space<vmem>>
      %dma_wait3A_1187 = tpu.memref_squeeze %dma_wait3A_1186 : memref<1x64xi32, #tpu.memory_space<vmem>> -> memref<64xi32, #tpu.memory_space<vmem>>
      %dma_wait3A_1188 = arith.constant 0 : i32
      %dma_wait3A_1189 = arith.constant 0 : i32
      %dma_wait3A_1190 = tpu.memref_slice %arg2[%dma_wait3A_1188, %dma_wait3A_1189] : memref<10000x128xf32, #tpu.memory_space<hbm>> -> memref<10000x128xf32, #tpu.memory_space<hbm>>
      tpu.wait_indirect_dma semaphore(%arg14 : memref<!tpu.dma_semaphore, #tpu.memory_space<semaphore_mem>>) src(%dma_wait3A_1190 : memref<10000x128xf32, #tpu.memory_space<hbm>>) dst(%arg8 : memref<64x128xf32, #tpu.memory_space<vmem>>)
      %add3A_1191 = arith.constant 0 : i32
      %add3A_1192 = arith.addi %mul3A_1182, %add3A_1191 : i32
      %dma_start3A_1193 = arith.constant 0 : i32
      %dma_start3A_1194 = tpu.memref_slice %arg7[%add3A_1192, %dma_start3A_1193] : memref<40x64xi32, #tpu.memory_space<vmem>> -> memref<1x64xi32, #tpu.memory_space<vmem>>
      %dma_start3A_1195 = tpu.memref_squeeze %dma_start3A_1194 : memref<1x64xi32, #tpu.memory_space<vmem>> -> memref<64xi32, #tpu.memory_space<vmem>>
      %dma_start3A_1196 = arith.constant 0 : i32
      %dma_start3A_1197 = arith.constant 0 : i32
      %dma_start3A_1198 = tpu.memref_slice %arg13[%dma_start3A_1196, %dma_start3A_1197] : memref<10240x128xf32, #tpu.memory_space<vmem_shared>> -> memref<10240x128xf32, #tpu.memory_space<vmem_shared>>
      tpu.enqueue_indirect_dma source(%arg8 : memref<64x128xf32, #tpu.memory_space<vmem>>) target(%dma_start3A_1198 : memref<10240x128xf32, #tpu.memory_space<vmem_shared>>) offsets(%dma_start3A_1195 : memref<64xi32, #tpu.memory_space<vmem>>) semaphore(%arg18 : memref<!tpu.dma_semaphore, #tpu.memory_space<semaphore_mem>>) {add = true}
      %add3A_1199 = arith.constant 1 : i32
      %add3A_1200 = arith.addi %mul3A_1182, %add3A_1199 : i32
      %dma_wait3A_1201 = arith.constant 0 : i32
      %dma_wait3A_1202 = tpu.memref_slice %arg6[%add3A_1200, %dma_wait3A_1201] : memref<40x64xi32, #tpu.memory_space<vmem>> -> memref<1x64xi32, #tpu.memory_space<vmem>>
      %dma_wait3A_1203 = tpu.memref_squeeze %dma_wait3A_1202 : memref<1x64xi32, #tpu.memory_space<vmem>> -> memref<64xi32, #tpu.memory_space<vmem>>
      %dma_wait3A_1204 = arith.constant 0 : i32
      %dma_wait3A_1205 = arith.constant 0 : i32
      %dma_wait3A_1206 = tpu.memref_slice %arg2[%dma_wait3A_1204, %dma_wait3A_1205] : memref<10000x128xf32, #tpu.memory_space<hbm>> -> memref<10000x128xf32, #tpu.memory_space<hbm>>
      tpu.wait_indirect_dma semaphore(%arg15 : memref<!tpu.dma_semaphore, #tpu.memory_space<semaphore_mem>>) src(%dma_wait3A_1206 : memref<10000x128xf32, #tpu.memory_space<hbm>>) dst(%arg9 : memref<64x128xf32, #tpu.memory_space<vmem>>)
      %add3A_1207 = arith.constant 1 : i32
      %add3A_1208 = arith.addi %mul3A_1182, %add3A_1207 : i32
      %dma_start3A_1209 = arith.constant 0 : i32
      %dma_start3A_1210 = tpu.memref_slice %arg7[%add3A_1208, %dma_start3A_1209] : memref<40x64xi32, #tpu.memory_space<vmem>> -> memref<1x64xi32, #tpu.memory_space<vmem>>
      %dma_start3A_1211 = tpu.memref_squeeze %dma_start3A_1210 : memref<1x64xi32, #tpu.memory_space<vmem>> -> memref<64xi32, #tpu.memory_space<vmem>>
      %dma_start3A_1212 = arith.constant 0 : i32
      %dma_start3A_1213 = arith.constant 0 : i32
      %dma_start3A_1214 = tpu.memref_slice %arg13[%dma_start3A_1212, %dma_start3A_1213] : memref<10240x128xf32, #tpu.memory_space<vmem_shared>> -> memref<10240x128xf32, #tpu.memory_space<vmem_shared>>
      tpu.enqueue_indirect_dma source(%arg9 : memref<64x128xf32, #tpu.memory_space<vmem>>) target(%dma_start3A_1214 : memref<10240x128xf32, #tpu.memory_space<vmem_shared>>) offsets(%dma_start3A_1211 : memref<64xi32, #tpu.memory_space<vmem>>) semaphore(%arg19 : memref<!tpu.dma_semaphore, #tpu.memory_space<semaphore_mem>>) {add = true}
      %add3A_1215 = arith.constant 2 : i32
      %add3A_1216 = arith.addi %mul3A_1182, %add3A_1215 : i32
      %dma_wait3A_1217 = arith.constant 0 : i32
      %dma_wait3A_1218 = tpu.memref_slice %arg6[%add3A_1216, %dma_wait3A_1217] : memref<40x64xi32, #tpu.memory_space<vmem>> -> memref<1x64xi32, #tpu.memory_space<vmem>>
      %dma_wait3A_1219 = tpu.memref_squeeze %dma_wait3A_1218 : memref<1x64xi32, #tpu.memory_space<vmem>> -> memref<64xi32, #tpu.memory_space<vmem>>
      %dma_wait3A_1220 = arith.constant 0 : i32
      %dma_wait3A_1221 = arith.constant 0 : i32
      %dma_wait3A_1222 = tpu.memref_slice %arg2[%dma_wait3A_1220, %dma_wait3A_1221] : memref<10000x128xf32, #tpu.memory_space<hbm>> -> memref<10000x128xf32, #tpu.memory_space<hbm>>
      tpu.wait_indirect_dma semaphore(%arg16 : memref<!tpu.dma_semaphore, #tpu.memory_space<semaphore_mem>>) src(%dma_wait3A_1222 : memref<10000x128xf32, #tpu.memory_space<hbm>>) dst(%arg10 : memref<64x128xf32, #tpu.memory_space<vmem>>)
      %add3A_1223 = arith.constant 2 : i32
      %add3A_1224 = arith.addi %mul3A_1182, %add3A_1223 : i32
      %dma_start3A_1225 = arith.constant 0 : i32
      %dma_start3A_1226 = tpu.memref_slice %arg7[%add3A_1224, %dma_start3A_1225] : memref<40x64xi32, #tpu.memory_space<vmem>> -> memref<1x64xi32, #tpu.memory_space<vmem>>
      %dma_start3A_1227 = tpu.memref_squeeze %dma_start3A_1226 : memref<1x64xi32, #tpu.memory_space<vmem>> -> memref<64xi32, #tpu.memory_space<vmem>>
      %dma_start3A_1228 = arith.constant 0 : i32
      %dma_start3A_1229 = arith.constant 0 : i32
      %dma_start3A_1230 = tpu.memref_slice %arg13[%dma_start3A_1228, %dma_start3A_1229] : memref<10240x128xf32, #tpu.memory_space<vmem_shared>> -> memref<10240x128xf32, #tpu.memory_space<vmem_shared>>
      tpu.enqueue_indirect_dma source(%arg10 : memref<64x128xf32, #tpu.memory_space<vmem>>) target(%dma_start3A_1230 : memref<10240x128xf32, #tpu.memory_space<vmem_shared>>) offsets(%dma_start3A_1227 : memref<64xi32, #tpu.memory_space<vmem>>) semaphore(%arg20 : memref<!tpu.dma_semaphore, #tpu.memory_space<semaphore_mem>>) {add = true}
      %add3A_1231 = arith.constant 3 : i32
      %add3A_1232 = arith.addi %mul3A_1182, %add3A_1231 : i32
      %dma_wait3A_1233 = arith.constant 0 : i32
      %dma_wait3A_1234 = tpu.memref_slice %arg6[%add3A_1232, %dma_wait3A_1233] : memref<40x64xi32, #tpu.memory_space<vmem>> -> memref<1x64xi32, #tpu.memory_space<vmem>>
      %dma_wait3A_1235 = tpu.memref_squeeze %dma_wait3A_1234 : memref<1x64xi32, #tpu.memory_space<vmem>> -> memref<64xi32, #tpu.memory_space<vmem>>
      %dma_wait3A_1236 = arith.constant 0 : i32
      %dma_wait3A_1237 = arith.constant 0 : i32
      %dma_wait3A_1238 = tpu.memref_slice %arg2[%dma_wait3A_1236, %dma_wait3A_1237] : memref<10000x128xf32, #tpu.memory_space<hbm>> -> memref<10000x128xf32, #tpu.memory_space<hbm>>
      tpu.wait_indirect_dma semaphore(%arg17 : memref<!tpu.dma_semaphore, #tpu.memory_space<semaphore_mem>>) src(%dma_wait3A_1238 : memref<10000x128xf32, #tpu.memory_space<hbm>>) dst(%arg11 : memref<64x128xf32, #tpu.memory_space<vmem>>)
      %add3A_1239 = arith.constant 3 : i32
      %add3A_1240 = arith.addi %mul3A_1182, %add3A_1239 : i32
      %dma_start3A_1241 = arith.constant 0 : i32
      %dma_start3A_1242 = tpu.memref_slice %arg7[%add3A_1240, %dma_start3A_1241] : memref<40x64xi32, #tpu.memory_space<vmem>> -> memref<1x64xi32, #tpu.memory_space<vmem>>
      %dma_start3A_1243 = tpu.memref_squeeze %dma_start3A_1242 : memref<1x64xi32, #tpu.memory_space<vmem>> -> memref<64xi32, #tpu.memory_space<vmem>>
      %dma_start3A_1244 = arith.constant 0 : i32
      %dma_start3A_1245 = arith.constant 0 : i32
      %dma_start3A_1246 = tpu.memref_slice %arg13[%dma_start3A_1244, %dma_start3A_1245] : memref<10240x128xf32, #tpu.memory_space<vmem_shared>> -> memref<10240x128xf32, #tpu.memory_space<vmem_shared>>
      tpu.enqueue_indirect_dma source(%arg11 : memref<64x128xf32, #tpu.memory_space<vmem>>) target(%dma_start3A_1246 : memref<10240x128xf32, #tpu.memory_space<vmem_shared>>) offsets(%dma_start3A_1243 : memref<64xi32, #tpu.memory_space<vmem>>) semaphore(%arg21 : memref<!tpu.dma_semaphore, #tpu.memory_space<semaphore_mem>>) {add = true}
      %add3A_1247 = arith.constant 0 : i32
      %add3A_1248 = arith.addi %mul3A_1182, %add3A_1247 : i32
      %dma_wait3A_1249 = arith.constant 0 : i32
      %dma_wait3A_1250 = tpu.memref_slice %arg7[%add3A_1248, %dma_wait3A_1249] : memref<40x64xi32, #tpu.memory_space<vmem>> -> memref<1x64xi32, #tpu.memory_space<vmem>>
      %dma_wait3A_1251 = tpu.memref_squeeze %dma_wait3A_1250 : memref<1x64xi32, #tpu.memory_space<vmem>> -> memref<64xi32, #tpu.memory_space<vmem>>
      %dma_wait3A_1252 = arith.constant 0 : i32
      %dma_wait3A_1253 = arith.constant 0 : i32
      %dma_wait3A_1254 = tpu.memref_slice %arg13[%dma_wait3A_1252, %dma_wait3A_1253] : memref<10240x128xf32, #tpu.memory_space<vmem_shared>> -> memref<10240x128xf32, #tpu.memory_space<vmem_shared>>
      tpu.wait_indirect_dma semaphore(%arg18 : memref<!tpu.dma_semaphore, #tpu.memory_space<semaphore_mem>>) src(%arg8 : memref<64x128xf32, #tpu.memory_space<vmem>>) dst(%dma_wait3A_1254 : memref<10240x128xf32, #tpu.memory_space<vmem_shared>>)
      %add3A_1255 = arith.constant 4 : i32
      %add3A_1256 = arith.addi %mul3A_1182, %add3A_1255 : i32
      %add3A_1257 = arith.constant 0 : i32
      %add3A_1258 = arith.addi %add3A_1256, %add3A_1257 : i32
      %min3A_1259 = arith.constant 39 : i32
      %min3A_1260 = arith.minsi %add3A_1258, %min3A_1259 : i32
      %dma_start3A_1261 = arith.constant 0 : i32
      %dma_start3A_1262 = tpu.memref_slice %arg6[%min3A_1260, %dma_start3A_1261] : memref<40x64xi32, #tpu.memory_space<vmem>> -> memref<1x64xi32, #tpu.memory_space<vmem>>
      %dma_start3A_1263 = tpu.memref_squeeze %dma_start3A_1262 : memref<1x64xi32, #tpu.memory_space<vmem>> -> memref<64xi32, #tpu.memory_space<vmem>>
      %dma_start3A_1264 = arith.constant 0 : i32
      %dma_start3A_1265 = arith.constant 0 : i32
      %dma_start3A_1266 = tpu.memref_slice %arg2[%dma_start3A_1264, %dma_start3A_1265] : memref<10000x128xf32, #tpu.memory_space<hbm>> -> memref<10000x128xf32, #tpu.memory_space<hbm>>
      tpu.enqueue_indirect_dma source(%dma_start3A_1266 : memref<10000x128xf32, #tpu.memory_space<hbm>>) target(%arg8 : memref<64x128xf32, #tpu.memory_space<vmem>>) offsets(%dma_start3A_1263 : memref<64xi32, #tpu.memory_space<vmem>>) semaphore(%arg14 : memref<!tpu.dma_semaphore, #tpu.memory_space<semaphore_mem>>)
      %add3A_1267 = arith.constant 1 : i32
      %add3A_1268 = arith.addi %mul3A_1182, %add3A_1267 : i32
      %dma_wait3A_1269 = arith.constant 0 : i32
      %dma_wait3A_1270 = tpu.memref_slice %arg7[%add3A_1268, %dma_wait3A_1269] : memref<40x64xi32, #tpu.memory_space<vmem>> -> memref<1x64xi32, #tpu.memory_space<vmem>>
      %dma_wait3A_1271 = tpu.memref_squeeze %dma_wait3A_1270 : memref<1x64xi32, #tpu.memory_space<vmem>> -> memref<64xi32, #tpu.memory_space<vmem>>
      %dma_wait3A_1272 = arith.constant 0 : i32
      %dma_wait3A_1273 = arith.constant 0 : i32
      %dma_wait3A_1274 = tpu.memref_slice %arg13[%dma_wait3A_1272, %dma_wait3A_1273] : memref<10240x128xf32, #tpu.memory_space<vmem_shared>> -> memref<10240x128xf32, #tpu.memory_space<vmem_shared>>
      tpu.wait_indirect_dma semaphore(%arg19 : memref<!tpu.dma_semaphore, #tpu.memory_space<semaphore_mem>>) src(%arg9 : memref<64x128xf32, #tpu.memory_space<vmem>>) dst(%dma_wait3A_1274 : memref<10240x128xf32, #tpu.memory_space<vmem_shared>>)
      %add3A_1275 = arith.constant 4 : i32
      %add3A_1276 = arith.addi %mul3A_1182, %add3A_1275 : i32
      %add3A_1277 = arith.constant 1 : i32
      %add3A_1278 = arith.addi %add3A_1276, %add3A_1277 : i32
      %min3A_1279 = arith.constant 39 : i32
      %min3A_1280 = arith.minsi %add3A_1278, %min3A_1279 : i32
      %dma_start3A_1281 = arith.constant 0 : i32
      %dma_start3A_1282 = tpu.memref_slice %arg6[%min3A_1280, %dma_start3A_1281] : memref<40x64xi32, #tpu.memory_space<vmem>> -> memref<1x64xi32, #tpu.memory_space<vmem>>
      %dma_start3A_1283 = tpu.memref_squeeze %dma_start3A_1282 : memref<1x64xi32, #tpu.memory_space<vmem>> -> memref<64xi32, #tpu.memory_space<vmem>>
      %dma_start3A_1284 = arith.constant 0 : i32
      %dma_start3A_1285 = arith.constant 0 : i32
      %dma_start3A_1286 = tpu.memref_slice %arg2[%dma_start3A_1284, %dma_start3A_1285] : memref<10000x128xf32, #tpu.memory_space<hbm>> -> memref<10000x128xf32, #tpu.memory_space<hbm>>
      tpu.enqueue_indirect_dma source(%dma_start3A_1286 : memref<10000x128xf32, #tpu.memory_space<hbm>>) target(%arg9 : memref<64x128xf32, #tpu.memory_space<vmem>>) offsets(%dma_start3A_1283 : memref<64xi32, #tpu.memory_space<vmem>>) semaphore(%arg15 : memref<!tpu.dma_semaphore, #tpu.memory_space<semaphore_mem>>)
      %add3A_1287 = arith.constant 2 : i32
      %add3A_1288 = arith.addi %mul3A_1182, %add3A_1287 : i32
      %dma_wait3A_1289 = arith.constant 0 : i32
      %dma_wait3A_1290 = tpu.memref_slice %arg7[%add3A_1288, %dma_wait3A_1289] : memref<40x64xi32, #tpu.memory_space<vmem>> -> memref<1x64xi32, #tpu.memory_space<vmem>>
      %dma_wait3A_1291 = tpu.memref_squeeze %dma_wait3A_1290 : memref<1x64xi32, #tpu.memory_space<vmem>> -> memref<64xi32, #tpu.memory_space<vmem>>
      %dma_wait3A_1292 = arith.constant 0 : i32
      %dma_wait3A_1293 = arith.constant 0 : i32
      %dma_wait3A_1294 = tpu.memref_slice %arg13[%dma_wait3A_1292, %dma_wait3A_1293] : memref<10240x128xf32, #tpu.memory_space<vmem_shared>> -> memref<10240x128xf32, #tpu.memory_space<vmem_shared>>
      tpu.wait_indirect_dma semaphore(%arg20 : memref<!tpu.dma_semaphore, #tpu.memory_space<semaphore_mem>>) src(%arg10 : memref<64x128xf32, #tpu.memory_space<vmem>>) dst(%dma_wait3A_1294 : memref<10240x128xf32, #tpu.memory_space<vmem_shared>>)
      %add3A_1295 = arith.constant 4 : i32
      %add3A_1296 = arith.addi %mul3A_1182, %add3A_1295 : i32
      %add3A_1297 = arith.constant 2 : i32
      %add3A_1298 = arith.addi %add3A_1296, %add3A_1297 : i32
      %min3A_1299 = arith.constant 39 : i32
      %min3A_1300 = arith.minsi %add3A_1298, %min3A_1299 : i32
      %dma_start3A_1301 = arith.constant 0 : i32
      %dma_start3A_1302 = tpu.memref_slice %arg6[%min3A_1300, %dma_start3A_1301] : memref<40x64xi32, #tpu.memory_space<vmem>> -> memref<1x64xi32, #tpu.memory_space<vmem>>
      %dma_start3A_1303 = tpu.memref_squeeze %dma_start3A_1302 : memref<1x64xi32, #tpu.memory_space<vmem>> -> memref<64xi32, #tpu.memory_space<vmem>>
      %dma_start3A_1304 = arith.constant 0 : i32
      %dma_start3A_1305 = arith.constant 0 : i32
      %dma_start3A_1306 = tpu.memref_slice %arg2[%dma_start3A_1304, %dma_start3A_1305] : memref<10000x128xf32, #tpu.memory_space<hbm>> -> memref<10000x128xf32, #tpu.memory_space<hbm>>
      tpu.enqueue_indirect_dma source(%dma_start3A_1306 : memref<10000x128xf32, #tpu.memory_space<hbm>>) target(%arg10 : memref<64x128xf32, #tpu.memory_space<vmem>>) offsets(%dma_start3A_1303 : memref<64xi32, #tpu.memory_space<vmem>>) semaphore(%arg16 : memref<!tpu.dma_semaphore, #tpu.memory_space<semaphore_mem>>)
      %add3A_1307 = arith.constant 3 : i32
      %add3A_1308 = arith.addi %mul3A_1182, %add3A_1307 : i32
      %dma_wait3A_1309 = arith.constant 0 : i32
      %dma_wait3A_1310 = tpu.memref_slice %arg7[%add3A_1308, %dma_wait3A_1309] : memref<40x64xi32, #tpu.memory_space<vmem>> -> memref<1x64xi32, #tpu.memory_space<vmem>>
      %dma_wait3A_1311 = tpu.memref_squeeze %dma_wait3A_1310 : memref<1x64xi32, #tpu.memory_space<vmem>> -> memref<64xi32, #tpu.memory_space<vmem>>
      %dma_wait3A_1312 = arith.constant 0 : i32
      %dma_wait3A_1313 = arith.constant 0 : i32
      %dma_wait3A_1314 = tpu.memref_slice %arg13[%dma_wait3A_1312, %dma_wait3A_1313] : memref<10240x128xf32, #tpu.memory_space<vmem_shared>> -> memref<10240x128xf32, #tpu.memory_space<vmem_shared>>
      tpu.wait_indirect_dma semaphore(%arg21 : memref<!tpu.dma_semaphore, #tpu.memory_space<semaphore_mem>>) src(%arg11 : memref<64x128xf32, #tpu.memory_space<vmem>>) dst(%dma_wait3A_1314 : memref<10240x128xf32, #tpu.memory_space<vmem_shared>>)
      %add3A_1315 = arith.constant 4 : i32
      %add3A_1316 = arith.addi %mul3A_1182, %add3A_1315 : i32
      %add3A_1317 = arith.constant 3 : i32
      %add3A_1318 = arith.addi %add3A_1316, %add3A_1317 : i32
      %min3A_1319 = arith.constant 39 : i32
      %min3A_1320 = arith.minsi %add3A_1318, %min3A_1319 : i32
      %dma_start3A_1321 = arith.constant 0 : i32
      %dma_start3A_1322 = tpu.memref_slice %arg6[%min3A_1320, %dma_start3A_1321] : memref<40x64xi32, #tpu.memory_space<vmem>> -> memref<1x64xi32, #tpu.memory_space<vmem>>
      %dma_start3A_1323 = tpu.memref_squeeze %dma_start3A_1322 : memref<1x64xi32, #tpu.memory_space<vmem>> -> memref<64xi32, #tpu.memory_space<vmem>>
      %dma_start3A_1324 = arith.constant 0 : i32
      %dma_start3A_1325 = arith.constant 0 : i32
      %dma_start3A_1326 = tpu.memref_slice %arg2[%dma_start3A_1324, %dma_start3A_1325] : memref<10000x128xf32, #tpu.memory_space<hbm>> -> memref<10000x128xf32, #tpu.memory_space<hbm>>
      tpu.enqueue_indirect_dma source(%dma_start3A_1326 : memref<10000x128xf32, #tpu.memory_space<hbm>>) target(%arg11 : memref<64x128xf32, #tpu.memory_space<vmem>>) offsets(%dma_start3A_1323 : memref<64xi32, #tpu.memory_space<vmem>>) semaphore(%arg17 : memref<!tpu.dma_semaphore, #tpu.memory_space<semaphore_mem>>)
    }
    %while3A_941 = arith.constant 1 : i32
    scf.for %while3A_1180 = %while3A_939 to %while3A_935 step %while3A_941  : i32 {
      %mul3A_1181 = arith.constant 4 : i32
      %mul3A_1182 = arith.muli %mul3A_1181, %while3A_1180 : i32
      %add3A_1183 = arith.constant 0 : i32
      %add3A_1184 = arith.addi %mul3A_1182, %add3A_1183 : i32
      %dma_wait3A_1185 = arith.constant 0 : i32
      %dma_wait3A_1186 = tpu.memref_slice %arg6[%add3A_1184, %dma_wait3A_1185] : memref<40x64xi32, #tpu.memory_space<vmem>> -> memref<1x64xi32, #tpu.memory_space<vmem>>
      %dma_wait3A_1187 = tpu.memref_squeeze %dma_wait3A_1186 : memref<1x64xi32, #tpu.memory_space<vmem>> -> memref<64xi32, #tpu.memory_space<vmem>>
      %dma_wait3A_1188 = arith.constant 0 : i32
      %dma_wait3A_1189 = arith.constant 0 : i32
      %dma_wait3A_1190 = tpu.memref_slice %arg2[%dma_wait3A_1188, %dma_wait3A_1189] : memref<10000x128xf32, #tpu.memory_space<hbm>> -> memref<10000x128xf32, #tpu.memory_space<hbm>>
      tpu.wait_indirect_dma semaphore(%arg14 : memref<!tpu.dma_semaphore, #tpu.memory_space<semaphore_mem>>) src(%dma_wait3A_1190 : memref<10000x128xf32, #tpu.memory_space<hbm>>) dst(%arg8 : memref<64x128xf32, #tpu.memory_space<vmem>>)
      %add3A_1191 = arith.constant 0 : i32
      %add3A_1192 = arith.addi %mul3A_1182, %add3A_1191 : i32
      %dma_start3A_1193 = arith.constant 0 : i32
      %dma_start3A_1194 = tpu.memref_slice %arg7[%add3A_1192, %dma_start3A_1193] : memref<40x64xi32, #tpu.memory_space<vmem>> -> memref<1x64xi32, #tpu.memory_space<vmem>>
      %dma_start3A_1195 = tpu.memref_squeeze %dma_start3A_1194 : memref<1x64xi32, #tpu.memory_space<vmem>> -> memref<64xi32, #tpu.memory_space<vmem>>
      %dma_start3A_1196 = arith.constant 0 : i32
      %dma_start3A_1197 = arith.constant 0 : i32
      %dma_start3A_1198 = tpu.memref_slice %arg13[%dma_start3A_1196, %dma_start3A_1197] : memref<10240x128xf32, #tpu.memory_space<vmem_shared>> -> memref<10240x128xf32, #tpu.memory_space<vmem_shared>>
      tpu.enqueue_indirect_dma source(%arg8 : memref<64x128xf32, #tpu.memory_space<vmem>>) target(%dma_start3A_1198 : memref<10240x128xf32, #tpu.memory_space<vmem_shared>>) offsets(%dma_start3A_1195 : memref<64xi32, #tpu.memory_space<vmem>>) semaphore(%arg18 : memref<!tpu.dma_semaphore, #tpu.memory_space<semaphore_mem>>) {add = true}
      %add3A_1199 = arith.constant 1 : i32
      %add3A_1200 = arith.addi %mul3A_1182, %add3A_1199 : i32
      %dma_wait3A_1201 = arith.constant 0 : i32
      %dma_wait3A_1202 = tpu.memref_slice %arg6[%add3A_1200, %dma_wait3A_1201] : memref<40x64xi32, #tpu.memory_space<vmem>> -> memref<1x64xi32, #tpu.memory_space<vmem>>
      %dma_wait3A_1203 = tpu.memref_squeeze %dma_wait3A_1202 : memref<1x64xi32, #tpu.memory_space<vmem>> -> memref<64xi32, #tpu.memory_space<vmem>>
      %dma_wait3A_1204 = arith.constant 0 : i32
      %dma_wait3A_1205 = arith.constant 0 : i32
      %dma_wait3A_1206 = tpu.memref_slice %arg2[%dma_wait3A_1204, %dma_wait3A_1205] : memref<10000x128xf32, #tpu.memory_space<hbm>> -> memref<10000x128xf32, #tpu.memory_space<hbm>>
      tpu.wait_indirect_dma semaphore(%arg15 : memref<!tpu.dma_semaphore, #tpu.memory_space<semaphore_mem>>) src(%dma_wait3A_1206 : memref<10000x128xf32, #tpu.memory_space<hbm>>) dst(%arg9 : memref<64x128xf32, #tpu.memory_space<vmem>>)
      %add3A_1207 = arith.constant 1 : i32
      %add3A_1208 = arith.addi %mul3A_1182, %add3A_1207 : i32
      %dma_start3A_1209 = arith.constant 0 : i32
      %dma_start3A_1210 = tpu.memref_slice %arg7[%add3A_1208, %dma_start3A_1209] : memref<40x64xi32, #tpu.memory_space<vmem>> -> memref<1x64xi32, #tpu.memory_space<vmem>>
      %dma_start3A_1211 = tpu.memref_squeeze %dma_start3A_1210 : memref<1x64xi32, #tpu.memory_space<vmem>> -> memref<64xi32, #tpu.memory_space<vmem>>
      %dma_start3A_1212 = arith.constant 0 : i32
      %dma_start3A_1213 = arith.constant 0 : i32
      %dma_start3A_1214 = tpu.memref_slice %arg13[%dma_start3A_1212, %dma_start3A_1213] : memref<10240x128xf32, #tpu.memory_space<vmem_shared>> -> memref<10240x128xf32, #tpu.memory_space<vmem_shared>>
      tpu.enqueue_indirect_dma source(%arg9 : memref<64x128xf32, #tpu.memory_space<vmem>>) target(%dma_start3A_1214 : memref<10240x128xf32, #tpu.memory_space<vmem_shared>>) offsets(%dma_start3A_1211 : memref<64xi32, #tpu.memory_space<vmem>>) semaphore(%arg19 : memref<!tpu.dma_semaphore, #tpu.memory_space<semaphore_mem>>) {add = true}
      %add3A_1215 = arith.constant 2 : i32
      %add3A_1216 = arith.addi %mul3A_1182, %add3A_1215 : i32
      %dma_wait3A_1217 = arith.constant 0 : i32
      %dma_wait3A_1218 = tpu.memref_slice %arg6[%add3A_1216, %dma_wait3A_1217] : memref<40x64xi32, #tpu.memory_space<vmem>> -> memref<1x64xi32, #tpu.memory_space<vmem>>
      %dma_wait3A_1219 = tpu.memref_squeeze %dma_wait3A_1218 : memref<1x64xi32, #tpu.memory_space<vmem>> -> memref<64xi32, #tpu.memory_space<vmem>>
      %dma_wait3A_1220 = arith.constant 0 : i32
      %dma_wait3A_1221 = arith.constant 0 : i32
      %dma_wait3A_1222 = tpu.memref_slice %arg2[%dma_wait3A_1220, %dma_wait3A_1221] : memref<10000x128xf32, #tpu.memory_space<hbm>> -> memref<10000x128xf32, #tpu.memory_space<hbm>>
      tpu.wait_indirect_dma semaphore(%arg16 : memref<!tpu.dma_semaphore, #tpu.memory_space<semaphore_mem>>) src(%dma_wait3A_1222 : memref<10000x128xf32, #tpu.memory_space<hbm>>) dst(%arg10 : memref<64x128xf32, #tpu.memory_space<vmem>>)
      %add3A_1223 = arith.constant 2 : i32
      %add3A_1224 = arith.addi %mul3A_1182, %add3A_1223 : i32
      %dma_start3A_1225 = arith.constant 0 : i32
      %dma_start3A_1226 = tpu.memref_slice %arg7[%add3A_1224, %dma_start3A_1225] : memref<40x64xi32, #tpu.memory_space<vmem>> -> memref<1x64xi32, #tpu.memory_space<vmem>>
      %dma_start3A_1227 = tpu.memref_squeeze %dma_start3A_1226 : memref<1x64xi32, #tpu.memory_space<vmem>> -> memref<64xi32, #tpu.memory_space<vmem>>
      %dma_start3A_1228 = arith.constant 0 : i32
      %dma_start3A_1229 = arith.constant 0 : i32
      %dma_start3A_1230 = tpu.memref_slice %arg13[%dma_start3A_1228, %dma_start3A_1229] : memref<10240x128xf32, #tpu.memory_space<vmem_shared>> -> memref<10240x128xf32, #tpu.memory_space<vmem_shared>>
      tpu.enqueue_indirect_dma source(%arg10 : memref<64x128xf32, #tpu.memory_space<vmem>>) target(%dma_start3A_1230 : memref<10240x128xf32, #tpu.memory_space<vmem_shared>>) offsets(%dma_start3A_1227 : memref<64xi32, #tpu.memory_space<vmem>>) semaphore(%arg20 : memref<!tpu.dma_semaphore, #tpu.memory_space<semaphore_mem>>) {add = true}
      %add3A_1231 = arith.constant 3 : i32
      %add3A_1232 = arith.addi %mul3A_1182, %add3A_1231 : i32
      %dma_wait3A_1233 = arith.constant 0 : i32
      %dma_wait3A_1234 = tpu.memref_slice %arg6[%add3A_1232, %dma_wait3A_1233] : memref<40x64xi32, #tpu.memory_space<vmem>> -> memref<1x64xi32, #tpu.memory_space<vmem>>
      %dma_wait3A_1235 = tpu.memref_squeeze %dma_wait3A_1234 : memref<1x64xi32, #tpu.memory_space<vmem>> -> memref<64xi32, #tpu.memory_space<vmem>>
      %dma_wait3A_1236 = arith.constant 0 : i32
      %dma_wait3A_1237 = arith.constant 0 : i32
      %dma_wait3A_1238 = tpu.memref_slice %arg2[%dma_wait3A_1236, %dma_wait3A_1237] : memref<10000x128xf32, #tpu.memory_space<hbm>> -> memref<10000x128xf32, #tpu.memory_space<hbm>>
      tpu.wait_indirect_dma semaphore(%arg17 : memref<!tpu.dma_semaphore, #tpu.memory_space<semaphore_mem>>) src(%dma_wait3A_1238 : memref<10000x128xf32, #tpu.memory_space<hbm>>) dst(%arg11 : memref<64x128xf32, #tpu.memory_space<vmem>>)
      %add3A_1239 = arith.constant 3 : i32
      %add3A_1240 = arith.addi %mul3A_1182, %add3A_1239 : i32
      %dma_start3A_1241 = arith.constant 0 : i32
      %dma_start3A_1242 = tpu.memref_slice %arg7[%add3A_1240, %dma_start3A_1241] : memref<40x64xi32, #tpu.memory_space<vmem>> -> memref<1x64xi32, #tpu.memory_space<vmem>>
      %dma_start3A_1243 = tpu.memref_squeeze %dma_start3A_1242 : memref<1x64xi32, #tpu.memory_space<vmem>> -> memref<64xi32, #tpu.memory_space<vmem>>
      %dma_start3A_1244 = arith.constant 0 : i32
      %dma_start3A_1245 = arith.constant 0 : i32
      %dma_start3A_1246 = tpu.memref_slice %arg13[%dma_start3A_1244, %dma_start3A_1245] : memref<10240x128xf32, #tpu.memory_space<vmem_shared>> -> memref<10240x128xf32, #tpu.memory_space<vmem_shared>>
      tpu.enqueue_indirect_dma source(%arg11 : memref<64x128xf32, #tpu.memory_space<vmem>>) target(%dma_start3A_1246 : memref<10240x128xf32, #tpu.memory_space<vmem_shared>>) offsets(%dma_start3A_1243 : memref<64xi32, #tpu.memory_space<vmem>>) semaphore(%arg21 : memref<!tpu.dma_semaphore, #tpu.memory_space<semaphore_mem>>) {add = true}
      %add3A_1247 = arith.constant 0 : i32
      %add3A_1248 = arith.addi %mul3A_1182, %add3A_1247 : i32
      %dma_wait3A_1249 = arith.constant 0 : i32
      %dma_wait3A_1250 = tpu.memref_slice %arg7[%add3A_1248, %dma_wait3A_1249] : memref<40x64xi32, #tpu.memory_space<vmem>> -> memref<1x64xi32, #tpu.memory_space<vmem>>
      %dma_wait3A_1251 = tpu.memref_squeeze %dma_wait3A_1250 : memref<1x64xi32, #tpu.memory_space<vmem>> -> memref<64xi32, #tpu.memory_space<vmem>>
      %dma_wait3A_1252 = arith.constant 0 : i32
      %dma_wait3A_1253 = arith.constant 0 : i32
      %dma_wait3A_1254 = tpu.memref_slice %arg13[%dma_wait3A_1252, %dma_wait3A_1253] : memref<10240x128xf32, #tpu.memory_space<vmem_shared>> -> memref<10240x128xf32, #tpu.memory_space<vmem_shared>>
      tpu.wait_indirect_dma semaphore(%arg18 : memref<!tpu.dma_semaphore, #tpu.memory_space<semaphore_mem>>) src(%arg8 : memref<64x128xf32, #tpu.memory_space<vmem>>) dst(%dma_wait3A_1254 : memref<10240x128xf32, #tpu.memory_space<vmem_shared>>)
      %add3A_1255 = arith.constant 4 : i32
      %add3A_1256 = arith.addi %mul3A_1182, %add3A_1255 : i32
      %add3A_1257 = arith.constant 0 : i32
      %add3A_1258 = arith.addi %add3A_1256, %add3A_1257 : i32
      %min3A_1259 = arith.constant 39 : i32
      %min3A_1260 = arith.minsi %add3A_1258, %min3A_1259 : i32
      %dma_start3A_1261 = arith.constant 0 : i32
      %dma_start3A_1262 = tpu.memref_slice %arg6[%min3A_1260, %dma_start3A_1261] : memref<40x64xi32, #tpu.memory_space<vmem>> -> memref<1x64xi32, #tpu.memory_space<vmem>>
      %dma_start3A_1263 = tpu.memref_squeeze %dma_start3A_1262 : memref<1x64xi32, #tpu.memory_space<vmem>> -> memref<64xi32, #tpu.memory_space<vmem>>
      %dma_start3A_1264 = arith.constant 0 : i32
      %dma_start3A_1265 = arith.constant 0 : i32
      %dma_start3A_1266 = tpu.memref_slice %arg2[%dma_start3A_1264, %dma_start3A_1265] : memref<10000x128xf32, #tpu.memory_space<hbm>> -> memref<10000x128xf32, #tpu.memory_space<hbm>>
      tpu.enqueue_indirect_dma source(%dma_start3A_1266 : memref<10000x128xf32, #tpu.memory_space<hbm>>) target(%arg8 : memref<64x128xf32, #tpu.memory_space<vmem>>) offsets(%dma_start3A_1263 : memref<64xi32, #tpu.memory_space<vmem>>) semaphore(%arg14 : memref<!tpu.dma_semaphore, #tpu.memory_space<semaphore_mem>>)
      %add3A_1267 = arith.constant 1 : i32
      %add3A_1268 = arith.addi %mul3A_1182, %add3A_1267 : i32
      %dma_wait3A_1269 = arith.constant 0 : i32
      %dma_wait3A_1270 = tpu.memref_slice %arg7[%add3A_1268, %dma_wait3A_1269] : memref<40x64xi32, #tpu.memory_space<vmem>> -> memref<1x64xi32, #tpu.memory_space<vmem>>
      %dma_wait3A_1271 = tpu.memref_squeeze %dma_wait3A_1270 : memref<1x64xi32, #tpu.memory_space<vmem>> -> memref<64xi32, #tpu.memory_space<vmem>>
      %dma_wait3A_1272 = arith.constant 0 : i32
      %dma_wait3A_1273 = arith.constant 0 : i32
      %dma_wait3A_1274 = tpu.memref_slice %arg13[%dma_wait3A_1272, %dma_wait3A_1273] : memref<10240x128xf32, #tpu.memory_space<vmem_shared>> -> memref<10240x128xf32, #tpu.memory_space<vmem_shared>>
      tpu.wait_indirect_dma semaphore(%arg19 : memref<!tpu.dma_semaphore, #tpu.memory_space<semaphore_mem>>) src(%arg9 : memref<64x128xf32, #tpu.memory_space<vmem>>) dst(%dma_wait3A_1274 : memref<10240x128xf32, #tpu.memory_space<vmem_shared>>)
      %add3A_1275 = arith.constant 4 : i32
      %add3A_1276 = arith.addi %mul3A_1182, %add3A_1275 : i32
      %add3A_1277 = arith.constant 1 : i32
      %add3A_1278 = arith.addi %add3A_1276, %add3A_1277 : i32
      %min3A_1279 = arith.constant 39 : i32
      %min3A_1280 = arith.minsi %add3A_1278, %min3A_1279 : i32
      %dma_start3A_1281 = arith.constant 0 : i32
      %dma_start3A_1282 = tpu.memref_slice %arg6[%min3A_1280, %dma_start3A_1281] : memref<40x64xi32, #tpu.memory_space<vmem>> -> memref<1x64xi32, #tpu.memory_space<vmem>>
      %dma_start3A_1283 = tpu.memref_squeeze %dma_start3A_1282 : memref<1x64xi32, #tpu.memory_space<vmem>> -> memref<64xi32, #tpu.memory_space<vmem>>
      %dma_start3A_1284 = arith.constant 0 : i32
      %dma_start3A_1285 = arith.constant 0 : i32
      %dma_start3A_1286 = tpu.memref_slice %arg2[%dma_start3A_1284, %dma_start3A_1285] : memref<10000x128xf32, #tpu.memory_space<hbm>> -> memref<10000x128xf32, #tpu.memory_space<hbm>>
      tpu.enqueue_indirect_dma source(%dma_start3A_1286 : memref<10000x128xf32, #tpu.memory_space<hbm>>) target(%arg9 : memref<64x128xf32, #tpu.memory_space<vmem>>) offsets(%dma_start3A_1283 : memref<64xi32, #tpu.memory_space<vmem>>) semaphore(%arg15 : memref<!tpu.dma_semaphore, #tpu.memory_space<semaphore_mem>>)
      %add3A_1287 = arith.constant 2 : i32
      %add3A_1288 = arith.addi %mul3A_1182, %add3A_1287 : i32
      %dma_wait3A_1289 = arith.constant 0 : i32
      %dma_wait3A_1290 = tpu.memref_slice %arg7[%add3A_1288, %dma_wait3A_1289] : memref<40x64xi32, #tpu.memory_space<vmem>> -> memref<1x64xi32, #tpu.memory_space<vmem>>
      %dma_wait3A_1291 = tpu.memref_squeeze %dma_wait3A_1290 : memref<1x64xi32, #tpu.memory_space<vmem>> -> memref<64xi32, #tpu.memory_space<vmem>>
      %dma_wait3A_1292 = arith.constant 0 : i32
      %dma_wait3A_1293 = arith.constant 0 : i32
      %dma_wait3A_1294 = tpu.memref_slice %arg13[%dma_wait3A_1292, %dma_wait3A_1293] : memref<10240x128xf32, #tpu.memory_space<vmem_shared>> -> memref<10240x128xf32, #tpu.memory_space<vmem_shared>>
      tpu.wait_indirect_dma semaphore(%arg20 : memref<!tpu.dma_semaphore, #tpu.memory_space<semaphore_mem>>) src(%arg10 : memref<64x128xf32, #tpu.memory_space<vmem>>) dst(%dma_wait3A_1294 : memref<10240x128xf32, #tpu.memory_space<vmem_shared>>)
      %add3A_1295 = arith.constant 4 : i32
      %add3A_1296 = arith.addi %mul3A_1182, %add3A_1295 : i32
      %add3A_1297 = arith.constant 2 : i32
      %add3A_1298 = arith.addi %add3A_1296, %add3A_1297 : i32
      %min3A_1299 = arith.constant 39 : i32
      %min3A_1300 = arith.minsi %add3A_1298, %min3A_1299 : i32
      %dma_start3A_1301 = arith.constant 0 : i32
      %dma_start3A_1302 = tpu.memref_slice %arg6[%min3A_1300, %dma_start3A_1301] : memref<40x64xi32, #tpu.memory_space<vmem>> -> memref<1x64xi32, #tpu.memory_space<vmem>>
      %dma_start3A_1303 = tpu.memref_squeeze %dma_start3A_1302 : memref<1x64xi32, #tpu.memory_space<vmem>> -> memref<64xi32, #tpu.memory_space<vmem>>
      %dma_start3A_1304 = arith.constant 0 : i32
      %dma_start3A_1305 = arith.constant 0 : i32
      %dma_start3A_1306 = tpu.memref_slice %arg2[%dma_start3A_1304, %dma_start3A_1305] : memref<10000x128xf32, #tpu.memory_space<hbm>> -> memref<10000x128xf32, #tpu.memory_space<hbm>>
      tpu.enqueue_indirect_dma source(%dma_start3A_1306 : memref<10000x128xf32, #tpu.memory_space<hbm>>) target(%arg10 : memref<64x128xf32, #tpu.memory_space<vmem>>) offsets(%dma_start3A_1303 : memref<64xi32, #tpu.memory_space<vmem>>) semaphore(%arg16 : memref<!tpu.dma_semaphore, #tpu.memory_space<semaphore_mem>>)
      %add3A_1307 = arith.constant 3 : i32
      %add3A_1308 = arith.addi %mul3A_1182, %add3A_1307 : i32
      %dma_wait3A_1309 = arith.constant 0 : i32
      %dma_wait3A_1310 = tpu.memref_slice %arg7[%add3A_1308, %dma_wait3A_1309] : memref<40x64xi32, #tpu.memory_space<vmem>> -> memref<1x64xi32, #tpu.memory_space<vmem>>
      %dma_wait3A_1311 = tpu.memref_squeeze %dma_wait3A_1310 : memref<1x64xi32, #tpu.memory_space<vmem>> -> memref<64xi32, #tpu.memory_space<vmem>>
      %dma_wait3A_1312 = arith.constant 0 : i32
      %dma_wait3A_1313 = arith.constant 0 : i32
      %dma_wait3A_1314 = tpu.memref_slice %arg13[%dma_wait3A_1312, %dma_wait3A_1313] : memref<10240x128xf32, #tpu.memory_space<vmem_shared>> -> memref<10240x128xf32, #tpu.memory_space<vmem_shared>>
      tpu.wait_indirect_dma semaphore(%arg21 : memref<!tpu.dma_semaphore, #tpu.memory_space<semaphore_mem>>) src(%arg11 : memref<64x128xf32, #tpu.memory_space<vmem>>) dst(%dma_wait3A_1314 : memref<10240x128xf32, #tpu.memory_space<vmem_shared>>)
      %add3A_1315 = arith.constant 4 : i32
      %add3A_1316 = arith.addi %mul3A_1182, %add3A_1315 : i32
      %add3A_1317 = arith.constant 3 : i32
      %add3A_1318 = arith.addi %add3A_1316, %add3A_1317 : i32
      %min3A_1319 = arith.constant 39 : i32
      %min3A_1320 = arith.minsi %add3A_1318, %min3A_1319 : i32
      %dma_start3A_1321 = arith.constant 0 : i32
      %dma_start3A_1322 = tpu.memref_slice %arg6[%min3A_1320, %dma_start3A_1321] : memref<40x64xi32, #tpu.memory_space<vmem>> -> memref<1x64xi32, #tpu.memory_space<vmem>>
      %dma_start3A_1323 = tpu.memref_squeeze %dma_start3A_1322 : memref<1x64xi32, #tpu.memory_space<vmem>> -> memref<64xi32, #tpu.memory_space<vmem>>
      %dma_start3A_1324 = arith.constant 0 : i32
      %dma_start3A_1325 = arith.constant 0 : i32
      %dma_start3A_1326 = tpu.memref_slice %arg2[%dma_start3A_1324, %dma_start3A_1325] : memref<10000x128xf32, #tpu.memory_space<hbm>> -> memref<10000x128xf32, #tpu.memory_space<hbm>>
      tpu.enqueue_indirect_dma source(%dma_start3A_1326 : memref<10000x128xf32, #tpu.memory_space<hbm>>) target(%arg11 : memref<64x128xf32, #tpu.memory_space<vmem>>) offsets(%dma_start3A_1323 : memref<64xi32, #tpu.memory_space<vmem>>) semaphore(%arg17 : memref<!tpu.dma_semaphore, #tpu.memory_space<semaphore_mem>>)
    }
    %dma_wait3A_942 = arith.constant 39 : i32
    %dma_wait3A_943 = arith.constant 0 : i32
    %dma_wait3A_944 = tpu.memref_slice %arg6[%dma_wait3A_942, %dma_wait3A_943] : memref<40x64xi32, #tpu.memory_space<vmem>> -> memref<1x64xi32, #tpu.memory_space<vmem>>
    %dma_wait3A_945 = tpu.memref_squeeze %dma_wait3A_944 : memref<1x64xi32, #tpu.memory_space<vmem>> -> memref<64xi32, #tpu.memory_space<vmem>>
    %dma_wait3A_946 = arith.constant 0 : i32
    %dma_wait3A_947 = arith.constant 0 : i32
    %dma_wait3A_948 = tpu.memref_slice %arg2[%dma_wait3A_946, %dma_wait3A_947] : memref<10000x128xf32, #tpu.memory_space<hbm>> -> memref<10000x128xf32, #tpu.memory_space<hbm>>
    tpu.wait_indirect_dma semaphore(%arg14 : memref<!tpu.dma_semaphore, #tpu.memory_space<semaphore_mem>>) src(%dma_wait3A_948 : memref<10000x128xf32, #tpu.memory_space<hbm>>) dst(%arg8 : memref<64x128xf32, #tpu.memory_space<vmem>>)
    %dma_wait3A_949 = arith.constant 39 : i32
    %dma_wait3A_950 = arith.constant 0 : i32
    %dma_wait3A_951 = tpu.memref_slice %arg6[%dma_wait3A_949, %dma_wait3A_950] : memref<40x64xi32, #tpu.memory_space<vmem>> -> memref<1x64xi32, #tpu.memory_space<vmem>>
    %dma_wait3A_952 = tpu.memref_squeeze %dma_wait3A_951 : memref<1x64xi32, #tpu.memory_space<vmem>> -> memref<64xi32, #tpu.memory_space<vmem>>
    %dma_wait3A_953 = arith.constant 0 : i32
    %dma_wait3A_954 = arith.constant 0 : i32
    %dma_wait3A_955 = tpu.memref_slice %arg2[%dma_wait3A_953, %dma_wait3A_954] : memref<10000x128xf32, #tpu.memory_space<hbm>> -> memref<10000x128xf32, #tpu.memory_space<hbm>>
    tpu.wait_indirect_dma semaphore(%arg15 : memref<!tpu.dma_semaphore, #tpu.memory_space<semaphore_mem>>) src(%dma_wait3A_955 : memref<10000x128xf32, #tpu.memory_space<hbm>>) dst(%arg9 : memref<64x128xf32, #tpu.memory_space<vmem>>)
    %dma_wait3A_956 = arith.constant 39 : i32
    %dma_wait3A_957 = arith.constant 0 : i32
    %dma_wait3A_958 = tpu.memref_slice %arg6[%dma_wait3A_956, %dma_wait3A_957] : memref<40x64xi32, #tpu.memory_space<vmem>> -> memref<1x64xi32, #tpu.memory_space<vmem>>
    %dma_wait3A_959 = tpu.memref_squeeze %dma_wait3A_958 : memref<1x64xi32, #tpu.memory_space<vmem>> -> memref<64xi32, #tpu.memory_space<vmem>>
    %dma_wait3A_960 = arith.constant 0 : i32
    %dma_wait3A_961 = arith.constant 0 : i32
    %dma_wait3A_962 = tpu.memref_slice %arg2[%dma_wait3A_960, %dma_wait3A_961] : memref<10000x128xf32, #tpu.memory_space<hbm>> -> memref<10000x128xf32, #tpu.memory_space<hbm>>
    tpu.wait_indirect_dma semaphore(%arg16 : memref<!tpu.dma_semaphore, #tpu.memory_space<semaphore_mem>>) src(%dma_wait3A_962 : memref<10000x128xf32, #tpu.memory_space<hbm>>) dst(%arg10 : memref<64x128xf32, #tpu.memory_space<vmem>>)
    %dma_wait3A_963 = arith.constant 39 : i32
    %dma_wait3A_964 = arith.constant 0 : i32
    %dma_wait3A_965 = tpu.memref_slice %arg6[%dma_wait3A_963, %dma_wait3A_964] : memref<40x64xi32, #tpu.memory_space<vmem>> -> memref<1x64xi32, #tpu.memory_space<vmem>>
    %dma_wait3A_966 = tpu.memref_squeeze %dma_wait3A_965 : memref<1x64xi32, #tpu.memory_space<vmem>> -> memref<64xi32, #tpu.memory_space<vmem>>
    %dma_wait3A_967 = arith.constant 0 : i32
    %dma_wait3A_968 = arith.constant 0 : i32
    %dma_wait3A_969 = tpu.memref_slice %arg2[%dma_wait3A_967, %dma_wait3A_968] : memref<10000x128xf32, #tpu.memory_space<hbm>> -> memref<10000x128xf32, #tpu.memory_space<hbm>>
    tpu.wait_indirect_dma semaphore(%arg17 : memref<!tpu.dma_semaphore, #tpu.memory_space<semaphore_mem>>) src(%dma_wait3A_969 : memref<10000x128xf32, #tpu.memory_space<hbm>>) dst(%arg11 : memref<64x128xf32, #tpu.memory_space<vmem>>)
    %add3A_970 = arith.constant 80 : i32
    %add3A_971 = arith.addi %mul3A_775, %add3A_970 : i32
    %min3A_972 = arith.constant 4960 : i32
    %min3A_973 = arith.minsi %add3A_971, %min3A_972 : i32
    %multiple_of3A_974 = tpu.assume_multiple %min3A_973, 8 : i32
    %sub3A_975 = arith.constant 80 : i32
    %sub3A_976 = arith.subi %min3A, %sub3A_975 : i32
    %jit3A_977 = arith.constant 0 : i32
    %jit3A_978 = arith.constant 40 : i32
    %max3A_979 = arith.maxsi %jit3A_977, %sub3A_976 : i32
    %min3A_980 = arith.minsi %jit3A_978, %max3A_979 : i32
    "tpu.region"() ({
      %run_scoped3A = tpu.sem_alloc : memref<!tpu.dma_semaphore, #tpu.memory_space<semaphore_mem>>
      %dma_start3A_1180 = arith.constant 0 : i32
      %dma_start3A_1181 = tpu.memref_slice %arg3[%multiple_of3A_974, %dma_start3A_1180] : memref<5000x64xi32, #tpu.memory_space<hbm>> -> memref<40x64xi32, #tpu.memory_space<hbm>>
      %dma_start3A_1182 = arith.constant 0 : i32
      %dma_start3A_1183 = tpu.memref_slice %arg3[%multiple_of3A_974, %dma_start3A_1182] : memref<5000x64xi32, #tpu.memory_space<hbm>> -> memref<40x64xi32, #tpu.memory_space<hbm>>
      tpu.enqueue_dma source(%dma_start3A_1183 : memref<40x64xi32, #tpu.memory_space<hbm>>) target(%arg6 : memref<40x64xi32, #tpu.memory_space<vmem>>) target_semaphore(%run_scoped3A : memref<!tpu.dma_semaphore, #tpu.memory_space<semaphore_mem>>)
      %dma_wait3A_1184 = arith.constant 0 : i32
      %dma_wait3A_1185 = tpu.memref_slice %arg3[%multiple_of3A_974, %dma_wait3A_1184] : memref<5000x64xi32, #tpu.memory_space<hbm>> -> memref<40x64xi32, #tpu.memory_space<hbm>>
      %dma_wait3A_1186 = arith.constant 0 : i32
      %dma_wait3A_1187 = tpu.memref_slice %arg3[%multiple_of3A_974, %dma_wait3A_1186] : memref<5000x64xi32, #tpu.memory_space<hbm>> -> memref<40x64xi32, #tpu.memory_space<hbm>>
      tpu.wait_dma2 semaphore(%run_scoped3A : memref<!tpu.dma_semaphore, #tpu.memory_space<semaphore_mem>>) src(%dma_wait3A_1187 : memref<40x64xi32, #tpu.memory_space<hbm>>) dst(%arg6 : memref<40x64xi32, #tpu.memory_space<vmem>>)
      tpu.yield
    }) : () -> ()
    "tpu.region"() ({
      %run_scoped3A = tpu.sem_alloc : memref<!tpu.dma_semaphore, #tpu.memory_space<semaphore_mem>>
      %dma_start3A_1180 = arith.constant 0 : i32
      %dma_start3A_1181 = tpu.memref_slice %arg4[%multiple_of3A_974, %dma_start3A_1180] : memref<5000x64xi32, #tpu.memory_space<hbm>> -> memref<40x64xi32, #tpu.memory_space<hbm>>
      %dma_start3A_1182 = arith.constant 0 : i32
      %dma_start3A_1183 = tpu.memref_slice %arg4[%multiple_of3A_974, %dma_start3A_1182] : memref<5000x64xi32, #tpu.memory_space<hbm>> -> memref<40x64xi32, #tpu.memory_space<hbm>>
      tpu.enqueue_dma source(%dma_start3A_1183 : memref<40x64xi32, #tpu.memory_space<hbm>>) target(%arg7 : memref<40x64xi32, #tpu.memory_space<vmem>>) target_semaphore(%run_scoped3A : memref<!tpu.dma_semaphore, #tpu.memory_space<semaphore_mem>>)
      %dma_wait3A_1184 = arith.constant 0 : i32
      %dma_wait3A_1185 = tpu.memref_slice %arg4[%multiple_of3A_974, %dma_wait3A_1184] : memref<5000x64xi32, #tpu.memory_space<hbm>> -> memref<40x64xi32, #tpu.memory_space<hbm>>
      %dma_wait3A_1186 = arith.constant 0 : i32
      %dma_wait3A_1187 = tpu.memref_slice %arg4[%multiple_of3A_974, %dma_wait3A_1186] : memref<5000x64xi32, #tpu.memory_space<hbm>> -> memref<40x64xi32, #tpu.memory_space<hbm>>
      tpu.wait_dma2 semaphore(%run_scoped3A : memref<!tpu.dma_semaphore, #tpu.memory_space<semaphore_mem>>) src(%dma_wait3A_1187 : memref<40x64xi32, #tpu.memory_space<hbm>>) dst(%arg7 : memref<40x64xi32, #tpu.memory_space<vmem>>)
      tpu.yield
    }) : () -> ()
    %dma_start3A_981 = arith.constant 0 : i32
    %dma_start3A_982 = arith.constant 0 : i32
    %dma_start3A_983 = tpu.memref_slice %arg6[%dma_start3A_981, %dma_start3A_982] : memref<40x64xi32, #tpu.memory_space<vmem>> -> memref<1x64xi32, #tpu.memory_space<vmem>>
    %dma_start3A_984 = tpu.memref_squeeze %dma_start3A_983 : memref<1x64xi32, #tpu.memory_space<vmem>> -> memref<64xi32, #tpu.memory_space<vmem>>
    %dma_start3A_985 = arith.constant 0 : i32
    %dma_start3A_986 = arith.constant 0 : i32
    %dma_start3A_987 = tpu.memref_slice %arg2[%dma_start3A_985, %dma_start3A_986] : memref<10000x128xf32, #tpu.memory_space<hbm>> -> memref<10000x128xf32, #tpu.memory_space<hbm>>
    tpu.enqueue_indirect_dma source(%dma_start3A_987 : memref<10000x128xf32, #tpu.memory_space<hbm>>) target(%arg8 : memref<64x128xf32, #tpu.memory_space<vmem>>) offsets(%dma_start3A_984 : memref<64xi32, #tpu.memory_space<vmem>>) semaphore(%arg14 : memref<!tpu.dma_semaphore, #tpu.memory_space<semaphore_mem>>)
    %dma_start3A_988 = arith.constant 1 : i32
    %dma_start3A_989 = arith.constant 0 : i32
    %dma_start3A_990 = tpu.memref_slice %arg6[%dma_start3A_988, %dma_start3A_989] : memref<40x64xi32, #tpu.memory_space<vmem>> -> memref<1x64xi32, #tpu.memory_space<vmem>>
    %dma_start3A_991 = tpu.memref_squeeze %dma_start3A_990 : memref<1x64xi32, #tpu.memory_space<vmem>> -> memref<64xi32, #tpu.memory_space<vmem>>
    %dma_start3A_992 = arith.constant 0 : i32
    %dma_start3A_993 = arith.constant 0 : i32
    %dma_start3A_994 = tpu.memref_slice %arg2[%dma_start3A_992, %dma_start3A_993] : memref<10000x128xf32, #tpu.memory_space<hbm>> -> memref<10000x128xf32, #tpu.memory_space<hbm>>
    tpu.enqueue_indirect_dma source(%dma_start3A_994 : memref<10000x128xf32, #tpu.memory_space<hbm>>) target(%arg9 : memref<64x128xf32, #tpu.memory_space<vmem>>) offsets(%dma_start3A_991 : memref<64xi32, #tpu.memory_space<vmem>>) semaphore(%arg15 : memref<!tpu.dma_semaphore, #tpu.memory_space<semaphore_mem>>)
    %dma_start3A_995 = arith.constant 2 : i32
    %dma_start3A_996 = arith.constant 0 : i32
    %dma_start3A_997 = tpu.memref_slice %arg6[%dma_start3A_995, %dma_start3A_996] : memref<40x64xi32, #tpu.memory_space<vmem>> -> memref<1x64xi32, #tpu.memory_space<vmem>>
    %dma_start3A_998 = tpu.memref_squeeze %dma_start3A_997 : memref<1x64xi32, #tpu.memory_space<vmem>> -> memref<64xi32, #tpu.memory_space<vmem>>
    %dma_start3A_999 = arith.constant 0 : i32
    %dma_start3A_1000 = arith.constant 0 : i32
    %dma_start3A_1001 = tpu.memref_slice %arg2[%dma_start3A_999, %dma_start3A_1000] : memref<10000x128xf32, #tpu.memory_space<hbm>> -> memref<10000x128xf32, #tpu.memory_space<hbm>>
    tpu.enqueue_indirect_dma source(%dma_start3A_1001 : memref<10000x128xf32, #tpu.memory_space<hbm>>) target(%arg10 : memref<64x128xf32, #tpu.memory_space<vmem>>) offsets(%dma_start3A_998 : memref<64xi32, #tpu.memory_space<vmem>>) semaphore(%arg16 : memref<!tpu.dma_semaphore, #tpu.memory_space<semaphore_mem>>)
    %dma_start3A_1002 = arith.constant 3 : i32
    %dma_start3A_1003 = arith.constant 0 : i32
    %dma_start3A_1004 = tpu.memref_slice %arg6[%dma_start3A_1002, %dma_start3A_1003] : memref<40x64xi32, #tpu.memory_space<vmem>> -> memref<1x64xi32, #tpu.memory_space<vmem>>
    %dma_start3A_1005 = tpu.memref_squeeze %dma_start3A_1004 : memref<1x64xi32, #tpu.memory_space<vmem>> -> memref<64xi32, #tpu.memory_space<vmem>>
    %dma_start3A_1006 = arith.constant 0 : i32
    %dma_start3A_1007 = arith.constant 0 : i32
    %dma_start3A_1008 = tpu.memref_slice %arg2[%dma_start3A_1006, %dma_start3A_1007] : memref<10000x128xf32, #tpu.memory_space<hbm>> -> memref<10000x128xf32, #tpu.memory_space<hbm>>
    tpu.enqueue_indirect_dma source(%dma_start3A_1008 : memref<10000x128xf32, #tpu.memory_space<hbm>>) target(%arg11 : memref<64x128xf32, #tpu.memory_space<vmem>>) offsets(%dma_start3A_1005 : memref<64xi32, #tpu.memory_space<vmem>>) semaphore(%arg17 : memref<!tpu.dma_semaphore, #tpu.memory_space<semaphore_mem>>)
    %jit3A_1009 = arith.constant 4 : i32
    %div3A_1010 = arith.divsi %min3A_980, %jit3A_1009 : i32
    %sign3A_1011 = arith.constant 0 : i32
    %sign3A_1012 = arith.cmpi sgt, %min3A_980, %sign3A_1011 : i32
    %sign3A_1013 = arith.extui %sign3A_1012 : i1 to i32
    %sign3A_1014 = arith.constant 0 : i32
    %sign3A_1015 = arith.cmpi slt, %min3A_980, %sign3A_1014 : i32
    %sign3A_1016 = arith.extui %sign3A_1015 : i1 to i32
    %sign3A_1017 = arith.subi %sign3A_1013, %sign3A_1016 : i32
    %sign3A_1018 = arith.constant 0 : i32
    %sign3A_1019 = arith.cmpi sgt, %jit3A_1009, %sign3A_1018 : i32
    %sign3A_1020 = arith.extui %sign3A_1019 : i1 to i32
    %sign3A_1021 = arith.constant 0 : i32
    %sign3A_1022 = arith.cmpi slt, %jit3A_1009, %sign3A_1021 : i32
    %sign3A_1023 = arith.extui %sign3A_1022 : i1 to i32
    %sign3A_1024 = arith.subi %sign3A_1020, %sign3A_1023 : i32
    %ne3A_1025 = arith.cmpi ne, %sign3A_1017, %sign3A_1024 : i32
    %rem3A_1026 = arith.remsi %min3A_980, %jit3A_1009 : i32
    %ne3A_1027 = arith.constant 0 : i32
    %ne3A_1028 = arith.cmpi ne, %rem3A_1026, %ne3A_1027 : i32
    %and3A_1029 = arith.andi %ne3A_1025, %ne3A_1028 : i1
    %sub3A_1030 = arith.constant 1 : i32
    %sub3A_1031 = arith.subi %div3A_1010, %sub3A_1030 : i32
    %select_n3A_1032 = arith.select %and3A_1029, %sub3A_1031, %div3A_1010 : i32
    %while3A_1033 = arith.constant 0 : i32
    %while3A_1034 = arith.constant 0 : i32
    %while3A_1035 = arith.subi %select_n3A_1032, %while3A_1034 : i32
    %while3A_1036 = arith.addi %while3A_1034, %while3A_1035 : i32
    %while3A_1037 = arith.constant 1 : i32
    %while3A_1038 = arith.divsi %while3A_1035, %while3A_1037 : i32
    %while3A_1039 = arith.muli %while3A_1038, %while3A_1037 : i32
    %while3A_1040 = arith.addi %while3A_1034, %while3A_1039 : i32
    %while3A_1041 = arith.constant 1 : i32
    scf.for %while3A_1180 = %while3A_1034 to %while3A_1040 step %while3A_1041  : i32 {
      %mul3A_1181 = arith.constant 4 : i32
      %mul3A_1182 = arith.muli %mul3A_1181, %while3A_1180 : i32
      %add3A_1183 = arith.constant 0 : i32
      %add3A_1184 = arith.addi %mul3A_1182, %add3A_1183 : i32
      %dma_wait3A_1185 = arith.constant 0 : i32
      %dma_wait3A_1186 = tpu.memref_slice %arg6[%add3A_1184, %dma_wait3A_1185] : memref<40x64xi32, #tpu.memory_space<vmem>> -> memref<1x64xi32, #tpu.memory_space<vmem>>
      %dma_wait3A_1187 = tpu.memref_squeeze %dma_wait3A_1186 : memref<1x64xi32, #tpu.memory_space<vmem>> -> memref<64xi32, #tpu.memory_space<vmem>>
      %dma_wait3A_1188 = arith.constant 0 : i32
      %dma_wait3A_1189 = arith.constant 0 : i32
      %dma_wait3A_1190 = tpu.memref_slice %arg2[%dma_wait3A_1188, %dma_wait3A_1189] : memref<10000x128xf32, #tpu.memory_space<hbm>> -> memref<10000x128xf32, #tpu.memory_space<hbm>>
      tpu.wait_indirect_dma semaphore(%arg14 : memref<!tpu.dma_semaphore, #tpu.memory_space<semaphore_mem>>) src(%dma_wait3A_1190 : memref<10000x128xf32, #tpu.memory_space<hbm>>) dst(%arg8 : memref<64x128xf32, #tpu.memory_space<vmem>>)
      %add3A_1191 = arith.constant 0 : i32
      %add3A_1192 = arith.addi %mul3A_1182, %add3A_1191 : i32
      %dma_start3A_1193 = arith.constant 0 : i32
      %dma_start3A_1194 = tpu.memref_slice %arg7[%add3A_1192, %dma_start3A_1193] : memref<40x64xi32, #tpu.memory_space<vmem>> -> memref<1x64xi32, #tpu.memory_space<vmem>>
      %dma_start3A_1195 = tpu.memref_squeeze %dma_start3A_1194 : memref<1x64xi32, #tpu.memory_space<vmem>> -> memref<64xi32, #tpu.memory_space<vmem>>
      %dma_start3A_1196 = arith.constant 0 : i32
      %dma_start3A_1197 = arith.constant 0 : i32
      %dma_start3A_1198 = tpu.memref_slice %arg13[%dma_start3A_1196, %dma_start3A_1197] : memref<10240x128xf32, #tpu.memory_space<vmem_shared>> -> memref<10240x128xf32, #tpu.memory_space<vmem_shared>>
      tpu.enqueue_indirect_dma source(%arg8 : memref<64x128xf32, #tpu.memory_space<vmem>>) target(%dma_start3A_1198 : memref<10240x128xf32, #tpu.memory_space<vmem_shared>>) offsets(%dma_start3A_1195 : memref<64xi32, #tpu.memory_space<vmem>>) semaphore(%arg18 : memref<!tpu.dma_semaphore, #tpu.memory_space<semaphore_mem>>) {add = true}
      %add3A_1199 = arith.constant 1 : i32
      %add3A_1200 = arith.addi %mul3A_1182, %add3A_1199 : i32
      %dma_wait3A_1201 = arith.constant 0 : i32
      %dma_wait3A_1202 = tpu.memref_slice %arg6[%add3A_1200, %dma_wait3A_1201] : memref<40x64xi32, #tpu.memory_space<vmem>> -> memref<1x64xi32, #tpu.memory_space<vmem>>
      %dma_wait3A_1203 = tpu.memref_squeeze %dma_wait3A_1202 : memref<1x64xi32, #tpu.memory_space<vmem>> -> memref<64xi32, #tpu.memory_space<vmem>>
      %dma_wait3A_1204 = arith.constant 0 : i32
      %dma_wait3A_1205 = arith.constant 0 : i32
      %dma_wait3A_1206 = tpu.memref_slice %arg2[%dma_wait3A_1204, %dma_wait3A_1205] : memref<10000x128xf32, #tpu.memory_space<hbm>> -> memref<10000x128xf32, #tpu.memory_space<hbm>>
      tpu.wait_indirect_dma semaphore(%arg15 : memref<!tpu.dma_semaphore, #tpu.memory_space<semaphore_mem>>) src(%dma_wait3A_1206 : memref<10000x128xf32, #tpu.memory_space<hbm>>) dst(%arg9 : memref<64x128xf32, #tpu.memory_space<vmem>>)
      %add3A_1207 = arith.constant 1 : i32
      %add3A_1208 = arith.addi %mul3A_1182, %add3A_1207 : i32
      %dma_start3A_1209 = arith.constant 0 : i32
      %dma_start3A_1210 = tpu.memref_slice %arg7[%add3A_1208, %dma_start3A_1209] : memref<40x64xi32, #tpu.memory_space<vmem>> -> memref<1x64xi32, #tpu.memory_space<vmem>>
      %dma_start3A_1211 = tpu.memref_squeeze %dma_start3A_1210 : memref<1x64xi32, #tpu.memory_space<vmem>> -> memref<64xi32, #tpu.memory_space<vmem>>
      %dma_start3A_1212 = arith.constant 0 : i32
      %dma_start3A_1213 = arith.constant 0 : i32
      %dma_start3A_1214 = tpu.memref_slice %arg13[%dma_start3A_1212, %dma_start3A_1213] : memref<10240x128xf32, #tpu.memory_space<vmem_shared>> -> memref<10240x128xf32, #tpu.memory_space<vmem_shared>>
      tpu.enqueue_indirect_dma source(%arg9 : memref<64x128xf32, #tpu.memory_space<vmem>>) target(%dma_start3A_1214 : memref<10240x128xf32, #tpu.memory_space<vmem_shared>>) offsets(%dma_start3A_1211 : memref<64xi32, #tpu.memory_space<vmem>>) semaphore(%arg19 : memref<!tpu.dma_semaphore, #tpu.memory_space<semaphore_mem>>) {add = true}
      %add3A_1215 = arith.constant 2 : i32
      %add3A_1216 = arith.addi %mul3A_1182, %add3A_1215 : i32
      %dma_wait3A_1217 = arith.constant 0 : i32
      %dma_wait3A_1218 = tpu.memref_slice %arg6[%add3A_1216, %dma_wait3A_1217] : memref<40x64xi32, #tpu.memory_space<vmem>> -> memref<1x64xi32, #tpu.memory_space<vmem>>
      %dma_wait3A_1219 = tpu.memref_squeeze %dma_wait3A_1218 : memref<1x64xi32, #tpu.memory_space<vmem>> -> memref<64xi32, #tpu.memory_space<vmem>>
      %dma_wait3A_1220 = arith.constant 0 : i32
      %dma_wait3A_1221 = arith.constant 0 : i32
      %dma_wait3A_1222 = tpu.memref_slice %arg2[%dma_wait3A_1220, %dma_wait3A_1221] : memref<10000x128xf32, #tpu.memory_space<hbm>> -> memref<10000x128xf32, #tpu.memory_space<hbm>>
      tpu.wait_indirect_dma semaphore(%arg16 : memref<!tpu.dma_semaphore, #tpu.memory_space<semaphore_mem>>) src(%dma_wait3A_1222 : memref<10000x128xf32, #tpu.memory_space<hbm>>) dst(%arg10 : memref<64x128xf32, #tpu.memory_space<vmem>>)
      %add3A_1223 = arith.constant 2 : i32
      %add3A_1224 = arith.addi %mul3A_1182, %add3A_1223 : i32
      %dma_start3A_1225 = arith.constant 0 : i32
      %dma_start3A_1226 = tpu.memref_slice %arg7[%add3A_1224, %dma_start3A_1225] : memref<40x64xi32, #tpu.memory_space<vmem>> -> memref<1x64xi32, #tpu.memory_space<vmem>>
      %dma_start3A_1227 = tpu.memref_squeeze %dma_start3A_1226 : memref<1x64xi32, #tpu.memory_space<vmem>> -> memref<64xi32, #tpu.memory_space<vmem>>
      %dma_start3A_1228 = arith.constant 0 : i32
      %dma_start3A_1229 = arith.constant 0 : i32
      %dma_start3A_1230 = tpu.memref_slice %arg13[%dma_start3A_1228, %dma_start3A_1229] : memref<10240x128xf32, #tpu.memory_space<vmem_shared>> -> memref<10240x128xf32, #tpu.memory_space<vmem_shared>>
      tpu.enqueue_indirect_dma source(%arg10 : memref<64x128xf32, #tpu.memory_space<vmem>>) target(%dma_start3A_1230 : memref<10240x128xf32, #tpu.memory_space<vmem_shared>>) offsets(%dma_start3A_1227 : memref<64xi32, #tpu.memory_space<vmem>>) semaphore(%arg20 : memref<!tpu.dma_semaphore, #tpu.memory_space<semaphore_mem>>) {add = true}
      %add3A_1231 = arith.constant 3 : i32
      %add3A_1232 = arith.addi %mul3A_1182, %add3A_1231 : i32
      %dma_wait3A_1233 = arith.constant 0 : i32
      %dma_wait3A_1234 = tpu.memref_slice %arg6[%add3A_1232, %dma_wait3A_1233] : memref<40x64xi32, #tpu.memory_space<vmem>> -> memref<1x64xi32, #tpu.memory_space<vmem>>
      %dma_wait3A_1235 = tpu.memref_squeeze %dma_wait3A_1234 : memref<1x64xi32, #tpu.memory_space<vmem>> -> memref<64xi32, #tpu.memory_space<vmem>>
      %dma_wait3A_1236 = arith.constant 0 : i32
      %dma_wait3A_1237 = arith.constant 0 : i32
      %dma_wait3A_1238 = tpu.memref_slice %arg2[%dma_wait3A_1236, %dma_wait3A_1237] : memref<10000x128xf32, #tpu.memory_space<hbm>> -> memref<10000x128xf32, #tpu.memory_space<hbm>>
      tpu.wait_indirect_dma semaphore(%arg17 : memref<!tpu.dma_semaphore, #tpu.memory_space<semaphore_mem>>) src(%dma_wait3A_1238 : memref<10000x128xf32, #tpu.memory_space<hbm>>) dst(%arg11 : memref<64x128xf32, #tpu.memory_space<vmem>>)
      %add3A_1239 = arith.constant 3 : i32
      %add3A_1240 = arith.addi %mul3A_1182, %add3A_1239 : i32
      %dma_start3A_1241 = arith.constant 0 : i32
      %dma_start3A_1242 = tpu.memref_slice %arg7[%add3A_1240, %dma_start3A_1241] : memref<40x64xi32, #tpu.memory_space<vmem>> -> memref<1x64xi32, #tpu.memory_space<vmem>>
      %dma_start3A_1243 = tpu.memref_squeeze %dma_start3A_1242 : memref<1x64xi32, #tpu.memory_space<vmem>> -> memref<64xi32, #tpu.memory_space<vmem>>
      %dma_start3A_1244 = arith.constant 0 : i32
      %dma_start3A_1245 = arith.constant 0 : i32
      %dma_start3A_1246 = tpu.memref_slice %arg13[%dma_start3A_1244, %dma_start3A_1245] : memref<10240x128xf32, #tpu.memory_space<vmem_shared>> -> memref<10240x128xf32, #tpu.memory_space<vmem_shared>>
      tpu.enqueue_indirect_dma source(%arg11 : memref<64x128xf32, #tpu.memory_space<vmem>>) target(%dma_start3A_1246 : memref<10240x128xf32, #tpu.memory_space<vmem_shared>>) offsets(%dma_start3A_1243 : memref<64xi32, #tpu.memory_space<vmem>>) semaphore(%arg21 : memref<!tpu.dma_semaphore, #tpu.memory_space<semaphore_mem>>) {add = true}
      %add3A_1247 = arith.constant 0 : i32
      %add3A_1248 = arith.addi %mul3A_1182, %add3A_1247 : i32
      %dma_wait3A_1249 = arith.constant 0 : i32
      %dma_wait3A_1250 = tpu.memref_slice %arg7[%add3A_1248, %dma_wait3A_1249] : memref<40x64xi32, #tpu.memory_space<vmem>> -> memref<1x64xi32, #tpu.memory_space<vmem>>
      %dma_wait3A_1251 = tpu.memref_squeeze %dma_wait3A_1250 : memref<1x64xi32, #tpu.memory_space<vmem>> -> memref<64xi32, #tpu.memory_space<vmem>>
      %dma_wait3A_1252 = arith.constant 0 : i32
      %dma_wait3A_1253 = arith.constant 0 : i32
      %dma_wait3A_1254 = tpu.memref_slice %arg13[%dma_wait3A_1252, %dma_wait3A_1253] : memref<10240x128xf32, #tpu.memory_space<vmem_shared>> -> memref<10240x128xf32, #tpu.memory_space<vmem_shared>>
      tpu.wait_indirect_dma semaphore(%arg18 : memref<!tpu.dma_semaphore, #tpu.memory_space<semaphore_mem>>) src(%arg8 : memref<64x128xf32, #tpu.memory_space<vmem>>) dst(%dma_wait3A_1254 : memref<10240x128xf32, #tpu.memory_space<vmem_shared>>)
      %add3A_1255 = arith.constant 4 : i32
      %add3A_1256 = arith.addi %mul3A_1182, %add3A_1255 : i32
      %add3A_1257 = arith.constant 0 : i32
      %add3A_1258 = arith.addi %add3A_1256, %add3A_1257 : i32
      %min3A_1259 = arith.constant 39 : i32
      %min3A_1260 = arith.minsi %add3A_1258, %min3A_1259 : i32
      %dma_start3A_1261 = arith.constant 0 : i32
      %dma_start3A_1262 = tpu.memref_slice %arg6[%min3A_1260, %dma_start3A_1261] : memref<40x64xi32, #tpu.memory_space<vmem>> -> memref<1x64xi32, #tpu.memory_space<vmem>>
      %dma_start3A_1263 = tpu.memref_squeeze %dma_start3A_1262 : memref<1x64xi32, #tpu.memory_space<vmem>> -> memref<64xi32, #tpu.memory_space<vmem>>
      %dma_start3A_1264 = arith.constant 0 : i32
      %dma_start3A_1265 = arith.constant 0 : i32
      %dma_start3A_1266 = tpu.memref_slice %arg2[%dma_start3A_1264, %dma_start3A_1265] : memref<10000x128xf32, #tpu.memory_space<hbm>> -> memref<10000x128xf32, #tpu.memory_space<hbm>>
      tpu.enqueue_indirect_dma source(%dma_start3A_1266 : memref<10000x128xf32, #tpu.memory_space<hbm>>) target(%arg8 : memref<64x128xf32, #tpu.memory_space<vmem>>) offsets(%dma_start3A_1263 : memref<64xi32, #tpu.memory_space<vmem>>) semaphore(%arg14 : memref<!tpu.dma_semaphore, #tpu.memory_space<semaphore_mem>>)
      %add3A_1267 = arith.constant 1 : i32
      %add3A_1268 = arith.addi %mul3A_1182, %add3A_1267 : i32
      %dma_wait3A_1269 = arith.constant 0 : i32
      %dma_wait3A_1270 = tpu.memref_slice %arg7[%add3A_1268, %dma_wait3A_1269] : memref<40x64xi32, #tpu.memory_space<vmem>> -> memref<1x64xi32, #tpu.memory_space<vmem>>
      %dma_wait3A_1271 = tpu.memref_squeeze %dma_wait3A_1270 : memref<1x64xi32, #tpu.memory_space<vmem>> -> memref<64xi32, #tpu.memory_space<vmem>>
      %dma_wait3A_1272 = arith.constant 0 : i32
      %dma_wait3A_1273 = arith.constant 0 : i32
      %dma_wait3A_1274 = tpu.memref_slice %arg13[%dma_wait3A_1272, %dma_wait3A_1273] : memref<10240x128xf32, #tpu.memory_space<vmem_shared>> -> memref<10240x128xf32, #tpu.memory_space<vmem_shared>>
      tpu.wait_indirect_dma semaphore(%arg19 : memref<!tpu.dma_semaphore, #tpu.memory_space<semaphore_mem>>) src(%arg9 : memref<64x128xf32, #tpu.memory_space<vmem>>) dst(%dma_wait3A_1274 : memref<10240x128xf32, #tpu.memory_space<vmem_shared>>)
      %add3A_1275 = arith.constant 4 : i32
      %add3A_1276 = arith.addi %mul3A_1182, %add3A_1275 : i32
      %add3A_1277 = arith.constant 1 : i32
      %add3A_1278 = arith.addi %add3A_1276, %add3A_1277 : i32
      %min3A_1279 = arith.constant 39 : i32
      %min3A_1280 = arith.minsi %add3A_1278, %min3A_1279 : i32
      %dma_start3A_1281 = arith.constant 0 : i32
      %dma_start3A_1282 = tpu.memref_slice %arg6[%min3A_1280, %dma_start3A_1281] : memref<40x64xi32, #tpu.memory_space<vmem>> -> memref<1x64xi32, #tpu.memory_space<vmem>>
      %dma_start3A_1283 = tpu.memref_squeeze %dma_start3A_1282 : memref<1x64xi32, #tpu.memory_space<vmem>> -> memref<64xi32, #tpu.memory_space<vmem>>
      %dma_start3A_1284 = arith.constant 0 : i32
      %dma_start3A_1285 = arith.constant 0 : i32
      %dma_start3A_1286 = tpu.memref_slice %arg2[%dma_start3A_1284, %dma_start3A_1285] : memref<10000x128xf32, #tpu.memory_space<hbm>> -> memref<10000x128xf32, #tpu.memory_space<hbm>>
      tpu.enqueue_indirect_dma source(%dma_start3A_1286 : memref<10000x128xf32, #tpu.memory_space<hbm>>) target(%arg9 : memref<64x128xf32, #tpu.memory_space<vmem>>) offsets(%dma_start3A_1283 : memref<64xi32, #tpu.memory_space<vmem>>) semaphore(%arg15 : memref<!tpu.dma_semaphore, #tpu.memory_space<semaphore_mem>>)
      %add3A_1287 = arith.constant 2 : i32
      %add3A_1288 = arith.addi %mul3A_1182, %add3A_1287 : i32
      %dma_wait3A_1289 = arith.constant 0 : i32
      %dma_wait3A_1290 = tpu.memref_slice %arg7[%add3A_1288, %dma_wait3A_1289] : memref<40x64xi32, #tpu.memory_space<vmem>> -> memref<1x64xi32, #tpu.memory_space<vmem>>
      %dma_wait3A_1291 = tpu.memref_squeeze %dma_wait3A_1290 : memref<1x64xi32, #tpu.memory_space<vmem>> -> memref<64xi32, #tpu.memory_space<vmem>>
      %dma_wait3A_1292 = arith.constant 0 : i32
      %dma_wait3A_1293 = arith.constant 0 : i32
      %dma_wait3A_1294 = tpu.memref_slice %arg13[%dma_wait3A_1292, %dma_wait3A_1293] : memref<10240x128xf32, #tpu.memory_space<vmem_shared>> -> memref<10240x128xf32, #tpu.memory_space<vmem_shared>>
      tpu.wait_indirect_dma semaphore(%arg20 : memref<!tpu.dma_semaphore, #tpu.memory_space<semaphore_mem>>) src(%arg10 : memref<64x128xf32, #tpu.memory_space<vmem>>) dst(%dma_wait3A_1294 : memref<10240x128xf32, #tpu.memory_space<vmem_shared>>)
      %add3A_1295 = arith.constant 4 : i32
      %add3A_1296 = arith.addi %mul3A_1182, %add3A_1295 : i32
      %add3A_1297 = arith.constant 2 : i32
      %add3A_1298 = arith.addi %add3A_1296, %add3A_1297 : i32
      %min3A_1299 = arith.constant 39 : i32
      %min3A_1300 = arith.minsi %add3A_1298, %min3A_1299 : i32
      %dma_start3A_1301 = arith.constant 0 : i32
      %dma_start3A_1302 = tpu.memref_slice %arg6[%min3A_1300, %dma_start3A_1301] : memref<40x64xi32, #tpu.memory_space<vmem>> -> memref<1x64xi32, #tpu.memory_space<vmem>>
      %dma_start3A_1303 = tpu.memref_squeeze %dma_start3A_1302 : memref<1x64xi32, #tpu.memory_space<vmem>> -> memref<64xi32, #tpu.memory_space<vmem>>
      %dma_start3A_1304 = arith.constant 0 : i32
      %dma_start3A_1305 = arith.constant 0 : i32
      %dma_start3A_1306 = tpu.memref_slice %arg2[%dma_start3A_1304, %dma_start3A_1305] : memref<10000x128xf32, #tpu.memory_space<hbm>> -> memref<10000x128xf32, #tpu.memory_space<hbm>>
      tpu.enqueue_indirect_dma source(%dma_start3A_1306 : memref<10000x128xf32, #tpu.memory_space<hbm>>) target(%arg10 : memref<64x128xf32, #tpu.memory_space<vmem>>) offsets(%dma_start3A_1303 : memref<64xi32, #tpu.memory_space<vmem>>) semaphore(%arg16 : memref<!tpu.dma_semaphore, #tpu.memory_space<semaphore_mem>>)
      %add3A_1307 = arith.constant 3 : i32
      %add3A_1308 = arith.addi %mul3A_1182, %add3A_1307 : i32
      %dma_wait3A_1309 = arith.constant 0 : i32
      %dma_wait3A_1310 = tpu.memref_slice %arg7[%add3A_1308, %dma_wait3A_1309] : memref<40x64xi32, #tpu.memory_space<vmem>> -> memref<1x64xi32, #tpu.memory_space<vmem>>
      %dma_wait3A_1311 = tpu.memref_squeeze %dma_wait3A_1310 : memref<1x64xi32, #tpu.memory_space<vmem>> -> memref<64xi32, #tpu.memory_space<vmem>>
      %dma_wait3A_1312 = arith.constant 0 : i32
      %dma_wait3A_1313 = arith.constant 0 : i32
      %dma_wait3A_1314 = tpu.memref_slice %arg13[%dma_wait3A_1312, %dma_wait3A_1313] : memref<10240x128xf32, #tpu.memory_space<vmem_shared>> -> memref<10240x128xf32, #tpu.memory_space<vmem_shared>>
      tpu.wait_indirect_dma semaphore(%arg21 : memref<!tpu.dma_semaphore, #tpu.memory_space<semaphore_mem>>) src(%arg11 : memref<64x128xf32, #tpu.memory_space<vmem>>) dst(%dma_wait3A_1314 : memref<10240x128xf32, #tpu.memory_space<vmem_shared>>)
      %add3A_1315 = arith.constant 4 : i32
      %add3A_1316 = arith.addi %mul3A_1182, %add3A_1315 : i32
      %add3A_1317 = arith.constant 3 : i32
      %add3A_1318 = arith.addi %add3A_1316, %add3A_1317 : i32
      %min3A_1319 = arith.constant 39 : i32
      %min3A_1320 = arith.minsi %add3A_1318, %min3A_1319 : i32
      %dma_start3A_1321 = arith.constant 0 : i32
      %dma_start3A_1322 = tpu.memref_slice %arg6[%min3A_1320, %dma_start3A_1321] : memref<40x64xi32, #tpu.memory_space<vmem>> -> memref<1x64xi32, #tpu.memory_space<vmem>>
      %dma_start3A_1323 = tpu.memref_squeeze %dma_start3A_1322 : memref<1x64xi32, #tpu.memory_space<vmem>> -> memref<64xi32, #tpu.memory_space<vmem>>
      %dma_start3A_1324 = arith.constant 0 : i32
      %dma_start3A_1325 = arith.constant 0 : i32
      %dma_start3A_1326 = tpu.memref_slice %arg2[%dma_start3A_1324, %dma_start3A_1325] : memref<10000x128xf32, #tpu.memory_space<hbm>> -> memref<10000x128xf32, #tpu.memory_space<hbm>>
      tpu.enqueue_indirect_dma source(%dma_start3A_1326 : memref<10000x128xf32, #tpu.memory_space<hbm>>) target(%arg11 : memref<64x128xf32, #tpu.memory_space<vmem>>) offsets(%dma_start3A_1323 : memref<64xi32, #tpu.memory_space<vmem>>) semaphore(%arg17 : memref<!tpu.dma_semaphore, #tpu.memory_space<semaphore_mem>>)
    }
    %while3A_1042 = arith.constant 1 : i32
    scf.for %while3A_1180 = %while3A_1040 to %while3A_1036 step %while3A_1042  : i32 {
      %mul3A_1181 = arith.constant 4 : i32
      %mul3A_1182 = arith.muli %mul3A_1181, %while3A_1180 : i32
      %add3A_1183 = arith.constant 0 : i32
      %add3A_1184 = arith.addi %mul3A_1182, %add3A_1183 : i32
      %dma_wait3A_1185 = arith.constant 0 : i32
      %dma_wait3A_1186 = tpu.memref_slice %arg6[%add3A_1184, %dma_wait3A_1185] : memref<40x64xi32, #tpu.memory_space<vmem>> -> memref<1x64xi32, #tpu.memory_space<vmem>>
      %dma_wait3A_1187 = tpu.memref_squeeze %dma_wait3A_1186 : memref<1x64xi32, #tpu.memory_space<vmem>> -> memref<64xi32, #tpu.memory_space<vmem>>
      %dma_wait3A_1188 = arith.constant 0 : i32
      %dma_wait3A_1189 = arith.constant 0 : i32
      %dma_wait3A_1190 = tpu.memref_slice %arg2[%dma_wait3A_1188, %dma_wait3A_1189] : memref<10000x128xf32, #tpu.memory_space<hbm>> -> memref<10000x128xf32, #tpu.memory_space<hbm>>
      tpu.wait_indirect_dma semaphore(%arg14 : memref<!tpu.dma_semaphore, #tpu.memory_space<semaphore_mem>>) src(%dma_wait3A_1190 : memref<10000x128xf32, #tpu.memory_space<hbm>>) dst(%arg8 : memref<64x128xf32, #tpu.memory_space<vmem>>)
      %add3A_1191 = arith.constant 0 : i32
      %add3A_1192 = arith.addi %mul3A_1182, %add3A_1191 : i32
      %dma_start3A_1193 = arith.constant 0 : i32
      %dma_start3A_1194 = tpu.memref_slice %arg7[%add3A_1192, %dma_start3A_1193] : memref<40x64xi32, #tpu.memory_space<vmem>> -> memref<1x64xi32, #tpu.memory_space<vmem>>
      %dma_start3A_1195 = tpu.memref_squeeze %dma_start3A_1194 : memref<1x64xi32, #tpu.memory_space<vmem>> -> memref<64xi32, #tpu.memory_space<vmem>>
      %dma_start3A_1196 = arith.constant 0 : i32
      %dma_start3A_1197 = arith.constant 0 : i32
      %dma_start3A_1198 = tpu.memref_slice %arg13[%dma_start3A_1196, %dma_start3A_1197] : memref<10240x128xf32, #tpu.memory_space<vmem_shared>> -> memref<10240x128xf32, #tpu.memory_space<vmem_shared>>
      tpu.enqueue_indirect_dma source(%arg8 : memref<64x128xf32, #tpu.memory_space<vmem>>) target(%dma_start3A_1198 : memref<10240x128xf32, #tpu.memory_space<vmem_shared>>) offsets(%dma_start3A_1195 : memref<64xi32, #tpu.memory_space<vmem>>) semaphore(%arg18 : memref<!tpu.dma_semaphore, #tpu.memory_space<semaphore_mem>>) {add = true}
      %add3A_1199 = arith.constant 1 : i32
      %add3A_1200 = arith.addi %mul3A_1182, %add3A_1199 : i32
      %dma_wait3A_1201 = arith.constant 0 : i32
      %dma_wait3A_1202 = tpu.memref_slice %arg6[%add3A_1200, %dma_wait3A_1201] : memref<40x64xi32, #tpu.memory_space<vmem>> -> memref<1x64xi32, #tpu.memory_space<vmem>>
      %dma_wait3A_1203 = tpu.memref_squeeze %dma_wait3A_1202 : memref<1x64xi32, #tpu.memory_space<vmem>> -> memref<64xi32, #tpu.memory_space<vmem>>
      %dma_wait3A_1204 = arith.constant 0 : i32
      %dma_wait3A_1205 = arith.constant 0 : i32
      %dma_wait3A_1206 = tpu.memref_slice %arg2[%dma_wait3A_1204, %dma_wait3A_1205] : memref<10000x128xf32, #tpu.memory_space<hbm>> -> memref<10000x128xf32, #tpu.memory_space<hbm>>
      tpu.wait_indirect_dma semaphore(%arg15 : memref<!tpu.dma_semaphore, #tpu.memory_space<semaphore_mem>>) src(%dma_wait3A_1206 : memref<10000x128xf32, #tpu.memory_space<hbm>>) dst(%arg9 : memref<64x128xf32, #tpu.memory_space<vmem>>)
      %add3A_1207 = arith.constant 1 : i32
      %add3A_1208 = arith.addi %mul3A_1182, %add3A_1207 : i32
      %dma_start3A_1209 = arith.constant 0 : i32
      %dma_start3A_1210 = tpu.memref_slice %arg7[%add3A_1208, %dma_start3A_1209] : memref<40x64xi32, #tpu.memory_space<vmem>> -> memref<1x64xi32, #tpu.memory_space<vmem>>
      %dma_start3A_1211 = tpu.memref_squeeze %dma_start3A_1210 : memref<1x64xi32, #tpu.memory_space<vmem>> -> memref<64xi32, #tpu.memory_space<vmem>>
      %dma_start3A_1212 = arith.constant 0 : i32
      %dma_start3A_1213 = arith.constant 0 : i32
      %dma_start3A_1214 = tpu.memref_slice %arg13[%dma_start3A_1212, %dma_start3A_1213] : memref<10240x128xf32, #tpu.memory_space<vmem_shared>> -> memref<10240x128xf32, #tpu.memory_space<vmem_shared>>
      tpu.enqueue_indirect_dma source(%arg9 : memref<64x128xf32, #tpu.memory_space<vmem>>) target(%dma_start3A_1214 : memref<10240x128xf32, #tpu.memory_space<vmem_shared>>) offsets(%dma_start3A_1211 : memref<64xi32, #tpu.memory_space<vmem>>) semaphore(%arg19 : memref<!tpu.dma_semaphore, #tpu.memory_space<semaphore_mem>>) {add = true}
      %add3A_1215 = arith.constant 2 : i32
      %add3A_1216 = arith.addi %mul3A_1182, %add3A_1215 : i32
      %dma_wait3A_1217 = arith.constant 0 : i32
      %dma_wait3A_1218 = tpu.memref_slice %arg6[%add3A_1216, %dma_wait3A_1217] : memref<40x64xi32, #tpu.memory_space<vmem>> -> memref<1x64xi32, #tpu.memory_space<vmem>>
      %dma_wait3A_1219 = tpu.memref_squeeze %dma_wait3A_1218 : memref<1x64xi32, #tpu.memory_space<vmem>> -> memref<64xi32, #tpu.memory_space<vmem>>
      %dma_wait3A_1220 = arith.constant 0 : i32
      %dma_wait3A_1221 = arith.constant 0 : i32
      %dma_wait3A_1222 = tpu.memref_slice %arg2[%dma_wait3A_1220, %dma_wait3A_1221] : memref<10000x128xf32, #tpu.memory_space<hbm>> -> memref<10000x128xf32, #tpu.memory_space<hbm>>
      tpu.wait_indirect_dma semaphore(%arg16 : memref<!tpu.dma_semaphore, #tpu.memory_space<semaphore_mem>>) src(%dma_wait3A_1222 : memref<10000x128xf32, #tpu.memory_space<hbm>>) dst(%arg10 : memref<64x128xf32, #tpu.memory_space<vmem>>)
      %add3A_1223 = arith.constant 2 : i32
      %add3A_1224 = arith.addi %mul3A_1182, %add3A_1223 : i32
      %dma_start3A_1225 = arith.constant 0 : i32
      %dma_start3A_1226 = tpu.memref_slice %arg7[%add3A_1224, %dma_start3A_1225] : memref<40x64xi32, #tpu.memory_space<vmem>> -> memref<1x64xi32, #tpu.memory_space<vmem>>
      %dma_start3A_1227 = tpu.memref_squeeze %dma_start3A_1226 : memref<1x64xi32, #tpu.memory_space<vmem>> -> memref<64xi32, #tpu.memory_space<vmem>>
      %dma_start3A_1228 = arith.constant 0 : i32
      %dma_start3A_1229 = arith.constant 0 : i32
      %dma_start3A_1230 = tpu.memref_slice %arg13[%dma_start3A_1228, %dma_start3A_1229] : memref<10240x128xf32, #tpu.memory_space<vmem_shared>> -> memref<10240x128xf32, #tpu.memory_space<vmem_shared>>
      tpu.enqueue_indirect_dma source(%arg10 : memref<64x128xf32, #tpu.memory_space<vmem>>) target(%dma_start3A_1230 : memref<10240x128xf32, #tpu.memory_space<vmem_shared>>) offsets(%dma_start3A_1227 : memref<64xi32, #tpu.memory_space<vmem>>) semaphore(%arg20 : memref<!tpu.dma_semaphore, #tpu.memory_space<semaphore_mem>>) {add = true}
      %add3A_1231 = arith.constant 3 : i32
      %add3A_1232 = arith.addi %mul3A_1182, %add3A_1231 : i32
      %dma_wait3A_1233 = arith.constant 0 : i32
      %dma_wait3A_1234 = tpu.memref_slice %arg6[%add3A_1232, %dma_wait3A_1233] : memref<40x64xi32, #tpu.memory_space<vmem>> -> memref<1x64xi32, #tpu.memory_space<vmem>>
      %dma_wait3A_1235 = tpu.memref_squeeze %dma_wait3A_1234 : memref<1x64xi32, #tpu.memory_space<vmem>> -> memref<64xi32, #tpu.memory_space<vmem>>
      %dma_wait3A_1236 = arith.constant 0 : i32
      %dma_wait3A_1237 = arith.constant 0 : i32
      %dma_wait3A_1238 = tpu.memref_slice %arg2[%dma_wait3A_1236, %dma_wait3A_1237] : memref<10000x128xf32, #tpu.memory_space<hbm>> -> memref<10000x128xf32, #tpu.memory_space<hbm>>
      tpu.wait_indirect_dma semaphore(%arg17 : memref<!tpu.dma_semaphore, #tpu.memory_space<semaphore_mem>>) src(%dma_wait3A_1238 : memref<10000x128xf32, #tpu.memory_space<hbm>>) dst(%arg11 : memref<64x128xf32, #tpu.memory_space<vmem>>)
      %add3A_1239 = arith.constant 3 : i32
      %add3A_1240 = arith.addi %mul3A_1182, %add3A_1239 : i32
      %dma_start3A_1241 = arith.constant 0 : i32
      %dma_start3A_1242 = tpu.memref_slice %arg7[%add3A_1240, %dma_start3A_1241] : memref<40x64xi32, #tpu.memory_space<vmem>> -> memref<1x64xi32, #tpu.memory_space<vmem>>
      %dma_start3A_1243 = tpu.memref_squeeze %dma_start3A_1242 : memref<1x64xi32, #tpu.memory_space<vmem>> -> memref<64xi32, #tpu.memory_space<vmem>>
      %dma_start3A_1244 = arith.constant 0 : i32
      %dma_start3A_1245 = arith.constant 0 : i32
      %dma_start3A_1246 = tpu.memref_slice %arg13[%dma_start3A_1244, %dma_start3A_1245] : memref<10240x128xf32, #tpu.memory_space<vmem_shared>> -> memref<10240x128xf32, #tpu.memory_space<vmem_shared>>
      tpu.enqueue_indirect_dma source(%arg11 : memref<64x128xf32, #tpu.memory_space<vmem>>) target(%dma_start3A_1246 : memref<10240x128xf32, #tpu.memory_space<vmem_shared>>) offsets(%dma_start3A_1243 : memref<64xi32, #tpu.memory_space<vmem>>) semaphore(%arg21 : memref<!tpu.dma_semaphore, #tpu.memory_space<semaphore_mem>>) {add = true}
      %add3A_1247 = arith.constant 0 : i32
      %add3A_1248 = arith.addi %mul3A_1182, %add3A_1247 : i32
      %dma_wait3A_1249 = arith.constant 0 : i32
      %dma_wait3A_1250 = tpu.memref_slice %arg7[%add3A_1248, %dma_wait3A_1249] : memref<40x64xi32, #tpu.memory_space<vmem>> -> memref<1x64xi32, #tpu.memory_space<vmem>>
      %dma_wait3A_1251 = tpu.memref_squeeze %dma_wait3A_1250 : memref<1x64xi32, #tpu.memory_space<vmem>> -> memref<64xi32, #tpu.memory_space<vmem>>
      %dma_wait3A_1252 = arith.constant 0 : i32
      %dma_wait3A_1253 = arith.constant 0 : i32
      %dma_wait3A_1254 = tpu.memref_slice %arg13[%dma_wait3A_1252, %dma_wait3A_1253] : memref<10240x128xf32, #tpu.memory_space<vmem_shared>> -> memref<10240x128xf32, #tpu.memory_space<vmem_shared>>
      tpu.wait_indirect_dma semaphore(%arg18 : memref<!tpu.dma_semaphore, #tpu.memory_space<semaphore_mem>>) src(%arg8 : memref<64x128xf32, #tpu.memory_space<vmem>>) dst(%dma_wait3A_1254 : memref<10240x128xf32, #tpu.memory_space<vmem_shared>>)
      %add3A_1255 = arith.constant 4 : i32
      %add3A_1256 = arith.addi %mul3A_1182, %add3A_1255 : i32
      %add3A_1257 = arith.constant 0 : i32
      %add3A_1258 = arith.addi %add3A_1256, %add3A_1257 : i32
      %min3A_1259 = arith.constant 39 : i32
      %min3A_1260 = arith.minsi %add3A_1258, %min3A_1259 : i32
      %dma_start3A_1261 = arith.constant 0 : i32
      %dma_start3A_1262 = tpu.memref_slice %arg6[%min3A_1260, %dma_start3A_1261] : memref<40x64xi32, #tpu.memory_space<vmem>> -> memref<1x64xi32, #tpu.memory_space<vmem>>
      %dma_start3A_1263 = tpu.memref_squeeze %dma_start3A_1262 : memref<1x64xi32, #tpu.memory_space<vmem>> -> memref<64xi32, #tpu.memory_space<vmem>>
      %dma_start3A_1264 = arith.constant 0 : i32
      %dma_start3A_1265 = arith.constant 0 : i32
      %dma_start3A_1266 = tpu.memref_slice %arg2[%dma_start3A_1264, %dma_start3A_1265] : memref<10000x128xf32, #tpu.memory_space<hbm>> -> memref<10000x128xf32, #tpu.memory_space<hbm>>
      tpu.enqueue_indirect_dma source(%dma_start3A_1266 : memref<10000x128xf32, #tpu.memory_space<hbm>>) target(%arg8 : memref<64x128xf32, #tpu.memory_space<vmem>>) offsets(%dma_start3A_1263 : memref<64xi32, #tpu.memory_space<vmem>>) semaphore(%arg14 : memref<!tpu.dma_semaphore, #tpu.memory_space<semaphore_mem>>)
      %add3A_1267 = arith.constant 1 : i32
      %add3A_1268 = arith.addi %mul3A_1182, %add3A_1267 : i32
      %dma_wait3A_1269 = arith.constant 0 : i32
      %dma_wait3A_1270 = tpu.memref_slice %arg7[%add3A_1268, %dma_wait3A_1269] : memref<40x64xi32, #tpu.memory_space<vmem>> -> memref<1x64xi32, #tpu.memory_space<vmem>>
      %dma_wait3A_1271 = tpu.memref_squeeze %dma_wait3A_1270 : memref<1x64xi32, #tpu.memory_space<vmem>> -> memref<64xi32, #tpu.memory_space<vmem>>
      %dma_wait3A_1272 = arith.constant 0 : i32
      %dma_wait3A_1273 = arith.constant 0 : i32
      %dma_wait3A_1274 = tpu.memref_slice %arg13[%dma_wait3A_1272, %dma_wait3A_1273] : memref<10240x128xf32, #tpu.memory_space<vmem_shared>> -> memref<10240x128xf32, #tpu.memory_space<vmem_shared>>
      tpu.wait_indirect_dma semaphore(%arg19 : memref<!tpu.dma_semaphore, #tpu.memory_space<semaphore_mem>>) src(%arg9 : memref<64x128xf32, #tpu.memory_space<vmem>>) dst(%dma_wait3A_1274 : memref<10240x128xf32, #tpu.memory_space<vmem_shared>>)
      %add3A_1275 = arith.constant 4 : i32
      %add3A_1276 = arith.addi %mul3A_1182, %add3A_1275 : i32
      %add3A_1277 = arith.constant 1 : i32
      %add3A_1278 = arith.addi %add3A_1276, %add3A_1277 : i32
      %min3A_1279 = arith.constant 39 : i32
      %min3A_1280 = arith.minsi %add3A_1278, %min3A_1279 : i32
      %dma_start3A_1281 = arith.constant 0 : i32
      %dma_start3A_1282 = tpu.memref_slice %arg6[%min3A_1280, %dma_start3A_1281] : memref<40x64xi32, #tpu.memory_space<vmem>> -> memref<1x64xi32, #tpu.memory_space<vmem>>
      %dma_start3A_1283 = tpu.memref_squeeze %dma_start3A_1282 : memref<1x64xi32, #tpu.memory_space<vmem>> -> memref<64xi32, #tpu.memory_space<vmem>>
      %dma_start3A_1284 = arith.constant 0 : i32
      %dma_start3A_1285 = arith.constant 0 : i32
      %dma_start3A_1286 = tpu.memref_slice %arg2[%dma_start3A_1284, %dma_start3A_1285] : memref<10000x128xf32, #tpu.memory_space<hbm>> -> memref<10000x128xf32, #tpu.memory_space<hbm>>
      tpu.enqueue_indirect_dma source(%dma_start3A_1286 : memref<10000x128xf32, #tpu.memory_space<hbm>>) target(%arg9 : memref<64x128xf32, #tpu.memory_space<vmem>>) offsets(%dma_start3A_1283 : memref<64xi32, #tpu.memory_space<vmem>>) semaphore(%arg15 : memref<!tpu.dma_semaphore, #tpu.memory_space<semaphore_mem>>)
      %add3A_1287 = arith.constant 2 : i32
      %add3A_1288 = arith.addi %mul3A_1182, %add3A_1287 : i32
      %dma_wait3A_1289 = arith.constant 0 : i32
      %dma_wait3A_1290 = tpu.memref_slice %arg7[%add3A_1288, %dma_wait3A_1289] : memref<40x64xi32, #tpu.memory_space<vmem>> -> memref<1x64xi32, #tpu.memory_space<vmem>>
      %dma_wait3A_1291 = tpu.memref_squeeze %dma_wait3A_1290 : memref<1x64xi32, #tpu.memory_space<vmem>> -> memref<64xi32, #tpu.memory_space<vmem>>
      %dma_wait3A_1292 = arith.constant 0 : i32
      %dma_wait3A_1293 = arith.constant 0 : i32
      %dma_wait3A_1294 = tpu.memref_slice %arg13[%dma_wait3A_1292, %dma_wait3A_1293] : memref<10240x128xf32, #tpu.memory_space<vmem_shared>> -> memref<10240x128xf32, #tpu.memory_space<vmem_shared>>
      tpu.wait_indirect_dma semaphore(%arg20 : memref<!tpu.dma_semaphore, #tpu.memory_space<semaphore_mem>>) src(%arg10 : memref<64x128xf32, #tpu.memory_space<vmem>>) dst(%dma_wait3A_1294 : memref<10240x128xf32, #tpu.memory_space<vmem_shared>>)
      %add3A_1295 = arith.constant 4 : i32
      %add3A_1296 = arith.addi %mul3A_1182, %add3A_1295 : i32
      %add3A_1297 = arith.constant 2 : i32
      %add3A_1298 = arith.addi %add3A_1296, %add3A_1297 : i32
      %min3A_1299 = arith.constant 39 : i32
      %min3A_1300 = arith.minsi %add3A_1298, %min3A_1299 : i32
      %dma_start3A_1301 = arith.constant 0 : i32
      %dma_start3A_1302 = tpu.memref_slice %arg6[%min3A_1300, %dma_start3A_1301] : memref<40x64xi32, #tpu.memory_space<vmem>> -> memref<1x64xi32, #tpu.memory_space<vmem>>
      %dma_start3A_1303 = tpu.memref_squeeze %dma_start3A_1302 : memref<1x64xi32, #tpu.memory_space<vmem>> -> memref<64xi32, #tpu.memory_space<vmem>>
      %dma_start3A_1304 = arith.constant 0 : i32
      %dma_start3A_1305 = arith.constant 0 : i32
      %dma_start3A_1306 = tpu.memref_slice %arg2[%dma_start3A_1304, %dma_start3A_1305] : memref<10000x128xf32, #tpu.memory_space<hbm>> -> memref<10000x128xf32, #tpu.memory_space<hbm>>
      tpu.enqueue_indirect_dma source(%dma_start3A_1306 : memref<10000x128xf32, #tpu.memory_space<hbm>>) target(%arg10 : memref<64x128xf32, #tpu.memory_space<vmem>>) offsets(%dma_start3A_1303 : memref<64xi32, #tpu.memory_space<vmem>>) semaphore(%arg16 : memref<!tpu.dma_semaphore, #tpu.memory_space<semaphore_mem>>)
      %add3A_1307 = arith.constant 3 : i32
      %add3A_1308 = arith.addi %mul3A_1182, %add3A_1307 : i32
      %dma_wait3A_1309 = arith.constant 0 : i32
      %dma_wait3A_1310 = tpu.memref_slice %arg7[%add3A_1308, %dma_wait3A_1309] : memref<40x64xi32, #tpu.memory_space<vmem>> -> memref<1x64xi32, #tpu.memory_space<vmem>>
      %dma_wait3A_1311 = tpu.memref_squeeze %dma_wait3A_1310 : memref<1x64xi32, #tpu.memory_space<vmem>> -> memref<64xi32, #tpu.memory_space<vmem>>
      %dma_wait3A_1312 = arith.constant 0 : i32
      %dma_wait3A_1313 = arith.constant 0 : i32
      %dma_wait3A_1314 = tpu.memref_slice %arg13[%dma_wait3A_1312, %dma_wait3A_1313] : memref<10240x128xf32, #tpu.memory_space<vmem_shared>> -> memref<10240x128xf32, #tpu.memory_space<vmem_shared>>
      tpu.wait_indirect_dma semaphore(%arg21 : memref<!tpu.dma_semaphore, #tpu.memory_space<semaphore_mem>>) src(%arg11 : memref<64x128xf32, #tpu.memory_space<vmem>>) dst(%dma_wait3A_1314 : memref<10240x128xf32, #tpu.memory_space<vmem_shared>>)
      %add3A_1315 = arith.constant 4 : i32
      %add3A_1316 = arith.addi %mul3A_1182, %add3A_1315 : i32
      %add3A_1317 = arith.constant 3 : i32
      %add3A_1318 = arith.addi %add3A_1316, %add3A_1317 : i32
      %min3A_1319 = arith.constant 39 : i32
      %min3A_1320 = arith.minsi %add3A_1318, %min3A_1319 : i32
      %dma_start3A_1321 = arith.constant 0 : i32
      %dma_start3A_1322 = tpu.memref_slice %arg6[%min3A_1320, %dma_start3A_1321] : memref<40x64xi32, #tpu.memory_space<vmem>> -> memref<1x64xi32, #tpu.memory_space<vmem>>
      %dma_start3A_1323 = tpu.memref_squeeze %dma_start3A_1322 : memref<1x64xi32, #tpu.memory_space<vmem>> -> memref<64xi32, #tpu.memory_space<vmem>>
      %dma_start3A_1324 = arith.constant 0 : i32
      %dma_start3A_1325 = arith.constant 0 : i32
      %dma_start3A_1326 = tpu.memref_slice %arg2[%dma_start3A_1324, %dma_start3A_1325] : memref<10000x128xf32, #tpu.memory_space<hbm>> -> memref<10000x128xf32, #tpu.memory_space<hbm>>
      tpu.enqueue_indirect_dma source(%dma_start3A_1326 : memref<10000x128xf32, #tpu.memory_space<hbm>>) target(%arg11 : memref<64x128xf32, #tpu.memory_space<vmem>>) offsets(%dma_start3A_1323 : memref<64xi32, #tpu.memory_space<vmem>>) semaphore(%arg17 : memref<!tpu.dma_semaphore, #tpu.memory_space<semaphore_mem>>)
    }
    %dma_wait3A_1043 = arith.constant 39 : i32
    %dma_wait3A_1044 = arith.constant 0 : i32
    %dma_wait3A_1045 = tpu.memref_slice %arg6[%dma_wait3A_1043, %dma_wait3A_1044] : memref<40x64xi32, #tpu.memory_space<vmem>> -> memref<1x64xi32, #tpu.memory_space<vmem>>
    %dma_wait3A_1046 = tpu.memref_squeeze %dma_wait3A_1045 : memref<1x64xi32, #tpu.memory_space<vmem>> -> memref<64xi32, #tpu.memory_space<vmem>>
    %dma_wait3A_1047 = arith.constant 0 : i32
    %dma_wait3A_1048 = arith.constant 0 : i32
    %dma_wait3A_1049 = tpu.memref_slice %arg2[%dma_wait3A_1047, %dma_wait3A_1048] : memref<10000x128xf32, #tpu.memory_space<hbm>> -> memref<10000x128xf32, #tpu.memory_space<hbm>>
    tpu.wait_indirect_dma semaphore(%arg14 : memref<!tpu.dma_semaphore, #tpu.memory_space<semaphore_mem>>) src(%dma_wait3A_1049 : memref<10000x128xf32, #tpu.memory_space<hbm>>) dst(%arg8 : memref<64x128xf32, #tpu.memory_space<vmem>>)
    %dma_wait3A_1050 = arith.constant 39 : i32
    %dma_wait3A_1051 = arith.constant 0 : i32
    %dma_wait3A_1052 = tpu.memref_slice %arg6[%dma_wait3A_1050, %dma_wait3A_1051] : memref<40x64xi32, #tpu.memory_space<vmem>> -> memref<1x64xi32, #tpu.memory_space<vmem>>
    %dma_wait3A_1053 = tpu.memref_squeeze %dma_wait3A_1052 : memref<1x64xi32, #tpu.memory_space<vmem>> -> memref<64xi32, #tpu.memory_space<vmem>>
    %dma_wait3A_1054 = arith.constant 0 : i32
    %dma_wait3A_1055 = arith.constant 0 : i32
    %dma_wait3A_1056 = tpu.memref_slice %arg2[%dma_wait3A_1054, %dma_wait3A_1055] : memref<10000x128xf32, #tpu.memory_space<hbm>> -> memref<10000x128xf32, #tpu.memory_space<hbm>>
    tpu.wait_indirect_dma semaphore(%arg15 : memref<!tpu.dma_semaphore, #tpu.memory_space<semaphore_mem>>) src(%dma_wait3A_1056 : memref<10000x128xf32, #tpu.memory_space<hbm>>) dst(%arg9 : memref<64x128xf32, #tpu.memory_space<vmem>>)
    %dma_wait3A_1057 = arith.constant 39 : i32
    %dma_wait3A_1058 = arith.constant 0 : i32
    %dma_wait3A_1059 = tpu.memref_slice %arg6[%dma_wait3A_1057, %dma_wait3A_1058] : memref<40x64xi32, #tpu.memory_space<vmem>> -> memref<1x64xi32, #tpu.memory_space<vmem>>
    %dma_wait3A_1060 = tpu.memref_squeeze %dma_wait3A_1059 : memref<1x64xi32, #tpu.memory_space<vmem>> -> memref<64xi32, #tpu.memory_space<vmem>>
    %dma_wait3A_1061 = arith.constant 0 : i32
    %dma_wait3A_1062 = arith.constant 0 : i32
    %dma_wait3A_1063 = tpu.memref_slice %arg2[%dma_wait3A_1061, %dma_wait3A_1062] : memref<10000x128xf32, #tpu.memory_space<hbm>> -> memref<10000x128xf32, #tpu.memory_space<hbm>>
    tpu.wait_indirect_dma semaphore(%arg16 : memref<!tpu.dma_semaphore, #tpu.memory_space<semaphore_mem>>) src(%dma_wait3A_1063 : memref<10000x128xf32, #tpu.memory_space<hbm>>) dst(%arg10 : memref<64x128xf32, #tpu.memory_space<vmem>>)
    %dma_wait3A_1064 = arith.constant 39 : i32
    %dma_wait3A_1065 = arith.constant 0 : i32
    %dma_wait3A_1066 = tpu.memref_slice %arg6[%dma_wait3A_1064, %dma_wait3A_1065] : memref<40x64xi32, #tpu.memory_space<vmem>> -> memref<1x64xi32, #tpu.memory_space<vmem>>
    %dma_wait3A_1067 = tpu.memref_squeeze %dma_wait3A_1066 : memref<1x64xi32, #tpu.memory_space<vmem>> -> memref<64xi32, #tpu.memory_space<vmem>>
    %dma_wait3A_1068 = arith.constant 0 : i32
    %dma_wait3A_1069 = arith.constant 0 : i32
    %dma_wait3A_1070 = tpu.memref_slice %arg2[%dma_wait3A_1068, %dma_wait3A_1069] : memref<10000x128xf32, #tpu.memory_space<hbm>> -> memref<10000x128xf32, #tpu.memory_space<hbm>>
    tpu.wait_indirect_dma semaphore(%arg17 : memref<!tpu.dma_semaphore, #tpu.memory_space<semaphore_mem>>) src(%dma_wait3A_1070 : memref<10000x128xf32, #tpu.memory_space<hbm>>) dst(%arg11 : memref<64x128xf32, #tpu.memory_space<vmem>>)
    %add3A_1071 = arith.constant 120 : i32
    %add3A_1072 = arith.addi %mul3A_775, %add3A_1071 : i32
    %min3A_1073 = arith.constant 4960 : i32
    %min3A_1074 = arith.minsi %add3A_1072, %min3A_1073 : i32
    %multiple_of3A_1075 = tpu.assume_multiple %min3A_1074, 8 : i32
    %sub3A_1076 = arith.constant 120 : i32
    %sub3A_1077 = arith.subi %min3A, %sub3A_1076 : i32
    %jit3A_1078 = arith.constant 0 : i32
    %jit3A_1079 = arith.constant 40 : i32
    %max3A_1080 = arith.maxsi %jit3A_1078, %sub3A_1077 : i32
    %min3A_1081 = arith.minsi %jit3A_1079, %max3A_1080 : i32
    "tpu.region"() ({
      %run_scoped3A = tpu.sem_alloc : memref<!tpu.dma_semaphore, #tpu.memory_space<semaphore_mem>>
      %dma_start3A_1180 = arith.constant 0 : i32
      %dma_start3A_1181 = tpu.memref_slice %arg3[%multiple_of3A_1075, %dma_start3A_1180] : memref<5000x64xi32, #tpu.memory_space<hbm>> -> memref<40x64xi32, #tpu.memory_space<hbm>>
      %dma_start3A_1182 = arith.constant 0 : i32
      %dma_start3A_1183 = tpu.memref_slice %arg3[%multiple_of3A_1075, %dma_start3A_1182] : memref<5000x64xi32, #tpu.memory_space<hbm>> -> memref<40x64xi32, #tpu.memory_space<hbm>>
      tpu.enqueue_dma source(%dma_start3A_1183 : memref<40x64xi32, #tpu.memory_space<hbm>>) target(%arg6 : memref<40x64xi32, #tpu.memory_space<vmem>>) target_semaphore(%run_scoped3A : memref<!tpu.dma_semaphore, #tpu.memory_space<semaphore_mem>>)
      %dma_wait3A_1184 = arith.constant 0 : i32
      %dma_wait3A_1185 = tpu.memref_slice %arg3[%multiple_of3A_1075, %dma_wait3A_1184] : memref<5000x64xi32, #tpu.memory_space<hbm>> -> memref<40x64xi32, #tpu.memory_space<hbm>>
      %dma_wait3A_1186 = arith.constant 0 : i32
      %dma_wait3A_1187 = tpu.memref_slice %arg3[%multiple_of3A_1075, %dma_wait3A_1186] : memref<5000x64xi32, #tpu.memory_space<hbm>> -> memref<40x64xi32, #tpu.memory_space<hbm>>
      tpu.wait_dma2 semaphore(%run_scoped3A : memref<!tpu.dma_semaphore, #tpu.memory_space<semaphore_mem>>) src(%dma_wait3A_1187 : memref<40x64xi32, #tpu.memory_space<hbm>>) dst(%arg6 : memref<40x64xi32, #tpu.memory_space<vmem>>)
      tpu.yield
    }) : () -> ()
    "tpu.region"() ({
      %run_scoped3A = tpu.sem_alloc : memref<!tpu.dma_semaphore, #tpu.memory_space<semaphore_mem>>
      %dma_start3A_1180 = arith.constant 0 : i32
      %dma_start3A_1181 = tpu.memref_slice %arg4[%multiple_of3A_1075, %dma_start3A_1180] : memref<5000x64xi32, #tpu.memory_space<hbm>> -> memref<40x64xi32, #tpu.memory_space<hbm>>
      %dma_start3A_1182 = arith.constant 0 : i32
      %dma_start3A_1183 = tpu.memref_slice %arg4[%multiple_of3A_1075, %dma_start3A_1182] : memref<5000x64xi32, #tpu.memory_space<hbm>> -> memref<40x64xi32, #tpu.memory_space<hbm>>
      tpu.enqueue_dma source(%dma_start3A_1183 : memref<40x64xi32, #tpu.memory_space<hbm>>) target(%arg7 : memref<40x64xi32, #tpu.memory_space<vmem>>) target_semaphore(%run_scoped3A : memref<!tpu.dma_semaphore, #tpu.memory_space<semaphore_mem>>)
      %dma_wait3A_1184 = arith.constant 0 : i32
      %dma_wait3A_1185 = tpu.memref_slice %arg4[%multiple_of3A_1075, %dma_wait3A_1184] : memref<5000x64xi32, #tpu.memory_space<hbm>> -> memref<40x64xi32, #tpu.memory_space<hbm>>
      %dma_wait3A_1186 = arith.constant 0 : i32
      %dma_wait3A_1187 = tpu.memref_slice %arg4[%multiple_of3A_1075, %dma_wait3A_1186] : memref<5000x64xi32, #tpu.memory_space<hbm>> -> memref<40x64xi32, #tpu.memory_space<hbm>>
      tpu.wait_dma2 semaphore(%run_scoped3A : memref<!tpu.dma_semaphore, #tpu.memory_space<semaphore_mem>>) src(%dma_wait3A_1187 : memref<40x64xi32, #tpu.memory_space<hbm>>) dst(%arg7 : memref<40x64xi32, #tpu.memory_space<vmem>>)
      tpu.yield
    }) : () -> ()
    %dma_start3A_1082 = arith.constant 0 : i32
    %dma_start3A_1083 = arith.constant 0 : i32
    %dma_start3A_1084 = tpu.memref_slice %arg6[%dma_start3A_1082, %dma_start3A_1083] : memref<40x64xi32, #tpu.memory_space<vmem>> -> memref<1x64xi32, #tpu.memory_space<vmem>>
    %dma_start3A_1085 = tpu.memref_squeeze %dma_start3A_1084 : memref<1x64xi32, #tpu.memory_space<vmem>> -> memref<64xi32, #tpu.memory_space<vmem>>
    %dma_start3A_1086 = arith.constant 0 : i32
    %dma_start3A_1087 = arith.constant 0 : i32
    %dma_start3A_1088 = tpu.memref_slice %arg2[%dma_start3A_1086, %dma_start3A_1087] : memref<10000x128xf32, #tpu.memory_space<hbm>> -> memref<10000x128xf32, #tpu.memory_space<hbm>>
    tpu.enqueue_indirect_dma source(%dma_start3A_1088 : memref<10000x128xf32, #tpu.memory_space<hbm>>) target(%arg8 : memref<64x128xf32, #tpu.memory_space<vmem>>) offsets(%dma_start3A_1085 : memref<64xi32, #tpu.memory_space<vmem>>) semaphore(%arg14 : memref<!tpu.dma_semaphore, #tpu.memory_space<semaphore_mem>>)
    %dma_start3A_1089 = arith.constant 1 : i32
    %dma_start3A_1090 = arith.constant 0 : i32
    %dma_start3A_1091 = tpu.memref_slice %arg6[%dma_start3A_1089, %dma_start3A_1090] : memref<40x64xi32, #tpu.memory_space<vmem>> -> memref<1x64xi32, #tpu.memory_space<vmem>>
    %dma_start3A_1092 = tpu.memref_squeeze %dma_start3A_1091 : memref<1x64xi32, #tpu.memory_space<vmem>> -> memref<64xi32, #tpu.memory_space<vmem>>
    %dma_start3A_1093 = arith.constant 0 : i32
    %dma_start3A_1094 = arith.constant 0 : i32
    %dma_start3A_1095 = tpu.memref_slice %arg2[%dma_start3A_1093, %dma_start3A_1094] : memref<10000x128xf32, #tpu.memory_space<hbm>> -> memref<10000x128xf32, #tpu.memory_space<hbm>>
    tpu.enqueue_indirect_dma source(%dma_start3A_1095 : memref<10000x128xf32, #tpu.memory_space<hbm>>) target(%arg9 : memref<64x128xf32, #tpu.memory_space<vmem>>) offsets(%dma_start3A_1092 : memref<64xi32, #tpu.memory_space<vmem>>) semaphore(%arg15 : memref<!tpu.dma_semaphore, #tpu.memory_space<semaphore_mem>>)
    %dma_start3A_1096 = arith.constant 2 : i32
    %dma_start3A_1097 = arith.constant 0 : i32
    %dma_start3A_1098 = tpu.memref_slice %arg6[%dma_start3A_1096, %dma_start3A_1097] : memref<40x64xi32, #tpu.memory_space<vmem>> -> memref<1x64xi32, #tpu.memory_space<vmem>>
    %dma_start3A_1099 = tpu.memref_squeeze %dma_start3A_1098 : memref<1x64xi32, #tpu.memory_space<vmem>> -> memref<64xi32, #tpu.memory_space<vmem>>
    %dma_start3A_1100 = arith.constant 0 : i32
    %dma_start3A_1101 = arith.constant 0 : i32
    %dma_start3A_1102 = tpu.memref_slice %arg2[%dma_start3A_1100, %dma_start3A_1101] : memref<10000x128xf32, #tpu.memory_space<hbm>> -> memref<10000x128xf32, #tpu.memory_space<hbm>>
    tpu.enqueue_indirect_dma source(%dma_start3A_1102 : memref<10000x128xf32, #tpu.memory_space<hbm>>) target(%arg10 : memref<64x128xf32, #tpu.memory_space<vmem>>) offsets(%dma_start3A_1099 : memref<64xi32, #tpu.memory_space<vmem>>) semaphore(%arg16 : memref<!tpu.dma_semaphore, #tpu.memory_space<semaphore_mem>>)
    %dma_start3A_1103 = arith.constant 3 : i32
    %dma_start3A_1104 = arith.constant 0 : i32
    %dma_start3A_1105 = tpu.memref_slice %arg6[%dma_start3A_1103, %dma_start3A_1104] : memref<40x64xi32, #tpu.memory_space<vmem>> -> memref<1x64xi32, #tpu.memory_space<vmem>>
    %dma_start3A_1106 = tpu.memref_squeeze %dma_start3A_1105 : memref<1x64xi32, #tpu.memory_space<vmem>> -> memref<64xi32, #tpu.memory_space<vmem>>
    %dma_start3A_1107 = arith.constant 0 : i32
    %dma_start3A_1108 = arith.constant 0 : i32
    %dma_start3A_1109 = tpu.memref_slice %arg2[%dma_start3A_1107, %dma_start3A_1108] : memref<10000x128xf32, #tpu.memory_space<hbm>> -> memref<10000x128xf32, #tpu.memory_space<hbm>>
    tpu.enqueue_indirect_dma source(%dma_start3A_1109 : memref<10000x128xf32, #tpu.memory_space<hbm>>) target(%arg11 : memref<64x128xf32, #tpu.memory_space<vmem>>) offsets(%dma_start3A_1106 : memref<64xi32, #tpu.memory_space<vmem>>) semaphore(%arg17 : memref<!tpu.dma_semaphore, #tpu.memory_space<semaphore_mem>>)
    %jit3A_1110 = arith.constant 4 : i32
    %div3A_1111 = arith.divsi %min3A_1081, %jit3A_1110 : i32
    %sign3A_1112 = arith.constant 0 : i32
    %sign3A_1113 = arith.cmpi sgt, %min3A_1081, %sign3A_1112 : i32
    %sign3A_1114 = arith.extui %sign3A_1113 : i1 to i32
    %sign3A_1115 = arith.constant 0 : i32
    %sign3A_1116 = arith.cmpi slt, %min3A_1081, %sign3A_1115 : i32
    %sign3A_1117 = arith.extui %sign3A_1116 : i1 to i32
    %sign3A_1118 = arith.subi %sign3A_1114, %sign3A_1117 : i32
    %sign3A_1119 = arith.constant 0 : i32
    %sign3A_1120 = arith.cmpi sgt, %jit3A_1110, %sign3A_1119 : i32
    %sign3A_1121 = arith.extui %sign3A_1120 : i1 to i32
    %sign3A_1122 = arith.constant 0 : i32
    %sign3A_1123 = arith.cmpi slt, %jit3A_1110, %sign3A_1122 : i32
    %sign3A_1124 = arith.extui %sign3A_1123 : i1 to i32
    %sign3A_1125 = arith.subi %sign3A_1121, %sign3A_1124 : i32
    %ne3A_1126 = arith.cmpi ne, %sign3A_1118, %sign3A_1125 : i32
    %rem3A_1127 = arith.remsi %min3A_1081, %jit3A_1110 : i32
    %ne3A_1128 = arith.constant 0 : i32
    %ne3A_1129 = arith.cmpi ne, %rem3A_1127, %ne3A_1128 : i32
    %and3A_1130 = arith.andi %ne3A_1126, %ne3A_1129 : i1
    %sub3A_1131 = arith.constant 1 : i32
    %sub3A_1132 = arith.subi %div3A_1111, %sub3A_1131 : i32
    %select_n3A_1133 = arith.select %and3A_1130, %sub3A_1132, %div3A_1111 : i32
    %while3A_1134 = arith.constant 0 : i32
    %while3A_1135 = arith.constant 0 : i32
    %while3A_1136 = arith.subi %select_n3A_1133, %while3A_1135 : i32
    %while3A_1137 = arith.addi %while3A_1135, %while3A_1136 : i32
    %while3A_1138 = arith.constant 1 : i32
    %while3A_1139 = arith.divsi %while3A_1136, %while3A_1138 : i32
    %while3A_1140 = arith.muli %while3A_1139, %while3A_1138 : i32
    %while3A_1141 = arith.addi %while3A_1135, %while3A_1140 : i32
    %while3A_1142 = arith.constant 1 : i32
    scf.for %while3A_1180 = %while3A_1135 to %while3A_1141 step %while3A_1142  : i32 {
      %mul3A_1181 = arith.constant 4 : i32
      %mul3A_1182 = arith.muli %mul3A_1181, %while3A_1180 : i32
      %add3A_1183 = arith.constant 0 : i32
      %add3A_1184 = arith.addi %mul3A_1182, %add3A_1183 : i32
      %dma_wait3A_1185 = arith.constant 0 : i32
      %dma_wait3A_1186 = tpu.memref_slice %arg6[%add3A_1184, %dma_wait3A_1185] : memref<40x64xi32, #tpu.memory_space<vmem>> -> memref<1x64xi32, #tpu.memory_space<vmem>>
      %dma_wait3A_1187 = tpu.memref_squeeze %dma_wait3A_1186 : memref<1x64xi32, #tpu.memory_space<vmem>> -> memref<64xi32, #tpu.memory_space<vmem>>
      %dma_wait3A_1188 = arith.constant 0 : i32
      %dma_wait3A_1189 = arith.constant 0 : i32
      %dma_wait3A_1190 = tpu.memref_slice %arg2[%dma_wait3A_1188, %dma_wait3A_1189] : memref<10000x128xf32, #tpu.memory_space<hbm>> -> memref<10000x128xf32, #tpu.memory_space<hbm>>
      tpu.wait_indirect_dma semaphore(%arg14 : memref<!tpu.dma_semaphore, #tpu.memory_space<semaphore_mem>>) src(%dma_wait3A_1190 : memref<10000x128xf32, #tpu.memory_space<hbm>>) dst(%arg8 : memref<64x128xf32, #tpu.memory_space<vmem>>)
      %add3A_1191 = arith.constant 0 : i32
      %add3A_1192 = arith.addi %mul3A_1182, %add3A_1191 : i32
      %dma_start3A_1193 = arith.constant 0 : i32
      %dma_start3A_1194 = tpu.memref_slice %arg7[%add3A_1192, %dma_start3A_1193] : memref<40x64xi32, #tpu.memory_space<vmem>> -> memref<1x64xi32, #tpu.memory_space<vmem>>
      %dma_start3A_1195 = tpu.memref_squeeze %dma_start3A_1194 : memref<1x64xi32, #tpu.memory_space<vmem>> -> memref<64xi32, #tpu.memory_space<vmem>>
      %dma_start3A_1196 = arith.constant 0 : i32
      %dma_start3A_1197 = arith.constant 0 : i32
      %dma_start3A_1198 = tpu.memref_slice %arg13[%dma_start3A_1196, %dma_start3A_1197] : memref<10240x128xf32, #tpu.memory_space<vmem_shared>> -> memref<10240x128xf32, #tpu.memory_space<vmem_shared>>
      tpu.enqueue_indirect_dma source(%arg8 : memref<64x128xf32, #tpu.memory_space<vmem>>) target(%dma_start3A_1198 : memref<10240x128xf32, #tpu.memory_space<vmem_shared>>) offsets(%dma_start3A_1195 : memref<64xi32, #tpu.memory_space<vmem>>) semaphore(%arg18 : memref<!tpu.dma_semaphore, #tpu.memory_space<semaphore_mem>>) {add = true}
      %add3A_1199 = arith.constant 1 : i32
      %add3A_1200 = arith.addi %mul3A_1182, %add3A_1199 : i32
      %dma_wait3A_1201 = arith.constant 0 : i32
      %dma_wait3A_1202 = tpu.memref_slice %arg6[%add3A_1200, %dma_wait3A_1201] : memref<40x64xi32, #tpu.memory_space<vmem>> -> memref<1x64xi32, #tpu.memory_space<vmem>>
      %dma_wait3A_1203 = tpu.memref_squeeze %dma_wait3A_1202 : memref<1x64xi32, #tpu.memory_space<vmem>> -> memref<64xi32, #tpu.memory_space<vmem>>
      %dma_wait3A_1204 = arith.constant 0 : i32
      %dma_wait3A_1205 = arith.constant 0 : i32
      %dma_wait3A_1206 = tpu.memref_slice %arg2[%dma_wait3A_1204, %dma_wait3A_1205] : memref<10000x128xf32, #tpu.memory_space<hbm>> -> memref<10000x128xf32, #tpu.memory_space<hbm>>
      tpu.wait_indirect_dma semaphore(%arg15 : memref<!tpu.dma_semaphore, #tpu.memory_space<semaphore_mem>>) src(%dma_wait3A_1206 : memref<10000x128xf32, #tpu.memory_space<hbm>>) dst(%arg9 : memref<64x128xf32, #tpu.memory_space<vmem>>)
      %add3A_1207 = arith.constant 1 : i32
      %add3A_1208 = arith.addi %mul3A_1182, %add3A_1207 : i32
      %dma_start3A_1209 = arith.constant 0 : i32
      %dma_start3A_1210 = tpu.memref_slice %arg7[%add3A_1208, %dma_start3A_1209] : memref<40x64xi32, #tpu.memory_space<vmem>> -> memref<1x64xi32, #tpu.memory_space<vmem>>
      %dma_start3A_1211 = tpu.memref_squeeze %dma_start3A_1210 : memref<1x64xi32, #tpu.memory_space<vmem>> -> memref<64xi32, #tpu.memory_space<vmem>>
      %dma_start3A_1212 = arith.constant 0 : i32
      %dma_start3A_1213 = arith.constant 0 : i32
      %dma_start3A_1214 = tpu.memref_slice %arg13[%dma_start3A_1212, %dma_start3A_1213] : memref<10240x128xf32, #tpu.memory_space<vmem_shared>> -> memref<10240x128xf32, #tpu.memory_space<vmem_shared>>
      tpu.enqueue_indirect_dma source(%arg9 : memref<64x128xf32, #tpu.memory_space<vmem>>) target(%dma_start3A_1214 : memref<10240x128xf32, #tpu.memory_space<vmem_shared>>) offsets(%dma_start3A_1211 : memref<64xi32, #tpu.memory_space<vmem>>) semaphore(%arg19 : memref<!tpu.dma_semaphore, #tpu.memory_space<semaphore_mem>>) {add = true}
      %add3A_1215 = arith.constant 2 : i32
      %add3A_1216 = arith.addi %mul3A_1182, %add3A_1215 : i32
      %dma_wait3A_1217 = arith.constant 0 : i32
      %dma_wait3A_1218 = tpu.memref_slice %arg6[%add3A_1216, %dma_wait3A_1217] : memref<40x64xi32, #tpu.memory_space<vmem>> -> memref<1x64xi32, #tpu.memory_space<vmem>>
      %dma_wait3A_1219 = tpu.memref_squeeze %dma_wait3A_1218 : memref<1x64xi32, #tpu.memory_space<vmem>> -> memref<64xi32, #tpu.memory_space<vmem>>
      %dma_wait3A_1220 = arith.constant 0 : i32
      %dma_wait3A_1221 = arith.constant 0 : i32
      %dma_wait3A_1222 = tpu.memref_slice %arg2[%dma_wait3A_1220, %dma_wait3A_1221] : memref<10000x128xf32, #tpu.memory_space<hbm>> -> memref<10000x128xf32, #tpu.memory_space<hbm>>
      tpu.wait_indirect_dma semaphore(%arg16 : memref<!tpu.dma_semaphore, #tpu.memory_space<semaphore_mem>>) src(%dma_wait3A_1222 : memref<10000x128xf32, #tpu.memory_space<hbm>>) dst(%arg10 : memref<64x128xf32, #tpu.memory_space<vmem>>)
      %add3A_1223 = arith.constant 2 : i32
      %add3A_1224 = arith.addi %mul3A_1182, %add3A_1223 : i32
      %dma_start3A_1225 = arith.constant 0 : i32
      %dma_start3A_1226 = tpu.memref_slice %arg7[%add3A_1224, %dma_start3A_1225] : memref<40x64xi32, #tpu.memory_space<vmem>> -> memref<1x64xi32, #tpu.memory_space<vmem>>
      %dma_start3A_1227 = tpu.memref_squeeze %dma_start3A_1226 : memref<1x64xi32, #tpu.memory_space<vmem>> -> memref<64xi32, #tpu.memory_space<vmem>>
      %dma_start3A_1228 = arith.constant 0 : i32
      %dma_start3A_1229 = arith.constant 0 : i32
      %dma_start3A_1230 = tpu.memref_slice %arg13[%dma_start3A_1228, %dma_start3A_1229] : memref<10240x128xf32, #tpu.memory_space<vmem_shared>> -> memref<10240x128xf32, #tpu.memory_space<vmem_shared>>
      tpu.enqueue_indirect_dma source(%arg10 : memref<64x128xf32, #tpu.memory_space<vmem>>) target(%dma_start3A_1230 : memref<10240x128xf32, #tpu.memory_space<vmem_shared>>) offsets(%dma_start3A_1227 : memref<64xi32, #tpu.memory_space<vmem>>) semaphore(%arg20 : memref<!tpu.dma_semaphore, #tpu.memory_space<semaphore_mem>>) {add = true}
      %add3A_1231 = arith.constant 3 : i32
      %add3A_1232 = arith.addi %mul3A_1182, %add3A_1231 : i32
      %dma_wait3A_1233 = arith.constant 0 : i32
      %dma_wait3A_1234 = tpu.memref_slice %arg6[%add3A_1232, %dma_wait3A_1233] : memref<40x64xi32, #tpu.memory_space<vmem>> -> memref<1x64xi32, #tpu.memory_space<vmem>>
      %dma_wait3A_1235 = tpu.memref_squeeze %dma_wait3A_1234 : memref<1x64xi32, #tpu.memory_space<vmem>> -> memref<64xi32, #tpu.memory_space<vmem>>
      %dma_wait3A_1236 = arith.constant 0 : i32
      %dma_wait3A_1237 = arith.constant 0 : i32
      %dma_wait3A_1238 = tpu.memref_slice %arg2[%dma_wait3A_1236, %dma_wait3A_1237] : memref<10000x128xf32, #tpu.memory_space<hbm>> -> memref<10000x128xf32, #tpu.memory_space<hbm>>
      tpu.wait_indirect_dma semaphore(%arg17 : memref<!tpu.dma_semaphore, #tpu.memory_space<semaphore_mem>>) src(%dma_wait3A_1238 : memref<10000x128xf32, #tpu.memory_space<hbm>>) dst(%arg11 : memref<64x128xf32, #tpu.memory_space<vmem>>)
      %add3A_1239 = arith.constant 3 : i32
      %add3A_1240 = arith.addi %mul3A_1182, %add3A_1239 : i32
      %dma_start3A_1241 = arith.constant 0 : i32
      %dma_start3A_1242 = tpu.memref_slice %arg7[%add3A_1240, %dma_start3A_1241] : memref<40x64xi32, #tpu.memory_space<vmem>> -> memref<1x64xi32, #tpu.memory_space<vmem>>
      %dma_start3A_1243 = tpu.memref_squeeze %dma_start3A_1242 : memref<1x64xi32, #tpu.memory_space<vmem>> -> memref<64xi32, #tpu.memory_space<vmem>>
      %dma_start3A_1244 = arith.constant 0 : i32
      %dma_start3A_1245 = arith.constant 0 : i32
      %dma_start3A_1246 = tpu.memref_slice %arg13[%dma_start3A_1244, %dma_start3A_1245] : memref<10240x128xf32, #tpu.memory_space<vmem_shared>> -> memref<10240x128xf32, #tpu.memory_space<vmem_shared>>
      tpu.enqueue_indirect_dma source(%arg11 : memref<64x128xf32, #tpu.memory_space<vmem>>) target(%dma_start3A_1246 : memref<10240x128xf32, #tpu.memory_space<vmem_shared>>) offsets(%dma_start3A_1243 : memref<64xi32, #tpu.memory_space<vmem>>) semaphore(%arg21 : memref<!tpu.dma_semaphore, #tpu.memory_space<semaphore_mem>>) {add = true}
      %add3A_1247 = arith.constant 0 : i32
      %add3A_1248 = arith.addi %mul3A_1182, %add3A_1247 : i32
      %dma_wait3A_1249 = arith.constant 0 : i32
      %dma_wait3A_1250 = tpu.memref_slice %arg7[%add3A_1248, %dma_wait3A_1249] : memref<40x64xi32, #tpu.memory_space<vmem>> -> memref<1x64xi32, #tpu.memory_space<vmem>>
      %dma_wait3A_1251 = tpu.memref_squeeze %dma_wait3A_1250 : memref<1x64xi32, #tpu.memory_space<vmem>> -> memref<64xi32, #tpu.memory_space<vmem>>
      %dma_wait3A_1252 = arith.constant 0 : i32
      %dma_wait3A_1253 = arith.constant 0 : i32
      %dma_wait3A_1254 = tpu.memref_slice %arg13[%dma_wait3A_1252, %dma_wait3A_1253] : memref<10240x128xf32, #tpu.memory_space<vmem_shared>> -> memref<10240x128xf32, #tpu.memory_space<vmem_shared>>
      tpu.wait_indirect_dma semaphore(%arg18 : memref<!tpu.dma_semaphore, #tpu.memory_space<semaphore_mem>>) src(%arg8 : memref<64x128xf32, #tpu.memory_space<vmem>>) dst(%dma_wait3A_1254 : memref<10240x128xf32, #tpu.memory_space<vmem_shared>>)
      %add3A_1255 = arith.constant 4 : i32
      %add3A_1256 = arith.addi %mul3A_1182, %add3A_1255 : i32
      %add3A_1257 = arith.constant 0 : i32
      %add3A_1258 = arith.addi %add3A_1256, %add3A_1257 : i32
      %min3A_1259 = arith.constant 39 : i32
      %min3A_1260 = arith.minsi %add3A_1258, %min3A_1259 : i32
      %dma_start3A_1261 = arith.constant 0 : i32
      %dma_start3A_1262 = tpu.memref_slice %arg6[%min3A_1260, %dma_start3A_1261] : memref<40x64xi32, #tpu.memory_space<vmem>> -> memref<1x64xi32, #tpu.memory_space<vmem>>
      %dma_start3A_1263 = tpu.memref_squeeze %dma_start3A_1262 : memref<1x64xi32, #tpu.memory_space<vmem>> -> memref<64xi32, #tpu.memory_space<vmem>>
      %dma_start3A_1264 = arith.constant 0 : i32
      %dma_start3A_1265 = arith.constant 0 : i32
      %dma_start3A_1266 = tpu.memref_slice %arg2[%dma_start3A_1264, %dma_start3A_1265] : memref<10000x128xf32, #tpu.memory_space<hbm>> -> memref<10000x128xf32, #tpu.memory_space<hbm>>
      tpu.enqueue_indirect_dma source(%dma_start3A_1266 : memref<10000x128xf32, #tpu.memory_space<hbm>>) target(%arg8 : memref<64x128xf32, #tpu.memory_space<vmem>>) offsets(%dma_start3A_1263 : memref<64xi32, #tpu.memory_space<vmem>>) semaphore(%arg14 : memref<!tpu.dma_semaphore, #tpu.memory_space<semaphore_mem>>)
      %add3A_1267 = arith.constant 1 : i32
      %add3A_1268 = arith.addi %mul3A_1182, %add3A_1267 : i32
      %dma_wait3A_1269 = arith.constant 0 : i32
      %dma_wait3A_1270 = tpu.memref_slice %arg7[%add3A_1268, %dma_wait3A_1269] : memref<40x64xi32, #tpu.memory_space<vmem>> -> memref<1x64xi32, #tpu.memory_space<vmem>>
      %dma_wait3A_1271 = tpu.memref_squeeze %dma_wait3A_1270 : memref<1x64xi32, #tpu.memory_space<vmem>> -> memref<64xi32, #tpu.memory_space<vmem>>
      %dma_wait3A_1272 = arith.constant 0 : i32
      %dma_wait3A_1273 = arith.constant 0 : i32
      %dma_wait3A_1274 = tpu.memref_slice %arg13[%dma_wait3A_1272, %dma_wait3A_1273] : memref<10240x128xf32, #tpu.memory_space<vmem_shared>> -> memref<10240x128xf32, #tpu.memory_space<vmem_shared>>
      tpu.wait_indirect_dma semaphore(%arg19 : memref<!tpu.dma_semaphore, #tpu.memory_space<semaphore_mem>>) src(%arg9 : memref<64x128xf32, #tpu.memory_space<vmem>>) dst(%dma_wait3A_1274 : memref<10240x128xf32, #tpu.memory_space<vmem_shared>>)
      %add3A_1275 = arith.constant 4 : i32
      %add3A_1276 = arith.addi %mul3A_1182, %add3A_1275 : i32
      %add3A_1277 = arith.constant 1 : i32
      %add3A_1278 = arith.addi %add3A_1276, %add3A_1277 : i32
      %min3A_1279 = arith.constant 39 : i32
      %min3A_1280 = arith.minsi %add3A_1278, %min3A_1279 : i32
      %dma_start3A_1281 = arith.constant 0 : i32
      %dma_start3A_1282 = tpu.memref_slice %arg6[%min3A_1280, %dma_start3A_1281] : memref<40x64xi32, #tpu.memory_space<vmem>> -> memref<1x64xi32, #tpu.memory_space<vmem>>
      %dma_start3A_1283 = tpu.memref_squeeze %dma_start3A_1282 : memref<1x64xi32, #tpu.memory_space<vmem>> -> memref<64xi32, #tpu.memory_space<vmem>>
      %dma_start3A_1284 = arith.constant 0 : i32
      %dma_start3A_1285 = arith.constant 0 : i32
      %dma_start3A_1286 = tpu.memref_slice %arg2[%dma_start3A_1284, %dma_start3A_1285] : memref<10000x128xf32, #tpu.memory_space<hbm>> -> memref<10000x128xf32, #tpu.memory_space<hbm>>
      tpu.enqueue_indirect_dma source(%dma_start3A_1286 : memref<10000x128xf32, #tpu.memory_space<hbm>>) target(%arg9 : memref<64x128xf32, #tpu.memory_space<vmem>>) offsets(%dma_start3A_1283 : memref<64xi32, #tpu.memory_space<vmem>>) semaphore(%arg15 : memref<!tpu.dma_semaphore, #tpu.memory_space<semaphore_mem>>)
      %add3A_1287 = arith.constant 2 : i32
      %add3A_1288 = arith.addi %mul3A_1182, %add3A_1287 : i32
      %dma_wait3A_1289 = arith.constant 0 : i32
      %dma_wait3A_1290 = tpu.memref_slice %arg7[%add3A_1288, %dma_wait3A_1289] : memref<40x64xi32, #tpu.memory_space<vmem>> -> memref<1x64xi32, #tpu.memory_space<vmem>>
      %dma_wait3A_1291 = tpu.memref_squeeze %dma_wait3A_1290 : memref<1x64xi32, #tpu.memory_space<vmem>> -> memref<64xi32, #tpu.memory_space<vmem>>
      %dma_wait3A_1292 = arith.constant 0 : i32
      %dma_wait3A_1293 = arith.constant 0 : i32
      %dma_wait3A_1294 = tpu.memref_slice %arg13[%dma_wait3A_1292, %dma_wait3A_1293] : memref<10240x128xf32, #tpu.memory_space<vmem_shared>> -> memref<10240x128xf32, #tpu.memory_space<vmem_shared>>
      tpu.wait_indirect_dma semaphore(%arg20 : memref<!tpu.dma_semaphore, #tpu.memory_space<semaphore_mem>>) src(%arg10 : memref<64x128xf32, #tpu.memory_space<vmem>>) dst(%dma_wait3A_1294 : memref<10240x128xf32, #tpu.memory_space<vmem_shared>>)
      %add3A_1295 = arith.constant 4 : i32
      %add3A_1296 = arith.addi %mul3A_1182, %add3A_1295 : i32
      %add3A_1297 = arith.constant 2 : i32
      %add3A_1298 = arith.addi %add3A_1296, %add3A_1297 : i32
      %min3A_1299 = arith.constant 39 : i32
      %min3A_1300 = arith.minsi %add3A_1298, %min3A_1299 : i32
      %dma_start3A_1301 = arith.constant 0 : i32
      %dma_start3A_1302 = tpu.memref_slice %arg6[%min3A_1300, %dma_start3A_1301] : memref<40x64xi32, #tpu.memory_space<vmem>> -> memref<1x64xi32, #tpu.memory_space<vmem>>
      %dma_start3A_1303 = tpu.memref_squeeze %dma_start3A_1302 : memref<1x64xi32, #tpu.memory_space<vmem>> -> memref<64xi32, #tpu.memory_space<vmem>>
      %dma_start3A_1304 = arith.constant 0 : i32
      %dma_start3A_1305 = arith.constant 0 : i32
      %dma_start3A_1306 = tpu.memref_slice %arg2[%dma_start3A_1304, %dma_start3A_1305] : memref<10000x128xf32, #tpu.memory_space<hbm>> -> memref<10000x128xf32, #tpu.memory_space<hbm>>
      tpu.enqueue_indirect_dma source(%dma_start3A_1306 : memref<10000x128xf32, #tpu.memory_space<hbm>>) target(%arg10 : memref<64x128xf32, #tpu.memory_space<vmem>>) offsets(%dma_start3A_1303 : memref<64xi32, #tpu.memory_space<vmem>>) semaphore(%arg16 : memref<!tpu.dma_semaphore, #tpu.memory_space<semaphore_mem>>)
      %add3A_1307 = arith.constant 3 : i32
      %add3A_1308 = arith.addi %mul3A_1182, %add3A_1307 : i32
      %dma_wait3A_1309 = arith.constant 0 : i32
      %dma_wait3A_1310 = tpu.memref_slice %arg7[%add3A_1308, %dma_wait3A_1309] : memref<40x64xi32, #tpu.memory_space<vmem>> -> memref<1x64xi32, #tpu.memory_space<vmem>>
      %dma_wait3A_1311 = tpu.memref_squeeze %dma_wait3A_1310 : memref<1x64xi32, #tpu.memory_space<vmem>> -> memref<64xi32, #tpu.memory_space<vmem>>
      %dma_wait3A_1312 = arith.constant 0 : i32
      %dma_wait3A_1313 = arith.constant 0 : i32
      %dma_wait3A_1314 = tpu.memref_slice %arg13[%dma_wait3A_1312, %dma_wait3A_1313] : memref<10240x128xf32, #tpu.memory_space<vmem_shared>> -> memref<10240x128xf32, #tpu.memory_space<vmem_shared>>
      tpu.wait_indirect_dma semaphore(%arg21 : memref<!tpu.dma_semaphore, #tpu.memory_space<semaphore_mem>>) src(%arg11 : memref<64x128xf32, #tpu.memory_space<vmem>>) dst(%dma_wait3A_1314 : memref<10240x128xf32, #tpu.memory_space<vmem_shared>>)
      %add3A_1315 = arith.constant 4 : i32
      %add3A_1316 = arith.addi %mul3A_1182, %add3A_1315 : i32
      %add3A_1317 = arith.constant 3 : i32
      %add3A_1318 = arith.addi %add3A_1316, %add3A_1317 : i32
      %min3A_1319 = arith.constant 39 : i32
      %min3A_1320 = arith.minsi %add3A_1318, %min3A_1319 : i32
      %dma_start3A_1321 = arith.constant 0 : i32
      %dma_start3A_1322 = tpu.memref_slice %arg6[%min3A_1320, %dma_start3A_1321] : memref<40x64xi32, #tpu.memory_space<vmem>> -> memref<1x64xi32, #tpu.memory_space<vmem>>
      %dma_start3A_1323 = tpu.memref_squeeze %dma_start3A_1322 : memref<1x64xi32, #tpu.memory_space<vmem>> -> memref<64xi32, #tpu.memory_space<vmem>>
      %dma_start3A_1324 = arith.constant 0 : i32
      %dma_start3A_1325 = arith.constant 0 : i32
      %dma_start3A_1326 = tpu.memref_slice %arg2[%dma_start3A_1324, %dma_start3A_1325] : memref<10000x128xf32, #tpu.memory_space<hbm>> -> memref<10000x128xf32, #tpu.memory_space<hbm>>
      tpu.enqueue_indirect_dma source(%dma_start3A_1326 : memref<10000x128xf32, #tpu.memory_space<hbm>>) target(%arg11 : memref<64x128xf32, #tpu.memory_space<vmem>>) offsets(%dma_start3A_1323 : memref<64xi32, #tpu.memory_space<vmem>>) semaphore(%arg17 : memref<!tpu.dma_semaphore, #tpu.memory_space<semaphore_mem>>)
    }
    %while3A_1143 = arith.constant 1 : i32
    scf.for %while3A_1180 = %while3A_1141 to %while3A_1137 step %while3A_1143  : i32 {
      %mul3A_1181 = arith.constant 4 : i32
      %mul3A_1182 = arith.muli %mul3A_1181, %while3A_1180 : i32
      %add3A_1183 = arith.constant 0 : i32
      %add3A_1184 = arith.addi %mul3A_1182, %add3A_1183 : i32
      %dma_wait3A_1185 = arith.constant 0 : i32
      %dma_wait3A_1186 = tpu.memref_slice %arg6[%add3A_1184, %dma_wait3A_1185] : memref<40x64xi32, #tpu.memory_space<vmem>> -> memref<1x64xi32, #tpu.memory_space<vmem>>
      %dma_wait3A_1187 = tpu.memref_squeeze %dma_wait3A_1186 : memref<1x64xi32, #tpu.memory_space<vmem>> -> memref<64xi32, #tpu.memory_space<vmem>>
      %dma_wait3A_1188 = arith.constant 0 : i32
      %dma_wait3A_1189 = arith.constant 0 : i32
      %dma_wait3A_1190 = tpu.memref_slice %arg2[%dma_wait3A_1188, %dma_wait3A_1189] : memref<10000x128xf32, #tpu.memory_space<hbm>> -> memref<10000x128xf32, #tpu.memory_space<hbm>>
      tpu.wait_indirect_dma semaphore(%arg14 : memref<!tpu.dma_semaphore, #tpu.memory_space<semaphore_mem>>) src(%dma_wait3A_1190 : memref<10000x128xf32, #tpu.memory_space<hbm>>) dst(%arg8 : memref<64x128xf32, #tpu.memory_space<vmem>>)
      %add3A_1191 = arith.constant 0 : i32
      %add3A_1192 = arith.addi %mul3A_1182, %add3A_1191 : i32
      %dma_start3A_1193 = arith.constant 0 : i32
      %dma_start3A_1194 = tpu.memref_slice %arg7[%add3A_1192, %dma_start3A_1193] : memref<40x64xi32, #tpu.memory_space<vmem>> -> memref<1x64xi32, #tpu.memory_space<vmem>>
      %dma_start3A_1195 = tpu.memref_squeeze %dma_start3A_1194 : memref<1x64xi32, #tpu.memory_space<vmem>> -> memref<64xi32, #tpu.memory_space<vmem>>
      %dma_start3A_1196 = arith.constant 0 : i32
      %dma_start3A_1197 = arith.constant 0 : i32
      %dma_start3A_1198 = tpu.memref_slice %arg13[%dma_start3A_1196, %dma_start3A_1197] : memref<10240x128xf32, #tpu.memory_space<vmem_shared>> -> memref<10240x128xf32, #tpu.memory_space<vmem_shared>>
      tpu.enqueue_indirect_dma source(%arg8 : memref<64x128xf32, #tpu.memory_space<vmem>>) target(%dma_start3A_1198 : memref<10240x128xf32, #tpu.memory_space<vmem_shared>>) offsets(%dma_start3A_1195 : memref<64xi32, #tpu.memory_space<vmem>>) semaphore(%arg18 : memref<!tpu.dma_semaphore, #tpu.memory_space<semaphore_mem>>) {add = true}
      %add3A_1199 = arith.constant 1 : i32
      %add3A_1200 = arith.addi %mul3A_1182, %add3A_1199 : i32
      %dma_wait3A_1201 = arith.constant 0 : i32
      %dma_wait3A_1202 = tpu.memref_slice %arg6[%add3A_1200, %dma_wait3A_1201] : memref<40x64xi32, #tpu.memory_space<vmem>> -> memref<1x64xi32, #tpu.memory_space<vmem>>
      %dma_wait3A_1203 = tpu.memref_squeeze %dma_wait3A_1202 : memref<1x64xi32, #tpu.memory_space<vmem>> -> memref<64xi32, #tpu.memory_space<vmem>>
      %dma_wait3A_1204 = arith.constant 0 : i32
      %dma_wait3A_1205 = arith.constant 0 : i32
      %dma_wait3A_1206 = tpu.memref_slice %arg2[%dma_wait3A_1204, %dma_wait3A_1205] : memref<10000x128xf32, #tpu.memory_space<hbm>> -> memref<10000x128xf32, #tpu.memory_space<hbm>>
      tpu.wait_indirect_dma semaphore(%arg15 : memref<!tpu.dma_semaphore, #tpu.memory_space<semaphore_mem>>) src(%dma_wait3A_1206 : memref<10000x128xf32, #tpu.memory_space<hbm>>) dst(%arg9 : memref<64x128xf32, #tpu.memory_space<vmem>>)
      %add3A_1207 = arith.constant 1 : i32
      %add3A_1208 = arith.addi %mul3A_1182, %add3A_1207 : i32
      %dma_start3A_1209 = arith.constant 0 : i32
      %dma_start3A_1210 = tpu.memref_slice %arg7[%add3A_1208, %dma_start3A_1209] : memref<40x64xi32, #tpu.memory_space<vmem>> -> memref<1x64xi32, #tpu.memory_space<vmem>>
      %dma_start3A_1211 = tpu.memref_squeeze %dma_start3A_1210 : memref<1x64xi32, #tpu.memory_space<vmem>> -> memref<64xi32, #tpu.memory_space<vmem>>
      %dma_start3A_1212 = arith.constant 0 : i32
      %dma_start3A_1213 = arith.constant 0 : i32
      %dma_start3A_1214 = tpu.memref_slice %arg13[%dma_start3A_1212, %dma_start3A_1213] : memref<10240x128xf32, #tpu.memory_space<vmem_shared>> -> memref<10240x128xf32, #tpu.memory_space<vmem_shared>>
      tpu.enqueue_indirect_dma source(%arg9 : memref<64x128xf32, #tpu.memory_space<vmem>>) target(%dma_start3A_1214 : memref<10240x128xf32, #tpu.memory_space<vmem_shared>>) offsets(%dma_start3A_1211 : memref<64xi32, #tpu.memory_space<vmem>>) semaphore(%arg19 : memref<!tpu.dma_semaphore, #tpu.memory_space<semaphore_mem>>) {add = true}
      %add3A_1215 = arith.constant 2 : i32
      %add3A_1216 = arith.addi %mul3A_1182, %add3A_1215 : i32
      %dma_wait3A_1217 = arith.constant 0 : i32
      %dma_wait3A_1218 = tpu.memref_slice %arg6[%add3A_1216, %dma_wait3A_1217] : memref<40x64xi32, #tpu.memory_space<vmem>> -> memref<1x64xi32, #tpu.memory_space<vmem>>
      %dma_wait3A_1219 = tpu.memref_squeeze %dma_wait3A_1218 : memref<1x64xi32, #tpu.memory_space<vmem>> -> memref<64xi32, #tpu.memory_space<vmem>>
      %dma_wait3A_1220 = arith.constant 0 : i32
      %dma_wait3A_1221 = arith.constant 0 : i32
      %dma_wait3A_1222 = tpu.memref_slice %arg2[%dma_wait3A_1220, %dma_wait3A_1221] : memref<10000x128xf32, #tpu.memory_space<hbm>> -> memref<10000x128xf32, #tpu.memory_space<hbm>>
      tpu.wait_indirect_dma semaphore(%arg16 : memref<!tpu.dma_semaphore, #tpu.memory_space<semaphore_mem>>) src(%dma_wait3A_1222 : memref<10000x128xf32, #tpu.memory_space<hbm>>) dst(%arg10 : memref<64x128xf32, #tpu.memory_space<vmem>>)
      %add3A_1223 = arith.constant 2 : i32
      %add3A_1224 = arith.addi %mul3A_1182, %add3A_1223 : i32
      %dma_start3A_1225 = arith.constant 0 : i32
      %dma_start3A_1226 = tpu.memref_slice %arg7[%add3A_1224, %dma_start3A_1225] : memref<40x64xi32, #tpu.memory_space<vmem>> -> memref<1x64xi32, #tpu.memory_space<vmem>>
      %dma_start3A_1227 = tpu.memref_squeeze %dma_start3A_1226 : memref<1x64xi32, #tpu.memory_space<vmem>> -> memref<64xi32, #tpu.memory_space<vmem>>
      %dma_start3A_1228 = arith.constant 0 : i32
      %dma_start3A_1229 = arith.constant 0 : i32
      %dma_start3A_1230 = tpu.memref_slice %arg13[%dma_start3A_1228, %dma_start3A_1229] : memref<10240x128xf32, #tpu.memory_space<vmem_shared>> -> memref<10240x128xf32, #tpu.memory_space<vmem_shared>>
      tpu.enqueue_indirect_dma source(%arg10 : memref<64x128xf32, #tpu.memory_space<vmem>>) target(%dma_start3A_1230 : memref<10240x128xf32, #tpu.memory_space<vmem_shared>>) offsets(%dma_start3A_1227 : memref<64xi32, #tpu.memory_space<vmem>>) semaphore(%arg20 : memref<!tpu.dma_semaphore, #tpu.memory_space<semaphore_mem>>) {add = true}
      %add3A_1231 = arith.constant 3 : i32
      %add3A_1232 = arith.addi %mul3A_1182, %add3A_1231 : i32
      %dma_wait3A_1233 = arith.constant 0 : i32
      %dma_wait3A_1234 = tpu.memref_slice %arg6[%add3A_1232, %dma_wait3A_1233] : memref<40x64xi32, #tpu.memory_space<vmem>> -> memref<1x64xi32, #tpu.memory_space<vmem>>
      %dma_wait3A_1235 = tpu.memref_squeeze %dma_wait3A_1234 : memref<1x64xi32, #tpu.memory_space<vmem>> -> memref<64xi32, #tpu.memory_space<vmem>>
      %dma_wait3A_1236 = arith.constant 0 : i32
      %dma_wait3A_1237 = arith.constant 0 : i32
      %dma_wait3A_1238 = tpu.memref_slice %arg2[%dma_wait3A_1236, %dma_wait3A_1237] : memref<10000x128xf32, #tpu.memory_space<hbm>> -> memref<10000x128xf32, #tpu.memory_space<hbm>>
      tpu.wait_indirect_dma semaphore(%arg17 : memref<!tpu.dma_semaphore, #tpu.memory_space<semaphore_mem>>) src(%dma_wait3A_1238 : memref<10000x128xf32, #tpu.memory_space<hbm>>) dst(%arg11 : memref<64x128xf32, #tpu.memory_space<vmem>>)
      %add3A_1239 = arith.constant 3 : i32
      %add3A_1240 = arith.addi %mul3A_1182, %add3A_1239 : i32
      %dma_start3A_1241 = arith.constant 0 : i32
      %dma_start3A_1242 = tpu.memref_slice %arg7[%add3A_1240, %dma_start3A_1241] : memref<40x64xi32, #tpu.memory_space<vmem>> -> memref<1x64xi32, #tpu.memory_space<vmem>>
      %dma_start3A_1243 = tpu.memref_squeeze %dma_start3A_1242 : memref<1x64xi32, #tpu.memory_space<vmem>> -> memref<64xi32, #tpu.memory_space<vmem>>
      %dma_start3A_1244 = arith.constant 0 : i32
      %dma_start3A_1245 = arith.constant 0 : i32
      %dma_start3A_1246 = tpu.memref_slice %arg13[%dma_start3A_1244, %dma_start3A_1245] : memref<10240x128xf32, #tpu.memory_space<vmem_shared>> -> memref<10240x128xf32, #tpu.memory_space<vmem_shared>>
      tpu.enqueue_indirect_dma source(%arg11 : memref<64x128xf32, #tpu.memory_space<vmem>>) target(%dma_start3A_1246 : memref<10240x128xf32, #tpu.memory_space<vmem_shared>>) offsets(%dma_start3A_1243 : memref<64xi32, #tpu.memory_space<vmem>>) semaphore(%arg21 : memref<!tpu.dma_semaphore, #tpu.memory_space<semaphore_mem>>) {add = true}
      %add3A_1247 = arith.constant 0 : i32
      %add3A_1248 = arith.addi %mul3A_1182, %add3A_1247 : i32
      %dma_wait3A_1249 = arith.constant 0 : i32
      %dma_wait3A_1250 = tpu.memref_slice %arg7[%add3A_1248, %dma_wait3A_1249] : memref<40x64xi32, #tpu.memory_space<vmem>> -> memref<1x64xi32, #tpu.memory_space<vmem>>
      %dma_wait3A_1251 = tpu.memref_squeeze %dma_wait3A_1250 : memref<1x64xi32, #tpu.memory_space<vmem>> -> memref<64xi32, #tpu.memory_space<vmem>>
      %dma_wait3A_1252 = arith.constant 0 : i32
      %dma_wait3A_1253 = arith.constant 0 : i32
      %dma_wait3A_1254 = tpu.memref_slice %arg13[%dma_wait3A_1252, %dma_wait3A_1253] : memref<10240x128xf32, #tpu.memory_space<vmem_shared>> -> memref<10240x128xf32, #tpu.memory_space<vmem_shared>>
      tpu.wait_indirect_dma semaphore(%arg18 : memref<!tpu.dma_semaphore, #tpu.memory_space<semaphore_mem>>) src(%arg8 : memref<64x128xf32, #tpu.memory_space<vmem>>) dst(%dma_wait3A_1254 : memref<10240x128xf32, #tpu.memory_space<vmem_shared>>)
      %add3A_1255 = arith.constant 4 : i32
      %add3A_1256 = arith.addi %mul3A_1182, %add3A_1255 : i32
      %add3A_1257 = arith.constant 0 : i32
      %add3A_1258 = arith.addi %add3A_1256, %add3A_1257 : i32
      %min3A_1259 = arith.constant 39 : i32
      %min3A_1260 = arith.minsi %add3A_1258, %min3A_1259 : i32
      %dma_start3A_1261 = arith.constant 0 : i32
      %dma_start3A_1262 = tpu.memref_slice %arg6[%min3A_1260, %dma_start3A_1261] : memref<40x64xi32, #tpu.memory_space<vmem>> -> memref<1x64xi32, #tpu.memory_space<vmem>>
      %dma_start3A_1263 = tpu.memref_squeeze %dma_start3A_1262 : memref<1x64xi32, #tpu.memory_space<vmem>> -> memref<64xi32, #tpu.memory_space<vmem>>
      %dma_start3A_1264 = arith.constant 0 : i32
      %dma_start3A_1265 = arith.constant 0 : i32
      %dma_start3A_1266 = tpu.memref_slice %arg2[%dma_start3A_1264, %dma_start3A_1265] : memref<10000x128xf32, #tpu.memory_space<hbm>> -> memref<10000x128xf32, #tpu.memory_space<hbm>>
      tpu.enqueue_indirect_dma source(%dma_start3A_1266 : memref<10000x128xf32, #tpu.memory_space<hbm>>) target(%arg8 : memref<64x128xf32, #tpu.memory_space<vmem>>) offsets(%dma_start3A_1263 : memref<64xi32, #tpu.memory_space<vmem>>) semaphore(%arg14 : memref<!tpu.dma_semaphore, #tpu.memory_space<semaphore_mem>>)
      %add3A_1267 = arith.constant 1 : i32
      %add3A_1268 = arith.addi %mul3A_1182, %add3A_1267 : i32
      %dma_wait3A_1269 = arith.constant 0 : i32
      %dma_wait3A_1270 = tpu.memref_slice %arg7[%add3A_1268, %dma_wait3A_1269] : memref<40x64xi32, #tpu.memory_space<vmem>> -> memref<1x64xi32, #tpu.memory_space<vmem>>
      %dma_wait3A_1271 = tpu.memref_squeeze %dma_wait3A_1270 : memref<1x64xi32, #tpu.memory_space<vmem>> -> memref<64xi32, #tpu.memory_space<vmem>>
      %dma_wait3A_1272 = arith.constant 0 : i32
      %dma_wait3A_1273 = arith.constant 0 : i32
      %dma_wait3A_1274 = tpu.memref_slice %arg13[%dma_wait3A_1272, %dma_wait3A_1273] : memref<10240x128xf32, #tpu.memory_space<vmem_shared>> -> memref<10240x128xf32, #tpu.memory_space<vmem_shared>>
      tpu.wait_indirect_dma semaphore(%arg19 : memref<!tpu.dma_semaphore, #tpu.memory_space<semaphore_mem>>) src(%arg9 : memref<64x128xf32, #tpu.memory_space<vmem>>) dst(%dma_wait3A_1274 : memref<10240x128xf32, #tpu.memory_space<vmem_shared>>)
      %add3A_1275 = arith.constant 4 : i32
      %add3A_1276 = arith.addi %mul3A_1182, %add3A_1275 : i32
      %add3A_1277 = arith.constant 1 : i32
      %add3A_1278 = arith.addi %add3A_1276, %add3A_1277 : i32
      %min3A_1279 = arith.constant 39 : i32
      %min3A_1280 = arith.minsi %add3A_1278, %min3A_1279 : i32
      %dma_start3A_1281 = arith.constant 0 : i32
      %dma_start3A_1282 = tpu.memref_slice %arg6[%min3A_1280, %dma_start3A_1281] : memref<40x64xi32, #tpu.memory_space<vmem>> -> memref<1x64xi32, #tpu.memory_space<vmem>>
      %dma_start3A_1283 = tpu.memref_squeeze %dma_start3A_1282 : memref<1x64xi32, #tpu.memory_space<vmem>> -> memref<64xi32, #tpu.memory_space<vmem>>
      %dma_start3A_1284 = arith.constant 0 : i32
      %dma_start3A_1285 = arith.constant 0 : i32
      %dma_start3A_1286 = tpu.memref_slice %arg2[%dma_start3A_1284, %dma_start3A_1285] : memref<10000x128xf32, #tpu.memory_space<hbm>> -> memref<10000x128xf32, #tpu.memory_space<hbm>>
      tpu.enqueue_indirect_dma source(%dma_start3A_1286 : memref<10000x128xf32, #tpu.memory_space<hbm>>) target(%arg9 : memref<64x128xf32, #tpu.memory_space<vmem>>) offsets(%dma_start3A_1283 : memref<64xi32, #tpu.memory_space<vmem>>) semaphore(%arg15 : memref<!tpu.dma_semaphore, #tpu.memory_space<semaphore_mem>>)
      %add3A_1287 = arith.constant 2 : i32
      %add3A_1288 = arith.addi %mul3A_1182, %add3A_1287 : i32
      %dma_wait3A_1289 = arith.constant 0 : i32
      %dma_wait3A_1290 = tpu.memref_slice %arg7[%add3A_1288, %dma_wait3A_1289] : memref<40x64xi32, #tpu.memory_space<vmem>> -> memref<1x64xi32, #tpu.memory_space<vmem>>
      %dma_wait3A_1291 = tpu.memref_squeeze %dma_wait3A_1290 : memref<1x64xi32, #tpu.memory_space<vmem>> -> memref<64xi32, #tpu.memory_space<vmem>>
      %dma_wait3A_1292 = arith.constant 0 : i32
      %dma_wait3A_1293 = arith.constant 0 : i32
      %dma_wait3A_1294 = tpu.memref_slice %arg13[%dma_wait3A_1292, %dma_wait3A_1293] : memref<10240x128xf32, #tpu.memory_space<vmem_shared>> -> memref<10240x128xf32, #tpu.memory_space<vmem_shared>>
      tpu.wait_indirect_dma semaphore(%arg20 : memref<!tpu.dma_semaphore, #tpu.memory_space<semaphore_mem>>) src(%arg10 : memref<64x128xf32, #tpu.memory_space<vmem>>) dst(%dma_wait3A_1294 : memref<10240x128xf32, #tpu.memory_space<vmem_shared>>)
      %add3A_1295 = arith.constant 4 : i32
      %add3A_1296 = arith.addi %mul3A_1182, %add3A_1295 : i32
      %add3A_1297 = arith.constant 2 : i32
      %add3A_1298 = arith.addi %add3A_1296, %add3A_1297 : i32
      %min3A_1299 = arith.constant 39 : i32
      %min3A_1300 = arith.minsi %add3A_1298, %min3A_1299 : i32
      %dma_start3A_1301 = arith.constant 0 : i32
      %dma_start3A_1302 = tpu.memref_slice %arg6[%min3A_1300, %dma_start3A_1301] : memref<40x64xi32, #tpu.memory_space<vmem>> -> memref<1x64xi32, #tpu.memory_space<vmem>>
      %dma_start3A_1303 = tpu.memref_squeeze %dma_start3A_1302 : memref<1x64xi32, #tpu.memory_space<vmem>> -> memref<64xi32, #tpu.memory_space<vmem>>
      %dma_start3A_1304 = arith.constant 0 : i32
      %dma_start3A_1305 = arith.constant 0 : i32
      %dma_start3A_1306 = tpu.memref_slice %arg2[%dma_start3A_1304, %dma_start3A_1305] : memref<10000x128xf32, #tpu.memory_space<hbm>> -> memref<10000x128xf32, #tpu.memory_space<hbm>>
      tpu.enqueue_indirect_dma source(%dma_start3A_1306 : memref<10000x128xf32, #tpu.memory_space<hbm>>) target(%arg10 : memref<64x128xf32, #tpu.memory_space<vmem>>) offsets(%dma_start3A_1303 : memref<64xi32, #tpu.memory_space<vmem>>) semaphore(%arg16 : memref<!tpu.dma_semaphore, #tpu.memory_space<semaphore_mem>>)
      %add3A_1307 = arith.constant 3 : i32
      %add3A_1308 = arith.addi %mul3A_1182, %add3A_1307 : i32
      %dma_wait3A_1309 = arith.constant 0 : i32
      %dma_wait3A_1310 = tpu.memref_slice %arg7[%add3A_1308, %dma_wait3A_1309] : memref<40x64xi32, #tpu.memory_space<vmem>> -> memref<1x64xi32, #tpu.memory_space<vmem>>
      %dma_wait3A_1311 = tpu.memref_squeeze %dma_wait3A_1310 : memref<1x64xi32, #tpu.memory_space<vmem>> -> memref<64xi32, #tpu.memory_space<vmem>>
      %dma_wait3A_1312 = arith.constant 0 : i32
      %dma_wait3A_1313 = arith.constant 0 : i32
      %dma_wait3A_1314 = tpu.memref_slice %arg13[%dma_wait3A_1312, %dma_wait3A_1313] : memref<10240x128xf32, #tpu.memory_space<vmem_shared>> -> memref<10240x128xf32, #tpu.memory_space<vmem_shared>>
      tpu.wait_indirect_dma semaphore(%arg21 : memref<!tpu.dma_semaphore, #tpu.memory_space<semaphore_mem>>) src(%arg11 : memref<64x128xf32, #tpu.memory_space<vmem>>) dst(%dma_wait3A_1314 : memref<10240x128xf32, #tpu.memory_space<vmem_shared>>)
      %add3A_1315 = arith.constant 4 : i32
      %add3A_1316 = arith.addi %mul3A_1182, %add3A_1315 : i32
      %add3A_1317 = arith.constant 3 : i32
      %add3A_1318 = arith.addi %add3A_1316, %add3A_1317 : i32
      %min3A_1319 = arith.constant 39 : i32
      %min3A_1320 = arith.minsi %add3A_1318, %min3A_1319 : i32
      %dma_start3A_1321 = arith.constant 0 : i32
      %dma_start3A_1322 = tpu.memref_slice %arg6[%min3A_1320, %dma_start3A_1321] : memref<40x64xi32, #tpu.memory_space<vmem>> -> memref<1x64xi32, #tpu.memory_space<vmem>>
      %dma_start3A_1323 = tpu.memref_squeeze %dma_start3A_1322 : memref<1x64xi32, #tpu.memory_space<vmem>> -> memref<64xi32, #tpu.memory_space<vmem>>
      %dma_start3A_1324 = arith.constant 0 : i32
      %dma_start3A_1325 = arith.constant 0 : i32
      %dma_start3A_1326 = tpu.memref_slice %arg2[%dma_start3A_1324, %dma_start3A_1325] : memref<10000x128xf32, #tpu.memory_space<hbm>> -> memref<10000x128xf32, #tpu.memory_space<hbm>>
      tpu.enqueue_indirect_dma source(%dma_start3A_1326 : memref<10000x128xf32, #tpu.memory_space<hbm>>) target(%arg11 : memref<64x128xf32, #tpu.memory_space<vmem>>) offsets(%dma_start3A_1323 : memref<64xi32, #tpu.memory_space<vmem>>) semaphore(%arg17 : memref<!tpu.dma_semaphore, #tpu.memory_space<semaphore_mem>>)
    }
    %dma_wait3A_1144 = arith.constant 39 : i32
    %dma_wait3A_1145 = arith.constant 0 : i32
    %dma_wait3A_1146 = tpu.memref_slice %arg6[%dma_wait3A_1144, %dma_wait3A_1145] : memref<40x64xi32, #tpu.memory_space<vmem>> -> memref<1x64xi32, #tpu.memory_space<vmem>>
    %dma_wait3A_1147 = tpu.memref_squeeze %dma_wait3A_1146 : memref<1x64xi32, #tpu.memory_space<vmem>> -> memref<64xi32, #tpu.memory_space<vmem>>
    %dma_wait3A_1148 = arith.constant 0 : i32
    %dma_wait3A_1149 = arith.constant 0 : i32
    %dma_wait3A_1150 = tpu.memref_slice %arg2[%dma_wait3A_1148, %dma_wait3A_1149] : memref<10000x128xf32, #tpu.memory_space<hbm>> -> memref<10000x128xf32, #tpu.memory_space<hbm>>
    tpu.wait_indirect_dma semaphore(%arg14 : memref<!tpu.dma_semaphore, #tpu.memory_space<semaphore_mem>>) src(%dma_wait3A_1150 : memref<10000x128xf32, #tpu.memory_space<hbm>>) dst(%arg8 : memref<64x128xf32, #tpu.memory_space<vmem>>)
    %dma_wait3A_1151 = arith.constant 39 : i32
    %dma_wait3A_1152 = arith.constant 0 : i32
    %dma_wait3A_1153 = tpu.memref_slice %arg6[%dma_wait3A_1151, %dma_wait3A_1152] : memref<40x64xi32, #tpu.memory_space<vmem>> -> memref<1x64xi32, #tpu.memory_space<vmem>>
    %dma_wait3A_1154 = tpu.memref_squeeze %dma_wait3A_1153 : memref<1x64xi32, #tpu.memory_space<vmem>> -> memref<64xi32, #tpu.memory_space<vmem>>
    %dma_wait3A_1155 = arith.constant 0 : i32
    %dma_wait3A_1156 = arith.constant 0 : i32
    %dma_wait3A_1157 = tpu.memref_slice %arg2[%dma_wait3A_1155, %dma_wait3A_1156] : memref<10000x128xf32, #tpu.memory_space<hbm>> -> memref<10000x128xf32, #tpu.memory_space<hbm>>
    tpu.wait_indirect_dma semaphore(%arg15 : memref<!tpu.dma_semaphore, #tpu.memory_space<semaphore_mem>>) src(%dma_wait3A_1157 : memref<10000x128xf32, #tpu.memory_space<hbm>>) dst(%arg9 : memref<64x128xf32, #tpu.memory_space<vmem>>)
    %dma_wait3A_1158 = arith.constant 39 : i32
    %dma_wait3A_1159 = arith.constant 0 : i32
    %dma_wait3A_1160 = tpu.memref_slice %arg6[%dma_wait3A_1158, %dma_wait3A_1159] : memref<40x64xi32, #tpu.memory_space<vmem>> -> memref<1x64xi32, #tpu.memory_space<vmem>>
    %dma_wait3A_1161 = tpu.memref_squeeze %dma_wait3A_1160 : memref<1x64xi32, #tpu.memory_space<vmem>> -> memref<64xi32, #tpu.memory_space<vmem>>
    %dma_wait3A_1162 = arith.constant 0 : i32
    %dma_wait3A_1163 = arith.constant 0 : i32
    %dma_wait3A_1164 = tpu.memref_slice %arg2[%dma_wait3A_1162, %dma_wait3A_1163] : memref<10000x128xf32, #tpu.memory_space<hbm>> -> memref<10000x128xf32, #tpu.memory_space<hbm>>
    tpu.wait_indirect_dma semaphore(%arg16 : memref<!tpu.dma_semaphore, #tpu.memory_space<semaphore_mem>>) src(%dma_wait3A_1164 : memref<10000x128xf32, #tpu.memory_space<hbm>>) dst(%arg10 : memref<64x128xf32, #tpu.memory_space<vmem>>)
    %dma_wait3A_1165 = arith.constant 39 : i32
    %dma_wait3A_1166 = arith.constant 0 : i32
    %dma_wait3A_1167 = tpu.memref_slice %arg6[%dma_wait3A_1165, %dma_wait3A_1166] : memref<40x64xi32, #tpu.memory_space<vmem>> -> memref<1x64xi32, #tpu.memory_space<vmem>>
    %dma_wait3A_1168 = tpu.memref_squeeze %dma_wait3A_1167 : memref<1x64xi32, #tpu.memory_space<vmem>> -> memref<64xi32, #tpu.memory_space<vmem>>
    %dma_wait3A_1169 = arith.constant 0 : i32
    %dma_wait3A_1170 = arith.constant 0 : i32
    %dma_wait3A_1171 = tpu.memref_slice %arg2[%dma_wait3A_1169, %dma_wait3A_1170] : memref<10000x128xf32, #tpu.memory_space<hbm>> -> memref<10000x128xf32, #tpu.memory_space<hbm>>
    tpu.wait_indirect_dma semaphore(%arg17 : memref<!tpu.dma_semaphore, #tpu.memory_space<semaphore_mem>>) src(%dma_wait3A_1171 : memref<10000x128xf32, #tpu.memory_space<hbm>>) dst(%arg11 : memref<64x128xf32, #tpu.memory_space<vmem>>)
    %barrier3A_1172 = arith.constant 0 : index
    tpu.barrier barrier_id(%barrier3A_1172)
    %mul3A_1173 = arith.constant 640 : i32
    %mul3A_1174 = arith.muli %arg1, %mul3A_1173 : i32
    %mul3A_1175 = arith.constant 10240 : i32
    %mul3A_1176 = arith.muli %arg0, %mul3A_1175 : i32
    %mul3A_1177 = arith.constant 640 : i32
    %mul3A_1178 = arith.muli %arg1, %mul3A_1177 : i32
    %add3A_1179 = arith.addi %mul3A_1176, %mul3A_1178 : i32
    "tpu.region"() ({
      %run_scoped3A = tpu.sem_alloc : memref<!tpu.dma_semaphore, #tpu.memory_space<semaphore_mem>>
      %dma_start3A_1180 = arith.constant 0 : i32
      %dma_start3A_1181 = tpu.memref_slice %arg5[%add3A_1179, %dma_start3A_1180] : memref<20480x128xf32, #tpu.memory_space<hbm>> -> memref<640x128xf32, #tpu.memory_space<hbm>>
      %dma_start3A_1182 = arith.constant 0 : i32
      %dma_start3A_1183 = tpu.memref_slice %arg13[%mul3A_1174, %dma_start3A_1182] : memref<10240x128xf32, #tpu.memory_space<vmem_shared>> -> memref<640x128xf32, #tpu.memory_space<vmem_shared>>
      tpu.enqueue_dma source(%dma_start3A_1183 : memref<640x128xf32, #tpu.memory_space<vmem_shared>>) target(%dma_start3A_1181 : memref<640x128xf32, #tpu.memory_space<hbm>>) target_semaphore(%run_scoped3A : memref<!tpu.dma_semaphore, #tpu.memory_space<semaphore_mem>>)
      %dma_wait3A_1184 = arith.constant 0 : i32
      %dma_wait3A_1185 = tpu.memref_slice %arg5[%add3A_1179, %dma_wait3A_1184] : memref<20480x128xf32, #tpu.memory_space<hbm>> -> memref<640x128xf32, #tpu.memory_space<hbm>>
      %dma_wait3A_1186 = arith.constant 0 : i32
      %dma_wait3A_1187 = tpu.memref_slice %arg13[%mul3A_1174, %dma_wait3A_1186] : memref<10240x128xf32, #tpu.memory_space<vmem_shared>> -> memref<640x128xf32, #tpu.memory_space<vmem_shared>>
      tpu.wait_dma2 semaphore(%run_scoped3A : memref<!tpu.dma_semaphore, #tpu.memory_space<semaphore_mem>>) src(%dma_wait3A_1187 : memref<640x128xf32, #tpu.memory_space<vmem_shared>>) dst(%dma_wait3A_1185 : memref<640x128xf32, #tpu.memory_space<hbm>>)
      tpu.yield
    }) : () -> ()
    return
  }
}

module attributes {stable_mosaic.version = 14 : i64} {
  func.func @_ffn_body(%arg0: i32, %arg1: memref<2000x128xf32, #tpu.memory_space<vmem>>, %arg2: memref<1x2000x128xf32, #tpu.memory_space<vmem>>, %arg3: memref<1x2000x128xf32, #tpu.memory_space<vmem>>, %arg4: memref<128x128xf32, #tpu.memory_space<vmem>>, %arg5: memref<1x128xf32, #tpu.memory_space<vmem>>, %arg6: memref<2000x128xf32, #tpu.memory_space<vmem>>) attributes {dimension_semantics = [#tpu.dimension_semantics<arbitrary>], iteration_bounds = array<i64: 5>, scalar_prefetch = 0 : i64, scratch_operands = 0 : i64, tpu.core_type = #tpu.core_type<tc>, window_params = [{transform_indices = @transform_0, window_bounds = array<i64: 2000, 128>}, {transform_indices = @transform_1, window_bounds = array<i64: 1, 2000, 128>}, {transform_indices = @transform_2, window_bounds = array<i64: 1, 2000, 128>}, {pipeline_mode = #tpu.pipeline_mode<synchronous>, transform_indices = @transform_3, window_bounds = array<i64: 128, 128>}, {pipeline_mode = #tpu.pipeline_mode<synchronous>, transform_indices = @transform_4, window_bounds = array<i64: 1, 128>}, {transform_indices = @transform_5, window_bounds = array<i64: 2000, 128>}]} {
    %get3A = arith.constant 0 : index
    %get3A_0 = arith.constant 0 : index
    %get3A_1 = vector.load %arg1[%get3A, %get3A_0] : memref<2000x128xf32, #tpu.memory_space<vmem>>, vector<2000x128xf32>
    %get3A_2 = arith.constant 0 : index
    %get3A_3 = arith.constant 0 : index
    %get3A_4 = arith.constant 0 : index
    %get3A_5 = vector.load %arg2[%get3A_2, %get3A_3, %get3A_4] : memref<1x2000x128xf32, #tpu.memory_space<vmem>>, vector<1x2000x128xf32>
    %get3A_6 = vector.shape_cast %get3A_5 : vector<1x2000x128xf32> to vector<2000x128xf32>
    %add3A = arith.addf %get3A_1, %get3A_6 : vector<2000x128xf32>
    %get3A_7 = arith.constant 0 : index
    %get3A_8 = arith.constant 0 : index
    %get3A_9 = arith.constant 0 : index
    %get3A_10 = vector.load %arg3[%get3A_7, %get3A_8, %get3A_9] : memref<1x2000x128xf32, #tpu.memory_space<vmem>>, vector<1x2000x128xf32>
    %get3A_11 = vector.shape_cast %get3A_10 : vector<1x2000x128xf32> to vector<2000x128xf32>
    %add3A_12 = arith.addf %add3A, %get3A_11 : vector<2000x128xf32>
    %get3A_13 = arith.constant 0 : index
    %get3A_14 = arith.constant 0 : index
    %get3A_15 = vector.load %arg4[%get3A_13, %get3A_14] : memref<128x128xf32, #tpu.memory_space<vmem>>, vector<128x128xf32>
    %dot_general3A = arith.constant dense<0.000000e+00> : vector<2000x128xf32>
    %dot_general3A_16 = tpu.matmul %add3A_12, %get3A_15, %dot_general3A {dimension_numbers = #tpu.dot_dimension_numbers<[1], [0], [0], [1], [0, 0, 1, 1], [], []>, transpose_lhs_hint = false} : vector<2000x128xf32>, vector<128x128xf32>, vector<2000x128xf32> -> vector<2000x128xf32>
    %get3A_17 = arith.constant 0 : index
    %get3A_18 = arith.constant 0 : index
    %get3A_19 = vector.load %arg5[%get3A_17, %get3A_18] : memref<1x128xf32, #tpu.memory_space<vmem>>, vector<1x128xf32>
    %add3A_20 = vector.broadcast %get3A_19 : vector<1x128xf32> to vector<2000x128xf32>
    %add3A_21 = arith.addf %dot_general3A_16, %add3A_20 : vector<2000x128xf32>
    %mul3A = arith.constant 5.000000e-01 : f32
    %mul3A_22 = vector.broadcast %mul3A : f32 to vector<2000x128xf32>
    %mul3A_23 = arith.mulf %mul3A_22, %add3A_21 : vector<2000x128xf32>
    %mul3A_24 = arith.constant 0.707106769 : f32
    %mul3A_25 = vector.broadcast %mul3A_24 : f32 to vector<2000x128xf32>
    %mul3A_26 = arith.mulf %add3A_21, %mul3A_25 : vector<2000x128xf32>
    %erf3A = math.erf %mul3A_26 : vector<2000x128xf32>
    %add3A_27 = arith.constant 1.000000e+00 : f32
    %add3A_28 = vector.broadcast %add3A_27 : f32 to vector<2000x128xf32>
    %add3A_29 = arith.addf %add3A_28, %erf3A : vector<2000x128xf32>
    %mul3A_30 = arith.mulf %mul3A_23, %add3A_29 : vector<2000x128xf32>
    %mul3A_31 = arith.mulf %mul3A_30, %mul3A_30 : vector<2000x128xf32>
    %reduce_sum3A = arith.constant dense<0.000000e+00> : vector<2000xf32>
    %reduce_sum3A_32 = vector.multi_reduction <add>, %mul3A_31, %reduce_sum3A [1] : vector<2000x128xf32> to vector<2000xf32>
    %broadcast_in_dim3A = vector.shape_cast %reduce_sum3A_32 : vector<2000xf32> to vector<2000x1xf32>
    %max3A = arith.constant 9.99999996E-13 : f32
    %max3A_33 = vector.broadcast %max3A : f32 to vector<2000x1xf32>
    %max3A_34 = arith.maximumf %broadcast_in_dim3A, %max3A_33 : vector<2000x1xf32>
    %rsqrt3A = math.rsqrt %max3A_34 : vector<2000x1xf32>
    %mul3A_35 = vector.broadcast %rsqrt3A : vector<2000x1xf32> to vector<2000x128xf32>
    %mul3A_36 = arith.mulf %mul3A_30, %mul3A_35 : vector<2000x128xf32>
    %swap3A = arith.constant 0 : index
    %swap3A_37 = arith.constant 0 : index
    %swap3A_38 = vector.load %arg6[%swap3A, %swap3A_37] : memref<2000x128xf32, #tpu.memory_space<vmem>>, vector<2000x128xf32>
    tpu.vector_store %arg6[%swap3A, %swap3A_37], %mul3A_36 {strides = array<i32>} : memref<2000x128xf32, #tpu.memory_space<vmem>>, vector<2000x128xf32>,
    return
  }
  func.func @transform_0(%arg0: i32) -> (i32, i32) {
    %c0_i32 = arith.constant 0 : i32
    %c0_i32_0 = arith.constant 0 : i32
    return %arg0, %c0_i32 : i32, i32
  }
  func.func @transform_1(%arg0: i32) -> (i32, i32, i32) {
    %c0_i32 = arith.constant 0 : i32
    %c0_i32_0 = arith.constant 0 : i32
    %c0_i32_1 = arith.constant 0 : i32
    return %c0_i32, %arg0, %c0_i32_0 : i32, i32, i32
  }
  func.func @transform_2(%arg0: i32) -> (i32, i32, i32) {
    %c1_i32 = arith.constant 1 : i32
    %c0_i32 = arith.constant 0 : i32
    %c0_i32_0 = arith.constant 0 : i32
    return %c1_i32, %arg0, %c0_i32 : i32, i32, i32
  }
  func.func @transform_3(%arg0: i32) -> (i32, i32) {
    %c0_i32 = arith.constant 0 : i32
    %c0_i32_0 = arith.constant 0 : i32
    %c0_i32_1 = arith.constant 0 : i32
    return %c0_i32, %c0_i32_0 : i32, i32
  }
  func.func @transform_4(%arg0: i32) -> (i32, i32) {
    %c0_i32 = arith.constant 0 : i32
    %c0_i32_0 = arith.constant 0 : i32
    %c0_i32_1 = arith.constant 0 : i32
    return %c0_i32, %c0_i32_0 : i32, i32
  }
  func.func @transform_5(%arg0: i32) -> (i32, i32) {
    %c0_i32 = arith.constant 0 : i32
    %c0_i32_0 = arith.constant 0 : i32
    return %arg0, %c0_i32 : i32, i32
  }
}

</mosaic_0001>

<sc_bundles>
// kernel: kernel.4.cloned.1.call-start
scs
__scs_entry_jumppad:
0x0: {  	(pc) =	sbr.rel $0x88, $3  }
0x1: {  	(tag) =	ssettag $0x0;
	lr =	simm.s32 $0x1  }
0x2: {  	[smem:$0x3F99] =	sst lr;
	_ =	strace $0xD0000000  }
0x3: {  	_ = 	snop  }
0x4: {  	_ = 	snop  }
0x5: {  	_ = 	snop  }
0x6: {  	_ = 	snop  }
0x7: {  	_ = 	snop  }
__scs_overlays_trampoline_lowered:
0x8: {  	[smem:$0x3FA8] =	sst s0  }
0x9: {  	[smem:$0x3FA9] =	sst s1  }
0xa: {  	[smem:$0x3FAA] =	sst s2  }
0xb: {  	[smem:$0x3FAB] =	sst s3  }
0xc: {  	[smem:$0x3FAC] =	sst s4  }
0xd: {  	[smem:$0x3FAD] =	sst s5  }
0xe: {  	[smem:$0x3FAE] =	sst s6  }
0xf: {  	[smem:$0x3FAF] =	sst s7  }
0x10: {  	[smem:$0x3FB0] =	sst s8  }
0x11: {  	[smem:$0x3FB1] =	sst s9;
	s0 =	simm.s32 @!p0 $0x0  }
0x12: {  	s1 =	sld [smem:$0x3F97];
	s0 =	simm.s32 @p0 $0x1  }
0x13: {  	[smem:$0x3FB2] =	sst s0;
	s0 =	simm.s32 @!p1 $0x0  }
0x14: {  	s2 =	sld [smem:$0x3F96];
	s0 =	simm.s32 @p1 $0x1  }
0x15: {  	[smem:$0x3FB3] =	sst s0;
	s0 =	simm.s32 @!p2 $0x0  }
0x16: {  	s3 =	sld [smem:$0x3FDB];
	s0 =	simm.s32 @p2 $0x1  }
0x17: {  	s4 =	simm.s32 $0x1BF5;
	[smem:$0x3FB5] =	sst s0  }
0x18: {  	s0 =	sld [smem:$0x3F98];
	_ =	swait.ge [sflag:s4], $0x0  }
0x19: {  	s7 =	sld [smem:$0x3F99]  }
0x1a: {  	s8 =	sadd.s32 $0xFFFFE003, lr  }
0x1b: {  	s9 =	sadd.s32 $0xFFFFFEF7, lr;
	s5 =	simm.s32 $0xFFFFFFFF;
	p2 =	slt.u32 s8, $0xFFFFF086  }
0x1c: {  	p1 =	slt.u32 s9, $0xF7A;
	s5 =	simm.s32 @!p2 $0x0  }
0x1d: {  	s5 =	simm.s32 @p1 $0x1;
	p0 =	seq.s32 s7, s2  }
0x1e: {  	s7 =	smul.u32 @!p0 $0xF7A, s2;
	p2 =	seq.s32 @!p0 s5, $0x0  }
0x1f: {  	s9 =	smul.u32 $0xF7A, s1;
	s8 =	simm.s32 @!p0 $0x1BF5;
	p2 =	por !p2, p0  }
0x20: {  	[sflag:s8] =	ssyncset.s32 @!p0 $0xFFFFF086;
	s6 =	sadd.s32 @!p0 s3, s7;
	s7 =	simm.s32 @!p0 $0x108  }
0x21: {  	s3 =	sadd.s32 s3, s9;
	s6 =	sadd.s32 @!p0 $0x88, s6;
	s7 =	simm.s32 @p2 $0x1082  }
0x22: {  	[simem:s7], [sflag:s8] =	dma.local @!p0 [hbm:s6], $0xF7A  }
0x23: {  	s9 =	sor.u32 $0xD0000000, s2;
	s6 =	simm.s32 $0x108;
	_ =	swait.ge @!p0 [sflag:s8], $0x0  }
0x24: {  	s3 =	sadd.s32 $0x88, s3;
	s6 =	simm.s32 @!p1 $0x1082;
	[sflag:s4] =	ssyncset.s32 $0xFFFFF086  }
0x25: {  	[simem:s6], [sflag:s4] =	dma.local [hbm:s3], $0xF7A  }
0x26: {  	[smem:$0x3F99] =	sst s1;
	(tag) =	ssettag s2;
	_ =	strace s9  }
0x27: {  	s1 =	sld [smem:$0x3FA9]  }
0x28: {  	s2 =	sld [smem:$0x3FAA]  }
0x29: {  	s4 =	sld [smem:$0x3FAC]  }
0x2a: {  	p0 =	seq.s32 s5, $0x0;
	s5 =	sld [smem:$0x3FAD]  }
0x2b: {  	s6 =	sld [smem:$0x3FAE]  }
0x2c: {  	s7 =	sld [smem:$0x3FAF]  }
0x2d: {  	s3 =	simm.s32 $0x108;
	s8 =	sld [smem:$0x3FB0]  }
0x2e: {  	s3 =	simm.s32 @!p0 $0x1082;
	s9 =	sld [smem:$0x3FB1]  }
0x2f: {  	lr =	sadd.s32 s0, s3;
	s0 =	sld [smem:$0x3FA8]  }
0x30: {  	s3 =	sld [smem:$0x3FAB]  }
0x31: {  	[smem:$0x3FB4] =	sst s10  }
0x32: {  	s10 =	sld [smem:$0x3FB2];
	_ =	sdelay $0x3  }
0x33: {  	p0 =	seq.s32 s10, $0x1;
	s10 =	sld [smem:$0x3FB4];
	_ =	sdelay $0x3  }
0x34: {  	[smem:$0x3FB4] =	sst s10  }
0x35: {  	s10 =	sld [smem:$0x3FB3];
	_ =	sdelay $0x3  }
0x36: {  	p1 =	seq.s32 s10, $0x1;
	s10 =	sld [smem:$0x3FB4];
	_ =	sdelay $0x3  }
0x37: {  	[smem:$0x3FB4] =	sst s10  }
0x38: {  	s10 =	sld [smem:$0x3FB5]  }
0x39: {  	_ = 	snop;
	(pc) =	sbr.ind lr, $3  }
0x3a: {  	_ = 	snop  }
0x3b: {  	_ = 	snop  }
0x3c: {  	p2 =	seq.s32 s10, $0x1;
	s10 =	sld [smem:$0x3FB4]  }
0x3d: {  	_ =	shalt  }
0x3e: {  	_ =	shalt  }
0x3f: {  	_ =	shalt  }
0x40: {  	_ =	shalt  }
0x41: {  	_ =	shalt  }
0x42: {  	_ =	shalt  }
0x43: {  	_ =	shalt  }
0x44: {  	_ =	shalt  }
0x45: {  	_ =	shalt  }
0x46: {  	_ =	shalt  }
0x47: {  	_ =	shalt  }
0x48: {  	_ =	shalt  }
0x49: {  	_ =	shalt  }
0x4a: {  	_ =	shalt  }
0x4b: {  	_ =	shalt  }
0x4c: {  	_ =	shalt  }
0x4d: {  	_ =	shalt  }
0x4e: {  	_ =	shalt  }
0x4f: {  	_ =	shalt  }
0x50: {  	_ =	shalt  }
0x51: {  	_ =	shalt  }
0x52: {  	_ =	shalt  }
0x53: {  	_ =	shalt  }
0x54: {  	_ =	shalt  }
0x55: {  	_ =	shalt  }
0x56: {  	_ =	shalt  }
0x57: {  	_ =	shalt  }
0x58: {  	_ =	shalt  }
0x59: {  	_ =	shalt  }
0x5a: {  	_ =	shalt  }
0x5b: {  	_ =	shalt  }
0x5c: {  	_ =	shalt  }
0x5d: {  	_ =	shalt  }
0x5e: {  	_ =	shalt  }
0x5f: {  	_ =	shalt  }
0x60: {  	_ =	shalt  }
0x61: {  	_ =	shalt  }
0x62: {  	_ =	shalt  }
0x63: {  	_ =	shalt  }
0x64: {  	_ =	shalt  }
0x65: {  	_ =	shalt  }
0x66: {  	_ =	shalt  }
0x67: {  	_ =	shalt  }
0x68: {  	_ =	shalt  }
0x69: {  	_ =	shalt  }
0x6a: {  	_ =	shalt  }
0x6b: {  	_ =	shalt  }
0x6c: {  	_ =	shalt  }
0x6d: {  	_ =	shalt  }
0x6e: {  	_ =	shalt  }
0x6f: {  	_ =	shalt  }
0x70: {  	_ =	shalt  }
0x71: {  	_ =	shalt  }
0x72: {  	_ =	shalt  }
0x73: {  	_ =	shalt  }
0x74: {  	_ =	shalt  }
0x75: {  	_ =	shalt  }
0x76: {  	_ =	shalt  }
0x77: {  	_ =	shalt  }
0x78: {  	_ =	shalt  }
0x79: {  	_ =	shalt  }
0x7a: {  	_ =	shalt  }
0x7b: {  	_ =	shalt  }
0x7c: {  	_ =	shalt  }
0x7d: {  	_ =	shalt  }
0x7e: {  	_ =	shalt  }
0x7f: {  	_ =	shalt  }
0x80: {  	_ =	shalt  }
0x81: {  	_ =	shalt  }
0x82: {  	_ =	shalt  }
0x83: {  	_ =	shalt  }
0x84: {  	_ =	shalt  }
0x85: {  	_ =	shalt  }
0x86: {  	_ =	shalt  }
0x87: {  	_ =	shalt  }
.Lfunc_end0:
.L_simem_size_0:
called_computation_lowered:
.L_overlay_start_0:
0x88: {  	s2 =	sld [smem:$0x3FD9]  }
0x89: {  	s3 =	sld [smem:$0x3FFE];
	_ =	sdelay $0x1  }
0x8a: {  	s1 =	srdreg.scid  }
0x8b: {  	s0 =	sand.u32 $0x1, s1  }
0x8c: {  	s17 =	sshll.u32 s0, $0xA;
	s2 =	sadd.s32 s3, s2  }
0x8d: {  	s2 =	sadd.s32 s2, s17  }
0x8e: {  	[smem:$0x3FC0] =	sst s2  }
0x8f: {  	_ = 	snop  }
0x90: {  	s2 =	sld [smem:$0x3FC9]  }
0x91: {  	s18 =	sld [smem:$0x3FD0];
	(tm) =	ssettm $0x1  }
0x92: {  	s4 =	sld [smem:$0x3FFB];
	_ =	sdelay $0x3  }
0x93: {  	_ =	strace s4  }
0x94: {  	s4 =	sld [smem:$0x3FFC];
	_ =	sdelay $0x3  }
0x95: {  	_ =	strace s4  }
0x96: {  	s4 =	sld [smem:$0x3FFD];
	_ =	sdelay $0x3  }
0x97: {  	_ =	strace s4  }
0x98: {  	_ =	strace $0x8FFFFFFF  }
0x99: {  	s19 =	sld [smem:$0x3FDB];
	_ =	sdelay $0x1  }
0x9a: {  	s5 =	simm.s32 $_scs_section_size  }
0x9b: {  	s6 =	simm.s32 $_size__tile_overlayer_lowered;
	s7 =	simm.s32 $_tile_overlayer_lowered  }
0x9c: {  	s22 =	simm.s32 $0x1BFF;
	s21 =	sshll.u32 s7, $0x1;
	s4 =	sadd.s32 s5, s19  }
0x9d: {  	s8 =	simm.s32 $0x0;
	s20 =	sshll.u32 s6, $0x1;
	s6 =	sadd.s32 s21, s4  }
0x9e: {  	[timem:s8], [sflag:s22] =	dma.local [hbm:s6], s20  }
0x9f: {  	_ =	swait.ge [sflag:s22], s20  }
0xa0: {  	s5 =	ssub.s32 $0x0, s20;
	[sflag:s22] =	ssyncset.done $0x0  }
0xa1: {  	[sflag:s22] =	ssyncadd.s32 s5;
	_ =	sdelay $0x1  }
0xa2: {  	s23 =	simm.s32 $0x1B8B  }
0xa3: {  	_ =	swait.ge [sflag:s23], $0x1  }
0xa4: {  	[sflag:s23] =	ssyncset.done $0x0  }
0xa5: {  	s25 =	simm.s32 $0x1B8E;
	s24 =	sld [smem:$0x3FFE];
	[sflag:s23] =	ssyncadd.s32 $0xFFFFFFFF  }
0xa6: {  	s26 =	simm.s32 $execute0_lowered;
	[smem:$0x3FD2] =	sst s25  }
0xa7: {  	s6 =	sshll.u32 s26, $0x1;
	_ =	strace $0x80000046;
	[dreg:$0x1] =	wrdreg $0xFFFFFFFF  }
0xa8: {  	s28 =	simm.s32 $_size_execute0_lowered;
	s4 =	sadd.s32 s4, s6;
	[dreg:$0x0] =	wrdreg $0x0  }
0xa9: {  	s6 =	sshll.u32 s28, $0x1;
	[dreg:$0x2] =	wrdreg s4  }
0xaa: {  	[dreg:$0x3] =	wrdreg s6  }
0xab: {  	[dreg:$0x4] =	wrdreg $0xC0  }
0xac: {  	_ =	task [dreg:s8], $0x5FFFF  }
0xad: {  	[dreg:$0x1] =	wrdreg $0xFFFFFFFF  }
0xae: {  	[dreg:$0x0] =	wrdreg $0x60  }
0xaf: {  	[dreg:$0x2] =	wrdreg s2  }
0xb0: {  	[dreg:$0x3] =	wrdreg s18  }
0xb1: {  	[dreg:$0x4] =	wrdreg s24  }
0xb2: {  	[dreg:$0x5] =	wrdreg $0xB0000  }
0xb3: {  	[dreg:$0x6] =	wrdreg $0x9  }
0xb4: {  	_ =	task.clear_ibuf [dreg:s8], $0x7FFFF;
	_ =	strace $0x90000046  }
0xb5: {  	s29 =	simm.s32 $0x9;
	_ =	strace $0x80000048  }
0xb6: {  	_ =	swait.ge [sflag:s29], $0x1  }
0xb7: {  	[sflag:s29] =	ssyncadd.s32 $0xFFFFFFFF  }
0xb8: {  	_ =	strace $0x90000048  }
0xb9: {  	_ =	sfence  }
0xba: {  	s30 =	sld [smem:$0x0];
	_ =	sdelay $0x2  }
0xbb: {  	s31 =	sshll.u32 s1, $0xD;
	s1 =	sshrl.u32 s1, $0x2  }
0xbc: {  	s3 =	sand.u32 $0x4000, s31;
	s1 =	sadd.s32 s1, s30  }
0xbd: {  	s0 =	sor.u32 s3, s0;
	s1 =	sshll.u32 s1, $0x11  }
0xbe: {  	s0 =	sor.u32 s1, s0  }
0xbf: {  	s0 =	sadd.s32 $0x8F2B, s0  }
0xc0: {  	[sflag:s0] =	ssyncadd.remote.s32 $0x1  }
0xc1: {  	_ =	sfence.sel $0xFFFF  }
0xc2: {  	[dreg:$0x0] =	wrdreg $0xFFFFFFFF;
	(pc) =	sbr.abs _section_cstart, $3  }
0xc3: {  	[dreg:$0x1] =	wrdreg $0xFFFFFFFF  }
0xc4: {  	_ =	task.clear_ibuf [dreg:s8], $0x2FFFF;
	_ =	strace $0x9FFFFFFF  }
0xc5: {  	(tm) =	ssettm $0x7FFFFFFF  }
tec
execute0_lowered:
.L_overlay_start_1:
0x0: {  	(tag) =	ssettag $0x1  }
0x1: {  	s1 =	rddreg [dreg:$0x0]  }
0x2: {  	s0 =	rddreg [dreg:$0x1]  }
0x3: {  	s3 =	rddreg [dreg:$0x2]  }
0x4: {  	s2 =	rddreg [dreg:$0x3]  }
0x5: {  	s4 =	srdreg.scid;
	s14 =	stileid.u32;
	s18 =	simm.s32 $0xA800  }
0x6: {  	s19 =	simm.s32 $0x9;
	s28 =	simm.s32 $0x180;
	s7 =	smul.u32 $0x2800, s14  }
0x7: {  	s29 =	simm.s32 $0x8800;
	s30 =	simm.s32 $0x1;
	s10 =	smul.u32 $0x50000, s14  }
0x8: {  	s31 =	simm.s32 $0x2;
	s6 =	sand.u32 $0x1, s4;
	s26 =	smul.u32 $0xFFFFFF60, s14  }
0x9: {  	s4 =	simm.s32 $0x0;
	s8 =	sadd.s32 $0x1200, s3;
	s5 =	smul.u32 $0x28000, s6  }
0xa: {  	[smem:$0x7FF] =	sst s4;
	s21 =	sshll.u32 s6, $0x4;
	s9 =	ssub.s32 $0x2, s6  }
0xb: {  	s6 =	smul.u32 $0xFFFFF600, s6;
	_ =	strace $0x80000047;
	s22 =	sshrl.u32 s9, $0x1  }
0xc: {  	s23 =	sshrl.u32 s10, $0x2;
	s5 =	sadd.s32 s7, s5;
	s7 =	sor.u32 s14, s21  }
0xd: {  	s9 =	ssub.s32 s9, s22;
	s6 =	sadd.s32 s6, s26;
	s11 =	smul.u32 $0xA0, s7  }
0xe: {  	s3 =	sadd.s32 s5, s3;
	s24 =	smul.u32 $0xA00, s7;
	s5 =	sadd.s32 s23, s2  }
0xf: {  	s6 =	sadd.s32 $0x1388, s6;
	p0 =	seq.s32 s7, $0x1F;
	s7 =	simm.s32 $0x8  }
0x10: {  	s22 =	smin.u32 s6, $0xA0;
	s6 =	smin.u32 s6, $0x50;
	s3 =	sadd.s32 $0x14C00, s3  }
0x11: {  	s12 =	ssub.s32 $0x1388, s11;
	s13 =	smin.u32 s11, $0x1338;
	s15 =	sadd.s32 s0, s24  }
0x12: {  	s10 =	sadd.s32 s8, s24;
	s16 =	smin.u32 s11, $0x1310;
	s11 =	smin.u32 s11, $0x12E8  }
0x13: {  	s23 =	smax.u32 s22, $0x50;
	[dreg:$0xe] =	wrdreg s3;
	s24 =	sadd.s32 $0xFFFFFFD8, s6  }
0x14: {  	s12 =	smin.u32 s12, $0xA0;
	[dreg:$0x6] =	wrdreg s15;
	s13 =	sshll.u32 s13, $0x4  }
0x15: {  	[dreg:$0x7] =	wrdreg s10;
	s14 =	sshll.u32 s16, $0x4;
	s11 =	sshll.u32 s11, $0x4  }
0x16: {  	s3 =	sshrl.u32 s24, $0x2;
	s24 =	simm.s32 $0x4800;
	s16 =	simm.s32 $0x4  }
0x17: {  	s25 =	sadd.s32 $0x280, s13;
	s17 =	smax.u32 s12, $0x50;
	s14 =	sadd.s32 $0x500, s14  }
0x18: {  	s11 =	sadd.s32 $0x780, s11;
	s12 =	smax.u32 s12, $0x78;
	s15 =	sadd.s32 s0, s25  }
0x19: {  	s3 =	smax.u32 s3, $0x1;
	s10 =	sadd.s32 s8, s25;
	[dreg:$0x8] =	wrdreg s15  }
0x1a: {  	s20 =	sadd.s32 s0, s14;
	s21 =	sadd.s32 s8, s14;
	[dreg:$0x9] =	wrdreg s10  }
0x1b: {  	s0 =	sadd.s32 s0, s11;
	s8 =	sadd.s32 s8, s11;
	[dreg:$0xa] =	wrdreg s20  }
0x1c: {  	s25 =	smax.u32 s22, $0x78;
	s3 =	ssub.s32 $0x0, s3;
	[dreg:$0xb] =	wrdreg s21  }
0x1d: {  	s22 =	simm.s32 $0x2800;
	p1 =	seq.s32 s17, $0x50;
	[dreg:$0xc] =	wrdreg s0  }
0x1e: {  	p2 =	seq.s32 s12, $0x78;
	s17 =	simm.s32 $0x5;
	[dreg:$0xd] =	wrdreg s8  }
0x1f: {  	s0 =	smin.u32 s23, $0x78;
	s6 =	sadd.s32 $0xFFFFFF88, s25;
	s15 =	smax.u32 s9, $0x1  }
0x20: {  	[dreg:$0xf] =	wrdreg s3;
	s20 =	simm.s32 $0x1400;
	s21 =	simm.s32 $0x40  }
0x21: {  	s23 =	simm.s32 $0x80;
	s25 =	simm.s32 $0x100;
	s0 =	sadd.s32 $0xFFFFFFB0, s0  }
.Ltmp0:
0x22: {  	s3 =	simm.s32 $0x6;
	s0 =	sshrl.u32 s0, $0x2;
	(pc) =	sbr.rel .LBB2_1-.Ltmp0, $4  }
0x23: {  	s8 =	simm.s32 $0x1380;
	s6 =	sshrl.u32 s6, $0x2;
	s0 =	smax.u32 s0, $0x1  }
0x24: {  	s9 =	simm.s32 $0x0;
	s26 =	smax.u32 s6, $0x1;
	s0 =	sshll.u32 s0, $0x2  }
0x25: {  	s6 =	simm.s32 $0x7;
	[dreg:$0x5] =	wrdreg s0;
	s0 =	ssub.s32 $0x0, s26  }
0x26: {  	v0 =	vimm.f32 $0.0e+00;
	s26 =	simm.s32 $0x6800;
	[dreg:$0x10] =	wrdreg s0;
	s0 =	simm.s32 $0x3  }
.LBB2_14:
0x27: {  	[sflag:s7] =	ssyncadd.s32 $0xFFFFE000;
	s10 =	sadd.s32 $0x380, s13  }
0x28: {  	[tilespmem:s29], [sflag:$0x4] =	stream.indirect.gather [hbm4b:s1+s21], $0x80, s10, s21, $0xb8;
	[tilespmem:$0x1F000] =	vst v63  }
.LBB2_15:
0x29: {  	_ =	swait.ge [sflag:s30], $0x2000  }
0x2a: {  	[sflag:s30] =	ssyncset.done $0x0  }
0x2b: {  	[sflag:s30] =	ssyncadd.s32 $0xFFFFE000  }
0x2c: {  	_ =	swait.ge [sflag:s31], $0x2000  }
0x2d: {  	[sflag:s31] =	ssyncset.done $0x0  }
0x2e: {  	[sflag:s31] =	ssyncadd.s32 $0xFFFFE000  }
0x2f: {  	_ =	swait.ge [sflag:s0], $0x2000  }
0x30: {  	[sflag:s0] =	ssyncset.done $0x0  }
0x31: {  	[sflag:s0] =	ssyncadd.s32 $0xFFFFE000  }
0x32: {  	_ =	swait.ge [sflag:s16], $0x2000  }
0x33: {  	s10 =	stileid.u32;
	[sflag:s16] =	ssyncset.done $0x0  }
0x34: {  	s11 =	sshrl.u32 s5, $0x3;
	s9 =	sadd.s32 $0x1, s9;
	[sflag:s16] =	ssyncadd.s32 $0xFFFFE000  }
0x35: {  	s10 =	sshll.u32 s10, $0x6;
	p3 =	sne.s32 s9, s15;
	[bflag:$0x0] =	sbarrier.arrive $0xFFFF  }
.Ltmp1:
0x36: {  	s10 =	sor.u32 $0x1C09, s10;
	s12 =	rddreg [dreg:$0xe];
	(pc) =	sbr.rel @!p3 .LBB2_16-.Ltmp1, $4  }
0x37: {  	[hbm:s12], [sflag:s10] =	dma.local [spmem:s11], $0x2800  }
0x38: {  	_ =	swait.ge [sflag:s19], $0x2800  }
0x39: {  	[sflag:s19] =	ssyncset.done $0x0  }
0x3a: {  	[sflag:s19] =	ssyncadd.s32 $0xFFFFD800  }
.LBB2_1:
0x3b: {  	[tilespmem:$0xA800] =	vst v0  }
0x3c: {  	[tilespmem:$0xA810] =	vst v0  }
0x3d: {  	[tilespmem:$0xA820] =	vst v0  }
0x3e: {  	[tilespmem:$0xA830] =	vst v0  }
0x3f: {  	[tilespmem:$0xA840] =	vst v0  }
0x40: {  	[tilespmem:$0xA850] =	vst v0  }
0x41: {  	[tilespmem:$0xA860] =	vst v0  }
0x42: {  	[tilespmem:$0xA870] =	vst v0  }
0x43: {  	[tilespmem:$0xA880] =	vst v0  }
0x44: {  	[tilespmem:$0xA890] =	vst v0  }
0x45: {  	[tilespmem:$0xA8A0] =	vst v0  }
0x46: {  	[tilespmem:$0xA8B0] =	vst v0  }
0x47: {  	[tilespmem:$0xA8C0] =	vst v0  }
0x48: {  	[tilespmem:$0xA8D0] =	vst v0  }
0x49: {  	[tilespmem:$0xA8E0] =	vst v0  }
0x4a: {  	[tilespmem:$0xA8F0] =	vst v0  }
0x4b: {  	[tilespmem:$0xA900] =	vst v0  }
0x4c: {  	[tilespmem:$0xA910] =	vst v0  }
0x4d: {  	[tilespmem:$0xA920] =	vst v0  }
0x4e: {  	[tilespmem:$0xA930] =	vst v0  }
0x4f: {  	[tilespmem:$0xA940] =	vst v0  }
0x50: {  	[tilespmem:$0xA950] =	vst v0  }
0x51: {  	[tilespmem:$0xA960] =	vst v0  }
0x52: {  	[tilespmem:$0xA970] =	vst v0  }
0x53: {  	[tilespmem:$0xA980] =	vst v0  }
0x54: {  	[tilespmem:$0xA990] =	vst v0  }
0x55: {  	[tilespmem:$0xA9A0] =	vst v0  }
0x56: {  	[tilespmem:$0xA9B0] =	vst v0  }
0x57: {  	[tilespmem:$0xA9C0] =	vst v0  }
0x58: {  	[tilespmem:$0xA9D0] =	vst v0  }
0x59: {  	[tilespmem:$0xA9E0] =	vst v0  }
0x5a: {  	[tilespmem:$0xA9F0] =	vst v0  }
0x5b: {  	[tilespmem:$0xAA00] =	vst v0  }
0x5c: {  	[tilespmem:$0xAA10] =	vst v0  }
0x5d: {  	[tilespmem:$0xAA20] =	vst v0  }
0x5e: {  	[tilespmem:$0xAA30] =	vst v0  }
0x5f: {  	[tilespmem:$0xAA40] =	vst v0  }
0x60: {  	[tilespmem:$0xAA50] =	vst v0  }
0x61: {  	[tilespmem:$0xAA60] =	vst v0  }
0x62: {  	[tilespmem:$0xAA70] =	vst v0  }
0x63: {  	[tilespmem:$0xAA80] =	vst v0  }
0x64: {  	[tilespmem:$0xAA90] =	vst v0  }
0x65: {  	[tilespmem:$0xAAA0] =	vst v0  }
0x66: {  	[tilespmem:$0xAAB0] =	vst v0  }
0x67: {  	[tilespmem:$0xAAC0] =	vst v0  }
0x68: {  	[tilespmem:$0xAAD0] =	vst v0  }
0x69: {  	[tilespmem:$0xAAE0] =	vst v0  }
0x6a: {  	[tilespmem:$0xAAF0] =	vst v0  }
0x6b: {  	[tilespmem:$0xAB00] =	vst v0  }
0x6c: {  	[tilespmem:$0xAB10] =	vst v0  }
0x6d: {  	[tilespmem:$0xAB20] =	vst v0  }
0x6e: {  	[tilespmem:$0xAB30] =	vst v0  }
0x6f: {  	[tilespmem:$0xAB40] =	vst v0  }
0x70: {  	[tilespmem:$0xAB50] =	vst v0  }
0x71: {  	[tilespmem:$0xAB60] =	vst v0  }
0x72: {  	[tilespmem:$0xAB70] =	vst v0  }
0x73: {  	[tilespmem:$0xAB80] =	vst v0  }
0x74: {  	[tilespmem:$0xAB90] =	vst v0  }
0x75: {  	[tilespmem:$0xABA0] =	vst v0  }
0x76: {  	[tilespmem:$0xABB0] =	vst v0  }
0x77: {  	[tilespmem:$0xABC0] =	vst v0  }
0x78: {  	[tilespmem:$0xABD0] =	vst v0  }
0x79: {  	[tilespmem:$0xABE0] =	vst v0  }
0x7a: {  	[tilespmem:$0xABF0] =	vst v0  }
0x7b: {  	[tilespmem:$0xAC00] =	vst v0  }
0x7c: {  	[tilespmem:$0xAC10] =	vst v0  }
0x7d: {  	[tilespmem:$0xAC20] =	vst v0  }
0x7e: {  	[tilespmem:$0xAC30] =	vst v0  }
0x7f: {  	[tilespmem:$0xAC40] =	vst v0  }
0x80: {  	[tilespmem:$0xAC50] =	vst v0  }
0x81: {  	[tilespmem:$0xAC60] =	vst v0  }
0x82: {  	[tilespmem:$0xAC70] =	vst v0  }
0x83: {  	[tilespmem:$0xAC80] =	vst v0  }
0x84: {  	[tilespmem:$0xAC90] =	vst v0  }
0x85: {  	[tilespmem:$0xACA0] =	vst v0  }
0x86: {  	[tilespmem:$0xACB0] =	vst v0  }
0x87: {  	[tilespmem:$0xACC0] =	vst v0  }
0x88: {  	[tilespmem:$0xACD0] =	vst v0  }
0x89: {  	[tilespmem:$0xACE0] =	vst v0  }
0x8a: {  	[tilespmem:$0xACF0] =	vst v0  }
0x8b: {  	[tilespmem:$0xAD00] =	vst v0  }
0x8c: {  	[tilespmem:$0xAD10] =	vst v0  }
0x8d: {  	[tilespmem:$0xAD20] =	vst v0  }
0x8e: {  	[tilespmem:$0xAD30] =	vst v0  }
0x8f: {  	[tilespmem:$0xAD40] =	vst v0  }
0x90: {  	[tilespmem:$0xAD50] =	vst v0  }
0x91: {  	[tilespmem:$0xAD60] =	vst v0  }
0x92: {  	[tilespmem:$0xAD70] =	vst v0  }
0x93: {  	[tilespmem:$0xAD80] =	vst v0  }
0x94: {  	[tilespmem:$0xAD90] =	vst v0  }
0x95: {  	[tilespmem:$0xADA0] =	vst v0  }
0x96: {  	[tilespmem:$0xADB0] =	vst v0  }
0x97: {  	[tilespmem:$0xADC0] =	vst v0  }
0x98: {  	[tilespmem:$0xADD0] =	vst v0  }
0x99: {  	[tilespmem:$0xADE0] =	vst v0  }
0x9a: {  	[tilespmem:$0xADF0] =	vst v0  }
0x9b: {  	[tilespmem:$0xAE00] =	vst v0  }
0x9c: {  	[tilespmem:$0xAE10] =	vst v0  }
0x9d: {  	[tilespmem:$0xAE20] =	vst v0  }
0x9e: {  	[tilespmem:$0xAE30] =	vst v0  }
0x9f: {  	[tilespmem:$0xAE40] =	vst v0  }
0xa0: {  	[tilespmem:$0xAE50] =	vst v0  }
0xa1: {  	[tilespmem:$0xAE60] =	vst v0  }
0xa2: {  	[tilespmem:$0xAE70] =	vst v0  }
0xa3: {  	[tilespmem:$0xAE80] =	vst v0  }
0xa4: {  	[tilespmem:$0xAE90] =	vst v0  }
0xa5: {  	[tilespmem:$0xAEA0] =	vst v0  }
0xa6: {  	[tilespmem:$0xAEB0] =	vst v0  }
0xa7: {  	[tilespmem:$0xAEC0] =	vst v0  }
0xa8: {  	[tilespmem:$0xAED0] =	vst v0  }
0xa9: {  	[tilespmem:$0xAEE0] =	vst v0  }
0xaa: {  	[tilespmem:$0xAEF0] =	vst v0  }
0xab: {  	[tilespmem:$0xAF00] =	vst v0  }
0xac: {  	[tilespmem:$0xAF10] =	vst v0  }
0xad: {  	[tilespmem:$0xAF20] =	vst v0  }
0xae: {  	[tilespmem:$0xAF30] =	vst v0  }
0xaf: {  	[tilespmem:$0xAF40] =	vst v0  }
0xb0: {  	[tilespmem:$0xAF50] =	vst v0  }
0xb1: {  	[tilespmem:$0xAF60] =	vst v0  }
0xb2: {  	[tilespmem:$0xAF70] =	vst v0  }
0xb3: {  	[tilespmem:$0xAF80] =	vst v0  }
0xb4: {  	[tilespmem:$0xAF90] =	vst v0  }
0xb5: {  	[tilespmem:$0xAFA0] =	vst v0  }
0xb6: {  	[tilespmem:$0xAFB0] =	vst v0  }
0xb7: {  	[tilespmem:$0xAFC0] =	vst v0  }
0xb8: {  	[tilespmem:$0xAFD0] =	vst v0  }
0xb9: {  	[tilespmem:$0xAFE0] =	vst v0  }
0xba: {  	[tilespmem:$0xAFF0] =	vst v0;
	s10 =	sadd.s32 $0x0, s5  }
0xbb: {  	[spmem:s10] =	stream.linear.scatter [tilespmem:s18], [sflag:$0x9], $0x800, $0x38;
	[tilespmem:$0x1F000] =	vst v63  }
0xbc: {  	s10 =	simm.s32 $0x2000;
	_ =	swait.ge [sflag:s19], $0x800  }
.LBB2_2:
0xbd: {  	s11 =	sshra.s32 s10, $0x2;
	[sflag:s19] =	ssyncset.done $0x0;
	p3 =	sne.s32 s10, $0x4E000  }
.Ltmp2:
0xbe: {  	s11 =	sadd.s32 s11, s5;
	[sflag:s19] =	ssyncadd.s32 $0xFFFFF800;
	(pc) =	sbr.rel @p3 .LBB2_2-.Ltmp2, $3  }
0xbf: {  	[spmem:s11] =	stream.linear.scatter [tilespmem:s18], [sflag:$0x9], $0x800, $0x38;
	[tilespmem:$0x1F000] =	vst v63  }
0xc0: {  	s10 =	sadd.s32 $0x2000, s10;
	_ =	sdelay $0x1  }
0xc1: {  	_ =	swait.ge [sflag:s19], $0x800  }
0xc2: {  	[sflag:s19] =	ssyncset.done $0x0  }
0xc3: {  	[sflag:s19] =	ssyncadd.s32 $0xFFFFF800  }
0xc4: {  	[bflag:$0x0] =	sbarrier.arrive $0xFFFF  }
0xc5: {  	s10 =	simm.s32 $0x0;
	s11 =	rddreg [dreg:$0x6]  }
0xc6: {  	[tilespmem:s10], [sflag:$0x9] =	stream.linear.gather [hbm4b:s11+s10], $0x1400, $0x38;
	[tilespmem:$0x1F000] =	vst v63  }
0xc7: {  	_ =	swait.ge [sflag:s19], $0x1400  }
0xc8: {  	[sflag:s19] =	ssyncset.done $0x0  }
0xc9: {  	s14 =	rddreg [dreg:$0x7];
	[sflag:s19] =	ssyncadd.s32 $0xFFFFEC00  }
0xca: {  	[tilespmem:s20], [sflag:$0x9] =	stream.linear.gather [hbm4b:s14+s10], $0x1400, $0x38;
	[tilespmem:$0x1F000] =	vst v63  }
0xcb: {  	_ =	swait.ge [sflag:s19], $0x1400  }
0xcc: {  	[sflag:s19] =	ssyncset.done $0x0  }
0xcd: {  	[sflag:s19] =	ssyncadd.s32 $0xFFFFEC00  }
0xce: {  	[tilespmem:s22], [sflag:$0x1] =	stream.indirect.gather [hbm4b:s1+s21], $0x80, s10, s21, $0xb8;
	[tilespmem:$0x1F000] =	vst v63  }
0xcf: {  	_ = 	snop  }
0xd0: {  	[tilespmem:s24], [sflag:$0x2] =	stream.indirect.gather [hbm4b:s1+s21], $0x80, s23, s21, $0xb8;
	[tilespmem:$0x1F000] =	vst v63  }
0xd1: {  	_ = 	snop  }
0xd2: {  	[tilespmem:s26], [sflag:$0x3] =	stream.indirect.gather [hbm4b:s1+s21], $0x80, s25, s21, $0xb8;
	[tilespmem:$0x1F000] =	vst v63  }
0xd3: {  	_ = 	snop  }
0xd4: {  	[tilespmem:s29], [sflag:$0x4] =	stream.indirect.gather [hbm4b:s1+s21], $0x80, s28, s21, $0xb8;
	[tilespmem:$0x1F000] =	vst v63  }
0xd5: {  	_ =	swait.ge [sflag:s30], $0x2000  }
0xd6: {  	[sflag:s30] =	ssyncset.done $0x0  }
0xd7: {  	s12 =	simm.s32 $0x1400;
	[sflag:s30] =	ssyncadd.s32 $0xFFFFE000  }
0xd8: {  	[spmem:s2] =	stream.indirect.scatter.add.f32 [tilespmem:s22], [sflag:$0x5], $0x80, s12, s21, $0xb8;
	[tilespmem:$0x1F000] =	vst v63  }
0xd9: {  	_ =	swait.ge [sflag:s31], $0x2000  }
0xda: {  	[sflag:s31] =	ssyncset.done $0x0  }
0xdb: {  	s13 =	simm.s32 $0x1480;
	[sflag:s31] =	ssyncadd.s32 $0xFFFFE000  }
0xdc: {  	[spmem:s2] =	stream.indirect.scatter.add.f32 [tilespmem:s24], [sflag:$0x6], $0x80, s13, s21, $0xb8;
	[tilespmem:$0x1F000] =	vst v63  }
0xdd: {  	_ =	swait.ge [sflag:s0], $0x2000  }
0xde: {  	[sflag:s0] =	ssyncset.done $0x0  }
0xdf: {  	s14 =	simm.s32 $0x1500;
	[sflag:s0] =	ssyncadd.s32 $0xFFFFE000  }
0xe0: {  	[spmem:s2] =	stream.indirect.scatter.add.f32 [tilespmem:s26], [sflag:$0x7], $0x80, s14, s21, $0xb8;
	[tilespmem:$0x1F000] =	vst v63  }
0xe1: {  	_ =	swait.ge [sflag:s16], $0x2000  }
0xe2: {  	[sflag:s16] =	ssyncset.done $0x0  }
0xe3: {  	s11 =	simm.s32 $0x1580;
	[sflag:s16] =	ssyncadd.s32 $0xFFFFE000  }
0xe4: {  	[spmem:s2] =	stream.indirect.scatter.add.f32 [tilespmem:s29], [sflag:$0x8], $0x80, s11, s21, $0xb8;
	[tilespmem:$0x1F000] =	vst v63  }
0xe5: {  	_ =	swait.ge [sflag:s17], $0x2000  }
0xe6: {  	[sflag:s17] =	ssyncset.done $0x0  }
0xe7: {  	s12 =	simm.s32 $0x200;
	[sflag:s17] =	ssyncadd.s32 $0xFFFFE000  }
0xe8: {  	[tilespmem:s22], [sflag:$0x1] =	stream.indirect.gather [hbm4b:s1+s21], $0x80, s12, s21, $0xb8;
	[tilespmem:$0x1F000] =	vst v63  }
0xe9: {  	_ =	swait.ge [sflag:s3], $0x2000  }
0xea: {  	[sflag:s3] =	ssyncset.done $0x0  }
0xeb: {  	s13 =	simm.s32 $0x280;
	[sflag:s3] =	ssyncadd.s32 $0xFFFFE000  }
0xec: {  	[tilespmem:s24], [sflag:$0x2] =	stream.indirect.gather [hbm4b:s1+s21], $0x80, s13, s21, $0xb8;
	[tilespmem:$0x1F000] =	vst v63  }
0xed: {  	_ =	swait.ge [sflag:s6], $0x2000  }
0xee: {  	[sflag:s6] =	ssyncset.done $0x0  }
0xef: {  	s14 =	simm.s32 $0x300;
	[sflag:s6] =	ssyncadd.s32 $0xFFFFE000  }
0xf0: {  	[tilespmem:s26], [sflag:$0x3] =	stream.indirect.gather [hbm4b:s1+s21], $0x80, s14, s21, $0xb8;
	[tilespmem:$0x1F000] =	vst v63  }
0xf1: {  	_ =	swait.ge [sflag:s7], $0x2000  }
0xf2: {  	[sflag:s7] =	ssyncset.done $0x0  }
0xf3: {  	s10 =	simm.s32 $0x800;
	s11 =	simm.s32 $0x380;
	[sflag:s7] =	ssyncadd.s32 $0xFFFFE000  }
.LBB2_4:
0xf4: {  	[tilespmem:s29], [sflag:$0x4] =	stream.indirect.gather [hbm4b:s1+s21], $0x80, s11, s21, $0xb8;
	[tilespmem:$0x1F000] =	vst v63  }
0xf5: {  	s11 =	smov.u32 s10  }
0xf6: {  	p3 =	sne.s32 s10, $0x3800;
	s10 =	sadd.s32 $0x800, s10;
	_ =	swait.ge [sflag:s30], $0x2000  }
0xf7: {  	s11 =	sshra.s32 s11, $0x2;
	[sflag:s30] =	ssyncset.done $0x0  }
0xf8: {  	s12 =	sadd.s32 $0x1400, s11;
	[sflag:s30] =	ssyncadd.s32 $0xFFFFE000  }
0xf9: {  	[spmem:s2] =	stream.indirect.scatter.add.f32 [tilespmem:s22], [sflag:$0x5], $0x80, s12, s21, $0xb8;
	[tilespmem:$0x1F000] =	vst v63  }
0xfa: {  	_ =	swait.ge [sflag:s31], $0x2000  }
0xfb: {  	[sflag:s31] =	ssyncset.done $0x0  }
0xfc: {  	s12 =	sadd.s32 $0x1480, s11;
	[sflag:s31] =	ssyncadd.s32 $0xFFFFE000  }
0xfd: {  	[spmem:s2] =	stream.indirect.scatter.add.f32 [tilespmem:s24], [sflag:$0x6], $0x80, s12, s21, $0xb8;
	[tilespmem:$0x1F000] =	vst v63  }
0xfe: {  	_ =	swait.ge [sflag:s0], $0x2000  }
0xff: {  	[sflag:s0] =	ssyncset.done $0x0  }
0x100: {  	s12 =	sadd.s32 $0x1500, s11;
	[sflag:s0] =	ssyncadd.s32 $0xFFFFE000  }
0x101: {  	[spmem:s2] =	stream.indirect.scatter.add.f32 [tilespmem:s26], [sflag:$0x7], $0x80, s12, s21, $0xb8;
	[tilespmem:$0x1F000] =	vst v63  }
0x102: {  	_ =	swait.ge [sflag:s16], $0x2000  }
0x103: {  	[sflag:s16] =	ssyncset.done $0x0  }
0x104: {  	s12 =	sadd.s32 $0x1580, s11;
	[sflag:s16] =	ssyncadd.s32 $0xFFFFE000  }
0x105: {  	[spmem:s2] =	stream.indirect.scatter.add.f32 [tilespmem:s29], [sflag:$0x8], $0x80, s12, s21, $0xb8;
	[tilespmem:$0x1F000] =	vst v63  }
0x106: {  	_ =	swait.ge [sflag:s17], $0x2000  }
0x107: {  	[sflag:s17] =	ssyncset.done $0x0  }
0x108: {  	s12 =	sadd.s32 $0x200, s11;
	[sflag:s17] =	ssyncadd.s32 $0xFFFFE000  }
0x109: {  	[tilespmem:s22], [sflag:$0x1] =	stream.indirect.gather [hbm4b:s1+s21], $0x80, s12, s21, $0xb8;
	[tilespmem:$0x1F000] =	vst v63  }
0x10a: {  	_ =	swait.ge [sflag:s3], $0x2000  }
0x10b: {  	[sflag:s3] =	ssyncset.done $0x0  }
0x10c: {  	s12 =	sadd.s32 $0x280, s11;
	[sflag:s3] =	ssyncadd.s32 $0xFFFFE000  }
0x10d: {  	[tilespmem:s24], [sflag:$0x2] =	stream.indirect.gather [hbm4b:s1+s21], $0x80, s12, s21, $0xb8;
	[tilespmem:$0x1F000] =	vst v63  }
0x10e: {  	_ =	swait.ge [sflag:s6], $0x2000  }
0x10f: {  	[sflag:s6] =	ssyncset.done $0x0  }
.Ltmp3:
0x110: {  	s12 =	sadd.s32 $0x300, s11;
	[sflag:s6] =	ssyncadd.s32 $0xFFFFE000;
	(pc) =	sbr.rel @p3 .LBB2_4-.Ltmp3, $4  }
0x111: {  	[tilespmem:s26], [sflag:$0x3] =	stream.indirect.gather [hbm4b:s1+s21], $0x80, s12, s21, $0xb8;
	[tilespmem:$0x1F000] =	vst v63  }
0x112: {  	_ =	swait.ge [sflag:s7], $0x2000  }
0x113: {  	[sflag:s7] =	ssyncset.done $0x0  }
0x114: {  	s11 =	sadd.s32 $0x380, s11;
	[sflag:s7] =	ssyncadd.s32 $0xFFFFE000  }
0x115: {  	[tilespmem:s29], [sflag:$0x4] =	stream.indirect.gather [hbm4b:s1+s21], $0x80, s11, s21, $0xb8;
	[tilespmem:$0x1F000] =	vst v63  }
0x116: {  	_ =	swait.ge [sflag:s30], $0x2000  }
0x117: {  	[sflag:s30] =	ssyncset.done $0x0  }
0x118: {  	s10 =	simm.s32 $0x2400;
	[sflag:s30] =	ssyncadd.s32 $0xFFFFE000  }
0x119: {  	[spmem:s2] =	stream.indirect.scatter.add.f32 [tilespmem:s22], [sflag:$0x5], $0x80, s10, s21, $0xb8;
	[tilespmem:$0x1F000] =	vst v63  }
0x11a: {  	_ =	swait.ge [sflag:s31], $0x2000  }
0x11b: {  	[sflag:s31] =	ssyncset.done $0x0  }
0x11c: {  	s12 =	simm.s32 $0x2480;
	[sflag:s31] =	ssyncadd.s32 $0xFFFFE000  }
0x11d: {  	[spmem:s2] =	stream.indirect.scatter.add.f32 [tilespmem:s24], [sflag:$0x6], $0x80, s12, s21, $0xb8;
	[tilespmem:$0x1F000] =	vst v63  }
0x11e: {  	_ =	swait.ge [sflag:s0], $0x2000  }
0x11f: {  	[sflag:s0] =	ssyncset.done $0x0  }
0x120: {  	s13 =	simm.s32 $0x2500;
	s10 =	simm.s32 $0x4;
	[sflag:s0] =	ssyncadd.s32 $0xFFFFE000  }
0x121: {  	[spmem:s2] =	stream.indirect.scatter.add.f32 [tilespmem:s26], [sflag:$0x7], $0x80, s13, s21, $0xb8;
	[tilespmem:$0x1F000] =	vst v63  }
0x122: {  	_ =	swait.ge [sflag:s10], $0x2000  }
0x123: {  	[sflag:s10] =	ssyncset.done $0x0  }
0x124: {  	s14 =	simm.s32 $0x2580;
	[sflag:s10] =	ssyncadd.s32 $0xFFFFE000  }
0x125: {  	[spmem:s2] =	stream.indirect.scatter.add.f32 [tilespmem:s29], [sflag:$0x8], $0x80, s14, s21, $0xb8;
	[tilespmem:$0x1F000] =	vst v63  }
0x126: {  	_ =	swait.ge [sflag:s17], $0x2000  }
0x127: {  	[sflag:s17] =	ssyncset.done $0x0  }
0x128: {  	s12 =	simm.s32 $0x1200;
	[sflag:s17] =	ssyncadd.s32 $0xFFFFE000  }
0x129: {  	[tilespmem:s22], [sflag:$0x1] =	stream.indirect.gather [hbm4b:s1+s21], $0x80, s12, s21, $0xb8;
	[tilespmem:$0x1F000] =	vst v63  }
0x12a: {  	_ =	swait.ge [sflag:s3], $0x2000  }
0x12b: {  	[sflag:s3] =	ssyncset.done $0x0  }
0x12c: {  	s13 =	simm.s32 $0x1280;
	[sflag:s3] =	ssyncadd.s32 $0xFFFFE000  }
0x12d: {  	[tilespmem:s24], [sflag:$0x2] =	stream.indirect.gather [hbm4b:s1+s21], $0x80, s13, s21, $0xb8;
	[tilespmem:$0x1F000] =	vst v63  }
0x12e: {  	_ =	swait.ge [sflag:s6], $0x2000  }
0x12f: {  	[sflag:s6] =	ssyncset.done $0x0  }
0x130: {  	s14 =	simm.s32 $0x1300;
	[sflag:s6] =	ssyncadd.s32 $0xFFFFE000  }
0x131: {  	[tilespmem:s26], [sflag:$0x3] =	stream.indirect.gather [hbm4b:s1+s21], $0x80, s14, s21, $0xb8;
	[tilespmem:$0x1F000] =	vst v63  }
0x132: {  	_ =	swait.ge [sflag:s7], $0x2000  }
0x133: {  	[sflag:s7] =	ssyncset.done $0x0  }
0x134: {  	[sflag:s7] =	ssyncadd.s32 $0xFFFFE000  }
0x135: {  	[tilespmem:s29], [sflag:$0x4] =	stream.indirect.gather [hbm4b:s1+s21], $0x80, s8, s21, $0xb8;
	[tilespmem:$0x1F000] =	vst v63  }
0x136: {  	_ =	swait.ge [sflag:s30], $0x2000  }
0x137: {  	[sflag:s30] =	ssyncset.done $0x0  }
0x138: {  	s12 =	simm.s32 $0x2600;
	[sflag:s30] =	ssyncadd.s32 $0xFFFFE000  }
0x139: {  	[spmem:s2] =	stream.indirect.scatter.add.f32 [tilespmem:s22], [sflag:$0x5], $0x80, s12, s21, $0xb8;
	[tilespmem:$0x1F000] =	vst v63  }
0x13a: {  	_ =	swait.ge [sflag:s31], $0x2000  }
0x13b: {  	[sflag:s31] =	ssyncset.done $0x0  }
0x13c: {  	s13 =	simm.s32 $0x2680;
	[sflag:s31] =	ssyncadd.s32 $0xFFFFE000  }
0x13d: {  	[spmem:s2] =	stream.indirect.scatter.add.f32 [tilespmem:s24], [sflag:$0x6], $0x80, s13, s21, $0xb8;
	[tilespmem:$0x1F000] =	vst v63  }
0x13e: {  	_ =	swait.ge [sflag:s0], $0x2000  }
0x13f: {  	[sflag:s0] =	ssyncset.done $0x0  }
0x140: {  	s14 =	simm.s32 $0x2700;
	[sflag:s0] =	ssyncadd.s32 $0xFFFFE000  }
0x141: {  	[spmem:s2] =	stream.indirect.scatter.add.f32 [tilespmem:s26], [sflag:$0x7], $0x80, s14, s21, $0xb8;
	[tilespmem:$0x1F000] =	vst v63  }
0x142: {  	_ =	swait.ge [sflag:s10], $0x2000  }
0x143: {  	[sflag:s10] =	ssyncset.done $0x0  }
0x144: {  	s12 =	simm.s32 $0x2780;
	[sflag:s10] =	ssyncadd.s32 $0xFFFFE000  }
0x145: {  	[spmem:s2] =	stream.indirect.scatter.add.f32 [tilespmem:s29], [sflag:$0x8], $0x80, s12, s21, $0xb8;
	[tilespmem:$0x1F000] =	vst v63  }
0x146: {  	_ =	swait.ge [sflag:s17], $0x2000  }
0x147: {  	[sflag:s17] =	ssyncset.done $0x0  }
0x148: {  	[sflag:s17] =	ssyncadd.s32 $0xFFFFE000  }
0x149: {  	[tilespmem:s22], [sflag:$0x1] =	stream.indirect.gather [hbm4b:s1+s21], $0x80, s8, s21, $0xb8;
	[tilespmem:$0x1F000] =	vst v63  }
0x14a: {  	_ =	swait.ge [sflag:s3], $0x2000  }
0x14b: {  	[sflag:s3] =	ssyncset.done $0x0  }
0x14c: {  	[sflag:s3] =	ssyncadd.s32 $0xFFFFE000  }
0x14d: {  	[tilespmem:s24], [sflag:$0x2] =	stream.indirect.gather [hbm4b:s1+s21], $0x80, s8, s21, $0xb8;
	[tilespmem:$0x1F000] =	vst v63  }
0x14e: {  	_ =	swait.ge [sflag:s6], $0x2000  }
0x14f: {  	[sflag:s6] =	ssyncset.done $0x0  }
0x150: {  	[sflag:s6] =	ssyncadd.s32 $0xFFFFE000  }
0x151: {  	[tilespmem:s26], [sflag:$0x3] =	stream.indirect.gather [hbm4b:s1+s21], $0x80, s8, s21, $0xb8;
	[tilespmem:$0x1F000] =	vst v63  }
0x152: {  	_ =	swait.ge [sflag:s7], $0x2000  }
0x153: {  	[sflag:s7] =	ssyncset.done $0x0  }
0x154: {  	[sflag:s7] =	ssyncadd.s32 $0xFFFFE000  }
0x155: {  	[tilespmem:s29], [sflag:$0x4] =	stream.indirect.gather [hbm4b:s1+s21], $0x80, s8, s21, $0xb8;
	[tilespmem:$0x1F000] =	vst v63  }
0x156: {  	_ =	swait.ge [sflag:s30], $0x2000  }
0x157: {  	[sflag:s30] =	ssyncset.done $0x0  }
0x158: {  	[sflag:s30] =	ssyncadd.s32 $0xFFFFE000  }
0x159: {  	_ =	swait.ge [sflag:s31], $0x2000  }
0x15a: {  	[sflag:s31] =	ssyncset.done $0x0  }
0x15b: {  	[sflag:s31] =	ssyncadd.s32 $0xFFFFE000  }
0x15c: {  	_ =	swait.ge [sflag:s0], $0x2000  }
0x15d: {  	[sflag:s0] =	ssyncset.done $0x0  }
0x15e: {  	[sflag:s0] =	ssyncadd.s32 $0xFFFFE000  }
0x15f: {  	_ =	swait.ge [sflag:s10], $0x2000  }
0x160: {  	[sflag:s10] =	ssyncset.done $0x0  }
0x161: {  	s13 =	rddreg [dreg:$0x8];
	[sflag:s10] =	ssyncadd.s32 $0xFFFFE000  }
0x162: {  	[tilespmem:s4], [sflag:$0x9] =	stream.linear.gather [hbm4b:s13+s4], $0x1400, $0x38;
	[tilespmem:$0x1F000] =	vst v63  }
0x163: {  	_ =	swait.ge [sflag:s19], $0x1400  }
0x164: {  	[sflag:s19] =	ssyncset.done $0x0  }
0x165: {  	s14 =	rddreg [dreg:$0x9];
	[sflag:s19] =	ssyncadd.s32 $0xFFFFEC00  }
0x166: {  	[tilespmem:s20], [sflag:$0x9] =	stream.linear.gather [hbm4b:s14+s4], $0x1400, $0x38;
	[tilespmem:$0x1F000] =	vst v63  }
0x167: {  	_ =	swait.ge [sflag:s19], $0x1400  }
0x168: {  	[sflag:s19] =	ssyncset.done $0x0  }
0x169: {  	[sflag:s19] =	ssyncadd.s32 $0xFFFFEC00  }
0x16a: {  	[tilespmem:s22], [sflag:$0x1] =	stream.indirect.gather [hbm4b:s1+s21], $0x80, s4, s21, $0xb8;
	[tilespmem:$0x1F000] =	vst v63  }
0x16b: {  	_ = 	snop  }
0x16c: {  	[tilespmem:s24], [sflag:$0x2] =	stream.indirect.gather [hbm4b:s1+s21], $0x80, s23, s21, $0xb8;
	[tilespmem:$0x1F000] =	vst v63  }
.Ltmp4:
0x16d: {  	_ = 	snop;
	(pc) =	sbr.rel @p0 .LBB2_9-.Ltmp4, $4  }
0x16e: {  	_ = 	snop  }
0x16f: {  	[tilespmem:s26], [sflag:$0x3] =	stream.indirect.gather [hbm4b:s1+s21], $0x80, s25, s21, $0xb8;
	[tilespmem:$0x1F000] =	vst v63  }
0x170: {  	s12 =	simm.s32 $0x1580  }
0x171: {  	[tilespmem:s29], [sflag:$0x4] =	stream.indirect.gather [hbm4b:s1+s21], $0x80, s28, s21, $0xb8;
	[tilespmem:$0x1F000] =	vst v63  }
0x172: {  	_ =	swait.ge [sflag:s30], $0x2000  }
0x173: {  	[sflag:s30] =	ssyncset.done $0x0  }
0x174: {  	s11 =	sadd.s32 $0xFFFFFE80, s12;
	[sflag:s30] =	ssyncadd.s32 $0xFFFFE000  }
0x175: {  	[spmem:s2] =	stream.indirect.scatter.add.f32 [tilespmem:s22], [sflag:$0x5], $0x80, s11, s21, $0xb8;
	[tilespmem:$0x1F000] =	vst v63  }
0x176: {  	_ =	swait.ge [sflag:s31], $0x2000  }
0x177: {  	[sflag:s31] =	ssyncset.done $0x0  }
0x178: {  	s14 =	sadd.s32 $0xFFFFFF00, s12;
	[sflag:s31] =	ssyncadd.s32 $0xFFFFE000  }
0x179: {  	[spmem:s2] =	stream.indirect.scatter.add.f32 [tilespmem:s24], [sflag:$0x6], $0x80, s14, s21, $0xb8;
	[tilespmem:$0x1F000] =	vst v63  }
0x17a: {  	_ =	swait.ge [sflag:s0], $0x2000  }
0x17b: {  	[sflag:s0] =	ssyncset.done $0x0  }
0x17c: {  	s13 =	sadd.s32 $0xFFFFFF80, s12;
	[sflag:s0] =	ssyncadd.s32 $0xFFFFE000  }
0x17d: {  	[spmem:s2] =	stream.indirect.scatter.add.f32 [tilespmem:s26], [sflag:$0x7], $0x80, s13, s21, $0xb8;
	[tilespmem:$0x1F000] =	vst v63  }
0x17e: {  	_ =	swait.ge [sflag:s16], $0x2000  }
0x17f: {  	p3 =	slt.s32 s10, $0x27;
	s11 =	simm.s32 $0x4;
	[sflag:s16] =	ssyncset.done $0x0  }
0x180: {  	s11 =	simm.s32 @!p3 $0x27;
	[sflag:s16] =	ssyncadd.s32 $0xFFFFE000  }
0x181: {  	[spmem:s2] =	stream.indirect.scatter.add.f32 [tilespmem:s29], [sflag:$0x8], $0x80, s12, s21, $0xb8;
	[tilespmem:$0x1F000] =	vst v63  }
0x182: {  	s11 =	sshll.u32 s11, $0x9;
	s13 =	sadd.s32 $0x1, s10;
	_ =	swait.ge [sflag:s17], $0x2000  }
0x183: {  	s11 =	sshra.s32 s11, $0x2;
	p3 =	slt.s32 s13, $0x27;
	[sflag:s17] =	ssyncset.done $0x0  }
0x184: {  	s13 =	simm.s32 @!p3 $0x27;
	s14 =	rddreg [dreg:$0xf];
	[sflag:s17] =	ssyncadd.s32 $0xFFFFE000  }
0x185: {  	[tilespmem:s22], [sflag:$0x1] =	stream.indirect.gather [hbm4b:s1+s21], $0x80, s11, s21, $0xb8;
	[tilespmem:$0x1F000] =	vst v63  }
0x186: {  	s11 =	sadd.s32 $0x1, s14;
	s14 =	sadd.s32 $0x2, s10;
	_ =	swait.ge [sflag:s3], $0x2000  }
0x187: {  	s13 =	sshll.u32 s13, $0x9;
	p4 =	slt.s32 s14, $0x27;
	[sflag:s3] =	ssyncset.done $0x0  }
0x188: {  	s13 =	sshra.s32 s13, $0x2;
	s14 =	simm.s32 @!p4 $0x27;
	[sflag:s3] =	ssyncadd.s32 $0xFFFFE000  }
0x189: {  	[tilespmem:s24], [sflag:$0x2] =	stream.indirect.gather [hbm4b:s1+s21], $0x80, s13, s21, $0xb8;
	[tilespmem:$0x1F000] =	vst v63  }
0x18a: {  	p3 =	seq.s32 s11, $0x0;
	s13 =	sshll.u32 s14, $0x9;
	_ =	swait.ge [sflag:s6], $0x2000  }
.Ltmp5:
0x18b: {  	s14 =	sadd.s32 $0x3, s10;
	[sflag:s6] =	ssyncset.done $0x0;
	(pc) =	sbr.rel @p3 .LBB2_8-.Ltmp5, $4  }
0x18c: {  	s13 =	sshra.s32 s13, $0x2;
	p4 =	slt.s32 s14, $0x27;
	[sflag:s6] =	ssyncadd.s32 $0xFFFFE000  }
0x18d: {  	[tilespmem:s26], [sflag:$0x3] =	stream.indirect.gather [hbm4b:s1+s21], $0x80, s13, s21, $0xb8;
	[tilespmem:$0x1F000] =	vst v63  }
0x18e: {  	s12 =	sadd.s32 $0x200, s12;
	s14 =	simm.s32 @!p4 $0x27;
	_ =	swait.ge [sflag:s7], $0x2000  }
0x18f: {  	s10 =	sadd.s32 $0x4, s10;
	s13 =	sshll.u32 s14, $0x9;
	[sflag:s7] =	ssyncset.done $0x0  }
.LBB2_7:
0x190: {  	s11 =	sadd.s32 $0x1, s11;
	[sflag:s7] =	ssyncadd.s32 $0xFFFFE000;
	s13 =	sshra.s32 s13, $0x2  }
0x191: {  	[tilespmem:s29], [sflag:$0x4] =	stream.indirect.gather [hbm4b:s1+s21], $0x80, s13, s21, $0xb8;
	[tilespmem:$0x1F000] =	vst v63  }
0x192: {  	p3 =	seq.s32 s11, $0x0;
	_ =	swait.ge [sflag:s30], $0x2000  }
0x193: {  	[sflag:s30] =	ssyncset.done $0x0  }
0x194: {  	s13 =	sadd.s32 $0xFFFFFE80, s12;
	[sflag:s30] =	ssyncadd.s32 $0xFFFFE000  }
0x195: {  	[spmem:s2] =	stream.indirect.scatter.add.f32 [tilespmem:s22], [sflag:$0x5], $0x80, s13, s21, $0xb8;
	[tilespmem:$0x1F000] =	vst v63  }
0x196: {  	_ =	swait.ge [sflag:s31], $0x2000  }
0x197: {  	[sflag:s31] =	ssyncset.done $0x0  }
0x198: {  	s13 =	sadd.s32 $0xFFFFFF00, s12;
	[sflag:s31] =	ssyncadd.s32 $0xFFFFE000  }
0x199: {  	[spmem:s2] =	stream.indirect.scatter.add.f32 [tilespmem:s24], [sflag:$0x6], $0x80, s13, s21, $0xb8;
	[tilespmem:$0x1F000] =	vst v63  }
0x19a: {  	_ =	swait.ge [sflag:s0], $0x2000  }
0x19b: {  	[sflag:s0] =	ssyncset.done $0x0  }
0x19c: {  	s13 =	sadd.s32 $0xFFFFFF80, s12;
	[sflag:s0] =	ssyncadd.s32 $0xFFFFE000  }
0x19d: {  	[spmem:s2] =	stream.indirect.scatter.add.f32 [tilespmem:s26], [sflag:$0x7], $0x80, s13, s21, $0xb8;
	[tilespmem:$0x1F000] =	vst v63  }
0x19e: {  	_ =	swait.ge [sflag:s16], $0x2000  }
0x19f: {  	[sflag:s16] =	ssyncset.done $0x0  }
0x1a0: {  	p4 =	slt.s32 s10, $0x27;
	s13 =	smov.u32 s10;
	[sflag:s16] =	ssyncadd.s32 $0xFFFFE000  }
0x1a1: {  	[spmem:s2] =	stream.indirect.scatter.add.f32 [tilespmem:s29], [sflag:$0x8], $0x80, s12, s21, $0xb8;
	[tilespmem:$0x1F000] =	vst v63  }
0x1a2: {  	s13 =	simm.s32 @!p4 $0x27;
	_ =	swait.ge [sflag:s17], $0x2000  }
0x1a3: {  	s14 =	sadd.s32 $0x1, s10;
	s13 =	sshll.u32 s13, $0x9;
	[sflag:s17] =	ssyncset.done $0x0  }
0x1a4: {  	p4 =	slt.s32 s14, $0x27;
	s13 =	sshra.s32 s13, $0x2;
	[sflag:s17] =	ssyncadd.s32 $0xFFFFE000  }
0x1a5: {  	[tilespmem:s22], [sflag:$0x1] =	stream.indirect.gather [hbm4b:s1+s21], $0x80, s13, s21, $0xb8;
	[tilespmem:$0x1F000] =	vst v63  }
0x1a6: {  	s14 =	simm.s32 @!p4 $0x27;
	_ =	swait.ge [sflag:s3], $0x2000  }
0x1a7: {  	s13 =	sshll.u32 s14, $0x9;
	s14 =	sadd.s32 $0x2, s10;
	[sflag:s3] =	ssyncset.done $0x0  }
0x1a8: {  	p4 =	slt.s32 s14, $0x27;
	[sflag:s3] =	ssyncadd.s32 $0xFFFFE000  }
0x1a9: {  	s13 =	sshra.s32 s13, $0x2;
	s14 =	simm.s32 @!p4 $0x27  }
0x1aa: {  	[tilespmem:s24], [sflag:$0x2] =	stream.indirect.gather [hbm4b:s1+s21], $0x80, s13, s21, $0xb8;
	[tilespmem:$0x1F000] =	vst v63  }
0x1ab: {  	s13 =	sshll.u32 s14, $0x9;
	_ =	swait.ge [sflag:s6], $0x2000  }
.Ltmp6:
0x1ac: {  	s14 =	sadd.s32 $0x3, s10;
	[sflag:s6] =	ssyncset.done $0x0;
	(pc) =	sbr.rel @!p3 .LBB2_7-.Ltmp6, $4  }
0x1ad: {  	s13 =	sshra.s32 s13, $0x2;
	p4 =	slt.s32 s14, $0x27;
	[sflag:s6] =	ssyncadd.s32 $0xFFFFE000  }
0x1ae: {  	[tilespmem:s26], [sflag:$0x3] =	stream.indirect.gather [hbm4b:s1+s21], $0x80, s13, s21, $0xb8;
	[tilespmem:$0x1F000] =	vst v63  }
0x1af: {  	s10 =	sadd.s32 $0x4, s10;
	s14 =	simm.s32 @!p4 $0x27;
	_ =	swait.ge [sflag:s7], $0x2000  }
0x1b0: {  	s12 =	sadd.s32 $0x200, s12;
	s13 =	sshll.u32 s14, $0x9;
	[sflag:s7] =	ssyncset.done $0x0  }
.LBB2_8:
0x1b1: {  	[sflag:s7] =	ssyncadd.s32 $0xFFFFE000;
	s10 =	sshra.s32 s13, $0x2  }
0x1b2: {  	[tilespmem:s29], [sflag:$0x4] =	stream.indirect.gather [hbm4b:s1+s21], $0x80, s10, s21, $0xb8;
	[tilespmem:$0x1F000] =	vst v63  }
.LBB2_9:
0x1b3: {  	_ =	swait.ge [sflag:s30], $0x2000  }
0x1b4: {  	[sflag:s30] =	ssyncset.done $0x0  }
0x1b5: {  	[sflag:s30] =	ssyncadd.s32 $0xFFFFE000  }
0x1b6: {  	_ =	swait.ge [sflag:s31], $0x2000  }
0x1b7: {  	[sflag:s31] =	ssyncset.done $0x0  }
0x1b8: {  	[sflag:s31] =	ssyncadd.s32 $0xFFFFE000  }
0x1b9: {  	_ =	swait.ge [sflag:s0], $0x2000  }
0x1ba: {  	[sflag:s0] =	ssyncset.done $0x0  }
0x1bb: {  	[sflag:s0] =	ssyncadd.s32 $0xFFFFE000  }
0x1bc: {  	_ =	swait.ge [sflag:s16], $0x2000  }
0x1bd: {  	[sflag:s16] =	ssyncset.done $0x0  }
0x1be: {  	s10 =	simm.s32 $0x0;
	s11 =	rddreg [dreg:$0xa];
	[sflag:s16] =	ssyncadd.s32 $0xFFFFE000  }
0x1bf: {  	[tilespmem:s10], [sflag:$0x9] =	stream.linear.gather [hbm4b:s11+s10], $0x1400, $0x38;
	[tilespmem:$0x1F000] =	vst v63  }
0x1c0: {  	_ =	swait.ge [sflag:s19], $0x1400  }
0x1c1: {  	[sflag:s19] =	ssyncset.done $0x0  }
0x1c2: {  	s14 =	rddreg [dreg:$0xb];
	[sflag:s19] =	ssyncadd.s32 $0xFFFFEC00  }
0x1c3: {  	[tilespmem:s20], [sflag:$0x9] =	stream.linear.gather [hbm4b:s14+s10], $0x1400, $0x38;
	[tilespmem:$0x1F000] =	vst v63  }
0x1c4: {  	_ =	swait.ge [sflag:s19], $0x1400  }
0x1c5: {  	[sflag:s19] =	ssyncset.done $0x0  }
0x1c6: {  	[sflag:s19] =	ssyncadd.s32 $0xFFFFEC00  }
0x1c7: {  	[tilespmem:s22], [sflag:$0x1] =	stream.indirect.gather [hbm4b:s1+s21], $0x80, s10, s21, $0xb8;
	[tilespmem:$0x1F000] =	vst v63  }
0x1c8: {  	_ = 	snop  }
0x1c9: {  	[tilespmem:s24], [sflag:$0x2] =	stream.indirect.gather [hbm4b:s1+s21], $0x80, s23, s21, $0xb8;
	[tilespmem:$0x1F000] =	vst v63  }
.Ltmp7:
0x1ca: {  	_ = 	snop;
	(pc) =	sbr.rel @p1 .LBB2_11-.Ltmp7, $4  }
0x1cb: {  	_ = 	snop  }
0x1cc: {  	[tilespmem:s26], [sflag:$0x3] =	stream.indirect.gather [hbm4b:s1+s21], $0x80, s25, s21, $0xb8;
	[tilespmem:$0x1F000] =	vst v63  }
0x1cd: {  	s11 =	simm.s32 $0x1580  }
0x1ce: {  	[tilespmem:s29], [sflag:$0x4] =	stream.indirect.gather [hbm4b:s1+s21], $0x80, s28, s21, $0xb8;
	[tilespmem:$0x1F000] =	vst v63  }
.LBB2_10:
0x1cf: {  	_ =	swait.ge [sflag:s30], $0x2000  }
0x1d0: {  	[sflag:s30] =	ssyncset.done $0x0  }
0x1d1: {  	s12 =	sadd.s32 $0xFFFFFE80, s11;
	[sflag:s30] =	ssyncadd.s32 $0xFFFFE000  }
0x1d2: {  	[spmem:s2] =	stream.indirect.scatter.add.f32 [tilespmem:s22], [sflag:$0x5], $0x80, s12, s21, $0xb8;
	[tilespmem:$0x1F000] =	vst v63  }
0x1d3: {  	_ =	swait.ge [sflag:s31], $0x2000  }
0x1d4: {  	[sflag:s31] =	ssyncset.done $0x0  }
0x1d5: {  	s14 =	sadd.s32 $0xFFFFFF00, s11;
	[sflag:s31] =	ssyncadd.s32 $0xFFFFE000  }
0x1d6: {  	[spmem:s2] =	stream.indirect.scatter.add.f32 [tilespmem:s24], [sflag:$0x6], $0x80, s14, s21, $0xb8;
	[tilespmem:$0x1F000] =	vst v63  }
0x1d7: {  	_ =	swait.ge [sflag:s0], $0x2000  }
0x1d8: {  	[sflag:s0] =	ssyncset.done $0x0  }
0x1d9: {  	s13 =	sadd.s32 $0xFFFFFF80, s11;
	[sflag:s0] =	ssyncadd.s32 $0xFFFFE000  }
0x1da: {  	[spmem:s2] =	stream.indirect.scatter.add.f32 [tilespmem:s26], [sflag:$0x7], $0x80, s13, s21, $0xb8;
	[tilespmem:$0x1F000] =	vst v63  }
0x1db: {  	_ =	swait.ge [sflag:s16], $0x2000  }
0x1dc: {  	p3 =	slt.s32 s10, $0x23;
	s12 =	smov.u32 s10;
	[sflag:s16] =	ssyncset.done $0x0  }
0x1dd: {  	s12 =	simm.s32 @!p3 $0x23;
	[sflag:s16] =	ssyncadd.s32 $0xFFFFE000  }
0x1de: {  	[spmem:s2] =	stream.indirect.scatter.add.f32 [tilespmem:s29], [sflag:$0x8], $0x80, s11, s21, $0xb8;
	[tilespmem:$0x1F000] =	vst v63  }
0x1df: {  	s12 =	sshll.u32 s12, $0x9;
	_ =	swait.ge [sflag:s17], $0x2000  }
0x1e0: {  	s12 =	sshra.s32 s12, $0x2;
	[sflag:s17] =	ssyncset.done $0x0  }
0x1e1: {  	s12 =	sadd.s32 $0x200, s12;
	[sflag:s17] =	ssyncadd.s32 $0xFFFFE000  }
0x1e2: {  	[tilespmem:s22], [sflag:$0x1] =	stream.indirect.gather [hbm4b:s1+s21], $0x80, s12, s21, $0xb8;
	[tilespmem:$0x1F000] =	vst v63  }
0x1e3: {  	p3 =	slt.s32 s10, $0x22;
	s12 =	smov.u32 s10  }
0x1e4: {  	s12 =	simm.s32 @!p3 $0x22  }
0x1e5: {  	_ =	swait.ge [sflag:s3], $0x2000;
	s12 =	sshll.u32 s12, $0x9  }
0x1e6: {  	[sflag:s3] =	ssyncset.done $0x0;
	s12 =	sshra.s32 s12, $0x2  }
0x1e7: {  	[sflag:s3] =	ssyncadd.s32 $0xFFFFE000;
	s12 =	sadd.s32 $0x280, s12  }
0x1e8: {  	[tilespmem:s24], [sflag:$0x2] =	stream.indirect.gather [hbm4b:s1+s21], $0x80, s12, s21, $0xb8;
	[tilespmem:$0x1F000] =	vst v63  }
0x1e9: {  	p3 =	slt.s32 s10, $0x21;
	s12 =	smov.u32 s10  }
0x1ea: {  	s12 =	simm.s32 @!p3 $0x21  }
0x1eb: {  	_ =	swait.ge [sflag:s6], $0x2000;
	s12 =	sshll.u32 s12, $0x9  }
0x1ec: {  	[sflag:s6] =	ssyncset.done $0x0;
	s12 =	sshra.s32 s12, $0x2  }
0x1ed: {  	[sflag:s6] =	ssyncadd.s32 $0xFFFFE000;
	s12 =	sadd.s32 $0x300, s12  }
0x1ee: {  	[tilespmem:s26], [sflag:$0x3] =	stream.indirect.gather [hbm4b:s1+s21], $0x80, s12, s21, $0xb8;
	[tilespmem:$0x1F000] =	vst v63  }
0x1ef: {  	_ =	swait.ge [sflag:s7], $0x2000  }
0x1f0: {  	s14 =	sadd.s32 $0x4, s10;
	p3 =	slt.s32 s10, $0x20;
	s13 =	rddreg [dreg:$0x5]  }
0x1f1: {  	s10 =	simm.s32 @!p3 $0x20;
	p3 =	sne.s32 s13, s14  }
.Ltmp8:
0x1f2: {  	s10 =	sshll.u32 s10, $0x9;
	(pc) =	sbr.rel @p3 .LBB2_10-.Ltmp8, $4  }
0x1f3: {  	s10 =	sshra.s32 s10, $0x2;
	[sflag:s7] =	ssyncset.done $0x0  }
0x1f4: {  	s10 =	sadd.s32 $0x380, s10;
	[sflag:s7] =	ssyncadd.s32 $0xFFFFE000  }
0x1f5: {  	[tilespmem:s29], [sflag:$0x4] =	stream.indirect.gather [hbm4b:s1+s21], $0x80, s10, s21, $0xb8;
	[tilespmem:$0x1F000] =	vst v63  }
0x1f6: {  	s11 =	sadd.s32 $0x200, s11;
	s10 =	smov.u32 s14  }
.LBB2_11:
0x1f7: {  	_ =	swait.ge [sflag:s30], $0x2000  }
0x1f8: {  	[sflag:s30] =	ssyncset.done $0x0  }
0x1f9: {  	[sflag:s30] =	ssyncadd.s32 $0xFFFFE000  }
0x1fa: {  	_ =	swait.ge [sflag:s31], $0x2000  }
0x1fb: {  	[sflag:s31] =	ssyncset.done $0x0  }
0x1fc: {  	[sflag:s31] =	ssyncadd.s32 $0xFFFFE000  }
0x1fd: {  	_ =	swait.ge [sflag:s0], $0x2000  }
0x1fe: {  	[sflag:s0] =	ssyncset.done $0x0  }
0x1ff: {  	[sflag:s0] =	ssyncadd.s32 $0xFFFFE000  }
0x200: {  	_ =	swait.ge [sflag:s16], $0x2000  }
0x201: {  	[sflag:s16] =	ssyncset.done $0x0  }
0x202: {  	s11 =	simm.s32 $0x0;
	s10 =	rddreg [dreg:$0xc];
	[sflag:s16] =	ssyncadd.s32 $0xFFFFE000  }
0x203: {  	[tilespmem:s11], [sflag:$0x9] =	stream.linear.gather [hbm4b:s10+s11], $0x1400, $0x38;
	[tilespmem:$0x1F000] =	vst v63  }
0x204: {  	_ =	swait.ge [sflag:s19], $0x1400  }
0x205: {  	[sflag:s19] =	ssyncset.done $0x0  }
0x206: {  	s14 =	rddreg [dreg:$0xd];
	[sflag:s19] =	ssyncadd.s32 $0xFFFFEC00  }
0x207: {  	[tilespmem:s20], [sflag:$0x9] =	stream.linear.gather [hbm4b:s14+s11], $0x1400, $0x38;
	[tilespmem:$0x1F000] =	vst v63  }
0x208: {  	_ =	swait.ge [sflag:s19], $0x1400  }
0x209: {  	[sflag:s19] =	ssyncset.done $0x0  }
0x20a: {  	[sflag:s19] =	ssyncadd.s32 $0xFFFFEC00  }
0x20b: {  	[tilespmem:s22], [sflag:$0x1] =	stream.indirect.gather [hbm4b:s1+s21], $0x80, s11, s21, $0xb8;
	[tilespmem:$0x1F000] =	vst v63  }
0x20c: {  	_ = 	snop  }
0x20d: {  	[tilespmem:s24], [sflag:$0x2] =	stream.indirect.gather [hbm4b:s1+s21], $0x80, s23, s21, $0xb8;
	[tilespmem:$0x1F000] =	vst v63  }
.Ltmp9:
0x20e: {  	_ = 	snop;
	(pc) =	sbr.rel @p2 .LBB2_15-.Ltmp9, $4  }
0x20f: {  	_ = 	snop  }
0x210: {  	[tilespmem:s26], [sflag:$0x3] =	stream.indirect.gather [hbm4b:s1+s21], $0x80, s25, s21, $0xb8;
	[tilespmem:$0x1F000] =	vst v63  }
0x211: {  	s12 =	simm.s32 $0x1580  }
0x212: {  	[tilespmem:s29], [sflag:$0x4] =	stream.indirect.gather [hbm4b:s1+s21], $0x80, s28, s21, $0xb8;
	[tilespmem:$0x1F000] =	vst v63  }
0x213: {  	_ =	swait.ge [sflag:s30], $0x2000  }
0x214: {  	[sflag:s30] =	ssyncset.done $0x0  }
0x215: {  	s10 =	sadd.s32 $0xFFFFFE80, s12;
	[sflag:s30] =	ssyncadd.s32 $0xFFFFE000  }
0x216: {  	[spmem:s2] =	stream.indirect.scatter.add.f32 [tilespmem:s22], [sflag:$0x5], $0x80, s10, s21, $0xb8;
	[tilespmem:$0x1F000] =	vst v63  }
0x217: {  	_ =	swait.ge [sflag:s31], $0x2000  }
0x218: {  	[sflag:s31] =	ssyncset.done $0x0  }
0x219: {  	s13 =	sadd.s32 $0xFFFFFF00, s12;
	[sflag:s31] =	ssyncadd.s32 $0xFFFFE000  }
0x21a: {  	[spmem:s2] =	stream.indirect.scatter.add.f32 [tilespmem:s24], [sflag:$0x6], $0x80, s13, s21, $0xb8;
	[tilespmem:$0x1F000] =	vst v63  }
0x21b: {  	_ =	swait.ge [sflag:s0], $0x2000  }
0x21c: {  	[sflag:s0] =	ssyncset.done $0x0  }
0x21d: {  	s14 =	sadd.s32 $0xFFFFFF80, s12;
	[sflag:s0] =	ssyncadd.s32 $0xFFFFE000  }
0x21e: {  	[spmem:s2] =	stream.indirect.scatter.add.f32 [tilespmem:s26], [sflag:$0x7], $0x80, s14, s21, $0xb8;
	[tilespmem:$0x1F000] =	vst v63  }
0x21f: {  	_ =	swait.ge [sflag:s16], $0x2000  }
0x220: {  	p3 =	slt.s32 s11, $0x23;
	s10 =	simm.s32 $0x0;
	[sflag:s16] =	ssyncset.done $0x0  }
0x221: {  	s10 =	simm.s32 @!p3 $0x23;
	p3 =	slt.s32 s11, $0x22;
	[sflag:s16] =	ssyncadd.s32 $0xFFFFE000  }
0x222: {  	[spmem:s2] =	stream.indirect.scatter.add.f32 [tilespmem:s29], [sflag:$0x8], $0x80, s12, s21, $0xb8;
	[tilespmem:$0x1F000] =	vst v63  }
0x223: {  	s10 =	sshll.u32 s10, $0x9;
	s13 =	simm.s32 $0x0;
	_ =	swait.ge [sflag:s17], $0x2000  }
0x224: {  	s10 =	sshra.s32 s10, $0x2;
	s13 =	simm.s32 @!p3 $0x22;
	[sflag:s17] =	ssyncset.done $0x0  }
0x225: {  	s10 =	sadd.s32 $0x200, s10;
	s13 =	sshll.u32 s13, $0x9;
	[sflag:s17] =	ssyncadd.s32 $0xFFFFE000  }
0x226: {  	[tilespmem:s22], [sflag:$0x1] =	stream.indirect.gather [hbm4b:s1+s21], $0x80, s10, s21, $0xb8;
	[tilespmem:$0x1F000] =	vst v63  }
0x227: {  	p3 =	slt.s32 s11, $0x21;
	s10 =	sshra.s32 s13, $0x2;
	_ =	swait.ge [sflag:s3], $0x2000  }
0x228: {  	s13 =	simm.s32 $0x0;
	s10 =	sadd.s32 $0x280, s10;
	[sflag:s3] =	ssyncset.done $0x0  }
0x229: {  	s13 =	simm.s32 @!p3 $0x21;
	s14 =	rddreg [dreg:$0x10];
	[sflag:s3] =	ssyncadd.s32 $0xFFFFE000  }
0x22a: {  	[tilespmem:s24], [sflag:$0x2] =	stream.indirect.gather [hbm4b:s1+s21], $0x80, s10, s21, $0xb8;
	[tilespmem:$0x1F000] =	vst v63  }
0x22b: {  	p4 =	slt.s32 s11, $0x20;
	s13 =	sshll.u32 s13, $0x9;
	s10 =	sadd.s32 $0x1, s14  }
0x22c: {  	s13 =	sshra.s32 s13, $0x2;
	_ =	swait.ge [sflag:s6], $0x2000;
	p3 =	seq.s32 s10, $0x0  }
.Ltmp10:
0x22d: {  	s14 =	simm.s32 $0x0;
	[sflag:s6] =	ssyncset.done $0x0;
	(pc) =	sbr.rel @p3 .LBB2_14-.Ltmp10, $4  }
0x22e: {  	s13 =	sadd.s32 $0x300, s13;
	s14 =	simm.s32 @!p4 $0x20;
	[sflag:s6] =	ssyncadd.s32 $0xFFFFE000  }
0x22f: {  	[tilespmem:s26], [sflag:$0x3] =	stream.indirect.gather [hbm4b:s1+s21], $0x80, s13, s21, $0xb8;
	[tilespmem:$0x1F000] =	vst v63  }
0x230: {  	s11 =	sadd.s32 $0x4, s11;
	s14 =	sshll.u32 s14, $0x9;
	_ =	swait.ge [sflag:s7], $0x2000  }
0x231: {  	s12 =	sadd.s32 $0x200, s12;
	s13 =	sshra.s32 s14, $0x2;
	[sflag:s7] =	ssyncset.done $0x0  }
.LBB2_13:
0x232: {  	s10 =	sadd.s32 $0x1, s10;
	[sflag:s7] =	ssyncadd.s32 $0xFFFFE000;
	s13 =	sadd.s32 $0x380, s13  }
0x233: {  	[tilespmem:s29], [sflag:$0x4] =	stream.indirect.gather [hbm4b:s1+s21], $0x80, s13, s21, $0xb8;
	[tilespmem:$0x1F000] =	vst v63  }
0x234: {  	p3 =	seq.s32 s10, $0x0;
	_ =	swait.ge [sflag:s30], $0x2000  }
0x235: {  	[sflag:s30] =	ssyncset.done $0x0  }
0x236: {  	s13 =	sadd.s32 $0xFFFFFE80, s12;
	[sflag:s30] =	ssyncadd.s32 $0xFFFFE000  }
0x237: {  	[spmem:s2] =	stream.indirect.scatter.add.f32 [tilespmem:s22], [sflag:$0x5], $0x80, s13, s21, $0xb8;
	[tilespmem:$0x1F000] =	vst v63  }
0x238: {  	_ =	swait.ge [sflag:s31], $0x2000  }
0x239: {  	[sflag:s31] =	ssyncset.done $0x0  }
0x23a: {  	s13 =	sadd.s32 $0xFFFFFF00, s12;
	[sflag:s31] =	ssyncadd.s32 $0xFFFFE000  }
0x23b: {  	[spmem:s2] =	stream.indirect.scatter.add.f32 [tilespmem:s24], [sflag:$0x6], $0x80, s13, s21, $0xb8;
	[tilespmem:$0x1F000] =	vst v63  }
0x23c: {  	_ =	swait.ge [sflag:s0], $0x2000  }
0x23d: {  	[sflag:s0] =	ssyncset.done $0x0  }
0x23e: {  	s13 =	sadd.s32 $0xFFFFFF80, s12;
	[sflag:s0] =	ssyncadd.s32 $0xFFFFE000  }
0x23f: {  	[spmem:s2] =	stream.indirect.scatter.add.f32 [tilespmem:s26], [sflag:$0x7], $0x80, s13, s21, $0xb8;
	[tilespmem:$0x1F000] =	vst v63  }
0x240: {  	_ =	swait.ge [sflag:s16], $0x2000  }
0x241: {  	[sflag:s16] =	ssyncset.done $0x0  }
0x242: {  	p4 =	slt.s32 s11, $0x23;
	s13 =	smov.u32 s11;
	[sflag:s16] =	ssyncadd.s32 $0xFFFFE000  }
0x243: {  	[spmem:s2] =	stream.indirect.scatter.add.f32 [tilespmem:s29], [sflag:$0x8], $0x80, s12, s21, $0xb8;
	[tilespmem:$0x1F000] =	vst v63  }
0x244: {  	s13 =	simm.s32 @!p4 $0x23;
	_ =	swait.ge [sflag:s17], $0x2000  }
0x245: {  	s14 =	smov.u32 s11;
	s13 =	sshll.u32 s13, $0x9;
	[sflag:s17] =	ssyncset.done $0x0  }
0x246: {  	p4 =	slt.s32 s11, $0x22;
	s13 =	sshra.s32 s13, $0x2;
	[sflag:s17] =	ssyncadd.s32 $0xFFFFE000  }
0x247: {  	s14 =	simm.s32 @!p4 $0x22;
	p4 =	slt.s32 s11, $0x21;
	s13 =	sadd.s32 $0x200, s13  }
0x248: {  	[tilespmem:s22], [sflag:$0x1] =	stream.indirect.gather [hbm4b:s1+s21], $0x80, s13, s21, $0xb8;
	[tilespmem:$0x1F000] =	vst v63  }
0x249: {  	s13 =	sshll.u32 s14, $0x9;
	s14 =	smov.u32 s11;
	_ =	swait.ge [sflag:s3], $0x2000  }
0x24a: {  	s13 =	sshra.s32 s13, $0x2;
	s14 =	simm.s32 @!p4 $0x21;
	[sflag:s3] =	ssyncset.done $0x0  }
0x24b: {  	p4 =	slt.s32 s11, $0x20;
	s13 =	sadd.s32 $0x280, s13;
	[sflag:s3] =	ssyncadd.s32 $0xFFFFE000  }
0x24c: {  	[tilespmem:s24], [sflag:$0x2] =	stream.indirect.gather [hbm4b:s1+s21], $0x80, s13, s21, $0xb8;
	[tilespmem:$0x1F000] =	vst v63  }
0x24d: {  	s13 =	sshll.u32 s14, $0x9;
	s14 =	smov.u32 s11;
	_ =	swait.ge [sflag:s6], $0x2000  }
.Ltmp11:
0x24e: {  	s13 =	sshra.s32 s13, $0x2;
	[sflag:s6] =	ssyncset.done $0x0;
	(pc) =	sbr.rel @!p3 .LBB2_13-.Ltmp11, $4  }
0x24f: {  	s14 =	simm.s32 @!p4 $0x20;
	s13 =	sadd.s32 $0x300, s13;
	[sflag:s6] =	ssyncadd.s32 $0xFFFFE000  }
0x250: {  	[tilespmem:s26], [sflag:$0x3] =	stream.indirect.gather [hbm4b:s1+s21], $0x80, s13, s21, $0xb8;
	[tilespmem:$0x1F000] =	vst v63  }
0x251: {  	s11 =	sadd.s32 $0x4, s11;
	s13 =	sshll.u32 s14, $0x9;
	_ =	swait.ge [sflag:s7], $0x2000  }
0x252: {  	s12 =	sadd.s32 $0x200, s12;
	s13 =	sshra.s32 s13, $0x2;
	[sflag:s7] =	ssyncset.done $0x0  }
.Ltmp12:
0x253: {  	_ = 	snop;
	(pc) =	sbr.rel .LBB2_14-.Ltmp12, $1  }
0x254: {  	_ =	sdelay $0x3  }
.LBB2_16:
0x255: {  	_ =	sfence.sel $0x180000  }
0x256: {  	[bflag:$0x0] =	sbarrier.arrive $0xFFFF  }
0x257: {  	_ =	strace $0x90000047  }
0x258: {  	s0 =	stileid.u32;
	[bflag:$0x2] =	sbarrier.arrive $0xFFFF  }
0x259: {  	p0 =	sne.s32 s0, $0x0;
	s0 =	rddreg [dreg:$0x4]  }
0x25a: {  	s0 =	sadd.s32 @!p0 $0x100000, s0  }
0x25b: {  	[sflag:s0] =	ssyncadd.tile.s32 @!p0 $0x1;
	_ =	shalt  }
.Lfunc_end2:
_tile_overlayer_lowered:
.L_overlay_start_2:
0x25c: {  	(tag) =	ssettag $0x2  }
0x25d: {  	s0 =	rddreg [dreg:$0x0];
	s2 =	stileid.u32  }
0x25e: {  	s1 =	rddreg [dreg:$0x1];
	p0 =	sne.s32 s2, $0x0  }
0x25f: {  	s3 =	rddreg [dreg:$0x2];
	[bflag:$0x3] =	sbarrier.arrive $0xFFFF;
	s2 =	simm.s32 @!p0 $0x1C09  }
0x260: {  	[timem:s3], [sflag:s2] =	dma.local @!p0 [hbm:s0], s1  }
0x261: {  	s0 =	simm.s32 @!p0 $0x9  }
0x262: {  	_ =	swait.ge @!p0 [sflag:s0], s1  }
0x263: {  	s1 =	ssub.s32 @!p0 $0x0, s1;
	[sflag:s0] =	ssyncset.done @!p0 $0x0  }
0x264: {  	[sflag:s0] =	ssyncadd.s32 @!p0 s1  }
0x265: {  	[bflag:$0x3] =	sbarrier.arrive $0xFFFF  }
0x266: {  	_ =	shalt  }

</sc_bundles>
